<compile_context>
chip_gen: v7x
topology: tpu7x:2x2x1
jax: 0.10.2.dev20260603
libtpu: 0.0.44.dev20260713+nightly
codegen_flags: <defaults>
</compile_context>

<pallas_src>
import jax
import jax.numpy as jnp
from jax import lax
from jax.experimental import pallas as pl
from jax.experimental.pallas import tpu as pltpu
from jax.experimental.pallas import tpu_sc as plsc

VOCAB = 49408
MAX_POS = 77
DIM = 768
BATCH = 4096
SEQ = 77

LANES = 16
NW = 32
TOTAL_ROWS = BATCH * SEQ
PER_W = TOTAL_ROWS // NW
CHUNK = 32
NCHUNK = PER_W // CHUNK
DSL = DIM // LANES


def _sc_body(ids_hbm, table_hbm, pos_hbm, out_hbm,
             ids_v, rows0, rows1, pos_v, g0, g1, o0, o1):
    wid = lax.axis_index("s") * 2 + lax.axis_index("c")
    base = wid * PER_W
    rows = (rows0, rows1)
    gsem = (g0, g1)
    osem = (o0, o1)

    pltpu.sync_copy(pos_hbm, pos_v)
    pltpu.sync_copy(ids_hbm.at[pl.ds(base, PER_W)], ids_v)

    def gather(c, buf, sem):
        return pltpu.make_async_copy(
            table_hbm.at[ids_v.at[pl.ds(c * CHUNK, CHUNK)]], buf, sem)

    def writeback(c, buf, sem):
        return pltpu.make_async_copy(
            buf, out_hbm.at[pl.ds(base + c * CHUNK, CHUNK)], sem)

    gather(0, rows0, g0).start()

    def pair_body(cc, _):
        for b in range(2):
            c = cc * 2 + b
            nb = 1 - b
            gather(c, rows[b], gsem[b]).wait()
            @pl.when(c >= 1)
            def _():
                writeback(c - 1, rows[nb], osem[nb]).wait()

            @pl.when(c + 1 < NCHUNK)
            def _():
                gather(c + 1, rows[nb], gsem[nb]).start()

            row0 = base + c * CHUNK

            @plsc.parallel_loop(0, CHUNK, unroll=2)
            def _(i):
                s = lax.rem(row0 + i, MAX_POS)
                for j in range(DSL):
                    sl = pl.ds(j * LANES, LANES)
                    rows[b][i, sl] = rows[b][i, sl] + pos_v[s, sl]
            writeback(c, rows[b], osem[b]).start()
        return ()

    lax.fori_loop(0, NCHUNK // 2, pair_body, ())
    writeback(NCHUNK - 1, rows1, o1).wait()


@jax.jit
def _embed(ids_flat, token_table, pos_table):
    mesh = plsc.VectorSubcoreMesh(core_axis_name="c", subcore_axis_name="s")
    return pl.kernel(
        _sc_body,
        out_type=jax.ShapeDtypeStruct((TOTAL_ROWS, DIM), jnp.float32),
        mesh=mesh,
        scratch_types=[
            pltpu.VMEM((PER_W,), jnp.int32),
            pltpu.VMEM((CHUNK, DIM), jnp.float32),
            pltpu.VMEM((CHUNK, DIM), jnp.float32),
            pltpu.VMEM((MAX_POS, DIM), jnp.float32),
            pltpu.SemaphoreType.DMA,
            pltpu.SemaphoreType.DMA,
            pltpu.SemaphoreType.DMA,
            pltpu.SemaphoreType.DMA,
        ],
    )(ids_flat, token_table, pos_table)


def kernel(input_ids, token_table, pos_table):
    ids_flat = input_ids.reshape(-1).astype(jnp.int32)
    out = _embed(ids_flat, token_table, pos_table)
    return out.reshape(BATCH, SEQ, DIM)

# --- scband reference (transcript-rebuilt; emitter-appended) ---
"""Pipeline reference for scband-cliptext-embeddings-20564303413582 (READ-ONLY COPY).

The authoritative reference and input builder live on the scoring server;
editing this copy changes nothing except your own understanding.
"""

import jax, jax.numpy as jnp
import numpy as np

VOCAB = 49408
MAX_POS = 77
DIM = 768
BATCH = 4096
SEQ = 77

def setup_inputs(seed: int = 0) -> dict:
    key = jax.random.key(seed)
    k1, k2, k3 = jax.random.split(key, 3)
    input_ids = jax.random.randint(k1, (BATCH, SEQ), 0, VOCAB, dtype=jnp.int64 if jax.config.jax_enable_x64 else jnp.int32)
    token_table = jax.random.normal(k2, (VOCAB, DIM), dtype=jnp.float32) * 0.02
    pos_table = jax.random.normal(k3, (MAX_POS, DIM), dtype=jnp.float32) * 0.02
    return {"input_ids": input_ids, "token_table": token_table, "pos_table": pos_table}

def reference(input_ids, token_table, pos_table):
    seq_length = input_ids.shape[-1]
    position_ids = jnp.arange(MAX_POS)[None, :seq_length]
    inputs_embeds = jnp.take(token_table, input_ids, axis=0)
    position_embeddings = jnp.take(pos_table, position_ids, axis=0)
    embeddings = inputs_embeds + position_embeddings
    return embeddings

if __name__ == "__main__":
    import jax
    _d = setup_inputs()
    print(jax.jit(kernel)(*tuple(_d.values())))

</pallas_src>

<mosaic_0001>
#map = affine_map<(d0, d1) -> (0)>
#map1 = affine_map<(d0, d1) -> (0, 0)>
module attributes {stable_mosaic.version = 14 : i64} {
  func.func @_sc_body(%arg0: i32, %arg1: i32, %arg2: memref<315392xi32, #tpu.memory_space<hbm>>, %arg3: memref<49408x768xf32, #tpu.memory_space<hbm>>, %arg4: memref<77x768xf32, #tpu.memory_space<hbm>>, %arg5: memref<315392x768xf32, #tpu.memory_space<hbm>>, %arg6: memref<9856xi32, #tpu.memory_space<vmem>>, %arg7: memref<32x768xf32, #tpu.memory_space<vmem>>, %arg8: memref<32x768xf32, #tpu.memory_space<vmem>>, %arg9: memref<77x768xf32, #tpu.memory_space<vmem>>, %arg10: memref<!tpu.dma_semaphore, #tpu.memory_space<semaphore_mem>>, %arg11: memref<!tpu.dma_semaphore, #tpu.memory_space<semaphore_mem>>, %arg12: memref<!tpu.dma_semaphore, #tpu.memory_space<semaphore_mem>>, %arg13: memref<!tpu.dma_semaphore, #tpu.memory_space<semaphore_mem>>) attributes {dimension_semantics = [#tpu.dimension_semantics<core_parallel>, #tpu.dimension_semantics<subcore_parallel>], iteration_bounds = array<i64: 2, 16>, scalar_prefetch = 0 : i64, scratch_operands = 8 : i64, tpu.core_type = #tpu.core_type<sc_vector_subcore>, window_params = [{transform_indices = #map}, {transform_indices = #map1}, {transform_indices = #map1}, {transform_indices = #map1}]} {
    %mul3A = arith.constant 2 : i32
    %mul3A_0 = arith.muli %arg1, %mul3A : i32
    %add3A = arith.addi %mul3A_0, %arg0 : i32
    %mul3A_1 = arith.constant 9856 : i32
    %mul3A_2 = arith.muli %add3A, %mul3A_1 : i32
    "tpu.region"() ({
      %run_scoped3A = tpu.sem_alloc : memref<!tpu.dma_semaphore, #tpu.memory_space<semaphore_mem>>
      tpu.enqueue_dma source(%arg4 : memref<77x768xf32, #tpu.memory_space<hbm>>) target(%arg9 : memref<77x768xf32, #tpu.memory_space<vmem>>) target_semaphore(%run_scoped3A : memref<!tpu.dma_semaphore, #tpu.memory_space<semaphore_mem>>)
      tpu.wait_dma2 semaphore(%run_scoped3A : memref<!tpu.dma_semaphore, #tpu.memory_space<semaphore_mem>>) src(%arg4 : memref<77x768xf32, #tpu.memory_space<hbm>>) dst(%arg9 : memref<77x768xf32, #tpu.memory_space<vmem>>)
      tpu.yield
    }) : () -> ()
    "tpu.region"() ({
      %run_scoped3A = tpu.sem_alloc : memref<!tpu.dma_semaphore, #tpu.memory_space<semaphore_mem>>
      %dma_start3A_16 = tpu.memref_slice %arg2[%mul3A_2] : memref<315392xi32, #tpu.memory_space<hbm>> -> memref<9856xi32, #tpu.memory_space<hbm>>
      %dma_start3A_17 = tpu.memref_slice %arg2[%mul3A_2] : memref<315392xi32, #tpu.memory_space<hbm>> -> memref<9856xi32, #tpu.memory_space<hbm>>
      tpu.enqueue_dma source(%dma_start3A_17 : memref<9856xi32, #tpu.memory_space<hbm>>) target(%arg6 : memref<9856xi32, #tpu.memory_space<vmem>>) target_semaphore(%run_scoped3A : memref<!tpu.dma_semaphore, #tpu.memory_space<semaphore_mem>>)
      %dma_wait3A_18 = tpu.memref_slice %arg2[%mul3A_2] : memref<315392xi32, #tpu.memory_space<hbm>> -> memref<9856xi32, #tpu.memory_space<hbm>>
      %dma_wait3A_19 = tpu.memref_slice %arg2[%mul3A_2] : memref<315392xi32, #tpu.memory_space<hbm>> -> memref<9856xi32, #tpu.memory_space<hbm>>
      tpu.wait_dma2 semaphore(%run_scoped3A : memref<!tpu.dma_semaphore, #tpu.memory_space<semaphore_mem>>) src(%dma_wait3A_19 : memref<9856xi32, #tpu.memory_space<hbm>>) dst(%arg6 : memref<9856xi32, #tpu.memory_space<vmem>>)
      tpu.yield
    }) : () -> ()
    %dma_start3A = arith.constant 0 : i32
    %dma_start3A_3 = tpu.memref_slice %arg6[%dma_start3A] : memref<9856xi32, #tpu.memory_space<vmem>> -> memref<32xi32, #tpu.memory_space<vmem>>
    %dma_start3A_4 = arith.constant 0 : i32
    %dma_start3A_5 = arith.constant 0 : i32
    %dma_start3A_6 = tpu.memref_slice %arg3[%dma_start3A_4, %dma_start3A_5] : memref<49408x768xf32, #tpu.memory_space<hbm>> -> memref<49408x768xf32, #tpu.memory_space<hbm>>
    tpu.enqueue_indirect_dma source(%dma_start3A_6 : memref<49408x768xf32, #tpu.memory_space<hbm>>) target(%arg7 : memref<32x768xf32, #tpu.memory_space<vmem>>) offsets(%dma_start3A_3 : memref<32xi32, #tpu.memory_space<vmem>>) semaphore(%arg10 : memref<!tpu.dma_semaphore, #tpu.memory_space<semaphore_mem>>)
    %scan3A = arith.constant 0 : i32
    %scan3A_7 = arith.constant 154 : i32
    %scan3A_8 = arith.addi %scan3A, %scan3A_7 : i32
    %scan3A_9 = arith.constant 1 : i32
    scf.for %scan3A_16 = %scan3A to %scan3A_8 step %scan3A_9  : i32 {
      %mul3A_17 = arith.constant 2 : i32
      %mul3A_18 = arith.muli %scan3A_16, %mul3A_17 : i32
      %add3A_19 = arith.constant 0 : i32
      %add3A_20 = arith.addi %mul3A_18, %add3A_19 : i32
      %mul3A_21 = arith.constant 32 : i32
      %mul3A_22 = arith.muli %add3A_20, %mul3A_21 : i32
      %dma_wait3A_23 = tpu.memref_slice %arg6[%mul3A_22] : memref<9856xi32, #tpu.memory_space<vmem>> -> memref<32xi32, #tpu.memory_space<vmem>>
      %dma_wait3A_24 = arith.constant 0 : i32
      %dma_wait3A_25 = arith.constant 0 : i32
      %dma_wait3A_26 = tpu.memref_slice %arg3[%dma_wait3A_24, %dma_wait3A_25] : memref<49408x768xf32, #tpu.memory_space<hbm>> -> memref<49408x768xf32, #tpu.memory_space<hbm>>
      tpu.wait_indirect_dma semaphore(%arg10 : memref<!tpu.dma_semaphore, #tpu.memory_space<semaphore_mem>>) src(%dma_wait3A_26 : memref<49408x768xf32, #tpu.memory_space<hbm>>) dst(%arg7 : memref<32x768xf32, #tpu.memory_space<vmem>>)
      %ge3A = arith.constant 1 : i32
      %ge3A_27 = arith.cmpi sge, %add3A_20, %ge3A : i32
      %convert_element_type3A = arith.extui %ge3A_27 : i1 to i32
      %cond3A = arith.constant 0 : i32
      %cond3A_28 = arith.cmpi ne, %convert_element_type3A, %cond3A : i32
      scf.if %cond3A_28 {
        %sub3A = arith.constant 1 : i32
        %sub3A_82 = arith.subi %add3A_20, %sub3A : i32
        %mul3A_83 = arith.constant 32 : i32
        %mul3A_84 = arith.muli %sub3A_82, %mul3A_83 : i32
        %add3A_85 = arith.addi %mul3A_2, %mul3A_84 : i32
        %dma_wait3A_86 = arith.constant 0 : i32
        %dma_wait3A_87 = tpu.memref_slice %arg5[%add3A_85, %dma_wait3A_86] : memref<315392x768xf32, #tpu.memory_space<hbm>> -> memref<32x768xf32, #tpu.memory_space<hbm>>
        %dma_wait3A_88 = arith.constant 0 : i32
        %dma_wait3A_89 = tpu.memref_slice %arg5[%add3A_85, %dma_wait3A_88] : memref<315392x768xf32, #tpu.memory_space<hbm>> -> memref<32x768xf32, #tpu.memory_space<hbm>>
        tpu.wait_dma2 semaphore(%arg13 : memref<!tpu.dma_semaphore, #tpu.memory_space<semaphore_mem>>) src(%arg8 : memref<32x768xf32, #tpu.memory_space<vmem>>) dst(%dma_wait3A_89 : memref<32x768xf32, #tpu.memory_space<hbm>>)
      } else {
      }
      %add3A_29 = arith.constant 1 : i32
      %add3A_30 = arith.addi %add3A_20, %add3A_29 : i32
      %lt3A = arith.constant 308 : i32
      %lt3A_31 = arith.cmpi slt, %add3A_30, %lt3A : i32
      %convert_element_type3A_32 = arith.extui %lt3A_31 : i1 to i32
      %cond3A_33 = arith.constant 0 : i32
      %cond3A_34 = arith.cmpi ne, %convert_element_type3A_32, %cond3A_33 : i32
      scf.if %cond3A_34 {
        %add3A_82 = arith.constant 1 : i32
        %add3A_83 = arith.addi %add3A_20, %add3A_82 : i32
        %mul3A_84 = arith.constant 32 : i32
        %mul3A_85 = arith.muli %add3A_83, %mul3A_84 : i32
        %dma_start3A_86 = tpu.memref_slice %arg6[%mul3A_85] : memref<9856xi32, #tpu.memory_space<vmem>> -> memref<32xi32, #tpu.memory_space<vmem>>
        %dma_start3A_87 = arith.constant 0 : i32
        %dma_start3A_88 = arith.constant 0 : i32
        %dma_start3A_89 = tpu.memref_slice %arg3[%dma_start3A_87, %dma_start3A_88] : memref<49408x768xf32, #tpu.memory_space<hbm>> -> memref<49408x768xf32, #tpu.memory_space<hbm>>
        tpu.enqueue_indirect_dma source(%dma_start3A_89 : memref<49408x768xf32, #tpu.memory_space<hbm>>) target(%arg8 : memref<32x768xf32, #tpu.memory_space<vmem>>) offsets(%dma_start3A_86 : memref<32xi32, #tpu.memory_space<vmem>>) semaphore(%arg11 : memref<!tpu.dma_semaphore, #tpu.memory_space<semaphore_mem>>)
      } else {
      }
      %mul3A_35 = arith.constant 32 : i32
      %mul3A_36 = arith.muli %add3A_20, %mul3A_35 : i32
      %add3A_37 = arith.addi %mul3A_2, %mul3A_36 : i32
      %parallel_loop3A = arith.constant 0 : i32
      %parallel_loop3A_38 = arith.constant 32 : i32
      %parallel_loop3A_39 = arith.constant 1 : i32
      scf.for %parallel_loop3A_82 = %parallel_loop3A to %parallel_loop3A_38 step %parallel_loop3A_39  : i32 {
        %parallel_loop3A_83 = arith.addi %add3A_37, %parallel_loop3A_82 : i32
        %parallel_loop3A_84 = arith.constant 77 : i32
        %parallel_loop3A_85 = arith.remsi %parallel_loop3A_83, %parallel_loop3A_84 : i32
        %parallel_loop3A_86 = arith.index_cast %parallel_loop3A_82 : i32 to index
        %parallel_loop3A_87 = arith.constant 0 : index
        %parallel_loop3A_88 = tpu.vector_load %arg7[%parallel_loop3A_86, %parallel_loop3A_87] {strides = array<i32>} : memref<32x768xf32, #tpu.memory_space<vmem>>, vector<1x16xf32>,
        %parallel_loop3A_89 = vector.shape_cast %parallel_loop3A_88 : vector<1x16xf32> to vector<16xf32>
        %parallel_loop3A_90 = arith.index_cast %parallel_loop3A_85 : i32 to index
        %parallel_loop3A_91 = arith.constant 0 : index
        %parallel_loop3A_92 = tpu.vector_load %arg9[%parallel_loop3A_90, %parallel_loop3A_91] {strides = array<i32>} : memref<77x768xf32, #tpu.memory_space<vmem>>, vector<1x16xf32>,
        %parallel_loop3A_93 = vector.shape_cast %parallel_loop3A_92 : vector<1x16xf32> to vector<16xf32>
        %parallel_loop3A_94 = arith.addf %parallel_loop3A_89, %parallel_loop3A_93 : vector<16xf32>
        %parallel_loop3A_95 = arith.index_cast %parallel_loop3A_82 : i32 to index
        %parallel_loop3A_96 = arith.constant 0 : index
        %parallel_loop3A_97 = tpu.vector_load %arg7[%parallel_loop3A_95, %parallel_loop3A_96] {strides = array<i32>} : memref<32x768xf32, #tpu.memory_space<vmem>>, vector<1x16xf32>,
        %parallel_loop3A_98 = vector.shape_cast %parallel_loop3A_97 : vector<1x16xf32> to vector<16xf32>
        %parallel_loop3A_99 = vector.shape_cast %parallel_loop3A_94 : vector<16xf32> to vector<1x16xf32>
        tpu.vector_store %arg7[%parallel_loop3A_95, %parallel_loop3A_96], %parallel_loop3A_99 {strides = array<i32>} : memref<32x768xf32, #tpu.memory_space<vmem>>, vector<1x16xf32>,
        %parallel_loop3A_100 = arith.index_cast %parallel_loop3A_82 : i32 to index
        %parallel_loop3A_101 = arith.constant 16 : index
        %parallel_loop3A_102 = tpu.vector_load %arg7[%parallel_loop3A_100, %parallel_loop3A_101] {strides = array<i32>} : memref<32x768xf32, #tpu.memory_space<vmem>>, vector<1x16xf32>,
        %parallel_loop3A_103 = vector.shape_cast %parallel_loop3A_102 : vector<1x16xf32> to vector<16xf32>
        %parallel_loop3A_104 = arith.index_cast %parallel_loop3A_85 : i32 to index
        %parallel_loop3A_105 = arith.constant 16 : index
        %parallel_loop3A_106 = tpu.vector_load %arg9[%parallel_loop3A_104, %parallel_loop3A_105] {strides = array<i32>} : memref<77x768xf32, #tpu.memory_space<vmem>>, vector<1x16xf32>,
        %parallel_loop3A_107 = vector.shape_cast %parallel_loop3A_106 : vector<1x16xf32> to vector<16xf32>
        %parallel_loop3A_108 = arith.addf %parallel_loop3A_103, %parallel_loop3A_107 : vector<16xf32>
        %parallel_loop3A_109 = arith.index_cast %parallel_loop3A_82 : i32 to index
        %parallel_loop3A_110 = arith.constant 16 : index
        %parallel_loop3A_111 = tpu.vector_load %arg7[%parallel_loop3A_109, %parallel_loop3A_110] {strides = array<i32>} : memref<32x768xf32, #tpu.memory_space<vmem>>, vector<1x16xf32>,
        %parallel_loop3A_112 = vector.shape_cast %parallel_loop3A_111 : vector<1x16xf32> to vector<16xf32>
        %parallel_loop3A_113 = vector.shape_cast %parallel_loop3A_108 : vector<16xf32> to vector<1x16xf32>
        tpu.vector_store %arg7[%parallel_loop3A_109, %parallel_loop3A_110], %parallel_loop3A_113 {strides = array<i32>} : memref<32x768xf32, #tpu.memory_space<vmem>>, vector<1x16xf32>,
        %parallel_loop3A_114 = arith.index_cast %parallel_loop3A_82 : i32 to index
        %parallel_loop3A_115 = arith.constant 32 : index
        %parallel_loop3A_116 = tpu.vector_load %arg7[%parallel_loop3A_114, %parallel_loop3A_115] {strides = array<i32>} : memref<32x768xf32, #tpu.memory_space<vmem>>, vector<1x16xf32>,
        %parallel_loop3A_117 = vector.shape_cast %parallel_loop3A_116 : vector<1x16xf32> to vector<16xf32>
        %parallel_loop3A_118 = arith.index_cast %parallel_loop3A_85 : i32 to index
        %parallel_loop3A_119 = arith.constant 32 : index
        %parallel_loop3A_120 = tpu.vector_load %arg9[%parallel_loop3A_118, %parallel_loop3A_119] {strides = array<i32>} : memref<77x768xf32, #tpu.memory_space<vmem>>, vector<1x16xf32>,
        %parallel_loop3A_121 = vector.shape_cast %parallel_loop3A_120 : vector<1x16xf32> to vector<16xf32>
        %parallel_loop3A_122 = arith.addf %parallel_loop3A_117, %parallel_loop3A_121 : vector<16xf32>
        %parallel_loop3A_123 = arith.index_cast %parallel_loop3A_82 : i32 to index
        %parallel_loop3A_124 = arith.constant 32 : index
        %parallel_loop3A_125 = tpu.vector_load %arg7[%parallel_loop3A_123, %parallel_loop3A_124] {strides = array<i32>} : memref<32x768xf32, #tpu.memory_space<vmem>>, vector<1x16xf32>,
        %parallel_loop3A_126 = vector.shape_cast %parallel_loop3A_125 : vector<1x16xf32> to vector<16xf32>
        %parallel_loop3A_127 = vector.shape_cast %parallel_loop3A_122 : vector<16xf32> to vector<1x16xf32>
        tpu.vector_store %arg7[%parallel_loop3A_123, %parallel_loop3A_124], %parallel_loop3A_127 {strides = array<i32>} : memref<32x768xf32, #tpu.memory_space<vmem>>, vector<1x16xf32>,
        %parallel_loop3A_128 = arith.index_cast %parallel_loop3A_82 : i32 to index
        %parallel_loop3A_129 = arith.constant 48 : index
        %parallel_loop3A_130 = tpu.vector_load %arg7[%parallel_loop3A_128, %parallel_loop3A_129] {strides = array<i32>} : memref<32x768xf32, #tpu.memory_space<vmem>>, vector<1x16xf32>,
        %parallel_loop3A_131 = vector.shape_cast %parallel_loop3A_130 : vector<1x16xf32> to vector<16xf32>
        %parallel_loop3A_132 = arith.index_cast %parallel_loop3A_85 : i32 to index
        %parallel_loop3A_133 = arith.constant 48 : index
        %parallel_loop3A_134 = tpu.vector_load %arg9[%parallel_loop3A_132, %parallel_loop3A_133] {strides = array<i32>} : memref<77x768xf32, #tpu.memory_space<vmem>>, vector<1x16xf32>,
        %parallel_loop3A_135 = vector.shape_cast %parallel_loop3A_134 : vector<1x16xf32> to vector<16xf32>
        %parallel_loop3A_136 = arith.addf %parallel_loop3A_131, %parallel_loop3A_135 : vector<16xf32>
        %parallel_loop3A_137 = arith.index_cast %parallel_loop3A_82 : i32 to index
        %parallel_loop3A_138 = arith.constant 48 : index
        %parallel_loop3A_139 = tpu.vector_load %arg7[%parallel_loop3A_137, %parallel_loop3A_138] {strides = array<i32>} : memref<32x768xf32, #tpu.memory_space<vmem>>, vector<1x16xf32>,
        %parallel_loop3A_140 = vector.shape_cast %parallel_loop3A_139 : vector<1x16xf32> to vector<16xf32>
        %parallel_loop3A_141 = vector.shape_cast %parallel_loop3A_136 : vector<16xf32> to vector<1x16xf32>
        tpu.vector_store %arg7[%parallel_loop3A_137, %parallel_loop3A_138], %parallel_loop3A_141 {strides = array<i32>} : memref<32x768xf32, #tpu.memory_space<vmem>>, vector<1x16xf32>,
        %parallel_loop3A_142 = arith.index_cast %parallel_loop3A_82 : i32 to index
        %parallel_loop3A_143 = arith.constant 64 : index
        %parallel_loop3A_144 = tpu.vector_load %arg7[%parallel_loop3A_142, %parallel_loop3A_143] {strides = array<i32>} : memref<32x768xf32, #tpu.memory_space<vmem>>, vector<1x16xf32>,
        %parallel_loop3A_145 = vector.shape_cast %parallel_loop3A_144 : vector<1x16xf32> to vector<16xf32>
        %parallel_loop3A_146 = arith.index_cast %parallel_loop3A_85 : i32 to index
        %parallel_loop3A_147 = arith.constant 64 : index
        %parallel_loop3A_148 = tpu.vector_load %arg9[%parallel_loop3A_146, %parallel_loop3A_147] {strides = array<i32>} : memref<77x768xf32, #tpu.memory_space<vmem>>, vector<1x16xf32>,
        %parallel_loop3A_149 = vector.shape_cast %parallel_loop3A_148 : vector<1x16xf32> to vector<16xf32>
        %parallel_loop3A_150 = arith.addf %parallel_loop3A_145, %parallel_loop3A_149 : vector<16xf32>
        %parallel_loop3A_151 = arith.index_cast %parallel_loop3A_82 : i32 to index
        %parallel_loop3A_152 = arith.constant 64 : index
        %parallel_loop3A_153 = tpu.vector_load %arg7[%parallel_loop3A_151, %parallel_loop3A_152] {strides = array<i32>} : memref<32x768xf32, #tpu.memory_space<vmem>>, vector<1x16xf32>,
        %parallel_loop3A_154 = vector.shape_cast %parallel_loop3A_153 : vector<1x16xf32> to vector<16xf32>
        %parallel_loop3A_155 = vector.shape_cast %parallel_loop3A_150 : vector<16xf32> to vector<1x16xf32>
        tpu.vector_store %arg7[%parallel_loop3A_151, %parallel_loop3A_152], %parallel_loop3A_155 {strides = array<i32>} : memref<32x768xf32, #tpu.memory_space<vmem>>, vector<1x16xf32>,
        %parallel_loop3A_156 = arith.index_cast %parallel_loop3A_82 : i32 to index
        %parallel_loop3A_157 = arith.constant 80 : index
        %parallel_loop3A_158 = tpu.vector_load %arg7[%parallel_loop3A_156, %parallel_loop3A_157] {strides = array<i32>} : memref<32x768xf32, #tpu.memory_space<vmem>>, vector<1x16xf32>,
        %parallel_loop3A_159 = vector.shape_cast %parallel_loop3A_158 : vector<1x16xf32> to vector<16xf32>
        %parallel_loop3A_160 = arith.index_cast %parallel_loop3A_85 : i32 to index
        %parallel_loop3A_161 = arith.constant 80 : index
        %parallel_loop3A_162 = tpu.vector_load %arg9[%parallel_loop3A_160, %parallel_loop3A_161] {strides = array<i32>} : memref<77x768xf32, #tpu.memory_space<vmem>>, vector<1x16xf32>,
        %parallel_loop3A_163 = vector.shape_cast %parallel_loop3A_162 : vector<1x16xf32> to vector<16xf32>
        %parallel_loop3A_164 = arith.addf %parallel_loop3A_159, %parallel_loop3A_163 : vector<16xf32>
        %parallel_loop3A_165 = arith.index_cast %parallel_loop3A_82 : i32 to index
        %parallel_loop3A_166 = arith.constant 80 : index
        %parallel_loop3A_167 = tpu.vector_load %arg7[%parallel_loop3A_165, %parallel_loop3A_166] {strides = array<i32>} : memref<32x768xf32, #tpu.memory_space<vmem>>, vector<1x16xf32>,
        %parallel_loop3A_168 = vector.shape_cast %parallel_loop3A_167 : vector<1x16xf32> to vector<16xf32>
        %parallel_loop3A_169 = vector.shape_cast %parallel_loop3A_164 : vector<16xf32> to vector<1x16xf32>
        tpu.vector_store %arg7[%parallel_loop3A_165, %parallel_loop3A_166], %parallel_loop3A_169 {strides = array<i32>} : memref<32x768xf32, #tpu.memory_space<vmem>>, vector<1x16xf32>,
        %parallel_loop3A_170 = arith.index_cast %parallel_loop3A_82 : i32 to index
        %parallel_loop3A_171 = arith.constant 96 : index
        %parallel_loop3A_172 = tpu.vector_load %arg7[%parallel_loop3A_170, %parallel_loop3A_171] {strides = array<i32>} : memref<32x768xf32, #tpu.memory_space<vmem>>, vector<1x16xf32>,
        %parallel_loop3A_173 = vector.shape_cast %parallel_loop3A_172 : vector<1x16xf32> to vector<16xf32>
        %parallel_loop3A_174 = arith.index_cast %parallel_loop3A_85 : i32 to index
        %parallel_loop3A_175 = arith.constant 96 : index
        %parallel_loop3A_176 = tpu.vector_load %arg9[%parallel_loop3A_174, %parallel_loop3A_175] {strides = array<i32>} : memref<77x768xf32, #tpu.memory_space<vmem>>, vector<1x16xf32>,
        %parallel_loop3A_177 = vector.shape_cast %parallel_loop3A_176 : vector<1x16xf32> to vector<16xf32>
        %parallel_loop3A_178 = arith.addf %parallel_loop3A_173, %parallel_loop3A_177 : vector<16xf32>
        %parallel_loop3A_179 = arith.index_cast %parallel_loop3A_82 : i32 to index
        %parallel_loop3A_180 = arith.constant 96 : index
        %parallel_loop3A_181 = tpu.vector_load %arg7[%parallel_loop3A_179, %parallel_loop3A_180] {strides = array<i32>} : memref<32x768xf32, #tpu.memory_space<vmem>>, vector<1x16xf32>,
        %parallel_loop3A_182 = vector.shape_cast %parallel_loop3A_181 : vector<1x16xf32> to vector<16xf32>
        %parallel_loop3A_183 = vector.shape_cast %parallel_loop3A_178 : vector<16xf32> to vector<1x16xf32>
        tpu.vector_store %arg7[%parallel_loop3A_179, %parallel_loop3A_180], %parallel_loop3A_183 {strides = array<i32>} : memref<32x768xf32, #tpu.memory_space<vmem>>, vector<1x16xf32>,
        %parallel_loop3A_184 = arith.index_cast %parallel_loop3A_82 : i32 to index
        %parallel_loop3A_185 = arith.constant 112 : index
        %parallel_loop3A_186 = tpu.vector_load %arg7[%parallel_loop3A_184, %parallel_loop3A_185] {strides = array<i32>} : memref<32x768xf32, #tpu.memory_space<vmem>>, vector<1x16xf32>,
        %parallel_loop3A_187 = vector.shape_cast %parallel_loop3A_186 : vector<1x16xf32> to vector<16xf32>
        %parallel_loop3A_188 = arith.index_cast %parallel_loop3A_85 : i32 to index
        %parallel_loop3A_189 = arith.constant 112 : index
        %parallel_loop3A_190 = tpu.vector_load %arg9[%parallel_loop3A_188, %parallel_loop3A_189] {strides = array<i32>} : memref<77x768xf32, #tpu.memory_space<vmem>>, vector<1x16xf32>,
        %parallel_loop3A_191 = vector.shape_cast %parallel_loop3A_190 : vector<1x16xf32> to vector<16xf32>
        %parallel_loop3A_192 = arith.addf %parallel_loop3A_187, %parallel_loop3A_191 : vector<16xf32>
        %parallel_loop3A_193 = arith.index_cast %parallel_loop3A_82 : i32 to index
        %parallel_loop3A_194 = arith.constant 112 : index
        %parallel_loop3A_195 = tpu.vector_load %arg7[%parallel_loop3A_193, %parallel_loop3A_194] {strides = array<i32>} : memref<32x768xf32, #tpu.memory_space<vmem>>, vector<1x16xf32>,
        %parallel_loop3A_196 = vector.shape_cast %parallel_loop3A_195 : vector<1x16xf32> to vector<16xf32>
        %parallel_loop3A_197 = vector.shape_cast %parallel_loop3A_192 : vector<16xf32> to vector<1x16xf32>
        tpu.vector_store %arg7[%parallel_loop3A_193, %parallel_loop3A_194], %parallel_loop3A_197 {strides = array<i32>} : memref<32x768xf32, #tpu.memory_space<vmem>>, vector<1x16xf32>,
        %parallel_loop3A_198 = arith.index_cast %parallel_loop3A_82 : i32 to index
        %parallel_loop3A_199 = arith.constant 128 : index
        %parallel_loop3A_200 = tpu.vector_load %arg7[%parallel_loop3A_198, %parallel_loop3A_199] {strides = array<i32>} : memref<32x768xf32, #tpu.memory_space<vmem>>, vector<1x16xf32>,
        %parallel_loop3A_201 = vector.shape_cast %parallel_loop3A_200 : vector<1x16xf32> to vector<16xf32>
        %parallel_loop3A_202 = arith.index_cast %parallel_loop3A_85 : i32 to index
        %parallel_loop3A_203 = arith.constant 128 : index
        %parallel_loop3A_204 = tpu.vector_load %arg9[%parallel_loop3A_202, %parallel_loop3A_203] {strides = array<i32>} : memref<77x768xf32, #tpu.memory_space<vmem>>, vector<1x16xf32>,
        %parallel_loop3A_205 = vector.shape_cast %parallel_loop3A_204 : vector<1x16xf32> to vector<16xf32>
        %parallel_loop3A_206 = arith.addf %parallel_loop3A_201, %parallel_loop3A_205 : vector<16xf32>
        %parallel_loop3A_207 = arith.index_cast %parallel_loop3A_82 : i32 to index
        %parallel_loop3A_208 = arith.constant 128 : index
        %parallel_loop3A_209 = tpu.vector_load %arg7[%parallel_loop3A_207, %parallel_loop3A_208] {strides = array<i32>} : memref<32x768xf32, #tpu.memory_space<vmem>>, vector<1x16xf32>,
        %parallel_loop3A_210 = vector.shape_cast %parallel_loop3A_209 : vector<1x16xf32> to vector<16xf32>
        %parallel_loop3A_211 = vector.shape_cast %parallel_loop3A_206 : vector<16xf32> to vector<1x16xf32>
        tpu.vector_store %arg7[%parallel_loop3A_207, %parallel_loop3A_208], %parallel_loop3A_211 {strides = array<i32>} : memref<32x768xf32, #tpu.memory_space<vmem>>, vector<1x16xf32>,
        %parallel_loop3A_212 = arith.index_cast %parallel_loop3A_82 : i32 to index
        %parallel_loop3A_213 = arith.constant 144 : index
        %parallel_loop3A_214 = tpu.vector_load %arg7[%parallel_loop3A_212, %parallel_loop3A_213] {strides = array<i32>} : memref<32x768xf32, #tpu.memory_space<vmem>>, vector<1x16xf32>,
        %parallel_loop3A_215 = vector.shape_cast %parallel_loop3A_214 : vector<1x16xf32> to vector<16xf32>
        %parallel_loop3A_216 = arith.index_cast %parallel_loop3A_85 : i32 to index
        %parallel_loop3A_217 = arith.constant 144 : index
        %parallel_loop3A_218 = tpu.vector_load %arg9[%parallel_loop3A_216, %parallel_loop3A_217] {strides = array<i32>} : memref<77x768xf32, #tpu.memory_space<vmem>>, vector<1x16xf32>,
        %parallel_loop3A_219 = vector.shape_cast %parallel_loop3A_218 : vector<1x16xf32> to vector<16xf32>
        %parallel_loop3A_220 = arith.addf %parallel_loop3A_215, %parallel_loop3A_219 : vector<16xf32>
        %parallel_loop3A_221 = arith.index_cast %parallel_loop3A_82 : i32 to index
        %parallel_loop3A_222 = arith.constant 144 : index
        %parallel_loop3A_223 = tpu.vector_load %arg7[%parallel_loop3A_221, %parallel_loop3A_222] {strides = array<i32>} : memref<32x768xf32, #tpu.memory_space<vmem>>, vector<1x16xf32>,
        %parallel_loop3A_224 = vector.shape_cast %parallel_loop3A_223 : vector<1x16xf32> to vector<16xf32>
        %parallel_loop3A_225 = vector.shape_cast %parallel_loop3A_220 : vector<16xf32> to vector<1x16xf32>
        tpu.vector_store %arg7[%parallel_loop3A_221, %parallel_loop3A_222], %parallel_loop3A_225 {strides = array<i32>} : memref<32x768xf32, #tpu.memory_space<vmem>>, vector<1x16xf32>,
        %parallel_loop3A_226 = arith.index_cast %parallel_loop3A_82 : i32 to index
        %parallel_loop3A_227 = arith.constant 160 : index
        %parallel_loop3A_228 = tpu.vector_load %arg7[%parallel_loop3A_226, %parallel_loop3A_227] {strides = array<i32>} : memref<32x768xf32, #tpu.memory_space<vmem>>, vector<1x16xf32>,
        %parallel_loop3A_229 = vector.shape_cast %parallel_loop3A_228 : vector<1x16xf32> to vector<16xf32>
        %parallel_loop3A_230 = arith.index_cast %parallel_loop3A_85 : i32 to index
        %parallel_loop3A_231 = arith.constant 160 : index
        %parallel_loop3A_232 = tpu.vector_load %arg9[%parallel_loop3A_230, %parallel_loop3A_231] {strides = array<i32>} : memref<77x768xf32, #tpu.memory_space<vmem>>, vector<1x16xf32>,
        %parallel_loop3A_233 = vector.shape_cast %parallel_loop3A_232 : vector<1x16xf32> to vector<16xf32>
        %parallel_loop3A_234 = arith.addf %parallel_loop3A_229, %parallel_loop3A_233 : vector<16xf32>
        %parallel_loop3A_235 = arith.index_cast %parallel_loop3A_82 : i32 to index
        %parallel_loop3A_236 = arith.constant 160 : index
        %parallel_loop3A_237 = tpu.vector_load %arg7[%parallel_loop3A_235, %parallel_loop3A_236] {strides = array<i32>} : memref<32x768xf32, #tpu.memory_space<vmem>>, vector<1x16xf32>,
        %parallel_loop3A_238 = vector.shape_cast %parallel_loop3A_237 : vector<1x16xf32> to vector<16xf32>
        %parallel_loop3A_239 = vector.shape_cast %parallel_loop3A_234 : vector<16xf32> to vector<1x16xf32>
        tpu.vector_store %arg7[%parallel_loop3A_235, %parallel_loop3A_236], %parallel_loop3A_239 {strides = array<i32>} : memref<32x768xf32, #tpu.memory_space<vmem>>, vector<1x16xf32>,
        %parallel_loop3A_240 = arith.index_cast %parallel_loop3A_82 : i32 to index
        %parallel_loop3A_241 = arith.constant 176 : index
        %parallel_loop3A_242 = tpu.vector_load %arg7[%parallel_loop3A_240, %parallel_loop3A_241] {strides = array<i32>} : memref<32x768xf32, #tpu.memory_space<vmem>>, vector<1x16xf32>,
        %parallel_loop3A_243 = vector.shape_cast %parallel_loop3A_242 : vector<1x16xf32> to vector<16xf32>
        %parallel_loop3A_244 = arith.index_cast %parallel_loop3A_85 : i32 to index
        %parallel_loop3A_245 = arith.constant 176 : index
        %parallel_loop3A_246 = tpu.vector_load %arg9[%parallel_loop3A_244, %parallel_loop3A_245] {strides = array<i32>} : memref<77x768xf32, #tpu.memory_space<vmem>>, vector<1x16xf32>,
        %parallel_loop3A_247 = vector.shape_cast %parallel_loop3A_246 : vector<1x16xf32> to vector<16xf32>
        %parallel_loop3A_248 = arith.addf %parallel_loop3A_243, %parallel_loop3A_247 : vector<16xf32>
        %parallel_loop3A_249 = arith.index_cast %parallel_loop3A_82 : i32 to index
        %parallel_loop3A_250 = arith.constant 176 : index
        %parallel_loop3A_251 = tpu.vector_load %arg7[%parallel_loop3A_249, %parallel_loop3A_250] {strides = array<i32>} : memref<32x768xf32, #tpu.memory_space<vmem>>, vector<1x16xf32>,
        %parallel_loop3A_252 = vector.shape_cast %parallel_loop3A_251 : vector<1x16xf32> to vector<16xf32>
        %parallel_loop3A_253 = vector.shape_cast %parallel_loop3A_248 : vector<16xf32> to vector<1x16xf32>
        tpu.vector_store %arg7[%parallel_loop3A_249, %parallel_loop3A_250], %parallel_loop3A_253 {strides = array<i32>} : memref<32x768xf32, #tpu.memory_space<vmem>>, vector<1x16xf32>,
        %parallel_loop3A_254 = arith.index_cast %parallel_loop3A_82 : i32 to index
        %parallel_loop3A_255 = arith.constant 192 : index
        %parallel_loop3A_256 = tpu.vector_load %arg7[%parallel_loop3A_254, %parallel_loop3A_255] {strides = array<i32>} : memref<32x768xf32, #tpu.memory_space<vmem>>, vector<1x16xf32>,
        %parallel_loop3A_257 = vector.shape_cast %parallel_loop3A_256 : vector<1x16xf32> to vector<16xf32>
        %parallel_loop3A_258 = arith.index_cast %parallel_loop3A_85 : i32 to index
        %parallel_loop3A_259 = arith.constant 192 : index
        %parallel_loop3A_260 = tpu.vector_load %arg9[%parallel_loop3A_258, %parallel_loop3A_259] {strides = array<i32>} : memref<77x768xf32, #tpu.memory_space<vmem>>, vector<1x16xf32>,
        %parallel_loop3A_261 = vector.shape_cast %parallel_loop3A_260 : vector<1x16xf32> to vector<16xf32>
        %parallel_loop3A_262 = arith.addf %parallel_loop3A_257, %parallel_loop3A_261 : vector<16xf32>
        %parallel_loop3A_263 = arith.index_cast %parallel_loop3A_82 : i32 to index
        %parallel_loop3A_264 = arith.constant 192 : index
        %parallel_loop3A_265 = tpu.vector_load %arg7[%parallel_loop3A_263, %parallel_loop3A_264] {strides = array<i32>} : memref<32x768xf32, #tpu.memory_space<vmem>>, vector<1x16xf32>,
        %parallel_loop3A_266 = vector.shape_cast %parallel_loop3A_265 : vector<1x16xf32> to vector<16xf32>
        %parallel_loop3A_267 = vector.shape_cast %parallel_loop3A_262 : vector<16xf32> to vector<1x16xf32>
        tpu.vector_store %arg7[%parallel_loop3A_263, %parallel_loop3A_264], %parallel_loop3A_267 {strides = array<i32>} : memref<32x768xf32, #tpu.memory_space<vmem>>, vector<1x16xf32>,
        %parallel_loop3A_268 = arith.index_cast %parallel_loop3A_82 : i32 to index
        %parallel_loop3A_269 = arith.constant 208 : index
        %parallel_loop3A_270 = tpu.vector_load %arg7[%parallel_loop3A_268, %parallel_loop3A_269] {strides = array<i32>} : memref<32x768xf32, #tpu.memory_space<vmem>>, vector<1x16xf32>,
        %parallel_loop3A_271 = vector.shape_cast %parallel_loop3A_270 : vector<1x16xf32> to vector<16xf32>
        %parallel_loop3A_272 = arith.index_cast %parallel_loop3A_85 : i32 to index
        %parallel_loop3A_273 = arith.constant 208 : index
        %parallel_loop3A_274 = tpu.vector_load %arg9[%parallel_loop3A_272, %parallel_loop3A_273] {strides = array<i32>} : memref<77x768xf32, #tpu.memory_space<vmem>>, vector<1x16xf32>,
        %parallel_loop3A_275 = vector.shape_cast %parallel_loop3A_274 : vector<1x16xf32> to vector<16xf32>
        %parallel_loop3A_276 = arith.addf %parallel_loop3A_271, %parallel_loop3A_275 : vector<16xf32>
        %parallel_loop3A_277 = arith.index_cast %parallel_loop3A_82 : i32 to index
        %parallel_loop3A_278 = arith.constant 208 : index
        %parallel_loop3A_279 = tpu.vector_load %arg7[%parallel_loop3A_277, %parallel_loop3A_278] {strides = array<i32>} : memref<32x768xf32, #tpu.memory_space<vmem>>, vector<1x16xf32>,
        %parallel_loop3A_280 = vector.shape_cast %parallel_loop3A_279 : vector<1x16xf32> to vector<16xf32>
        %parallel_loop3A_281 = vector.shape_cast %parallel_loop3A_276 : vector<16xf32> to vector<1x16xf32>
        tpu.vector_store %arg7[%parallel_loop3A_277, %parallel_loop3A_278], %parallel_loop3A_281 {strides = array<i32>} : memref<32x768xf32, #tpu.memory_space<vmem>>, vector<1x16xf32>,
        %parallel_loop3A_282 = arith.index_cast %parallel_loop3A_82 : i32 to index
        %parallel_loop3A_283 = arith.constant 224 : index
        %parallel_loop3A_284 = tpu.vector_load %arg7[%parallel_loop3A_282, %parallel_loop3A_283] {strides = array<i32>} : memref<32x768xf32, #tpu.memory_space<vmem>>, vector<1x16xf32>,
        %parallel_loop3A_285 = vector.shape_cast %parallel_loop3A_284 : vector<1x16xf32> to vector<16xf32>
        %parallel_loop3A_286 = arith.index_cast %parallel_loop3A_85 : i32 to index
        %parallel_loop3A_287 = arith.constant 224 : index
        %parallel_loop3A_288 = tpu.vector_load %arg9[%parallel_loop3A_286, %parallel_loop3A_287] {strides = array<i32>} : memref<77x768xf32, #tpu.memory_space<vmem>>, vector<1x16xf32>,
        %parallel_loop3A_289 = vector.shape_cast %parallel_loop3A_288 : vector<1x16xf32> to vector<16xf32>
        %parallel_loop3A_290 = arith.addf %parallel_loop3A_285, %parallel_loop3A_289 : vector<16xf32>
        %parallel_loop3A_291 = arith.index_cast %parallel_loop3A_82 : i32 to index
        %parallel_loop3A_292 = arith.constant 224 : index
        %parallel_loop3A_293 = tpu.vector_load %arg7[%parallel_loop3A_291, %parallel_loop3A_292] {strides = array<i32>} : memref<32x768xf32, #tpu.memory_space<vmem>>, vector<1x16xf32>,
        %parallel_loop3A_294 = vector.shape_cast %parallel_loop3A_293 : vector<1x16xf32> to vector<16xf32>
        %parallel_loop3A_295 = vector.shape_cast %parallel_loop3A_290 : vector<16xf32> to vector<1x16xf32>
        tpu.vector_store %arg7[%parallel_loop3A_291, %parallel_loop3A_292], %parallel_loop3A_295 {strides = array<i32>} : memref<32x768xf32, #tpu.memory_space<vmem>>, vector<1x16xf32>,
        %parallel_loop3A_296 = arith.index_cast %parallel_loop3A_82 : i32 to index
        %parallel_loop3A_297 = arith.constant 240 : index
        %parallel_loop3A_298 = tpu.vector_load %arg7[%parallel_loop3A_296, %parallel_loop3A_297] {strides = array<i32>} : memref<32x768xf32, #tpu.memory_space<vmem>>, vector<1x16xf32>,
        %parallel_loop3A_299 = vector.shape_cast %parallel_loop3A_298 : vector<1x16xf32> to vector<16xf32>
        %parallel_loop3A_300 = arith.index_cast %parallel_loop3A_85 : i32 to index
        %parallel_loop3A_301 = arith.constant 240 : index
        %parallel_loop3A_302 = tpu.vector_load %arg9[%parallel_loop3A_300, %parallel_loop3A_301] {strides = array<i32>} : memref<77x768xf32, #tpu.memory_space<vmem>>, vector<1x16xf32>,
        %parallel_loop3A_303 = vector.shape_cast %parallel_loop3A_302 : vector<1x16xf32> to vector<16xf32>
        %parallel_loop3A_304 = arith.addf %parallel_loop3A_299, %parallel_loop3A_303 : vector<16xf32>
        %parallel_loop3A_305 = arith.index_cast %parallel_loop3A_82 : i32 to index
        %parallel_loop3A_306 = arith.constant 240 : index
        %parallel_loop3A_307 = tpu.vector_load %arg7[%parallel_loop3A_305, %parallel_loop3A_306] {strides = array<i32>} : memref<32x768xf32, #tpu.memory_space<vmem>>, vector<1x16xf32>,
        %parallel_loop3A_308 = vector.shape_cast %parallel_loop3A_307 : vector<1x16xf32> to vector<16xf32>
        %parallel_loop3A_309 = vector.shape_cast %parallel_loop3A_304 : vector<16xf32> to vector<1x16xf32>
        tpu.vector_store %arg7[%parallel_loop3A_305, %parallel_loop3A_306], %parallel_loop3A_309 {strides = array<i32>} : memref<32x768xf32, #tpu.memory_space<vmem>>, vector<1x16xf32>,
        %parallel_loop3A_310 = arith.index_cast %parallel_loop3A_82 : i32 to index
        %parallel_loop3A_311 = arith.constant 256 : index
        %parallel_loop3A_312 = tpu.vector_load %arg7[%parallel_loop3A_310, %parallel_loop3A_311] {strides = array<i32>} : memref<32x768xf32, #tpu.memory_space<vmem>>, vector<1x16xf32>,
        %parallel_loop3A_313 = vector.shape_cast %parallel_loop3A_312 : vector<1x16xf32> to vector<16xf32>
        %parallel_loop3A_314 = arith.index_cast %parallel_loop3A_85 : i32 to index
        %parallel_loop3A_315 = arith.constant 256 : index
        %parallel_loop3A_316 = tpu.vector_load %arg9[%parallel_loop3A_314, %parallel_loop3A_315] {strides = array<i32>} : memref<77x768xf32, #tpu.memory_space<vmem>>, vector<1x16xf32>,
        %parallel_loop3A_317 = vector.shape_cast %parallel_loop3A_316 : vector<1x16xf32> to vector<16xf32>
        %parallel_loop3A_318 = arith.addf %parallel_loop3A_313, %parallel_loop3A_317 : vector<16xf32>
        %parallel_loop3A_319 = arith.index_cast %parallel_loop3A_82 : i32 to index
        %parallel_loop3A_320 = arith.constant 256 : index
        %parallel_loop3A_321 = tpu.vector_load %arg7[%parallel_loop3A_319, %parallel_loop3A_320] {strides = array<i32>} : memref<32x768xf32, #tpu.memory_space<vmem>>, vector<1x16xf32>,
        %parallel_loop3A_322 = vector.shape_cast %parallel_loop3A_321 : vector<1x16xf32> to vector<16xf32>
        %parallel_loop3A_323 = vector.shape_cast %parallel_loop3A_318 : vector<16xf32> to vector<1x16xf32>
        tpu.vector_store %arg7[%parallel_loop3A_319, %parallel_loop3A_320], %parallel_loop3A_323 {strides = array<i32>} : memref<32x768xf32, #tpu.memory_space<vmem>>, vector<1x16xf32>,
        %parallel_loop3A_324 = arith.index_cast %parallel_loop3A_82 : i32 to index
        %parallel_loop3A_325 = arith.constant 272 : index
        %parallel_loop3A_326 = tpu.vector_load %arg7[%parallel_loop3A_324, %parallel_loop3A_325] {strides = array<i32>} : memref<32x768xf32, #tpu.memory_space<vmem>>, vector<1x16xf32>,
        %parallel_loop3A_327 = vector.shape_cast %parallel_loop3A_326 : vector<1x16xf32> to vector<16xf32>
        %parallel_loop3A_328 = arith.index_cast %parallel_loop3A_85 : i32 to index
        %parallel_loop3A_329 = arith.constant 272 : index
        %parallel_loop3A_330 = tpu.vector_load %arg9[%parallel_loop3A_328, %parallel_loop3A_329] {strides = array<i32>} : memref<77x768xf32, #tpu.memory_space<vmem>>, vector<1x16xf32>,
        %parallel_loop3A_331 = vector.shape_cast %parallel_loop3A_330 : vector<1x16xf32> to vector<16xf32>
        %parallel_loop3A_332 = arith.addf %parallel_loop3A_327, %parallel_loop3A_331 : vector<16xf32>
        %parallel_loop3A_333 = arith.index_cast %parallel_loop3A_82 : i32 to index
        %parallel_loop3A_334 = arith.constant 272 : index
        %parallel_loop3A_335 = tpu.vector_load %arg7[%parallel_loop3A_333, %parallel_loop3A_334] {strides = array<i32>} : memref<32x768xf32, #tpu.memory_space<vmem>>, vector<1x16xf32>,
        %parallel_loop3A_336 = vector.shape_cast %parallel_loop3A_335 : vector<1x16xf32> to vector<16xf32>
        %parallel_loop3A_337 = vector.shape_cast %parallel_loop3A_332 : vector<16xf32> to vector<1x16xf32>
        tpu.vector_store %arg7[%parallel_loop3A_333, %parallel_loop3A_334], %parallel_loop3A_337 {strides = array<i32>} : memref<32x768xf32, #tpu.memory_space<vmem>>, vector<1x16xf32>,
        %parallel_loop3A_338 = arith.index_cast %parallel_loop3A_82 : i32 to index
        %parallel_loop3A_339 = arith.constant 288 : index
        %parallel_loop3A_340 = tpu.vector_load %arg7[%parallel_loop3A_338, %parallel_loop3A_339] {strides = array<i32>} : memref<32x768xf32, #tpu.memory_space<vmem>>, vector<1x16xf32>,
        %parallel_loop3A_341 = vector.shape_cast %parallel_loop3A_340 : vector<1x16xf32> to vector<16xf32>
        %parallel_loop3A_342 = arith.index_cast %parallel_loop3A_85 : i32 to index
        %parallel_loop3A_343 = arith.constant 288 : index
        %parallel_loop3A_344 = tpu.vector_load %arg9[%parallel_loop3A_342, %parallel_loop3A_343] {strides = array<i32>} : memref<77x768xf32, #tpu.memory_space<vmem>>, vector<1x16xf32>,
        %parallel_loop3A_345 = vector.shape_cast %parallel_loop3A_344 : vector<1x16xf32> to vector<16xf32>
        %parallel_loop3A_346 = arith.addf %parallel_loop3A_341, %parallel_loop3A_345 : vector<16xf32>
        %parallel_loop3A_347 = arith.index_cast %parallel_loop3A_82 : i32 to index
        %parallel_loop3A_348 = arith.constant 288 : index
        %parallel_loop3A_349 = tpu.vector_load %arg7[%parallel_loop3A_347, %parallel_loop3A_348] {strides = array<i32>} : memref<32x768xf32, #tpu.memory_space<vmem>>, vector<1x16xf32>,
        %parallel_loop3A_350 = vector.shape_cast %parallel_loop3A_349 : vector<1x16xf32> to vector<16xf32>
        %parallel_loop3A_351 = vector.shape_cast %parallel_loop3A_346 : vector<16xf32> to vector<1x16xf32>
        tpu.vector_store %arg7[%parallel_loop3A_347, %parallel_loop3A_348], %parallel_loop3A_351 {strides = array<i32>} : memref<32x768xf32, #tpu.memory_space<vmem>>, vector<1x16xf32>,
        %parallel_loop3A_352 = arith.index_cast %parallel_loop3A_82 : i32 to index
        %parallel_loop3A_353 = arith.constant 304 : index
        %parallel_loop3A_354 = tpu.vector_load %arg7[%parallel_loop3A_352, %parallel_loop3A_353] {strides = array<i32>} : memref<32x768xf32, #tpu.memory_space<vmem>>, vector<1x16xf32>,
        %parallel_loop3A_355 = vector.shape_cast %parallel_loop3A_354 : vector<1x16xf32> to vector<16xf32>
        %parallel_loop3A_356 = arith.index_cast %parallel_loop3A_85 : i32 to index
        %parallel_loop3A_357 = arith.constant 304 : index
        %parallel_loop3A_358 = tpu.vector_load %arg9[%parallel_loop3A_356, %parallel_loop3A_357] {strides = array<i32>} : memref<77x768xf32, #tpu.memory_space<vmem>>, vector<1x16xf32>,
        %parallel_loop3A_359 = vector.shape_cast %parallel_loop3A_358 : vector<1x16xf32> to vector<16xf32>
        %parallel_loop3A_360 = arith.addf %parallel_loop3A_355, %parallel_loop3A_359 : vector<16xf32>
        %parallel_loop3A_361 = arith.index_cast %parallel_loop3A_82 : i32 to index
        %parallel_loop3A_362 = arith.constant 304 : index
        %parallel_loop3A_363 = tpu.vector_load %arg7[%parallel_loop3A_361, %parallel_loop3A_362] {strides = array<i32>} : memref<32x768xf32, #tpu.memory_space<vmem>>, vector<1x16xf32>,
        %parallel_loop3A_364 = vector.shape_cast %parallel_loop3A_363 : vector<1x16xf32> to vector<16xf32>
        %parallel_loop3A_365 = vector.shape_cast %parallel_loop3A_360 : vector<16xf32> to vector<1x16xf32>
        tpu.vector_store %arg7[%parallel_loop3A_361, %parallel_loop3A_362], %parallel_loop3A_365 {strides = array<i32>} : memref<32x768xf32, #tpu.memory_space<vmem>>, vector<1x16xf32>,
        %parallel_loop3A_366 = arith.index_cast %parallel_loop3A_82 : i32 to index
        %parallel_loop3A_367 = arith.constant 320 : index
        %parallel_loop3A_368 = tpu.vector_load %arg7[%parallel_loop3A_366, %parallel_loop3A_367] {strides = array<i32>} : memref<32x768xf32, #tpu.memory_space<vmem>>, vector<1x16xf32>,
        %parallel_loop3A_369 = vector.shape_cast %parallel_loop3A_368 : vector<1x16xf32> to vector<16xf32>
        %parallel_loop3A_370 = arith.index_cast %parallel_loop3A_85 : i32 to index
        %parallel_loop3A_371 = arith.constant 320 : index
        %parallel_loop3A_372 = tpu.vector_load %arg9[%parallel_loop3A_370, %parallel_loop3A_371] {strides = array<i32>} : memref<77x768xf32, #tpu.memory_space<vmem>>, vector<1x16xf32>,
        %parallel_loop3A_373 = vector.shape_cast %parallel_loop3A_372 : vector<1x16xf32> to vector<16xf32>
        %parallel_loop3A_374 = arith.addf %parallel_loop3A_369, %parallel_loop3A_373 : vector<16xf32>
        %parallel_loop3A_375 = arith.index_cast %parallel_loop3A_82 : i32 to index
        %parallel_loop3A_376 = arith.constant 320 : index
        %parallel_loop3A_377 = tpu.vector_load %arg7[%parallel_loop3A_375, %parallel_loop3A_376] {strides = array<i32>} : memref<32x768xf32, #tpu.memory_space<vmem>>, vector<1x16xf32>,
        %parallel_loop3A_378 = vector.shape_cast %parallel_loop3A_377 : vector<1x16xf32> to vector<16xf32>
        %parallel_loop3A_379 = vector.shape_cast %parallel_loop3A_374 : vector<16xf32> to vector<1x16xf32>
        tpu.vector_store %arg7[%parallel_loop3A_375, %parallel_loop3A_376], %parallel_loop3A_379 {strides = array<i32>} : memref<32x768xf32, #tpu.memory_space<vmem>>, vector<1x16xf32>,
        %parallel_loop3A_380 = arith.index_cast %parallel_loop3A_82 : i32 to index
        %parallel_loop3A_381 = arith.constant 336 : index
        %parallel_loop3A_382 = tpu.vector_load %arg7[%parallel_loop3A_380, %parallel_loop3A_381] {strides = array<i32>} : memref<32x768xf32, #tpu.memory_space<vmem>>, vector<1x16xf32>,
        %parallel_loop3A_383 = vector.shape_cast %parallel_loop3A_382 : vector<1x16xf32> to vector<16xf32>
        %parallel_loop3A_384 = arith.index_cast %parallel_loop3A_85 : i32 to index
        %parallel_loop3A_385 = arith.constant 336 : index
        %parallel_loop3A_386 = tpu.vector_load %arg9[%parallel_loop3A_384, %parallel_loop3A_385] {strides = array<i32>} : memref<77x768xf32, #tpu.memory_space<vmem>>, vector<1x16xf32>,
        %parallel_loop3A_387 = vector.shape_cast %parallel_loop3A_386 : vector<1x16xf32> to vector<16xf32>
        %parallel_loop3A_388 = arith.addf %parallel_loop3A_383, %parallel_loop3A_387 : vector<16xf32>
        %parallel_loop3A_389 = arith.index_cast %parallel_loop3A_82 : i32 to index
        %parallel_loop3A_390 = arith.constant 336 : index
        %parallel_loop3A_391 = tpu.vector_load %arg7[%parallel_loop3A_389, %parallel_loop3A_390] {strides = array<i32>} : memref<32x768xf32, #tpu.memory_space<vmem>>, vector<1x16xf32>,
        %parallel_loop3A_392 = vector.shape_cast %parallel_loop3A_391 : vector<1x16xf32> to vector<16xf32>
        %parallel_loop3A_393 = vector.shape_cast %parallel_loop3A_388 : vector<16xf32> to vector<1x16xf32>
        tpu.vector_store %arg7[%parallel_loop3A_389, %parallel_loop3A_390], %parallel_loop3A_393 {strides = array<i32>} : memref<32x768xf32, #tpu.memory_space<vmem>>, vector<1x16xf32>,
        %parallel_loop3A_394 = arith.index_cast %parallel_loop3A_82 : i32 to index
        %parallel_loop3A_395 = arith.constant 352 : index
        %parallel_loop3A_396 = tpu.vector_load %arg7[%parallel_loop3A_394, %parallel_loop3A_395] {strides = array<i32>} : memref<32x768xf32, #tpu.memory_space<vmem>>, vector<1x16xf32>,
        %parallel_loop3A_397 = vector.shape_cast %parallel_loop3A_396 : vector<1x16xf32> to vector<16xf32>
        %parallel_loop3A_398 = arith.index_cast %parallel_loop3A_85 : i32 to index
        %parallel_loop3A_399 = arith.constant 352 : index
        %parallel_loop3A_400 = tpu.vector_load %arg9[%parallel_loop3A_398, %parallel_loop3A_399] {strides = array<i32>} : memref<77x768xf32, #tpu.memory_space<vmem>>, vector<1x16xf32>,
        %parallel_loop3A_401 = vector.shape_cast %parallel_loop3A_400 : vector<1x16xf32> to vector<16xf32>
        %parallel_loop3A_402 = arith.addf %parallel_loop3A_397, %parallel_loop3A_401 : vector<16xf32>
        %parallel_loop3A_403 = arith.index_cast %parallel_loop3A_82 : i32 to index
        %parallel_loop3A_404 = arith.constant 352 : index
        %parallel_loop3A_405 = tpu.vector_load %arg7[%parallel_loop3A_403, %parallel_loop3A_404] {strides = array<i32>} : memref<32x768xf32, #tpu.memory_space<vmem>>, vector<1x16xf32>,
        %parallel_loop3A_406 = vector.shape_cast %parallel_loop3A_405 : vector<1x16xf32> to vector<16xf32>
        %parallel_loop3A_407 = vector.shape_cast %parallel_loop3A_402 : vector<16xf32> to vector<1x16xf32>
        tpu.vector_store %arg7[%parallel_loop3A_403, %parallel_loop3A_404], %parallel_loop3A_407 {strides = array<i32>} : memref<32x768xf32, #tpu.memory_space<vmem>>, vector<1x16xf32>,
        %parallel_loop3A_408 = arith.index_cast %parallel_loop3A_82 : i32 to index
        %parallel_loop3A_409 = arith.constant 368 : index
        %parallel_loop3A_410 = tpu.vector_load %arg7[%parallel_loop3A_408, %parallel_loop3A_409] {strides = array<i32>} : memref<32x768xf32, #tpu.memory_space<vmem>>, vector<1x16xf32>,
        %parallel_loop3A_411 = vector.shape_cast %parallel_loop3A_410 : vector<1x16xf32> to vector<16xf32>
        %parallel_loop3A_412 = arith.index_cast %parallel_loop3A_85 : i32 to index
        %parallel_loop3A_413 = arith.constant 368 : index
        %parallel_loop3A_414 = tpu.vector_load %arg9[%parallel_loop3A_412, %parallel_loop3A_413] {strides = array<i32>} : memref<77x768xf32, #tpu.memory_space<vmem>>, vector<1x16xf32>,
        %parallel_loop3A_415 = vector.shape_cast %parallel_loop3A_414 : vector<1x16xf32> to vector<16xf32>
        %parallel_loop3A_416 = arith.addf %parallel_loop3A_411, %parallel_loop3A_415 : vector<16xf32>
        %parallel_loop3A_417 = arith.index_cast %parallel_loop3A_82 : i32 to index
        %parallel_loop3A_418 = arith.constant 368 : index
        %parallel_loop3A_419 = tpu.vector_load %arg7[%parallel_loop3A_417, %parallel_loop3A_418] {strides = array<i32>} : memref<32x768xf32, #tpu.memory_space<vmem>>, vector<1x16xf32>,
        %parallel_loop3A_420 = vector.shape_cast %parallel_loop3A_419 : vector<1x16xf32> to vector<16xf32>
        %parallel_loop3A_421 = vector.shape_cast %parallel_loop3A_416 : vector<16xf32> to vector<1x16xf32>
        tpu.vector_store %arg7[%parallel_loop3A_417, %parallel_loop3A_418], %parallel_loop3A_421 {strides = array<i32>} : memref<32x768xf32, #tpu.memory_space<vmem>>, vector<1x16xf32>,
        %parallel_loop3A_422 = arith.index_cast %parallel_loop3A_82 : i32 to index
        %parallel_loop3A_423 = arith.constant 384 : index
        %parallel_loop3A_424 = tpu.vector_load %arg7[%parallel_loop3A_422, %parallel_loop3A_423] {strides = array<i32>} : memref<32x768xf32, #tpu.memory_space<vmem>>, vector<1x16xf32>,
        %parallel_loop3A_425 = vector.shape_cast %parallel_loop3A_424 : vector<1x16xf32> to vector<16xf32>
        %parallel_loop3A_426 = arith.index_cast %parallel_loop3A_85 : i32 to index
        %parallel_loop3A_427 = arith.constant 384 : index
        %parallel_loop3A_428 = tpu.vector_load %arg9[%parallel_loop3A_426, %parallel_loop3A_427] {strides = array<i32>} : memref<77x768xf32, #tpu.memory_space<vmem>>, vector<1x16xf32>,
        %parallel_loop3A_429 = vector.shape_cast %parallel_loop3A_428 : vector<1x16xf32> to vector<16xf32>
        %parallel_loop3A_430 = arith.addf %parallel_loop3A_425, %parallel_loop3A_429 : vector<16xf32>
        %parallel_loop3A_431 = arith.index_cast %parallel_loop3A_82 : i32 to index
        %parallel_loop3A_432 = arith.constant 384 : index
        %parallel_loop3A_433 = tpu.vector_load %arg7[%parallel_loop3A_431, %parallel_loop3A_432] {strides = array<i32>} : memref<32x768xf32, #tpu.memory_space<vmem>>, vector<1x16xf32>,
        %parallel_loop3A_434 = vector.shape_cast %parallel_loop3A_433 : vector<1x16xf32> to vector<16xf32>
        %parallel_loop3A_435 = vector.shape_cast %parallel_loop3A_430 : vector<16xf32> to vector<1x16xf32>
        tpu.vector_store %arg7[%parallel_loop3A_431, %parallel_loop3A_432], %parallel_loop3A_435 {strides = array<i32>} : memref<32x768xf32, #tpu.memory_space<vmem>>, vector<1x16xf32>,
        %parallel_loop3A_436 = arith.index_cast %parallel_loop3A_82 : i32 to index
        %parallel_loop3A_437 = arith.constant 400 : index
        %parallel_loop3A_438 = tpu.vector_load %arg7[%parallel_loop3A_436, %parallel_loop3A_437] {strides = array<i32>} : memref<32x768xf32, #tpu.memory_space<vmem>>, vector<1x16xf32>,
        %parallel_loop3A_439 = vector.shape_cast %parallel_loop3A_438 : vector<1x16xf32> to vector<16xf32>
        %parallel_loop3A_440 = arith.index_cast %parallel_loop3A_85 : i32 to index
        %parallel_loop3A_441 = arith.constant 400 : index
        %parallel_loop3A_442 = tpu.vector_load %arg9[%parallel_loop3A_440, %parallel_loop3A_441] {strides = array<i32>} : memref<77x768xf32, #tpu.memory_space<vmem>>, vector<1x16xf32>,
        %parallel_loop3A_443 = vector.shape_cast %parallel_loop3A_442 : vector<1x16xf32> to vector<16xf32>
        %parallel_loop3A_444 = arith.addf %parallel_loop3A_439, %parallel_loop3A_443 : vector<16xf32>
        %parallel_loop3A_445 = arith.index_cast %parallel_loop3A_82 : i32 to index
        %parallel_loop3A_446 = arith.constant 400 : index
        %parallel_loop3A_447 = tpu.vector_load %arg7[%parallel_loop3A_445, %parallel_loop3A_446] {strides = array<i32>} : memref<32x768xf32, #tpu.memory_space<vmem>>, vector<1x16xf32>,
        %parallel_loop3A_448 = vector.shape_cast %parallel_loop3A_447 : vector<1x16xf32> to vector<16xf32>
        %parallel_loop3A_449 = vector.shape_cast %parallel_loop3A_444 : vector<16xf32> to vector<1x16xf32>
        tpu.vector_store %arg7[%parallel_loop3A_445, %parallel_loop3A_446], %parallel_loop3A_449 {strides = array<i32>} : memref<32x768xf32, #tpu.memory_space<vmem>>, vector<1x16xf32>,
        %parallel_loop3A_450 = arith.index_cast %parallel_loop3A_82 : i32 to index
        %parallel_loop3A_451 = arith.constant 416 : index
        %parallel_loop3A_452 = tpu.vector_load %arg7[%parallel_loop3A_450, %parallel_loop3A_451] {strides = array<i32>} : memref<32x768xf32, #tpu.memory_space<vmem>>, vector<1x16xf32>,
        %parallel_loop3A_453 = vector.shape_cast %parallel_loop3A_452 : vector<1x16xf32> to vector<16xf32>
        %parallel_loop3A_454 = arith.index_cast %parallel_loop3A_85 : i32 to index
        %parallel_loop3A_455 = arith.constant 416 : index
        %parallel_loop3A_456 = tpu.vector_load %arg9[%parallel_loop3A_454, %parallel_loop3A_455] {strides = array<i32>} : memref<77x768xf32, #tpu.memory_space<vmem>>, vector<1x16xf32>,
        %parallel_loop3A_457 = vector.shape_cast %parallel_loop3A_456 : vector<1x16xf32> to vector<16xf32>
        %parallel_loop3A_458 = arith.addf %parallel_loop3A_453, %parallel_loop3A_457 : vector<16xf32>
        %parallel_loop3A_459 = arith.index_cast %parallel_loop3A_82 : i32 to index
        %parallel_loop3A_460 = arith.constant 416 : index
        %parallel_loop3A_461 = tpu.vector_load %arg7[%parallel_loop3A_459, %parallel_loop3A_460] {strides = array<i32>} : memref<32x768xf32, #tpu.memory_space<vmem>>, vector<1x16xf32>,
        %parallel_loop3A_462 = vector.shape_cast %parallel_loop3A_461 : vector<1x16xf32> to vector<16xf32>
        %parallel_loop3A_463 = vector.shape_cast %parallel_loop3A_458 : vector<16xf32> to vector<1x16xf32>
        tpu.vector_store %arg7[%parallel_loop3A_459, %parallel_loop3A_460], %parallel_loop3A_463 {strides = array<i32>} : memref<32x768xf32, #tpu.memory_space<vmem>>, vector<1x16xf32>,
        %parallel_loop3A_464 = arith.index_cast %parallel_loop3A_82 : i32 to index
        %parallel_loop3A_465 = arith.constant 432 : index
        %parallel_loop3A_466 = tpu.vector_load %arg7[%parallel_loop3A_464, %parallel_loop3A_465] {strides = array<i32>} : memref<32x768xf32, #tpu.memory_space<vmem>>, vector<1x16xf32>,
        %parallel_loop3A_467 = vector.shape_cast %parallel_loop3A_466 : vector<1x16xf32> to vector<16xf32>
        %parallel_loop3A_468 = arith.index_cast %parallel_loop3A_85 : i32 to index
        %parallel_loop3A_469 = arith.constant 432 : index
        %parallel_loop3A_470 = tpu.vector_load %arg9[%parallel_loop3A_468, %parallel_loop3A_469] {strides = array<i32>} : memref<77x768xf32, #tpu.memory_space<vmem>>, vector<1x16xf32>,
        %parallel_loop3A_471 = vector.shape_cast %parallel_loop3A_470 : vector<1x16xf32> to vector<16xf32>
        %parallel_loop3A_472 = arith.addf %parallel_loop3A_467, %parallel_loop3A_471 : vector<16xf32>
        %parallel_loop3A_473 = arith.index_cast %parallel_loop3A_82 : i32 to index
        %parallel_loop3A_474 = arith.constant 432 : index
        %parallel_loop3A_475 = tpu.vector_load %arg7[%parallel_loop3A_473, %parallel_loop3A_474] {strides = array<i32>} : memref<32x768xf32, #tpu.memory_space<vmem>>, vector<1x16xf32>,
        %parallel_loop3A_476 = vector.shape_cast %parallel_loop3A_475 : vector<1x16xf32> to vector<16xf32>
        %parallel_loop3A_477 = vector.shape_cast %parallel_loop3A_472 : vector<16xf32> to vector<1x16xf32>
        tpu.vector_store %arg7[%parallel_loop3A_473, %parallel_loop3A_474], %parallel_loop3A_477 {strides = array<i32>} : memref<32x768xf32, #tpu.memory_space<vmem>>, vector<1x16xf32>,
        %parallel_loop3A_478 = arith.index_cast %parallel_loop3A_82 : i32 to index
        %parallel_loop3A_479 = arith.constant 448 : index
        %parallel_loop3A_480 = tpu.vector_load %arg7[%parallel_loop3A_478, %parallel_loop3A_479] {strides = array<i32>} : memref<32x768xf32, #tpu.memory_space<vmem>>, vector<1x16xf32>,
        %parallel_loop3A_481 = vector.shape_cast %parallel_loop3A_480 : vector<1x16xf32> to vector<16xf32>
        %parallel_loop3A_482 = arith.index_cast %parallel_loop3A_85 : i32 to index
        %parallel_loop3A_483 = arith.constant 448 : index
        %parallel_loop3A_484 = tpu.vector_load %arg9[%parallel_loop3A_482, %parallel_loop3A_483] {strides = array<i32>} : memref<77x768xf32, #tpu.memory_space<vmem>>, vector<1x16xf32>,
        %parallel_loop3A_485 = vector.shape_cast %parallel_loop3A_484 : vector<1x16xf32> to vector<16xf32>
        %parallel_loop3A_486 = arith.addf %parallel_loop3A_481, %parallel_loop3A_485 : vector<16xf32>
        %parallel_loop3A_487 = arith.index_cast %parallel_loop3A_82 : i32 to index
        %parallel_loop3A_488 = arith.constant 448 : index
        %parallel_loop3A_489 = tpu.vector_load %arg7[%parallel_loop3A_487, %parallel_loop3A_488] {strides = array<i32>} : memref<32x768xf32, #tpu.memory_space<vmem>>, vector<1x16xf32>,
        %parallel_loop3A_490 = vector.shape_cast %parallel_loop3A_489 : vector<1x16xf32> to vector<16xf32>
        %parallel_loop3A_491 = vector.shape_cast %parallel_loop3A_486 : vector<16xf32> to vector<1x16xf32>
        tpu.vector_store %arg7[%parallel_loop3A_487, %parallel_loop3A_488], %parallel_loop3A_491 {strides = array<i32>} : memref<32x768xf32, #tpu.memory_space<vmem>>, vector<1x16xf32>,
        %parallel_loop3A_492 = arith.index_cast %parallel_loop3A_82 : i32 to index
        %parallel_loop3A_493 = arith.constant 464 : index
        %parallel_loop3A_494 = tpu.vector_load %arg7[%parallel_loop3A_492, %parallel_loop3A_493] {strides = array<i32>} : memref<32x768xf32, #tpu.memory_space<vmem>>, vector<1x16xf32>,
        %parallel_loop3A_495 = vector.shape_cast %parallel_loop3A_494 : vector<1x16xf32> to vector<16xf32>
        %parallel_loop3A_496 = arith.index_cast %parallel_loop3A_85 : i32 to index
        %parallel_loop3A_497 = arith.constant 464 : index
        %parallel_loop3A_498 = tpu.vector_load %arg9[%parallel_loop3A_496, %parallel_loop3A_497] {strides = array<i32>} : memref<77x768xf32, #tpu.memory_space<vmem>>, vector<1x16xf32>,
        %parallel_loop3A_499 = vector.shape_cast %parallel_loop3A_498 : vector<1x16xf32> to vector<16xf32>
        %parallel_loop3A_500 = arith.addf %parallel_loop3A_495, %parallel_loop3A_499 : vector<16xf32>
        %parallel_loop3A_501 = arith.index_cast %parallel_loop3A_82 : i32 to index
        %parallel_loop3A_502 = arith.constant 464 : index
        %parallel_loop3A_503 = tpu.vector_load %arg7[%parallel_loop3A_501, %parallel_loop3A_502] {strides = array<i32>} : memref<32x768xf32, #tpu.memory_space<vmem>>, vector<1x16xf32>,
        %parallel_loop3A_504 = vector.shape_cast %parallel_loop3A_503 : vector<1x16xf32> to vector<16xf32>
        %parallel_loop3A_505 = vector.shape_cast %parallel_loop3A_500 : vector<16xf32> to vector<1x16xf32>
        tpu.vector_store %arg7[%parallel_loop3A_501, %parallel_loop3A_502], %parallel_loop3A_505 {strides = array<i32>} : memref<32x768xf32, #tpu.memory_space<vmem>>, vector<1x16xf32>,
        %parallel_loop3A_506 = arith.index_cast %parallel_loop3A_82 : i32 to index
        %parallel_loop3A_507 = arith.constant 480 : index
        %parallel_loop3A_508 = tpu.vector_load %arg7[%parallel_loop3A_506, %parallel_loop3A_507] {strides = array<i32>} : memref<32x768xf32, #tpu.memory_space<vmem>>, vector<1x16xf32>,
        %parallel_loop3A_509 = vector.shape_cast %parallel_loop3A_508 : vector<1x16xf32> to vector<16xf32>
        %parallel_loop3A_510 = arith.index_cast %parallel_loop3A_85 : i32 to index
        %parallel_loop3A_511 = arith.constant 480 : index
        %parallel_loop3A_512 = tpu.vector_load %arg9[%parallel_loop3A_510, %parallel_loop3A_511] {strides = array<i32>} : memref<77x768xf32, #tpu.memory_space<vmem>>, vector<1x16xf32>,
        %parallel_loop3A_513 = vector.shape_cast %parallel_loop3A_512 : vector<1x16xf32> to vector<16xf32>
        %parallel_loop3A_514 = arith.addf %parallel_loop3A_509, %parallel_loop3A_513 : vector<16xf32>
        %parallel_loop3A_515 = arith.index_cast %parallel_loop3A_82 : i32 to index
        %parallel_loop3A_516 = arith.constant 480 : index
        %parallel_loop3A_517 = tpu.vector_load %arg7[%parallel_loop3A_515, %parallel_loop3A_516] {strides = array<i32>} : memref<32x768xf32, #tpu.memory_space<vmem>>, vector<1x16xf32>,
        %parallel_loop3A_518 = vector.shape_cast %parallel_loop3A_517 : vector<1x16xf32> to vector<16xf32>
        %parallel_loop3A_519 = vector.shape_cast %parallel_loop3A_514 : vector<16xf32> to vector<1x16xf32>
        tpu.vector_store %arg7[%parallel_loop3A_515, %parallel_loop3A_516], %parallel_loop3A_519 {strides = array<i32>} : memref<32x768xf32, #tpu.memory_space<vmem>>, vector<1x16xf32>,
        %parallel_loop3A_520 = arith.index_cast %parallel_loop3A_82 : i32 to index
        %parallel_loop3A_521 = arith.constant 496 : index
        %parallel_loop3A_522 = tpu.vector_load %arg7[%parallel_loop3A_520, %parallel_loop3A_521] {strides = array<i32>} : memref<32x768xf32, #tpu.memory_space<vmem>>, vector<1x16xf32>,
        %parallel_loop3A_523 = vector.shape_cast %parallel_loop3A_522 : vector<1x16xf32> to vector<16xf32>
        %parallel_loop3A_524 = arith.index_cast %parallel_loop3A_85 : i32 to index
        %parallel_loop3A_525 = arith.constant 496 : index
        %parallel_loop3A_526 = tpu.vector_load %arg9[%parallel_loop3A_524, %parallel_loop3A_525] {strides = array<i32>} : memref<77x768xf32, #tpu.memory_space<vmem>>, vector<1x16xf32>,
        %parallel_loop3A_527 = vector.shape_cast %parallel_loop3A_526 : vector<1x16xf32> to vector<16xf32>
        %parallel_loop3A_528 = arith.addf %parallel_loop3A_523, %parallel_loop3A_527 : vector<16xf32>
        %parallel_loop3A_529 = arith.index_cast %parallel_loop3A_82 : i32 to index
        %parallel_loop3A_530 = arith.constant 496 : index
        %parallel_loop3A_531 = tpu.vector_load %arg7[%parallel_loop3A_529, %parallel_loop3A_530] {strides = array<i32>} : memref<32x768xf32, #tpu.memory_space<vmem>>, vector<1x16xf32>,
        %parallel_loop3A_532 = vector.shape_cast %parallel_loop3A_531 : vector<1x16xf32> to vector<16xf32>
        %parallel_loop3A_533 = vector.shape_cast %parallel_loop3A_528 : vector<16xf32> to vector<1x16xf32>
        tpu.vector_store %arg7[%parallel_loop3A_529, %parallel_loop3A_530], %parallel_loop3A_533 {strides = array<i32>} : memref<32x768xf32, #tpu.memory_space<vmem>>, vector<1x16xf32>,
        %parallel_loop3A_534 = arith.index_cast %parallel_loop3A_82 : i32 to index
        %parallel_loop3A_535 = arith.constant 512 : index
        %parallel_loop3A_536 = tpu.vector_load %arg7[%parallel_loop3A_534, %parallel_loop3A_535] {strides = array<i32>} : memref<32x768xf32, #tpu.memory_space<vmem>>, vector<1x16xf32>,
        %parallel_loop3A_537 = vector.shape_cast %parallel_loop3A_536 : vector<1x16xf32> to vector<16xf32>
        %parallel_loop3A_538 = arith.index_cast %parallel_loop3A_85 : i32 to index
        %parallel_loop3A_539 = arith.constant 512 : index
        %parallel_loop3A_540 = tpu.vector_load %arg9[%parallel_loop3A_538, %parallel_loop3A_539] {strides = array<i32>} : memref<77x768xf32, #tpu.memory_space<vmem>>, vector<1x16xf32>,
        %parallel_loop3A_541 = vector.shape_cast %parallel_loop3A_540 : vector<1x16xf32> to vector<16xf32>
        %parallel_loop3A_542 = arith.addf %parallel_loop3A_537, %parallel_loop3A_541 : vector<16xf32>
        %parallel_loop3A_543 = arith.index_cast %parallel_loop3A_82 : i32 to index
        %parallel_loop3A_544 = arith.constant 512 : index
        %parallel_loop3A_545 = tpu.vector_load %arg7[%parallel_loop3A_543, %parallel_loop3A_544] {strides = array<i32>} : memref<32x768xf32, #tpu.memory_space<vmem>>, vector<1x16xf32>,
        %parallel_loop3A_546 = vector.shape_cast %parallel_loop3A_545 : vector<1x16xf32> to vector<16xf32>
        %parallel_loop3A_547 = vector.shape_cast %parallel_loop3A_542 : vector<16xf32> to vector<1x16xf32>
        tpu.vector_store %arg7[%parallel_loop3A_543, %parallel_loop3A_544], %parallel_loop3A_547 {strides = array<i32>} : memref<32x768xf32, #tpu.memory_space<vmem>>, vector<1x16xf32>,
        %parallel_loop3A_548 = arith.index_cast %parallel_loop3A_82 : i32 to index
        %parallel_loop3A_549 = arith.constant 528 : index
        %parallel_loop3A_550 = tpu.vector_load %arg7[%parallel_loop3A_548, %parallel_loop3A_549] {strides = array<i32>} : memref<32x768xf32, #tpu.memory_space<vmem>>, vector<1x16xf32>,
        %parallel_loop3A_551 = vector.shape_cast %parallel_loop3A_550 : vector<1x16xf32> to vector<16xf32>
        %parallel_loop3A_552 = arith.index_cast %parallel_loop3A_85 : i32 to index
        %parallel_loop3A_553 = arith.constant 528 : index
        %parallel_loop3A_554 = tpu.vector_load %arg9[%parallel_loop3A_552, %parallel_loop3A_553] {strides = array<i32>} : memref<77x768xf32, #tpu.memory_space<vmem>>, vector<1x16xf32>,
        %parallel_loop3A_555 = vector.shape_cast %parallel_loop3A_554 : vector<1x16xf32> to vector<16xf32>
        %parallel_loop3A_556 = arith.addf %parallel_loop3A_551, %parallel_loop3A_555 : vector<16xf32>
        %parallel_loop3A_557 = arith.index_cast %parallel_loop3A_82 : i32 to index
        %parallel_loop3A_558 = arith.constant 528 : index
        %parallel_loop3A_559 = tpu.vector_load %arg7[%parallel_loop3A_557, %parallel_loop3A_558] {strides = array<i32>} : memref<32x768xf32, #tpu.memory_space<vmem>>, vector<1x16xf32>,
        %parallel_loop3A_560 = vector.shape_cast %parallel_loop3A_559 : vector<1x16xf32> to vector<16xf32>
        %parallel_loop3A_561 = vector.shape_cast %parallel_loop3A_556 : vector<16xf32> to vector<1x16xf32>
        tpu.vector_store %arg7[%parallel_loop3A_557, %parallel_loop3A_558], %parallel_loop3A_561 {strides = array<i32>} : memref<32x768xf32, #tpu.memory_space<vmem>>, vector<1x16xf32>,
        %parallel_loop3A_562 = arith.index_cast %parallel_loop3A_82 : i32 to index
        %parallel_loop3A_563 = arith.constant 544 : index
        %parallel_loop3A_564 = tpu.vector_load %arg7[%parallel_loop3A_562, %parallel_loop3A_563] {strides = array<i32>} : memref<32x768xf32, #tpu.memory_space<vmem>>, vector<1x16xf32>,
        %parallel_loop3A_565 = vector.shape_cast %parallel_loop3A_564 : vector<1x16xf32> to vector<16xf32>
        %parallel_loop3A_566 = arith.index_cast %parallel_loop3A_85 : i32 to index
        %parallel_loop3A_567 = arith.constant 544 : index
        %parallel_loop3A_568 = tpu.vector_load %arg9[%parallel_loop3A_566, %parallel_loop3A_567] {strides = array<i32>} : memref<77x768xf32, #tpu.memory_space<vmem>>, vector<1x16xf32>,
        %parallel_loop3A_569 = vector.shape_cast %parallel_loop3A_568 : vector<1x16xf32> to vector<16xf32>
        %parallel_loop3A_570 = arith.addf %parallel_loop3A_565, %parallel_loop3A_569 : vector<16xf32>
        %parallel_loop3A_571 = arith.index_cast %parallel_loop3A_82 : i32 to index
        %parallel_loop3A_572 = arith.constant 544 : index
        %parallel_loop3A_573 = tpu.vector_load %arg7[%parallel_loop3A_571, %parallel_loop3A_572] {strides = array<i32>} : memref<32x768xf32, #tpu.memory_space<vmem>>, vector<1x16xf32>,
        %parallel_loop3A_574 = vector.shape_cast %parallel_loop3A_573 : vector<1x16xf32> to vector<16xf32>
        %parallel_loop3A_575 = vector.shape_cast %parallel_loop3A_570 : vector<16xf32> to vector<1x16xf32>
        tpu.vector_store %arg7[%parallel_loop3A_571, %parallel_loop3A_572], %parallel_loop3A_575 {strides = array<i32>} : memref<32x768xf32, #tpu.memory_space<vmem>>, vector<1x16xf32>,
        %parallel_loop3A_576 = arith.index_cast %parallel_loop3A_82 : i32 to index
        %parallel_loop3A_577 = arith.constant 560 : index
        %parallel_loop3A_578 = tpu.vector_load %arg7[%parallel_loop3A_576, %parallel_loop3A_577] {strides = array<i32>} : memref<32x768xf32, #tpu.memory_space<vmem>>, vector<1x16xf32>,
        %parallel_loop3A_579 = vector.shape_cast %parallel_loop3A_578 : vector<1x16xf32> to vector<16xf32>
        %parallel_loop3A_580 = arith.index_cast %parallel_loop3A_85 : i32 to index
        %parallel_loop3A_581 = arith.constant 560 : index
        %parallel_loop3A_582 = tpu.vector_load %arg9[%parallel_loop3A_580, %parallel_loop3A_581] {strides = array<i32>} : memref<77x768xf32, #tpu.memory_space<vmem>>, vector<1x16xf32>,
        %parallel_loop3A_583 = vector.shape_cast %parallel_loop3A_582 : vector<1x16xf32> to vector<16xf32>
        %parallel_loop3A_584 = arith.addf %parallel_loop3A_579, %parallel_loop3A_583 : vector<16xf32>
        %parallel_loop3A_585 = arith.index_cast %parallel_loop3A_82 : i32 to index
        %parallel_loop3A_586 = arith.constant 560 : index
        %parallel_loop3A_587 = tpu.vector_load %arg7[%parallel_loop3A_585, %parallel_loop3A_586] {strides = array<i32>} : memref<32x768xf32, #tpu.memory_space<vmem>>, vector<1x16xf32>,
        %parallel_loop3A_588 = vector.shape_cast %parallel_loop3A_587 : vector<1x16xf32> to vector<16xf32>
        %parallel_loop3A_589 = vector.shape_cast %parallel_loop3A_584 : vector<16xf32> to vector<1x16xf32>
        tpu.vector_store %arg7[%parallel_loop3A_585, %parallel_loop3A_586], %parallel_loop3A_589 {strides = array<i32>} : memref<32x768xf32, #tpu.memory_space<vmem>>, vector<1x16xf32>,
        %parallel_loop3A_590 = arith.index_cast %parallel_loop3A_82 : i32 to index
        %parallel_loop3A_591 = arith.constant 576 : index
        %parallel_loop3A_592 = tpu.vector_load %arg7[%parallel_loop3A_590, %parallel_loop3A_591] {strides = array<i32>} : memref<32x768xf32, #tpu.memory_space<vmem>>, vector<1x16xf32>,
        %parallel_loop3A_593 = vector.shape_cast %parallel_loop3A_592 : vector<1x16xf32> to vector<16xf32>
        %parallel_loop3A_594 = arith.index_cast %parallel_loop3A_85 : i32 to index
        %parallel_loop3A_595 = arith.constant 576 : index
        %parallel_loop3A_596 = tpu.vector_load %arg9[%parallel_loop3A_594, %parallel_loop3A_595] {strides = array<i32>} : memref<77x768xf32, #tpu.memory_space<vmem>>, vector<1x16xf32>,
        %parallel_loop3A_597 = vector.shape_cast %parallel_loop3A_596 : vector<1x16xf32> to vector<16xf32>
        %parallel_loop3A_598 = arith.addf %parallel_loop3A_593, %parallel_loop3A_597 : vector<16xf32>
        %parallel_loop3A_599 = arith.index_cast %parallel_loop3A_82 : i32 to index
        %parallel_loop3A_600 = arith.constant 576 : index
        %parallel_loop3A_601 = tpu.vector_load %arg7[%parallel_loop3A_599, %parallel_loop3A_600] {strides = array<i32>} : memref<32x768xf32, #tpu.memory_space<vmem>>, vector<1x16xf32>,
        %parallel_loop3A_602 = vector.shape_cast %parallel_loop3A_601 : vector<1x16xf32> to vector<16xf32>
        %parallel_loop3A_603 = vector.shape_cast %parallel_loop3A_598 : vector<16xf32> to vector<1x16xf32>
        tpu.vector_store %arg7[%parallel_loop3A_599, %parallel_loop3A_600], %parallel_loop3A_603 {strides = array<i32>} : memref<32x768xf32, #tpu.memory_space<vmem>>, vector<1x16xf32>,
        %parallel_loop3A_604 = arith.index_cast %parallel_loop3A_82 : i32 to index
        %parallel_loop3A_605 = arith.constant 592 : index
        %parallel_loop3A_606 = tpu.vector_load %arg7[%parallel_loop3A_604, %parallel_loop3A_605] {strides = array<i32>} : memref<32x768xf32, #tpu.memory_space<vmem>>, vector<1x16xf32>,
        %parallel_loop3A_607 = vector.shape_cast %parallel_loop3A_606 : vector<1x16xf32> to vector<16xf32>
        %parallel_loop3A_608 = arith.index_cast %parallel_loop3A_85 : i32 to index
        %parallel_loop3A_609 = arith.constant 592 : index
        %parallel_loop3A_610 = tpu.vector_load %arg9[%parallel_loop3A_608, %parallel_loop3A_609] {strides = array<i32>} : memref<77x768xf32, #tpu.memory_space<vmem>>, vector<1x16xf32>,
        %parallel_loop3A_611 = vector.shape_cast %parallel_loop3A_610 : vector<1x16xf32> to vector<16xf32>
        %parallel_loop3A_612 = arith.addf %parallel_loop3A_607, %parallel_loop3A_611 : vector<16xf32>
        %parallel_loop3A_613 = arith.index_cast %parallel_loop3A_82 : i32 to index
        %parallel_loop3A_614 = arith.constant 592 : index
        %parallel_loop3A_615 = tpu.vector_load %arg7[%parallel_loop3A_613, %parallel_loop3A_614] {strides = array<i32>} : memref<32x768xf32, #tpu.memory_space<vmem>>, vector<1x16xf32>,
        %parallel_loop3A_616 = vector.shape_cast %parallel_loop3A_615 : vector<1x16xf32> to vector<16xf32>
        %parallel_loop3A_617 = vector.shape_cast %parallel_loop3A_612 : vector<16xf32> to vector<1x16xf32>
        tpu.vector_store %arg7[%parallel_loop3A_613, %parallel_loop3A_614], %parallel_loop3A_617 {strides = array<i32>} : memref<32x768xf32, #tpu.memory_space<vmem>>, vector<1x16xf32>,
        %parallel_loop3A_618 = arith.index_cast %parallel_loop3A_82 : i32 to index
        %parallel_loop3A_619 = arith.constant 608 : index
        %parallel_loop3A_620 = tpu.vector_load %arg7[%parallel_loop3A_618, %parallel_loop3A_619] {strides = array<i32>} : memref<32x768xf32, #tpu.memory_space<vmem>>, vector<1x16xf32>,
        %parallel_loop3A_621 = vector.shape_cast %parallel_loop3A_620 : vector<1x16xf32> to vector<16xf32>
        %parallel_loop3A_622 = arith.index_cast %parallel_loop3A_85 : i32 to index
        %parallel_loop3A_623 = arith.constant 608 : index
        %parallel_loop3A_624 = tpu.vector_load %arg9[%parallel_loop3A_622, %parallel_loop3A_623] {strides = array<i32>} : memref<77x768xf32, #tpu.memory_space<vmem>>, vector<1x16xf32>,
        %parallel_loop3A_625 = vector.shape_cast %parallel_loop3A_624 : vector<1x16xf32> to vector<16xf32>
        %parallel_loop3A_626 = arith.addf %parallel_loop3A_621, %parallel_loop3A_625 : vector<16xf32>
        %parallel_loop3A_627 = arith.index_cast %parallel_loop3A_82 : i32 to index
        %parallel_loop3A_628 = arith.constant 608 : index
        %parallel_loop3A_629 = tpu.vector_load %arg7[%parallel_loop3A_627, %parallel_loop3A_628] {strides = array<i32>} : memref<32x768xf32, #tpu.memory_space<vmem>>, vector<1x16xf32>,
        %parallel_loop3A_630 = vector.shape_cast %parallel_loop3A_629 : vector<1x16xf32> to vector<16xf32>
        %parallel_loop3A_631 = vector.shape_cast %parallel_loop3A_626 : vector<16xf32> to vector<1x16xf32>
        tpu.vector_store %arg7[%parallel_loop3A_627, %parallel_loop3A_628], %parallel_loop3A_631 {strides = array<i32>} : memref<32x768xf32, #tpu.memory_space<vmem>>, vector<1x16xf32>,
        %parallel_loop3A_632 = arith.index_cast %parallel_loop3A_82 : i32 to index
        %parallel_loop3A_633 = arith.constant 624 : index
        %parallel_loop3A_634 = tpu.vector_load %arg7[%parallel_loop3A_632, %parallel_loop3A_633] {strides = array<i32>} : memref<32x768xf32, #tpu.memory_space<vmem>>, vector<1x16xf32>,
        %parallel_loop3A_635 = vector.shape_cast %parallel_loop3A_634 : vector<1x16xf32> to vector<16xf32>
        %parallel_loop3A_636 = arith.index_cast %parallel_loop3A_85 : i32 to index
        %parallel_loop3A_637 = arith.constant 624 : index
        %parallel_loop3A_638 = tpu.vector_load %arg9[%parallel_loop3A_636, %parallel_loop3A_637] {strides = array<i32>} : memref<77x768xf32, #tpu.memory_space<vmem>>, vector<1x16xf32>,
        %parallel_loop3A_639 = vector.shape_cast %parallel_loop3A_638 : vector<1x16xf32> to vector<16xf32>
        %parallel_loop3A_640 = arith.addf %parallel_loop3A_635, %parallel_loop3A_639 : vector<16xf32>
        %parallel_loop3A_641 = arith.index_cast %parallel_loop3A_82 : i32 to index
        %parallel_loop3A_642 = arith.constant 624 : index
        %parallel_loop3A_643 = tpu.vector_load %arg7[%parallel_loop3A_641, %parallel_loop3A_642] {strides = array<i32>} : memref<32x768xf32, #tpu.memory_space<vmem>>, vector<1x16xf32>,
        %parallel_loop3A_644 = vector.shape_cast %parallel_loop3A_643 : vector<1x16xf32> to vector<16xf32>
        %parallel_loop3A_645 = vector.shape_cast %parallel_loop3A_640 : vector<16xf32> to vector<1x16xf32>
        tpu.vector_store %arg7[%parallel_loop3A_641, %parallel_loop3A_642], %parallel_loop3A_645 {strides = array<i32>} : memref<32x768xf32, #tpu.memory_space<vmem>>, vector<1x16xf32>,
        %parallel_loop3A_646 = arith.index_cast %parallel_loop3A_82 : i32 to index
        %parallel_loop3A_647 = arith.constant 640 : index
        %parallel_loop3A_648 = tpu.vector_load %arg7[%parallel_loop3A_646, %parallel_loop3A_647] {strides = array<i32>} : memref<32x768xf32, #tpu.memory_space<vmem>>, vector<1x16xf32>,
        %parallel_loop3A_649 = vector.shape_cast %parallel_loop3A_648 : vector<1x16xf32> to vector<16xf32>
        %parallel_loop3A_650 = arith.index_cast %parallel_loop3A_85 : i32 to index
        %parallel_loop3A_651 = arith.constant 640 : index
        %parallel_loop3A_652 = tpu.vector_load %arg9[%parallel_loop3A_650, %parallel_loop3A_651] {strides = array<i32>} : memref<77x768xf32, #tpu.memory_space<vmem>>, vector<1x16xf32>,
        %parallel_loop3A_653 = vector.shape_cast %parallel_loop3A_652 : vector<1x16xf32> to vector<16xf32>
        %parallel_loop3A_654 = arith.addf %parallel_loop3A_649, %parallel_loop3A_653 : vector<16xf32>
        %parallel_loop3A_655 = arith.index_cast %parallel_loop3A_82 : i32 to index
        %parallel_loop3A_656 = arith.constant 640 : index
        %parallel_loop3A_657 = tpu.vector_load %arg7[%parallel_loop3A_655, %parallel_loop3A_656] {strides = array<i32>} : memref<32x768xf32, #tpu.memory_space<vmem>>, vector<1x16xf32>,
        %parallel_loop3A_658 = vector.shape_cast %parallel_loop3A_657 : vector<1x16xf32> to vector<16xf32>
        %parallel_loop3A_659 = vector.shape_cast %parallel_loop3A_654 : vector<16xf32> to vector<1x16xf32>
        tpu.vector_store %arg7[%parallel_loop3A_655, %parallel_loop3A_656], %parallel_loop3A_659 {strides = array<i32>} : memref<32x768xf32, #tpu.memory_space<vmem>>, vector<1x16xf32>,
        %parallel_loop3A_660 = arith.index_cast %parallel_loop3A_82 : i32 to index
        %parallel_loop3A_661 = arith.constant 656 : index
        %parallel_loop3A_662 = tpu.vector_load %arg7[%parallel_loop3A_660, %parallel_loop3A_661] {strides = array<i32>} : memref<32x768xf32, #tpu.memory_space<vmem>>, vector<1x16xf32>,
        %parallel_loop3A_663 = vector.shape_cast %parallel_loop3A_662 : vector<1x16xf32> to vector<16xf32>
        %parallel_loop3A_664 = arith.index_cast %parallel_loop3A_85 : i32 to index
        %parallel_loop3A_665 = arith.constant 656 : index
        %parallel_loop3A_666 = tpu.vector_load %arg9[%parallel_loop3A_664, %parallel_loop3A_665] {strides = array<i32>} : memref<77x768xf32, #tpu.memory_space<vmem>>, vector<1x16xf32>,
        %parallel_loop3A_667 = vector.shape_cast %parallel_loop3A_666 : vector<1x16xf32> to vector<16xf32>
        %parallel_loop3A_668 = arith.addf %parallel_loop3A_663, %parallel_loop3A_667 : vector<16xf32>
        %parallel_loop3A_669 = arith.index_cast %parallel_loop3A_82 : i32 to index
        %parallel_loop3A_670 = arith.constant 656 : index
        %parallel_loop3A_671 = tpu.vector_load %arg7[%parallel_loop3A_669, %parallel_loop3A_670] {strides = array<i32>} : memref<32x768xf32, #tpu.memory_space<vmem>>, vector<1x16xf32>,
        %parallel_loop3A_672 = vector.shape_cast %parallel_loop3A_671 : vector<1x16xf32> to vector<16xf32>
        %parallel_loop3A_673 = vector.shape_cast %parallel_loop3A_668 : vector<16xf32> to vector<1x16xf32>
        tpu.vector_store %arg7[%parallel_loop3A_669, %parallel_loop3A_670], %parallel_loop3A_673 {strides = array<i32>} : memref<32x768xf32, #tpu.memory_space<vmem>>, vector<1x16xf32>,
        %parallel_loop3A_674 = arith.index_cast %parallel_loop3A_82 : i32 to index
        %parallel_loop3A_675 = arith.constant 672 : index
        %parallel_loop3A_676 = tpu.vector_load %arg7[%parallel_loop3A_674, %parallel_loop3A_675] {strides = array<i32>} : memref<32x768xf32, #tpu.memory_space<vmem>>, vector<1x16xf32>,
        %parallel_loop3A_677 = vector.shape_cast %parallel_loop3A_676 : vector<1x16xf32> to vector<16xf32>
        %parallel_loop3A_678 = arith.index_cast %parallel_loop3A_85 : i32 to index
        %parallel_loop3A_679 = arith.constant 672 : index
        %parallel_loop3A_680 = tpu.vector_load %arg9[%parallel_loop3A_678, %parallel_loop3A_679] {strides = array<i32>} : memref<77x768xf32, #tpu.memory_space<vmem>>, vector<1x16xf32>,
        %parallel_loop3A_681 = vector.shape_cast %parallel_loop3A_680 : vector<1x16xf32> to vector<16xf32>
        %parallel_loop3A_682 = arith.addf %parallel_loop3A_677, %parallel_loop3A_681 : vector<16xf32>
        %parallel_loop3A_683 = arith.index_cast %parallel_loop3A_82 : i32 to index
        %parallel_loop3A_684 = arith.constant 672 : index
        %parallel_loop3A_685 = tpu.vector_load %arg7[%parallel_loop3A_683, %parallel_loop3A_684] {strides = array<i32>} : memref<32x768xf32, #tpu.memory_space<vmem>>, vector<1x16xf32>,
        %parallel_loop3A_686 = vector.shape_cast %parallel_loop3A_685 : vector<1x16xf32> to vector<16xf32>
        %parallel_loop3A_687 = vector.shape_cast %parallel_loop3A_682 : vector<16xf32> to vector<1x16xf32>
        tpu.vector_store %arg7[%parallel_loop3A_683, %parallel_loop3A_684], %parallel_loop3A_687 {strides = array<i32>} : memref<32x768xf32, #tpu.memory_space<vmem>>, vector<1x16xf32>,
        %parallel_loop3A_688 = arith.index_cast %parallel_loop3A_82 : i32 to index
        %parallel_loop3A_689 = arith.constant 688 : index
        %parallel_loop3A_690 = tpu.vector_load %arg7[%parallel_loop3A_688, %parallel_loop3A_689] {strides = array<i32>} : memref<32x768xf32, #tpu.memory_space<vmem>>, vector<1x16xf32>,
        %parallel_loop3A_691 = vector.shape_cast %parallel_loop3A_690 : vector<1x16xf32> to vector<16xf32>
        %parallel_loop3A_692 = arith.index_cast %parallel_loop3A_85 : i32 to index
        %parallel_loop3A_693 = arith.constant 688 : index
        %parallel_loop3A_694 = tpu.vector_load %arg9[%parallel_loop3A_692, %parallel_loop3A_693] {strides = array<i32>} : memref<77x768xf32, #tpu.memory_space<vmem>>, vector<1x16xf32>,
        %parallel_loop3A_695 = vector.shape_cast %parallel_loop3A_694 : vector<1x16xf32> to vector<16xf32>
        %parallel_loop3A_696 = arith.addf %parallel_loop3A_691, %parallel_loop3A_695 : vector<16xf32>
        %parallel_loop3A_697 = arith.index_cast %parallel_loop3A_82 : i32 to index
        %parallel_loop3A_698 = arith.constant 688 : index
        %parallel_loop3A_699 = tpu.vector_load %arg7[%parallel_loop3A_697, %parallel_loop3A_698] {strides = array<i32>} : memref<32x768xf32, #tpu.memory_space<vmem>>, vector<1x16xf32>,
        %parallel_loop3A_700 = vector.shape_cast %parallel_loop3A_699 : vector<1x16xf32> to vector<16xf32>
        %parallel_loop3A_701 = vector.shape_cast %parallel_loop3A_696 : vector<16xf32> to vector<1x16xf32>
        tpu.vector_store %arg7[%parallel_loop3A_697, %parallel_loop3A_698], %parallel_loop3A_701 {strides = array<i32>} : memref<32x768xf32, #tpu.memory_space<vmem>>, vector<1x16xf32>,
        %parallel_loop3A_702 = arith.index_cast %parallel_loop3A_82 : i32 to index
        %parallel_loop3A_703 = arith.constant 704 : index
        %parallel_loop3A_704 = tpu.vector_load %arg7[%parallel_loop3A_702, %parallel_loop3A_703] {strides = array<i32>} : memref<32x768xf32, #tpu.memory_space<vmem>>, vector<1x16xf32>,
        %parallel_loop3A_705 = vector.shape_cast %parallel_loop3A_704 : vector<1x16xf32> to vector<16xf32>
        %parallel_loop3A_706 = arith.index_cast %parallel_loop3A_85 : i32 to index
        %parallel_loop3A_707 = arith.constant 704 : index
        %parallel_loop3A_708 = tpu.vector_load %arg9[%parallel_loop3A_706, %parallel_loop3A_707] {strides = array<i32>} : memref<77x768xf32, #tpu.memory_space<vmem>>, vector<1x16xf32>,
        %parallel_loop3A_709 = vector.shape_cast %parallel_loop3A_708 : vector<1x16xf32> to vector<16xf32>
        %parallel_loop3A_710 = arith.addf %parallel_loop3A_705, %parallel_loop3A_709 : vector<16xf32>
        %parallel_loop3A_711 = arith.index_cast %parallel_loop3A_82 : i32 to index
        %parallel_loop3A_712 = arith.constant 704 : index
        %parallel_loop3A_713 = tpu.vector_load %arg7[%parallel_loop3A_711, %parallel_loop3A_712] {strides = array<i32>} : memref<32x768xf32, #tpu.memory_space<vmem>>, vector<1x16xf32>,
        %parallel_loop3A_714 = vector.shape_cast %parallel_loop3A_713 : vector<1x16xf32> to vector<16xf32>
        %parallel_loop3A_715 = vector.shape_cast %parallel_loop3A_710 : vector<16xf32> to vector<1x16xf32>
        tpu.vector_store %arg7[%parallel_loop3A_711, %parallel_loop3A_712], %parallel_loop3A_715 {strides = array<i32>} : memref<32x768xf32, #tpu.memory_space<vmem>>, vector<1x16xf32>,
        %parallel_loop3A_716 = arith.index_cast %parallel_loop3A_82 : i32 to index
        %parallel_loop3A_717 = arith.constant 720 : index
        %parallel_loop3A_718 = tpu.vector_load %arg7[%parallel_loop3A_716, %parallel_loop3A_717] {strides = array<i32>} : memref<32x768xf32, #tpu.memory_space<vmem>>, vector<1x16xf32>,
        %parallel_loop3A_719 = vector.shape_cast %parallel_loop3A_718 : vector<1x16xf32> to vector<16xf32>
        %parallel_loop3A_720 = arith.index_cast %parallel_loop3A_85 : i32 to index
        %parallel_loop3A_721 = arith.constant 720 : index
        %parallel_loop3A_722 = tpu.vector_load %arg9[%parallel_loop3A_720, %parallel_loop3A_721] {strides = array<i32>} : memref<77x768xf32, #tpu.memory_space<vmem>>, vector<1x16xf32>,
        %parallel_loop3A_723 = vector.shape_cast %parallel_loop3A_722 : vector<1x16xf32> to vector<16xf32>
        %parallel_loop3A_724 = arith.addf %parallel_loop3A_719, %parallel_loop3A_723 : vector<16xf32>
        %parallel_loop3A_725 = arith.index_cast %parallel_loop3A_82 : i32 to index
        %parallel_loop3A_726 = arith.constant 720 : index
        %parallel_loop3A_727 = tpu.vector_load %arg7[%parallel_loop3A_725, %parallel_loop3A_726] {strides = array<i32>} : memref<32x768xf32, #tpu.memory_space<vmem>>, vector<1x16xf32>,
        %parallel_loop3A_728 = vector.shape_cast %parallel_loop3A_727 : vector<1x16xf32> to vector<16xf32>
        %parallel_loop3A_729 = vector.shape_cast %parallel_loop3A_724 : vector<16xf32> to vector<1x16xf32>
        tpu.vector_store %arg7[%parallel_loop3A_725, %parallel_loop3A_726], %parallel_loop3A_729 {strides = array<i32>} : memref<32x768xf32, #tpu.memory_space<vmem>>, vector<1x16xf32>,
        %parallel_loop3A_730 = arith.index_cast %parallel_loop3A_82 : i32 to index
        %parallel_loop3A_731 = arith.constant 736 : index
        %parallel_loop3A_732 = tpu.vector_load %arg7[%parallel_loop3A_730, %parallel_loop3A_731] {strides = array<i32>} : memref<32x768xf32, #tpu.memory_space<vmem>>, vector<1x16xf32>,
        %parallel_loop3A_733 = vector.shape_cast %parallel_loop3A_732 : vector<1x16xf32> to vector<16xf32>
        %parallel_loop3A_734 = arith.index_cast %parallel_loop3A_85 : i32 to index
        %parallel_loop3A_735 = arith.constant 736 : index
        %parallel_loop3A_736 = tpu.vector_load %arg9[%parallel_loop3A_734, %parallel_loop3A_735] {strides = array<i32>} : memref<77x768xf32, #tpu.memory_space<vmem>>, vector<1x16xf32>,
        %parallel_loop3A_737 = vector.shape_cast %parallel_loop3A_736 : vector<1x16xf32> to vector<16xf32>
        %parallel_loop3A_738 = arith.addf %parallel_loop3A_733, %parallel_loop3A_737 : vector<16xf32>
        %parallel_loop3A_739 = arith.index_cast %parallel_loop3A_82 : i32 to index
        %parallel_loop3A_740 = arith.constant 736 : index
        %parallel_loop3A_741 = tpu.vector_load %arg7[%parallel_loop3A_739, %parallel_loop3A_740] {strides = array<i32>} : memref<32x768xf32, #tpu.memory_space<vmem>>, vector<1x16xf32>,
        %parallel_loop3A_742 = vector.shape_cast %parallel_loop3A_741 : vector<1x16xf32> to vector<16xf32>
        %parallel_loop3A_743 = vector.shape_cast %parallel_loop3A_738 : vector<16xf32> to vector<1x16xf32>
        tpu.vector_store %arg7[%parallel_loop3A_739, %parallel_loop3A_740], %parallel_loop3A_743 {strides = array<i32>} : memref<32x768xf32, #tpu.memory_space<vmem>>, vector<1x16xf32>,
        %parallel_loop3A_744 = arith.index_cast %parallel_loop3A_82 : i32 to index
        %parallel_loop3A_745 = arith.constant 752 : index
        %parallel_loop3A_746 = tpu.vector_load %arg7[%parallel_loop3A_744, %parallel_loop3A_745] {strides = array<i32>} : memref<32x768xf32, #tpu.memory_space<vmem>>, vector<1x16xf32>,
        %parallel_loop3A_747 = vector.shape_cast %parallel_loop3A_746 : vector<1x16xf32> to vector<16xf32>
        %parallel_loop3A_748 = arith.index_cast %parallel_loop3A_85 : i32 to index
        %parallel_loop3A_749 = arith.constant 752 : index
        %parallel_loop3A_750 = tpu.vector_load %arg9[%parallel_loop3A_748, %parallel_loop3A_749] {strides = array<i32>} : memref<77x768xf32, #tpu.memory_space<vmem>>, vector<1x16xf32>,
        %parallel_loop3A_751 = vector.shape_cast %parallel_loop3A_750 : vector<1x16xf32> to vector<16xf32>
        %parallel_loop3A_752 = arith.addf %parallel_loop3A_747, %parallel_loop3A_751 : vector<16xf32>
        %parallel_loop3A_753 = arith.index_cast %parallel_loop3A_82 : i32 to index
        %parallel_loop3A_754 = arith.constant 752 : index
        %parallel_loop3A_755 = tpu.vector_load %arg7[%parallel_loop3A_753, %parallel_loop3A_754] {strides = array<i32>} : memref<32x768xf32, #tpu.memory_space<vmem>>, vector<1x16xf32>,
        %parallel_loop3A_756 = vector.shape_cast %parallel_loop3A_755 : vector<1x16xf32> to vector<16xf32>
        %parallel_loop3A_757 = vector.shape_cast %parallel_loop3A_752 : vector<16xf32> to vector<1x16xf32>
        tpu.vector_store %arg7[%parallel_loop3A_753, %parallel_loop3A_754], %parallel_loop3A_757 {strides = array<i32>} : memref<32x768xf32, #tpu.memory_space<vmem>>, vector<1x16xf32>,
      } {sc.loop_unroll_factor = 2 : i64, sc.parallel_access}
      %mul3A_40 = arith.constant 32 : i32
      %mul3A_41 = arith.muli %add3A_20, %mul3A_40 : i32
      %add3A_42 = arith.addi %mul3A_2, %mul3A_41 : i32
      %dma_start3A_43 = arith.constant 0 : i32
      %dma_start3A_44 = tpu.memref_slice %arg5[%add3A_42, %dma_start3A_43] : memref<315392x768xf32, #tpu.memory_space<hbm>> -> memref<32x768xf32, #tpu.memory_space<hbm>>
      %dma_start3A_45 = arith.constant 0 : i32
      %dma_start3A_46 = tpu.memref_slice %arg5[%add3A_42, %dma_start3A_45] : memref<315392x768xf32, #tpu.memory_space<hbm>> -> memref<32x768xf32, #tpu.memory_space<hbm>>
      tpu.enqueue_dma source(%arg7 : memref<32x768xf32, #tpu.memory_space<vmem>>) target(%dma_start3A_46 : memref<32x768xf32, #tpu.memory_space<hbm>>) target_semaphore(%arg12 : memref<!tpu.dma_semaphore, #tpu.memory_space<semaphore_mem>>)
      %mul3A_47 = arith.constant 2 : i32
      %mul3A_48 = arith.muli %scan3A_16, %mul3A_47 : i32
      %add3A_49 = arith.constant 1 : i32
      %add3A_50 = arith.addi %mul3A_48, %add3A_49 : i32
      %mul3A_51 = arith.constant 32 : i32
      %mul3A_52 = arith.muli %add3A_50, %mul3A_51 : i32
      %dma_wait3A_53 = tpu.memref_slice %arg6[%mul3A_52] : memref<9856xi32, #tpu.memory_space<vmem>> -> memref<32xi32, #tpu.memory_space<vmem>>
      %dma_wait3A_54 = arith.constant 0 : i32
      %dma_wait3A_55 = arith.constant 0 : i32
      %dma_wait3A_56 = tpu.memref_slice %arg3[%dma_wait3A_54, %dma_wait3A_55] : memref<49408x768xf32, #tpu.memory_space<hbm>> -> memref<49408x768xf32, #tpu.memory_space<hbm>>
      tpu.wait_indirect_dma semaphore(%arg11 : memref<!tpu.dma_semaphore, #tpu.memory_space<semaphore_mem>>) src(%dma_wait3A_56 : memref<49408x768xf32, #tpu.memory_space<hbm>>) dst(%arg8 : memref<32x768xf32, #tpu.memory_space<vmem>>)
      %ge3A_57 = arith.constant 1 : i32
      %ge3A_58 = arith.cmpi sge, %add3A_50, %ge3A_57 : i32
      %convert_element_type3A_59 = arith.extui %ge3A_58 : i1 to i32
      %cond3A_60 = arith.constant 0 : i32
      %cond3A_61 = arith.cmpi ne, %convert_element_type3A_59, %cond3A_60 : i32
      scf.if %cond3A_61 {
        %sub3A = arith.constant 1 : i32
        %sub3A_82 = arith.subi %add3A_50, %sub3A : i32
        %mul3A_83 = arith.constant 32 : i32
        %mul3A_84 = arith.muli %sub3A_82, %mul3A_83 : i32
        %add3A_85 = arith.addi %mul3A_2, %mul3A_84 : i32
        %dma_wait3A_86 = arith.constant 0 : i32
        %dma_wait3A_87 = tpu.memref_slice %arg5[%add3A_85, %dma_wait3A_86] : memref<315392x768xf32, #tpu.memory_space<hbm>> -> memref<32x768xf32, #tpu.memory_space<hbm>>
        %dma_wait3A_88 = arith.constant 0 : i32
        %dma_wait3A_89 = tpu.memref_slice %arg5[%add3A_85, %dma_wait3A_88] : memref<315392x768xf32, #tpu.memory_space<hbm>> -> memref<32x768xf32, #tpu.memory_space<hbm>>
        tpu.wait_dma2 semaphore(%arg12 : memref<!tpu.dma_semaphore, #tpu.memory_space<semaphore_mem>>) src(%arg7 : memref<32x768xf32, #tpu.memory_space<vmem>>) dst(%dma_wait3A_89 : memref<32x768xf32, #tpu.memory_space<hbm>>)
      } else {
      }
      %add3A_62 = arith.constant 1 : i32
      %add3A_63 = arith.addi %add3A_50, %add3A_62 : i32
      %lt3A_64 = arith.constant 308 : i32
      %lt3A_65 = arith.cmpi slt, %add3A_63, %lt3A_64 : i32
      %convert_element_type3A_66 = arith.extui %lt3A_65 : i1 to i32
      %cond3A_67 = arith.constant 0 : i32
      %cond3A_68 = arith.cmpi ne, %convert_element_type3A_66, %cond3A_67 : i32
      scf.if %cond3A_68 {
        %add3A_82 = arith.constant 1 : i32
        %add3A_83 = arith.addi %add3A_50, %add3A_82 : i32
        %mul3A_84 = arith.constant 32 : i32
        %mul3A_85 = arith.muli %add3A_83, %mul3A_84 : i32
        %dma_start3A_86 = tpu.memref_slice %arg6[%mul3A_85] : memref<9856xi32, #tpu.memory_space<vmem>> -> memref<32xi32, #tpu.memory_space<vmem>>
        %dma_start3A_87 = arith.constant 0 : i32
        %dma_start3A_88 = arith.constant 0 : i32
        %dma_start3A_89 = tpu.memref_slice %arg3[%dma_start3A_87, %dma_start3A_88] : memref<49408x768xf32, #tpu.memory_space<hbm>> -> memref<49408x768xf32, #tpu.memory_space<hbm>>
        tpu.enqueue_indirect_dma source(%dma_start3A_89 : memref<49408x768xf32, #tpu.memory_space<hbm>>) target(%arg7 : memref<32x768xf32, #tpu.memory_space<vmem>>) offsets(%dma_start3A_86 : memref<32xi32, #tpu.memory_space<vmem>>) semaphore(%arg10 : memref<!tpu.dma_semaphore, #tpu.memory_space<semaphore_mem>>)
      } else {
      }
      %mul3A_69 = arith.constant 32 : i32
      %mul3A_70 = arith.muli %add3A_50, %mul3A_69 : i32
      %add3A_71 = arith.addi %mul3A_2, %mul3A_70 : i32
      %parallel_loop3A_72 = arith.constant 0 : i32
      %parallel_loop3A_73 = arith.constant 32 : i32
      %parallel_loop3A_74 = arith.constant 1 : i32
      scf.for %parallel_loop3A_82 = %parallel_loop3A_72 to %parallel_loop3A_73 step %parallel_loop3A_74  : i32 {
        %parallel_loop3A_83 = arith.addi %add3A_71, %parallel_loop3A_82 : i32
        %parallel_loop3A_84 = arith.constant 77 : i32
        %parallel_loop3A_85 = arith.remsi %parallel_loop3A_83, %parallel_loop3A_84 : i32
        %parallel_loop3A_86 = arith.index_cast %parallel_loop3A_82 : i32 to index
        %parallel_loop3A_87 = arith.constant 0 : index
        %parallel_loop3A_88 = tpu.vector_load %arg8[%parallel_loop3A_86, %parallel_loop3A_87] {strides = array<i32>} : memref<32x768xf32, #tpu.memory_space<vmem>>, vector<1x16xf32>,
        %parallel_loop3A_89 = vector.shape_cast %parallel_loop3A_88 : vector<1x16xf32> to vector<16xf32>
        %parallel_loop3A_90 = arith.index_cast %parallel_loop3A_85 : i32 to index
        %parallel_loop3A_91 = arith.constant 0 : index
        %parallel_loop3A_92 = tpu.vector_load %arg9[%parallel_loop3A_90, %parallel_loop3A_91] {strides = array<i32>} : memref<77x768xf32, #tpu.memory_space<vmem>>, vector<1x16xf32>,
        %parallel_loop3A_93 = vector.shape_cast %parallel_loop3A_92 : vector<1x16xf32> to vector<16xf32>
        %parallel_loop3A_94 = arith.addf %parallel_loop3A_89, %parallel_loop3A_93 : vector<16xf32>
        %parallel_loop3A_95 = arith.index_cast %parallel_loop3A_82 : i32 to index
        %parallel_loop3A_96 = arith.constant 0 : index
        %parallel_loop3A_97 = tpu.vector_load %arg8[%parallel_loop3A_95, %parallel_loop3A_96] {strides = array<i32>} : memref<32x768xf32, #tpu.memory_space<vmem>>, vector<1x16xf32>,
        %parallel_loop3A_98 = vector.shape_cast %parallel_loop3A_97 : vector<1x16xf32> to vector<16xf32>
        %parallel_loop3A_99 = vector.shape_cast %parallel_loop3A_94 : vector<16xf32> to vector<1x16xf32>
        tpu.vector_store %arg8[%parallel_loop3A_95, %parallel_loop3A_96], %parallel_loop3A_99 {strides = array<i32>} : memref<32x768xf32, #tpu.memory_space<vmem>>, vector<1x16xf32>,
        %parallel_loop3A_100 = arith.index_cast %parallel_loop3A_82 : i32 to index
        %parallel_loop3A_101 = arith.constant 16 : index
        %parallel_loop3A_102 = tpu.vector_load %arg8[%parallel_loop3A_100, %parallel_loop3A_101] {strides = array<i32>} : memref<32x768xf32, #tpu.memory_space<vmem>>, vector<1x16xf32>,
        %parallel_loop3A_103 = vector.shape_cast %parallel_loop3A_102 : vector<1x16xf32> to vector<16xf32>
        %parallel_loop3A_104 = arith.index_cast %parallel_loop3A_85 : i32 to index
        %parallel_loop3A_105 = arith.constant 16 : index
        %parallel_loop3A_106 = tpu.vector_load %arg9[%parallel_loop3A_104, %parallel_loop3A_105] {strides = array<i32>} : memref<77x768xf32, #tpu.memory_space<vmem>>, vector<1x16xf32>,
        %parallel_loop3A_107 = vector.shape_cast %parallel_loop3A_106 : vector<1x16xf32> to vector<16xf32>
        %parallel_loop3A_108 = arith.addf %parallel_loop3A_103, %parallel_loop3A_107 : vector<16xf32>
        %parallel_loop3A_109 = arith.index_cast %parallel_loop3A_82 : i32 to index
        %parallel_loop3A_110 = arith.constant 16 : index
        %parallel_loop3A_111 = tpu.vector_load %arg8[%parallel_loop3A_109, %parallel_loop3A_110] {strides = array<i32>} : memref<32x768xf32, #tpu.memory_space<vmem>>, vector<1x16xf32>,
        %parallel_loop3A_112 = vector.shape_cast %parallel_loop3A_111 : vector<1x16xf32> to vector<16xf32>
        %parallel_loop3A_113 = vector.shape_cast %parallel_loop3A_108 : vector<16xf32> to vector<1x16xf32>
        tpu.vector_store %arg8[%parallel_loop3A_109, %parallel_loop3A_110], %parallel_loop3A_113 {strides = array<i32>} : memref<32x768xf32, #tpu.memory_space<vmem>>, vector<1x16xf32>,
        %parallel_loop3A_114 = arith.index_cast %parallel_loop3A_82 : i32 to index
        %parallel_loop3A_115 = arith.constant 32 : index
        %parallel_loop3A_116 = tpu.vector_load %arg8[%parallel_loop3A_114, %parallel_loop3A_115] {strides = array<i32>} : memref<32x768xf32, #tpu.memory_space<vmem>>, vector<1x16xf32>,
        %parallel_loop3A_117 = vector.shape_cast %parallel_loop3A_116 : vector<1x16xf32> to vector<16xf32>
        %parallel_loop3A_118 = arith.index_cast %parallel_loop3A_85 : i32 to index
        %parallel_loop3A_119 = arith.constant 32 : index
        %parallel_loop3A_120 = tpu.vector_load %arg9[%parallel_loop3A_118, %parallel_loop3A_119] {strides = array<i32>} : memref<77x768xf32, #tpu.memory_space<vmem>>, vector<1x16xf32>,
        %parallel_loop3A_121 = vector.shape_cast %parallel_loop3A_120 : vector<1x16xf32> to vector<16xf32>
        %parallel_loop3A_122 = arith.addf %parallel_loop3A_117, %parallel_loop3A_121 : vector<16xf32>
        %parallel_loop3A_123 = arith.index_cast %parallel_loop3A_82 : i32 to index
        %parallel_loop3A_124 = arith.constant 32 : index
        %parallel_loop3A_125 = tpu.vector_load %arg8[%parallel_loop3A_123, %parallel_loop3A_124] {strides = array<i32>} : memref<32x768xf32, #tpu.memory_space<vmem>>, vector<1x16xf32>,
        %parallel_loop3A_126 = vector.shape_cast %parallel_loop3A_125 : vector<1x16xf32> to vector<16xf32>
        %parallel_loop3A_127 = vector.shape_cast %parallel_loop3A_122 : vector<16xf32> to vector<1x16xf32>
        tpu.vector_store %arg8[%parallel_loop3A_123, %parallel_loop3A_124], %parallel_loop3A_127 {strides = array<i32>} : memref<32x768xf32, #tpu.memory_space<vmem>>, vector<1x16xf32>,
        %parallel_loop3A_128 = arith.index_cast %parallel_loop3A_82 : i32 to index
        %parallel_loop3A_129 = arith.constant 48 : index
        %parallel_loop3A_130 = tpu.vector_load %arg8[%parallel_loop3A_128, %parallel_loop3A_129] {strides = array<i32>} : memref<32x768xf32, #tpu.memory_space<vmem>>, vector<1x16xf32>,
        %parallel_loop3A_131 = vector.shape_cast %parallel_loop3A_130 : vector<1x16xf32> to vector<16xf32>
        %parallel_loop3A_132 = arith.index_cast %parallel_loop3A_85 : i32 to index
        %parallel_loop3A_133 = arith.constant 48 : index
        %parallel_loop3A_134 = tpu.vector_load %arg9[%parallel_loop3A_132, %parallel_loop3A_133] {strides = array<i32>} : memref<77x768xf32, #tpu.memory_space<vmem>>, vector<1x16xf32>,
        %parallel_loop3A_135 = vector.shape_cast %parallel_loop3A_134 : vector<1x16xf32> to vector<16xf32>
        %parallel_loop3A_136 = arith.addf %parallel_loop3A_131, %parallel_loop3A_135 : vector<16xf32>
        %parallel_loop3A_137 = arith.index_cast %parallel_loop3A_82 : i32 to index
        %parallel_loop3A_138 = arith.constant 48 : index
        %parallel_loop3A_139 = tpu.vector_load %arg8[%parallel_loop3A_137, %parallel_loop3A_138] {strides = array<i32>} : memref<32x768xf32, #tpu.memory_space<vmem>>, vector<1x16xf32>,
        %parallel_loop3A_140 = vector.shape_cast %parallel_loop3A_139 : vector<1x16xf32> to vector<16xf32>
        %parallel_loop3A_141 = vector.shape_cast %parallel_loop3A_136 : vector<16xf32> to vector<1x16xf32>
        tpu.vector_store %arg8[%parallel_loop3A_137, %parallel_loop3A_138], %parallel_loop3A_141 {strides = array<i32>} : memref<32x768xf32, #tpu.memory_space<vmem>>, vector<1x16xf32>,
        %parallel_loop3A_142 = arith.index_cast %parallel_loop3A_82 : i32 to index
        %parallel_loop3A_143 = arith.constant 64 : index
        %parallel_loop3A_144 = tpu.vector_load %arg8[%parallel_loop3A_142, %parallel_loop3A_143] {strides = array<i32>} : memref<32x768xf32, #tpu.memory_space<vmem>>, vector<1x16xf32>,
        %parallel_loop3A_145 = vector.shape_cast %parallel_loop3A_144 : vector<1x16xf32> to vector<16xf32>
        %parallel_loop3A_146 = arith.index_cast %parallel_loop3A_85 : i32 to index
        %parallel_loop3A_147 = arith.constant 64 : index
        %parallel_loop3A_148 = tpu.vector_load %arg9[%parallel_loop3A_146, %parallel_loop3A_147] {strides = array<i32>} : memref<77x768xf32, #tpu.memory_space<vmem>>, vector<1x16xf32>,
        %parallel_loop3A_149 = vector.shape_cast %parallel_loop3A_148 : vector<1x16xf32> to vector<16xf32>
        %parallel_loop3A_150 = arith.addf %parallel_loop3A_145, %parallel_loop3A_149 : vector<16xf32>
        %parallel_loop3A_151 = arith.index_cast %parallel_loop3A_82 : i32 to index
        %parallel_loop3A_152 = arith.constant 64 : index
        %parallel_loop3A_153 = tpu.vector_load %arg8[%parallel_loop3A_151, %parallel_loop3A_152] {strides = array<i32>} : memref<32x768xf32, #tpu.memory_space<vmem>>, vector<1x16xf32>,
        %parallel_loop3A_154 = vector.shape_cast %parallel_loop3A_153 : vector<1x16xf32> to vector<16xf32>
        %parallel_loop3A_155 = vector.shape_cast %parallel_loop3A_150 : vector<16xf32> to vector<1x16xf32>
        tpu.vector_store %arg8[%parallel_loop3A_151, %parallel_loop3A_152], %parallel_loop3A_155 {strides = array<i32>} : memref<32x768xf32, #tpu.memory_space<vmem>>, vector<1x16xf32>,
        %parallel_loop3A_156 = arith.index_cast %parallel_loop3A_82 : i32 to index
        %parallel_loop3A_157 = arith.constant 80 : index
        %parallel_loop3A_158 = tpu.vector_load %arg8[%parallel_loop3A_156, %parallel_loop3A_157] {strides = array<i32>} : memref<32x768xf32, #tpu.memory_space<vmem>>, vector<1x16xf32>,
        %parallel_loop3A_159 = vector.shape_cast %parallel_loop3A_158 : vector<1x16xf32> to vector<16xf32>
        %parallel_loop3A_160 = arith.index_cast %parallel_loop3A_85 : i32 to index
        %parallel_loop3A_161 = arith.constant 80 : index
        %parallel_loop3A_162 = tpu.vector_load %arg9[%parallel_loop3A_160, %parallel_loop3A_161] {strides = array<i32>} : memref<77x768xf32, #tpu.memory_space<vmem>>, vector<1x16xf32>,
        %parallel_loop3A_163 = vector.shape_cast %parallel_loop3A_162 : vector<1x16xf32> to vector<16xf32>
        %parallel_loop3A_164 = arith.addf %parallel_loop3A_159, %parallel_loop3A_163 : vector<16xf32>
        %parallel_loop3A_165 = arith.index_cast %parallel_loop3A_82 : i32 to index
        %parallel_loop3A_166 = arith.constant 80 : index
        %parallel_loop3A_167 = tpu.vector_load %arg8[%parallel_loop3A_165, %parallel_loop3A_166] {strides = array<i32>} : memref<32x768xf32, #tpu.memory_space<vmem>>, vector<1x16xf32>,
        %parallel_loop3A_168 = vector.shape_cast %parallel_loop3A_167 : vector<1x16xf32> to vector<16xf32>
        %parallel_loop3A_169 = vector.shape_cast %parallel_loop3A_164 : vector<16xf32> to vector<1x16xf32>
        tpu.vector_store %arg8[%parallel_loop3A_165, %parallel_loop3A_166], %parallel_loop3A_169 {strides = array<i32>} : memref<32x768xf32, #tpu.memory_space<vmem>>, vector<1x16xf32>,
        %parallel_loop3A_170 = arith.index_cast %parallel_loop3A_82 : i32 to index
        %parallel_loop3A_171 = arith.constant 96 : index
        %parallel_loop3A_172 = tpu.vector_load %arg8[%parallel_loop3A_170, %parallel_loop3A_171] {strides = array<i32>} : memref<32x768xf32, #tpu.memory_space<vmem>>, vector<1x16xf32>,
        %parallel_loop3A_173 = vector.shape_cast %parallel_loop3A_172 : vector<1x16xf32> to vector<16xf32>
        %parallel_loop3A_174 = arith.index_cast %parallel_loop3A_85 : i32 to index
        %parallel_loop3A_175 = arith.constant 96 : index
        %parallel_loop3A_176 = tpu.vector_load %arg9[%parallel_loop3A_174, %parallel_loop3A_175] {strides = array<i32>} : memref<77x768xf32, #tpu.memory_space<vmem>>, vector<1x16xf32>,
        %parallel_loop3A_177 = vector.shape_cast %parallel_loop3A_176 : vector<1x16xf32> to vector<16xf32>
        %parallel_loop3A_178 = arith.addf %parallel_loop3A_173, %parallel_loop3A_177 : vector<16xf32>
        %parallel_loop3A_179 = arith.index_cast %parallel_loop3A_82 : i32 to index
        %parallel_loop3A_180 = arith.constant 96 : index
        %parallel_loop3A_181 = tpu.vector_load %arg8[%parallel_loop3A_179, %parallel_loop3A_180] {strides = array<i32>} : memref<32x768xf32, #tpu.memory_space<vmem>>, vector<1x16xf32>,
        %parallel_loop3A_182 = vector.shape_cast %parallel_loop3A_181 : vector<1x16xf32> to vector<16xf32>
        %parallel_loop3A_183 = vector.shape_cast %parallel_loop3A_178 : vector<16xf32> to vector<1x16xf32>
        tpu.vector_store %arg8[%parallel_loop3A_179, %parallel_loop3A_180], %parallel_loop3A_183 {strides = array<i32>} : memref<32x768xf32, #tpu.memory_space<vmem>>, vector<1x16xf32>,
        %parallel_loop3A_184 = arith.index_cast %parallel_loop3A_82 : i32 to index
        %parallel_loop3A_185 = arith.constant 112 : index
        %parallel_loop3A_186 = tpu.vector_load %arg8[%parallel_loop3A_184, %parallel_loop3A_185] {strides = array<i32>} : memref<32x768xf32, #tpu.memory_space<vmem>>, vector<1x16xf32>,
        %parallel_loop3A_187 = vector.shape_cast %parallel_loop3A_186 : vector<1x16xf32> to vector<16xf32>
        %parallel_loop3A_188 = arith.index_cast %parallel_loop3A_85 : i32 to index
        %parallel_loop3A_189 = arith.constant 112 : index
        %parallel_loop3A_190 = tpu.vector_load %arg9[%parallel_loop3A_188, %parallel_loop3A_189] {strides = array<i32>} : memref<77x768xf32, #tpu.memory_space<vmem>>, vector<1x16xf32>,
        %parallel_loop3A_191 = vector.shape_cast %parallel_loop3A_190 : vector<1x16xf32> to vector<16xf32>
        %parallel_loop3A_192 = arith.addf %parallel_loop3A_187, %parallel_loop3A_191 : vector<16xf32>
        %parallel_loop3A_193 = arith.index_cast %parallel_loop3A_82 : i32 to index
        %parallel_loop3A_194 = arith.constant 112 : index
        %parallel_loop3A_195 = tpu.vector_load %arg8[%parallel_loop3A_193, %parallel_loop3A_194] {strides = array<i32>} : memref<32x768xf32, #tpu.memory_space<vmem>>, vector<1x16xf32>,
        %parallel_loop3A_196 = vector.shape_cast %parallel_loop3A_195 : vector<1x16xf32> to vector<16xf32>
        %parallel_loop3A_197 = vector.shape_cast %parallel_loop3A_192 : vector<16xf32> to vector<1x16xf32>
        tpu.vector_store %arg8[%parallel_loop3A_193, %parallel_loop3A_194], %parallel_loop3A_197 {strides = array<i32>} : memref<32x768xf32, #tpu.memory_space<vmem>>, vector<1x16xf32>,
        %parallel_loop3A_198 = arith.index_cast %parallel_loop3A_82 : i32 to index
        %parallel_loop3A_199 = arith.constant 128 : index
        %parallel_loop3A_200 = tpu.vector_load %arg8[%parallel_loop3A_198, %parallel_loop3A_199] {strides = array<i32>} : memref<32x768xf32, #tpu.memory_space<vmem>>, vector<1x16xf32>,
        %parallel_loop3A_201 = vector.shape_cast %parallel_loop3A_200 : vector<1x16xf32> to vector<16xf32>
        %parallel_loop3A_202 = arith.index_cast %parallel_loop3A_85 : i32 to index
        %parallel_loop3A_203 = arith.constant 128 : index
        %parallel_loop3A_204 = tpu.vector_load %arg9[%parallel_loop3A_202, %parallel_loop3A_203] {strides = array<i32>} : memref<77x768xf32, #tpu.memory_space<vmem>>, vector<1x16xf32>,
        %parallel_loop3A_205 = vector.shape_cast %parallel_loop3A_204 : vector<1x16xf32> to vector<16xf32>
        %parallel_loop3A_206 = arith.addf %parallel_loop3A_201, %parallel_loop3A_205 : vector<16xf32>
        %parallel_loop3A_207 = arith.index_cast %parallel_loop3A_82 : i32 to index
        %parallel_loop3A_208 = arith.constant 128 : index
        %parallel_loop3A_209 = tpu.vector_load %arg8[%parallel_loop3A_207, %parallel_loop3A_208] {strides = array<i32>} : memref<32x768xf32, #tpu.memory_space<vmem>>, vector<1x16xf32>,
        %parallel_loop3A_210 = vector.shape_cast %parallel_loop3A_209 : vector<1x16xf32> to vector<16xf32>
        %parallel_loop3A_211 = vector.shape_cast %parallel_loop3A_206 : vector<16xf32> to vector<1x16xf32>
        tpu.vector_store %arg8[%parallel_loop3A_207, %parallel_loop3A_208], %parallel_loop3A_211 {strides = array<i32>} : memref<32x768xf32, #tpu.memory_space<vmem>>, vector<1x16xf32>,
        %parallel_loop3A_212 = arith.index_cast %parallel_loop3A_82 : i32 to index
        %parallel_loop3A_213 = arith.constant 144 : index
        %parallel_loop3A_214 = tpu.vector_load %arg8[%parallel_loop3A_212, %parallel_loop3A_213] {strides = array<i32>} : memref<32x768xf32, #tpu.memory_space<vmem>>, vector<1x16xf32>,
        %parallel_loop3A_215 = vector.shape_cast %parallel_loop3A_214 : vector<1x16xf32> to vector<16xf32>
        %parallel_loop3A_216 = arith.index_cast %parallel_loop3A_85 : i32 to index
        %parallel_loop3A_217 = arith.constant 144 : index
        %parallel_loop3A_218 = tpu.vector_load %arg9[%parallel_loop3A_216, %parallel_loop3A_217] {strides = array<i32>} : memref<77x768xf32, #tpu.memory_space<vmem>>, vector<1x16xf32>,
        %parallel_loop3A_219 = vector.shape_cast %parallel_loop3A_218 : vector<1x16xf32> to vector<16xf32>
        %parallel_loop3A_220 = arith.addf %parallel_loop3A_215, %parallel_loop3A_219 : vector<16xf32>
        %parallel_loop3A_221 = arith.index_cast %parallel_loop3A_82 : i32 to index
        %parallel_loop3A_222 = arith.constant 144 : index
        %parallel_loop3A_223 = tpu.vector_load %arg8[%parallel_loop3A_221, %parallel_loop3A_222] {strides = array<i32>} : memref<32x768xf32, #tpu.memory_space<vmem>>, vector<1x16xf32>,
        %parallel_loop3A_224 = vector.shape_cast %parallel_loop3A_223 : vector<1x16xf32> to vector<16xf32>
        %parallel_loop3A_225 = vector.shape_cast %parallel_loop3A_220 : vector<16xf32> to vector<1x16xf32>
        tpu.vector_store %arg8[%parallel_loop3A_221, %parallel_loop3A_222], %parallel_loop3A_225 {strides = array<i32>} : memref<32x768xf32, #tpu.memory_space<vmem>>, vector<1x16xf32>,
        %parallel_loop3A_226 = arith.index_cast %parallel_loop3A_82 : i32 to index
        %parallel_loop3A_227 = arith.constant 160 : index
        %parallel_loop3A_228 = tpu.vector_load %arg8[%parallel_loop3A_226, %parallel_loop3A_227] {strides = array<i32>} : memref<32x768xf32, #tpu.memory_space<vmem>>, vector<1x16xf32>,
        %parallel_loop3A_229 = vector.shape_cast %parallel_loop3A_228 : vector<1x16xf32> to vector<16xf32>
        %parallel_loop3A_230 = arith.index_cast %parallel_loop3A_85 : i32 to index
        %parallel_loop3A_231 = arith.constant 160 : index
        %parallel_loop3A_232 = tpu.vector_load %arg9[%parallel_loop3A_230, %parallel_loop3A_231] {strides = array<i32>} : memref<77x768xf32, #tpu.memory_space<vmem>>, vector<1x16xf32>,
        %parallel_loop3A_233 = vector.shape_cast %parallel_loop3A_232 : vector<1x16xf32> to vector<16xf32>
        %parallel_loop3A_234 = arith.addf %parallel_loop3A_229, %parallel_loop3A_233 : vector<16xf32>
        %parallel_loop3A_235 = arith.index_cast %parallel_loop3A_82 : i32 to index
        %parallel_loop3A_236 = arith.constant 160 : index
        %parallel_loop3A_237 = tpu.vector_load %arg8[%parallel_loop3A_235, %parallel_loop3A_236] {strides = array<i32>} : memref<32x768xf32, #tpu.memory_space<vmem>>, vector<1x16xf32>,
        %parallel_loop3A_238 = vector.shape_cast %parallel_loop3A_237 : vector<1x16xf32> to vector<16xf32>
        %parallel_loop3A_239 = vector.shape_cast %parallel_loop3A_234 : vector<16xf32> to vector<1x16xf32>
        tpu.vector_store %arg8[%parallel_loop3A_235, %parallel_loop3A_236], %parallel_loop3A_239 {strides = array<i32>} : memref<32x768xf32, #tpu.memory_space<vmem>>, vector<1x16xf32>,
        %parallel_loop3A_240 = arith.index_cast %parallel_loop3A_82 : i32 to index
        %parallel_loop3A_241 = arith.constant 176 : index
        %parallel_loop3A_242 = tpu.vector_load %arg8[%parallel_loop3A_240, %parallel_loop3A_241] {strides = array<i32>} : memref<32x768xf32, #tpu.memory_space<vmem>>, vector<1x16xf32>,
        %parallel_loop3A_243 = vector.shape_cast %parallel_loop3A_242 : vector<1x16xf32> to vector<16xf32>
        %parallel_loop3A_244 = arith.index_cast %parallel_loop3A_85 : i32 to index
        %parallel_loop3A_245 = arith.constant 176 : index
        %parallel_loop3A_246 = tpu.vector_load %arg9[%parallel_loop3A_244, %parallel_loop3A_245] {strides = array<i32>} : memref<77x768xf32, #tpu.memory_space<vmem>>, vector<1x16xf32>,
        %parallel_loop3A_247 = vector.shape_cast %parallel_loop3A_246 : vector<1x16xf32> to vector<16xf32>
        %parallel_loop3A_248 = arith.addf %parallel_loop3A_243, %parallel_loop3A_247 : vector<16xf32>
        %parallel_loop3A_249 = arith.index_cast %parallel_loop3A_82 : i32 to index
        %parallel_loop3A_250 = arith.constant 176 : index
        %parallel_loop3A_251 = tpu.vector_load %arg8[%parallel_loop3A_249, %parallel_loop3A_250] {strides = array<i32>} : memref<32x768xf32, #tpu.memory_space<vmem>>, vector<1x16xf32>,
        %parallel_loop3A_252 = vector.shape_cast %parallel_loop3A_251 : vector<1x16xf32> to vector<16xf32>
        %parallel_loop3A_253 = vector.shape_cast %parallel_loop3A_248 : vector<16xf32> to vector<1x16xf32>
        tpu.vector_store %arg8[%parallel_loop3A_249, %parallel_loop3A_250], %parallel_loop3A_253 {strides = array<i32>} : memref<32x768xf32, #tpu.memory_space<vmem>>, vector<1x16xf32>,
        %parallel_loop3A_254 = arith.index_cast %parallel_loop3A_82 : i32 to index
        %parallel_loop3A_255 = arith.constant 192 : index
        %parallel_loop3A_256 = tpu.vector_load %arg8[%parallel_loop3A_254, %parallel_loop3A_255] {strides = array<i32>} : memref<32x768xf32, #tpu.memory_space<vmem>>, vector<1x16xf32>,
        %parallel_loop3A_257 = vector.shape_cast %parallel_loop3A_256 : vector<1x16xf32> to vector<16xf32>
        %parallel_loop3A_258 = arith.index_cast %parallel_loop3A_85 : i32 to index
        %parallel_loop3A_259 = arith.constant 192 : index
        %parallel_loop3A_260 = tpu.vector_load %arg9[%parallel_loop3A_258, %parallel_loop3A_259] {strides = array<i32>} : memref<77x768xf32, #tpu.memory_space<vmem>>, vector<1x16xf32>,
        %parallel_loop3A_261 = vector.shape_cast %parallel_loop3A_260 : vector<1x16xf32> to vector<16xf32>
        %parallel_loop3A_262 = arith.addf %parallel_loop3A_257, %parallel_loop3A_261 : vector<16xf32>
        %parallel_loop3A_263 = arith.index_cast %parallel_loop3A_82 : i32 to index
        %parallel_loop3A_264 = arith.constant 192 : index
        %parallel_loop3A_265 = tpu.vector_load %arg8[%parallel_loop3A_263, %parallel_loop3A_264] {strides = array<i32>} : memref<32x768xf32, #tpu.memory_space<vmem>>, vector<1x16xf32>,
        %parallel_loop3A_266 = vector.shape_cast %parallel_loop3A_265 : vector<1x16xf32> to vector<16xf32>
        %parallel_loop3A_267 = vector.shape_cast %parallel_loop3A_262 : vector<16xf32> to vector<1x16xf32>
        tpu.vector_store %arg8[%parallel_loop3A_263, %parallel_loop3A_264], %parallel_loop3A_267 {strides = array<i32>} : memref<32x768xf32, #tpu.memory_space<vmem>>, vector<1x16xf32>,
        %parallel_loop3A_268 = arith.index_cast %parallel_loop3A_82 : i32 to index
        %parallel_loop3A_269 = arith.constant 208 : index
        %parallel_loop3A_270 = tpu.vector_load %arg8[%parallel_loop3A_268, %parallel_loop3A_269] {strides = array<i32>} : memref<32x768xf32, #tpu.memory_space<vmem>>, vector<1x16xf32>,
        %parallel_loop3A_271 = vector.shape_cast %parallel_loop3A_270 : vector<1x16xf32> to vector<16xf32>
        %parallel_loop3A_272 = arith.index_cast %parallel_loop3A_85 : i32 to index
        %parallel_loop3A_273 = arith.constant 208 : index
        %parallel_loop3A_274 = tpu.vector_load %arg9[%parallel_loop3A_272, %parallel_loop3A_273] {strides = array<i32>} : memref<77x768xf32, #tpu.memory_space<vmem>>, vector<1x16xf32>,
        %parallel_loop3A_275 = vector.shape_cast %parallel_loop3A_274 : vector<1x16xf32> to vector<16xf32>
        %parallel_loop3A_276 = arith.addf %parallel_loop3A_271, %parallel_loop3A_275 : vector<16xf32>
        %parallel_loop3A_277 = arith.index_cast %parallel_loop3A_82 : i32 to index
        %parallel_loop3A_278 = arith.constant 208 : index
        %parallel_loop3A_279 = tpu.vector_load %arg8[%parallel_loop3A_277, %parallel_loop3A_278] {strides = array<i32>} : memref<32x768xf32, #tpu.memory_space<vmem>>, vector<1x16xf32>,
        %parallel_loop3A_280 = vector.shape_cast %parallel_loop3A_279 : vector<1x16xf32> to vector<16xf32>
        %parallel_loop3A_281 = vector.shape_cast %parallel_loop3A_276 : vector<16xf32> to vector<1x16xf32>
        tpu.vector_store %arg8[%parallel_loop3A_277, %parallel_loop3A_278], %parallel_loop3A_281 {strides = array<i32>} : memref<32x768xf32, #tpu.memory_space<vmem>>, vector<1x16xf32>,
        %parallel_loop3A_282 = arith.index_cast %parallel_loop3A_82 : i32 to index
        %parallel_loop3A_283 = arith.constant 224 : index
        %parallel_loop3A_284 = tpu.vector_load %arg8[%parallel_loop3A_282, %parallel_loop3A_283] {strides = array<i32>} : memref<32x768xf32, #tpu.memory_space<vmem>>, vector<1x16xf32>,
        %parallel_loop3A_285 = vector.shape_cast %parallel_loop3A_284 : vector<1x16xf32> to vector<16xf32>
        %parallel_loop3A_286 = arith.index_cast %parallel_loop3A_85 : i32 to index
        %parallel_loop3A_287 = arith.constant 224 : index
        %parallel_loop3A_288 = tpu.vector_load %arg9[%parallel_loop3A_286, %parallel_loop3A_287] {strides = array<i32>} : memref<77x768xf32, #tpu.memory_space<vmem>>, vector<1x16xf32>,
        %parallel_loop3A_289 = vector.shape_cast %parallel_loop3A_288 : vector<1x16xf32> to vector<16xf32>
        %parallel_loop3A_290 = arith.addf %parallel_loop3A_285, %parallel_loop3A_289 : vector<16xf32>
        %parallel_loop3A_291 = arith.index_cast %parallel_loop3A_82 : i32 to index
        %parallel_loop3A_292 = arith.constant 224 : index
        %parallel_loop3A_293 = tpu.vector_load %arg8[%parallel_loop3A_291, %parallel_loop3A_292] {strides = array<i32>} : memref<32x768xf32, #tpu.memory_space<vmem>>, vector<1x16xf32>,
        %parallel_loop3A_294 = vector.shape_cast %parallel_loop3A_293 : vector<1x16xf32> to vector<16xf32>
        %parallel_loop3A_295 = vector.shape_cast %parallel_loop3A_290 : vector<16xf32> to vector<1x16xf32>
        tpu.vector_store %arg8[%parallel_loop3A_291, %parallel_loop3A_292], %parallel_loop3A_295 {strides = array<i32>} : memref<32x768xf32, #tpu.memory_space<vmem>>, vector<1x16xf32>,
        %parallel_loop3A_296 = arith.index_cast %parallel_loop3A_82 : i32 to index
        %parallel_loop3A_297 = arith.constant 240 : index
        %parallel_loop3A_298 = tpu.vector_load %arg8[%parallel_loop3A_296, %parallel_loop3A_297] {strides = array<i32>} : memref<32x768xf32, #tpu.memory_space<vmem>>, vector<1x16xf32>,
        %parallel_loop3A_299 = vector.shape_cast %parallel_loop3A_298 : vector<1x16xf32> to vector<16xf32>
        %parallel_loop3A_300 = arith.index_cast %parallel_loop3A_85 : i32 to index
        %parallel_loop3A_301 = arith.constant 240 : index
        %parallel_loop3A_302 = tpu.vector_load %arg9[%parallel_loop3A_300, %parallel_loop3A_301] {strides = array<i32>} : memref<77x768xf32, #tpu.memory_space<vmem>>, vector<1x16xf32>,
        %parallel_loop3A_303 = vector.shape_cast %parallel_loop3A_302 : vector<1x16xf32> to vector<16xf32>
        %parallel_loop3A_304 = arith.addf %parallel_loop3A_299, %parallel_loop3A_303 : vector<16xf32>
        %parallel_loop3A_305 = arith.index_cast %parallel_loop3A_82 : i32 to index
        %parallel_loop3A_306 = arith.constant 240 : index
        %parallel_loop3A_307 = tpu.vector_load %arg8[%parallel_loop3A_305, %parallel_loop3A_306] {strides = array<i32>} : memref<32x768xf32, #tpu.memory_space<vmem>>, vector<1x16xf32>,
        %parallel_loop3A_308 = vector.shape_cast %parallel_loop3A_307 : vector<1x16xf32> to vector<16xf32>
        %parallel_loop3A_309 = vector.shape_cast %parallel_loop3A_304 : vector<16xf32> to vector<1x16xf32>
        tpu.vector_store %arg8[%parallel_loop3A_305, %parallel_loop3A_306], %parallel_loop3A_309 {strides = array<i32>} : memref<32x768xf32, #tpu.memory_space<vmem>>, vector<1x16xf32>,
        %parallel_loop3A_310 = arith.index_cast %parallel_loop3A_82 : i32 to index
        %parallel_loop3A_311 = arith.constant 256 : index
        %parallel_loop3A_312 = tpu.vector_load %arg8[%parallel_loop3A_310, %parallel_loop3A_311] {strides = array<i32>} : memref<32x768xf32, #tpu.memory_space<vmem>>, vector<1x16xf32>,
        %parallel_loop3A_313 = vector.shape_cast %parallel_loop3A_312 : vector<1x16xf32> to vector<16xf32>
        %parallel_loop3A_314 = arith.index_cast %parallel_loop3A_85 : i32 to index
        %parallel_loop3A_315 = arith.constant 256 : index
        %parallel_loop3A_316 = tpu.vector_load %arg9[%parallel_loop3A_314, %parallel_loop3A_315] {strides = array<i32>} : memref<77x768xf32, #tpu.memory_space<vmem>>, vector<1x16xf32>,
        %parallel_loop3A_317 = vector.shape_cast %parallel_loop3A_316 : vector<1x16xf32> to vector<16xf32>
        %parallel_loop3A_318 = arith.addf %parallel_loop3A_313, %parallel_loop3A_317 : vector<16xf32>
        %parallel_loop3A_319 = arith.index_cast %parallel_loop3A_82 : i32 to index
        %parallel_loop3A_320 = arith.constant 256 : index
        %parallel_loop3A_321 = tpu.vector_load %arg8[%parallel_loop3A_319, %parallel_loop3A_320] {strides = array<i32>} : memref<32x768xf32, #tpu.memory_space<vmem>>, vector<1x16xf32>,
        %parallel_loop3A_322 = vector.shape_cast %parallel_loop3A_321 : vector<1x16xf32> to vector<16xf32>
        %parallel_loop3A_323 = vector.shape_cast %parallel_loop3A_318 : vector<16xf32> to vector<1x16xf32>
        tpu.vector_store %arg8[%parallel_loop3A_319, %parallel_loop3A_320], %parallel_loop3A_323 {strides = array<i32>} : memref<32x768xf32, #tpu.memory_space<vmem>>, vector<1x16xf32>,
        %parallel_loop3A_324 = arith.index_cast %parallel_loop3A_82 : i32 to index
        %parallel_loop3A_325 = arith.constant 272 : index
        %parallel_loop3A_326 = tpu.vector_load %arg8[%parallel_loop3A_324, %parallel_loop3A_325] {strides = array<i32>} : memref<32x768xf32, #tpu.memory_space<vmem>>, vector<1x16xf32>,
        %parallel_loop3A_327 = vector.shape_cast %parallel_loop3A_326 : vector<1x16xf32> to vector<16xf32>
        %parallel_loop3A_328 = arith.index_cast %parallel_loop3A_85 : i32 to index
        %parallel_loop3A_329 = arith.constant 272 : index
        %parallel_loop3A_330 = tpu.vector_load %arg9[%parallel_loop3A_328, %parallel_loop3A_329] {strides = array<i32>} : memref<77x768xf32, #tpu.memory_space<vmem>>, vector<1x16xf32>,
        %parallel_loop3A_331 = vector.shape_cast %parallel_loop3A_330 : vector<1x16xf32> to vector<16xf32>
        %parallel_loop3A_332 = arith.addf %parallel_loop3A_327, %parallel_loop3A_331 : vector<16xf32>
        %parallel_loop3A_333 = arith.index_cast %parallel_loop3A_82 : i32 to index
        %parallel_loop3A_334 = arith.constant 272 : index
        %parallel_loop3A_335 = tpu.vector_load %arg8[%parallel_loop3A_333, %parallel_loop3A_334] {strides = array<i32>} : memref<32x768xf32, #tpu.memory_space<vmem>>, vector<1x16xf32>,
        %parallel_loop3A_336 = vector.shape_cast %parallel_loop3A_335 : vector<1x16xf32> to vector<16xf32>
        %parallel_loop3A_337 = vector.shape_cast %parallel_loop3A_332 : vector<16xf32> to vector<1x16xf32>
        tpu.vector_store %arg8[%parallel_loop3A_333, %parallel_loop3A_334], %parallel_loop3A_337 {strides = array<i32>} : memref<32x768xf32, #tpu.memory_space<vmem>>, vector<1x16xf32>,
        %parallel_loop3A_338 = arith.index_cast %parallel_loop3A_82 : i32 to index
        %parallel_loop3A_339 = arith.constant 288 : index
        %parallel_loop3A_340 = tpu.vector_load %arg8[%parallel_loop3A_338, %parallel_loop3A_339] {strides = array<i32>} : memref<32x768xf32, #tpu.memory_space<vmem>>, vector<1x16xf32>,
        %parallel_loop3A_341 = vector.shape_cast %parallel_loop3A_340 : vector<1x16xf32> to vector<16xf32>
        %parallel_loop3A_342 = arith.index_cast %parallel_loop3A_85 : i32 to index
        %parallel_loop3A_343 = arith.constant 288 : index
        %parallel_loop3A_344 = tpu.vector_load %arg9[%parallel_loop3A_342, %parallel_loop3A_343] {strides = array<i32>} : memref<77x768xf32, #tpu.memory_space<vmem>>, vector<1x16xf32>,
        %parallel_loop3A_345 = vector.shape_cast %parallel_loop3A_344 : vector<1x16xf32> to vector<16xf32>
        %parallel_loop3A_346 = arith.addf %parallel_loop3A_341, %parallel_loop3A_345 : vector<16xf32>
        %parallel_loop3A_347 = arith.index_cast %parallel_loop3A_82 : i32 to index
        %parallel_loop3A_348 = arith.constant 288 : index
        %parallel_loop3A_349 = tpu.vector_load %arg8[%parallel_loop3A_347, %parallel_loop3A_348] {strides = array<i32>} : memref<32x768xf32, #tpu.memory_space<vmem>>, vector<1x16xf32>,
        %parallel_loop3A_350 = vector.shape_cast %parallel_loop3A_349 : vector<1x16xf32> to vector<16xf32>
        %parallel_loop3A_351 = vector.shape_cast %parallel_loop3A_346 : vector<16xf32> to vector<1x16xf32>
        tpu.vector_store %arg8[%parallel_loop3A_347, %parallel_loop3A_348], %parallel_loop3A_351 {strides = array<i32>} : memref<32x768xf32, #tpu.memory_space<vmem>>, vector<1x16xf32>,
        %parallel_loop3A_352 = arith.index_cast %parallel_loop3A_82 : i32 to index
        %parallel_loop3A_353 = arith.constant 304 : index
        %parallel_loop3A_354 = tpu.vector_load %arg8[%parallel_loop3A_352, %parallel_loop3A_353] {strides = array<i32>} : memref<32x768xf32, #tpu.memory_space<vmem>>, vector<1x16xf32>,
        %parallel_loop3A_355 = vector.shape_cast %parallel_loop3A_354 : vector<1x16xf32> to vector<16xf32>
        %parallel_loop3A_356 = arith.index_cast %parallel_loop3A_85 : i32 to index
        %parallel_loop3A_357 = arith.constant 304 : index
        %parallel_loop3A_358 = tpu.vector_load %arg9[%parallel_loop3A_356, %parallel_loop3A_357] {strides = array<i32>} : memref<77x768xf32, #tpu.memory_space<vmem>>, vector<1x16xf32>,
        %parallel_loop3A_359 = vector.shape_cast %parallel_loop3A_358 : vector<1x16xf32> to vector<16xf32>
        %parallel_loop3A_360 = arith.addf %parallel_loop3A_355, %parallel_loop3A_359 : vector<16xf32>
        %parallel_loop3A_361 = arith.index_cast %parallel_loop3A_82 : i32 to index
        %parallel_loop3A_362 = arith.constant 304 : index
        %parallel_loop3A_363 = tpu.vector_load %arg8[%parallel_loop3A_361, %parallel_loop3A_362] {strides = array<i32>} : memref<32x768xf32, #tpu.memory_space<vmem>>, vector<1x16xf32>,
        %parallel_loop3A_364 = vector.shape_cast %parallel_loop3A_363 : vector<1x16xf32> to vector<16xf32>
        %parallel_loop3A_365 = vector.shape_cast %parallel_loop3A_360 : vector<16xf32> to vector<1x16xf32>
        tpu.vector_store %arg8[%parallel_loop3A_361, %parallel_loop3A_362], %parallel_loop3A_365 {strides = array<i32>} : memref<32x768xf32, #tpu.memory_space<vmem>>, vector<1x16xf32>,
        %parallel_loop3A_366 = arith.index_cast %parallel_loop3A_82 : i32 to index
        %parallel_loop3A_367 = arith.constant 320 : index
        %parallel_loop3A_368 = tpu.vector_load %arg8[%parallel_loop3A_366, %parallel_loop3A_367] {strides = array<i32>} : memref<32x768xf32, #tpu.memory_space<vmem>>, vector<1x16xf32>,
        %parallel_loop3A_369 = vector.shape_cast %parallel_loop3A_368 : vector<1x16xf32> to vector<16xf32>
        %parallel_loop3A_370 = arith.index_cast %parallel_loop3A_85 : i32 to index
        %parallel_loop3A_371 = arith.constant 320 : index
        %parallel_loop3A_372 = tpu.vector_load %arg9[%parallel_loop3A_370, %parallel_loop3A_371] {strides = array<i32>} : memref<77x768xf32, #tpu.memory_space<vmem>>, vector<1x16xf32>,
        %parallel_loop3A_373 = vector.shape_cast %parallel_loop3A_372 : vector<1x16xf32> to vector<16xf32>
        %parallel_loop3A_374 = arith.addf %parallel_loop3A_369, %parallel_loop3A_373 : vector<16xf32>
        %parallel_loop3A_375 = arith.index_cast %parallel_loop3A_82 : i32 to index
        %parallel_loop3A_376 = arith.constant 320 : index
        %parallel_loop3A_377 = tpu.vector_load %arg8[%parallel_loop3A_375, %parallel_loop3A_376] {strides = array<i32>} : memref<32x768xf32, #tpu.memory_space<vmem>>, vector<1x16xf32>,
        %parallel_loop3A_378 = vector.shape_cast %parallel_loop3A_377 : vector<1x16xf32> to vector<16xf32>
        %parallel_loop3A_379 = vector.shape_cast %parallel_loop3A_374 : vector<16xf32> to vector<1x16xf32>
        tpu.vector_store %arg8[%parallel_loop3A_375, %parallel_loop3A_376], %parallel_loop3A_379 {strides = array<i32>} : memref<32x768xf32, #tpu.memory_space<vmem>>, vector<1x16xf32>,
        %parallel_loop3A_380 = arith.index_cast %parallel_loop3A_82 : i32 to index
        %parallel_loop3A_381 = arith.constant 336 : index
        %parallel_loop3A_382 = tpu.vector_load %arg8[%parallel_loop3A_380, %parallel_loop3A_381] {strides = array<i32>} : memref<32x768xf32, #tpu.memory_space<vmem>>, vector<1x16xf32>,
        %parallel_loop3A_383 = vector.shape_cast %parallel_loop3A_382 : vector<1x16xf32> to vector<16xf32>
        %parallel_loop3A_384 = arith.index_cast %parallel_loop3A_85 : i32 to index
        %parallel_loop3A_385 = arith.constant 336 : index
        %parallel_loop3A_386 = tpu.vector_load %arg9[%parallel_loop3A_384, %parallel_loop3A_385] {strides = array<i32>} : memref<77x768xf32, #tpu.memory_space<vmem>>, vector<1x16xf32>,
        %parallel_loop3A_387 = vector.shape_cast %parallel_loop3A_386 : vector<1x16xf32> to vector<16xf32>
        %parallel_loop3A_388 = arith.addf %parallel_loop3A_383, %parallel_loop3A_387 : vector<16xf32>
        %parallel_loop3A_389 = arith.index_cast %parallel_loop3A_82 : i32 to index
        %parallel_loop3A_390 = arith.constant 336 : index
        %parallel_loop3A_391 = tpu.vector_load %arg8[%parallel_loop3A_389, %parallel_loop3A_390] {strides = array<i32>} : memref<32x768xf32, #tpu.memory_space<vmem>>, vector<1x16xf32>,
        %parallel_loop3A_392 = vector.shape_cast %parallel_loop3A_391 : vector<1x16xf32> to vector<16xf32>
        %parallel_loop3A_393 = vector.shape_cast %parallel_loop3A_388 : vector<16xf32> to vector<1x16xf32>
        tpu.vector_store %arg8[%parallel_loop3A_389, %parallel_loop3A_390], %parallel_loop3A_393 {strides = array<i32>} : memref<32x768xf32, #tpu.memory_space<vmem>>, vector<1x16xf32>,
        %parallel_loop3A_394 = arith.index_cast %parallel_loop3A_82 : i32 to index
        %parallel_loop3A_395 = arith.constant 352 : index
        %parallel_loop3A_396 = tpu.vector_load %arg8[%parallel_loop3A_394, %parallel_loop3A_395] {strides = array<i32>} : memref<32x768xf32, #tpu.memory_space<vmem>>, vector<1x16xf32>,
        %parallel_loop3A_397 = vector.shape_cast %parallel_loop3A_396 : vector<1x16xf32> to vector<16xf32>
        %parallel_loop3A_398 = arith.index_cast %parallel_loop3A_85 : i32 to index
        %parallel_loop3A_399 = arith.constant 352 : index
        %parallel_loop3A_400 = tpu.vector_load %arg9[%parallel_loop3A_398, %parallel_loop3A_399] {strides = array<i32>} : memref<77x768xf32, #tpu.memory_space<vmem>>, vector<1x16xf32>,
        %parallel_loop3A_401 = vector.shape_cast %parallel_loop3A_400 : vector<1x16xf32> to vector<16xf32>
        %parallel_loop3A_402 = arith.addf %parallel_loop3A_397, %parallel_loop3A_401 : vector<16xf32>
        %parallel_loop3A_403 = arith.index_cast %parallel_loop3A_82 : i32 to index
        %parallel_loop3A_404 = arith.constant 352 : index
        %parallel_loop3A_405 = tpu.vector_load %arg8[%parallel_loop3A_403, %parallel_loop3A_404] {strides = array<i32>} : memref<32x768xf32, #tpu.memory_space<vmem>>, vector<1x16xf32>,
        %parallel_loop3A_406 = vector.shape_cast %parallel_loop3A_405 : vector<1x16xf32> to vector<16xf32>
        %parallel_loop3A_407 = vector.shape_cast %parallel_loop3A_402 : vector<16xf32> to vector<1x16xf32>
        tpu.vector_store %arg8[%parallel_loop3A_403, %parallel_loop3A_404], %parallel_loop3A_407 {strides = array<i32>} : memref<32x768xf32, #tpu.memory_space<vmem>>, vector<1x16xf32>,
        %parallel_loop3A_408 = arith.index_cast %parallel_loop3A_82 : i32 to index
        %parallel_loop3A_409 = arith.constant 368 : index
        %parallel_loop3A_410 = tpu.vector_load %arg8[%parallel_loop3A_408, %parallel_loop3A_409] {strides = array<i32>} : memref<32x768xf32, #tpu.memory_space<vmem>>, vector<1x16xf32>,
        %parallel_loop3A_411 = vector.shape_cast %parallel_loop3A_410 : vector<1x16xf32> to vector<16xf32>
        %parallel_loop3A_412 = arith.index_cast %parallel_loop3A_85 : i32 to index
        %parallel_loop3A_413 = arith.constant 368 : index
        %parallel_loop3A_414 = tpu.vector_load %arg9[%parallel_loop3A_412, %parallel_loop3A_413] {strides = array<i32>} : memref<77x768xf32, #tpu.memory_space<vmem>>, vector<1x16xf32>,
        %parallel_loop3A_415 = vector.shape_cast %parallel_loop3A_414 : vector<1x16xf32> to vector<16xf32>
        %parallel_loop3A_416 = arith.addf %parallel_loop3A_411, %parallel_loop3A_415 : vector<16xf32>
        %parallel_loop3A_417 = arith.index_cast %parallel_loop3A_82 : i32 to index
        %parallel_loop3A_418 = arith.constant 368 : index
        %parallel_loop3A_419 = tpu.vector_load %arg8[%parallel_loop3A_417, %parallel_loop3A_418] {strides = array<i32>} : memref<32x768xf32, #tpu.memory_space<vmem>>, vector<1x16xf32>,
        %parallel_loop3A_420 = vector.shape_cast %parallel_loop3A_419 : vector<1x16xf32> to vector<16xf32>
        %parallel_loop3A_421 = vector.shape_cast %parallel_loop3A_416 : vector<16xf32> to vector<1x16xf32>
        tpu.vector_store %arg8[%parallel_loop3A_417, %parallel_loop3A_418], %parallel_loop3A_421 {strides = array<i32>} : memref<32x768xf32, #tpu.memory_space<vmem>>, vector<1x16xf32>,
        %parallel_loop3A_422 = arith.index_cast %parallel_loop3A_82 : i32 to index
        %parallel_loop3A_423 = arith.constant 384 : index
        %parallel_loop3A_424 = tpu.vector_load %arg8[%parallel_loop3A_422, %parallel_loop3A_423] {strides = array<i32>} : memref<32x768xf32, #tpu.memory_space<vmem>>, vector<1x16xf32>,
        %parallel_loop3A_425 = vector.shape_cast %parallel_loop3A_424 : vector<1x16xf32> to vector<16xf32>
        %parallel_loop3A_426 = arith.index_cast %parallel_loop3A_85 : i32 to index
        %parallel_loop3A_427 = arith.constant 384 : index
        %parallel_loop3A_428 = tpu.vector_load %arg9[%parallel_loop3A_426, %parallel_loop3A_427] {strides = array<i32>} : memref<77x768xf32, #tpu.memory_space<vmem>>, vector<1x16xf32>,
        %parallel_loop3A_429 = vector.shape_cast %parallel_loop3A_428 : vector<1x16xf32> to vector<16xf32>
        %parallel_loop3A_430 = arith.addf %parallel_loop3A_425, %parallel_loop3A_429 : vector<16xf32>
        %parallel_loop3A_431 = arith.index_cast %parallel_loop3A_82 : i32 to index
        %parallel_loop3A_432 = arith.constant 384 : index
        %parallel_loop3A_433 = tpu.vector_load %arg8[%parallel_loop3A_431, %parallel_loop3A_432] {strides = array<i32>} : memref<32x768xf32, #tpu.memory_space<vmem>>, vector<1x16xf32>,
        %parallel_loop3A_434 = vector.shape_cast %parallel_loop3A_433 : vector<1x16xf32> to vector<16xf32>
        %parallel_loop3A_435 = vector.shape_cast %parallel_loop3A_430 : vector<16xf32> to vector<1x16xf32>
        tpu.vector_store %arg8[%parallel_loop3A_431, %parallel_loop3A_432], %parallel_loop3A_435 {strides = array<i32>} : memref<32x768xf32, #tpu.memory_space<vmem>>, vector<1x16xf32>,
        %parallel_loop3A_436 = arith.index_cast %parallel_loop3A_82 : i32 to index
        %parallel_loop3A_437 = arith.constant 400 : index
        %parallel_loop3A_438 = tpu.vector_load %arg8[%parallel_loop3A_436, %parallel_loop3A_437] {strides = array<i32>} : memref<32x768xf32, #tpu.memory_space<vmem>>, vector<1x16xf32>,
        %parallel_loop3A_439 = vector.shape_cast %parallel_loop3A_438 : vector<1x16xf32> to vector<16xf32>
        %parallel_loop3A_440 = arith.index_cast %parallel_loop3A_85 : i32 to index
        %parallel_loop3A_441 = arith.constant 400 : index
        %parallel_loop3A_442 = tpu.vector_load %arg9[%parallel_loop3A_440, %parallel_loop3A_441] {strides = array<i32>} : memref<77x768xf32, #tpu.memory_space<vmem>>, vector<1x16xf32>,
        %parallel_loop3A_443 = vector.shape_cast %parallel_loop3A_442 : vector<1x16xf32> to vector<16xf32>
        %parallel_loop3A_444 = arith.addf %parallel_loop3A_439, %parallel_loop3A_443 : vector<16xf32>
        %parallel_loop3A_445 = arith.index_cast %parallel_loop3A_82 : i32 to index
        %parallel_loop3A_446 = arith.constant 400 : index
        %parallel_loop3A_447 = tpu.vector_load %arg8[%parallel_loop3A_445, %parallel_loop3A_446] {strides = array<i32>} : memref<32x768xf32, #tpu.memory_space<vmem>>, vector<1x16xf32>,
        %parallel_loop3A_448 = vector.shape_cast %parallel_loop3A_447 : vector<1x16xf32> to vector<16xf32>
        %parallel_loop3A_449 = vector.shape_cast %parallel_loop3A_444 : vector<16xf32> to vector<1x16xf32>
        tpu.vector_store %arg8[%parallel_loop3A_445, %parallel_loop3A_446], %parallel_loop3A_449 {strides = array<i32>} : memref<32x768xf32, #tpu.memory_space<vmem>>, vector<1x16xf32>,
        %parallel_loop3A_450 = arith.index_cast %parallel_loop3A_82 : i32 to index
        %parallel_loop3A_451 = arith.constant 416 : index
        %parallel_loop3A_452 = tpu.vector_load %arg8[%parallel_loop3A_450, %parallel_loop3A_451] {strides = array<i32>} : memref<32x768xf32, #tpu.memory_space<vmem>>, vector<1x16xf32>,
        %parallel_loop3A_453 = vector.shape_cast %parallel_loop3A_452 : vector<1x16xf32> to vector<16xf32>
        %parallel_loop3A_454 = arith.index_cast %parallel_loop3A_85 : i32 to index
        %parallel_loop3A_455 = arith.constant 416 : index
        %parallel_loop3A_456 = tpu.vector_load %arg9[%parallel_loop3A_454, %parallel_loop3A_455] {strides = array<i32>} : memref<77x768xf32, #tpu.memory_space<vmem>>, vector<1x16xf32>,
        %parallel_loop3A_457 = vector.shape_cast %parallel_loop3A_456 : vector<1x16xf32> to vector<16xf32>
        %parallel_loop3A_458 = arith.addf %parallel_loop3A_453, %parallel_loop3A_457 : vector<16xf32>
        %parallel_loop3A_459 = arith.index_cast %parallel_loop3A_82 : i32 to index
        %parallel_loop3A_460 = arith.constant 416 : index
        %parallel_loop3A_461 = tpu.vector_load %arg8[%parallel_loop3A_459, %parallel_loop3A_460] {strides = array<i32>} : memref<32x768xf32, #tpu.memory_space<vmem>>, vector<1x16xf32>,
        %parallel_loop3A_462 = vector.shape_cast %parallel_loop3A_461 : vector<1x16xf32> to vector<16xf32>
        %parallel_loop3A_463 = vector.shape_cast %parallel_loop3A_458 : vector<16xf32> to vector<1x16xf32>
        tpu.vector_store %arg8[%parallel_loop3A_459, %parallel_loop3A_460], %parallel_loop3A_463 {strides = array<i32>} : memref<32x768xf32, #tpu.memory_space<vmem>>, vector<1x16xf32>,
        %parallel_loop3A_464 = arith.index_cast %parallel_loop3A_82 : i32 to index
        %parallel_loop3A_465 = arith.constant 432 : index
        %parallel_loop3A_466 = tpu.vector_load %arg8[%parallel_loop3A_464, %parallel_loop3A_465] {strides = array<i32>} : memref<32x768xf32, #tpu.memory_space<vmem>>, vector<1x16xf32>,
        %parallel_loop3A_467 = vector.shape_cast %parallel_loop3A_466 : vector<1x16xf32> to vector<16xf32>
        %parallel_loop3A_468 = arith.index_cast %parallel_loop3A_85 : i32 to index
        %parallel_loop3A_469 = arith.constant 432 : index
        %parallel_loop3A_470 = tpu.vector_load %arg9[%parallel_loop3A_468, %parallel_loop3A_469] {strides = array<i32>} : memref<77x768xf32, #tpu.memory_space<vmem>>, vector<1x16xf32>,
        %parallel_loop3A_471 = vector.shape_cast %parallel_loop3A_470 : vector<1x16xf32> to vector<16xf32>
        %parallel_loop3A_472 = arith.addf %parallel_loop3A_467, %parallel_loop3A_471 : vector<16xf32>
        %parallel_loop3A_473 = arith.index_cast %parallel_loop3A_82 : i32 to index
        %parallel_loop3A_474 = arith.constant 432 : index
        %parallel_loop3A_475 = tpu.vector_load %arg8[%parallel_loop3A_473, %parallel_loop3A_474] {strides = array<i32>} : memref<32x768xf32, #tpu.memory_space<vmem>>, vector<1x16xf32>,
        %parallel_loop3A_476 = vector.shape_cast %parallel_loop3A_475 : vector<1x16xf32> to vector<16xf32>
        %parallel_loop3A_477 = vector.shape_cast %parallel_loop3A_472 : vector<16xf32> to vector<1x16xf32>
        tpu.vector_store %arg8[%parallel_loop3A_473, %parallel_loop3A_474], %parallel_loop3A_477 {strides = array<i32>} : memref<32x768xf32, #tpu.memory_space<vmem>>, vector<1x16xf32>,
        %parallel_loop3A_478 = arith.index_cast %parallel_loop3A_82 : i32 to index
        %parallel_loop3A_479 = arith.constant 448 : index
        %parallel_loop3A_480 = tpu.vector_load %arg8[%parallel_loop3A_478, %parallel_loop3A_479] {strides = array<i32>} : memref<32x768xf32, #tpu.memory_space<vmem>>, vector<1x16xf32>,
        %parallel_loop3A_481 = vector.shape_cast %parallel_loop3A_480 : vector<1x16xf32> to vector<16xf32>
        %parallel_loop3A_482 = arith.index_cast %parallel_loop3A_85 : i32 to index
        %parallel_loop3A_483 = arith.constant 448 : index
        %parallel_loop3A_484 = tpu.vector_load %arg9[%parallel_loop3A_482, %parallel_loop3A_483] {strides = array<i32>} : memref<77x768xf32, #tpu.memory_space<vmem>>, vector<1x16xf32>,
        %parallel_loop3A_485 = vector.shape_cast %parallel_loop3A_484 : vector<1x16xf32> to vector<16xf32>
        %parallel_loop3A_486 = arith.addf %parallel_loop3A_481, %parallel_loop3A_485 : vector<16xf32>
        %parallel_loop3A_487 = arith.index_cast %parallel_loop3A_82 : i32 to index
        %parallel_loop3A_488 = arith.constant 448 : index
        %parallel_loop3A_489 = tpu.vector_load %arg8[%parallel_loop3A_487, %parallel_loop3A_488] {strides = array<i32>} : memref<32x768xf32, #tpu.memory_space<vmem>>, vector<1x16xf32>,
        %parallel_loop3A_490 = vector.shape_cast %parallel_loop3A_489 : vector<1x16xf32> to vector<16xf32>
        %parallel_loop3A_491 = vector.shape_cast %parallel_loop3A_486 : vector<16xf32> to vector<1x16xf32>
        tpu.vector_store %arg8[%parallel_loop3A_487, %parallel_loop3A_488], %parallel_loop3A_491 {strides = array<i32>} : memref<32x768xf32, #tpu.memory_space<vmem>>, vector<1x16xf32>,
        %parallel_loop3A_492 = arith.index_cast %parallel_loop3A_82 : i32 to index
        %parallel_loop3A_493 = arith.constant 464 : index
        %parallel_loop3A_494 = tpu.vector_load %arg8[%parallel_loop3A_492, %parallel_loop3A_493] {strides = array<i32>} : memref<32x768xf32, #tpu.memory_space<vmem>>, vector<1x16xf32>,
        %parallel_loop3A_495 = vector.shape_cast %parallel_loop3A_494 : vector<1x16xf32> to vector<16xf32>
        %parallel_loop3A_496 = arith.index_cast %parallel_loop3A_85 : i32 to index
        %parallel_loop3A_497 = arith.constant 464 : index
        %parallel_loop3A_498 = tpu.vector_load %arg9[%parallel_loop3A_496, %parallel_loop3A_497] {strides = array<i32>} : memref<77x768xf32, #tpu.memory_space<vmem>>, vector<1x16xf32>,
        %parallel_loop3A_499 = vector.shape_cast %parallel_loop3A_498 : vector<1x16xf32> to vector<16xf32>
        %parallel_loop3A_500 = arith.addf %parallel_loop3A_495, %parallel_loop3A_499 : vector<16xf32>
        %parallel_loop3A_501 = arith.index_cast %parallel_loop3A_82 : i32 to index
        %parallel_loop3A_502 = arith.constant 464 : index
        %parallel_loop3A_503 = tpu.vector_load %arg8[%parallel_loop3A_501, %parallel_loop3A_502] {strides = array<i32>} : memref<32x768xf32, #tpu.memory_space<vmem>>, vector<1x16xf32>,
        %parallel_loop3A_504 = vector.shape_cast %parallel_loop3A_503 : vector<1x16xf32> to vector<16xf32>
        %parallel_loop3A_505 = vector.shape_cast %parallel_loop3A_500 : vector<16xf32> to vector<1x16xf32>
        tpu.vector_store %arg8[%parallel_loop3A_501, %parallel_loop3A_502], %parallel_loop3A_505 {strides = array<i32>} : memref<32x768xf32, #tpu.memory_space<vmem>>, vector<1x16xf32>,
        %parallel_loop3A_506 = arith.index_cast %parallel_loop3A_82 : i32 to index
        %parallel_loop3A_507 = arith.constant 480 : index
        %parallel_loop3A_508 = tpu.vector_load %arg8[%parallel_loop3A_506, %parallel_loop3A_507] {strides = array<i32>} : memref<32x768xf32, #tpu.memory_space<vmem>>, vector<1x16xf32>,
        %parallel_loop3A_509 = vector.shape_cast %parallel_loop3A_508 : vector<1x16xf32> to vector<16xf32>
        %parallel_loop3A_510 = arith.index_cast %parallel_loop3A_85 : i32 to index
        %parallel_loop3A_511 = arith.constant 480 : index
        %parallel_loop3A_512 = tpu.vector_load %arg9[%parallel_loop3A_510, %parallel_loop3A_511] {strides = array<i32>} : memref<77x768xf32, #tpu.memory_space<vmem>>, vector<1x16xf32>,
        %parallel_loop3A_513 = vector.shape_cast %parallel_loop3A_512 : vector<1x16xf32> to vector<16xf32>
        %parallel_loop3A_514 = arith.addf %parallel_loop3A_509, %parallel_loop3A_513 : vector<16xf32>
        %parallel_loop3A_515 = arith.index_cast %parallel_loop3A_82 : i32 to index
        %parallel_loop3A_516 = arith.constant 480 : index
        %parallel_loop3A_517 = tpu.vector_load %arg8[%parallel_loop3A_515, %parallel_loop3A_516] {strides = array<i32>} : memref<32x768xf32, #tpu.memory_space<vmem>>, vector<1x16xf32>,
        %parallel_loop3A_518 = vector.shape_cast %parallel_loop3A_517 : vector<1x16xf32> to vector<16xf32>
        %parallel_loop3A_519 = vector.shape_cast %parallel_loop3A_514 : vector<16xf32> to vector<1x16xf32>
        tpu.vector_store %arg8[%parallel_loop3A_515, %parallel_loop3A_516], %parallel_loop3A_519 {strides = array<i32>} : memref<32x768xf32, #tpu.memory_space<vmem>>, vector<1x16xf32>,
        %parallel_loop3A_520 = arith.index_cast %parallel_loop3A_82 : i32 to index
        %parallel_loop3A_521 = arith.constant 496 : index
        %parallel_loop3A_522 = tpu.vector_load %arg8[%parallel_loop3A_520, %parallel_loop3A_521] {strides = array<i32>} : memref<32x768xf32, #tpu.memory_space<vmem>>, vector<1x16xf32>,
        %parallel_loop3A_523 = vector.shape_cast %parallel_loop3A_522 : vector<1x16xf32> to vector<16xf32>
        %parallel_loop3A_524 = arith.index_cast %parallel_loop3A_85 : i32 to index
        %parallel_loop3A_525 = arith.constant 496 : index
        %parallel_loop3A_526 = tpu.vector_load %arg9[%parallel_loop3A_524, %parallel_loop3A_525] {strides = array<i32>} : memref<77x768xf32, #tpu.memory_space<vmem>>, vector<1x16xf32>,
        %parallel_loop3A_527 = vector.shape_cast %parallel_loop3A_526 : vector<1x16xf32> to vector<16xf32>
        %parallel_loop3A_528 = arith.addf %parallel_loop3A_523, %parallel_loop3A_527 : vector<16xf32>
        %parallel_loop3A_529 = arith.index_cast %parallel_loop3A_82 : i32 to index
        %parallel_loop3A_530 = arith.constant 496 : index
        %parallel_loop3A_531 = tpu.vector_load %arg8[%parallel_loop3A_529, %parallel_loop3A_530] {strides = array<i32>} : memref<32x768xf32, #tpu.memory_space<vmem>>, vector<1x16xf32>,
        %parallel_loop3A_532 = vector.shape_cast %parallel_loop3A_531 : vector<1x16xf32> to vector<16xf32>
        %parallel_loop3A_533 = vector.shape_cast %parallel_loop3A_528 : vector<16xf32> to vector<1x16xf32>
        tpu.vector_store %arg8[%parallel_loop3A_529, %parallel_loop3A_530], %parallel_loop3A_533 {strides = array<i32>} : memref<32x768xf32, #tpu.memory_space<vmem>>, vector<1x16xf32>,
        %parallel_loop3A_534 = arith.index_cast %parallel_loop3A_82 : i32 to index
        %parallel_loop3A_535 = arith.constant 512 : index
        %parallel_loop3A_536 = tpu.vector_load %arg8[%parallel_loop3A_534, %parallel_loop3A_535] {strides = array<i32>} : memref<32x768xf32, #tpu.memory_space<vmem>>, vector<1x16xf32>,
        %parallel_loop3A_537 = vector.shape_cast %parallel_loop3A_536 : vector<1x16xf32> to vector<16xf32>
        %parallel_loop3A_538 = arith.index_cast %parallel_loop3A_85 : i32 to index
        %parallel_loop3A_539 = arith.constant 512 : index
        %parallel_loop3A_540 = tpu.vector_load %arg9[%parallel_loop3A_538, %parallel_loop3A_539] {strides = array<i32>} : memref<77x768xf32, #tpu.memory_space<vmem>>, vector<1x16xf32>,
        %parallel_loop3A_541 = vector.shape_cast %parallel_loop3A_540 : vector<1x16xf32> to vector<16xf32>
        %parallel_loop3A_542 = arith.addf %parallel_loop3A_537, %parallel_loop3A_541 : vector<16xf32>
        %parallel_loop3A_543 = arith.index_cast %parallel_loop3A_82 : i32 to index
        %parallel_loop3A_544 = arith.constant 512 : index
        %parallel_loop3A_545 = tpu.vector_load %arg8[%parallel_loop3A_543, %parallel_loop3A_544] {strides = array<i32>} : memref<32x768xf32, #tpu.memory_space<vmem>>, vector<1x16xf32>,
        %parallel_loop3A_546 = vector.shape_cast %parallel_loop3A_545 : vector<1x16xf32> to vector<16xf32>
        %parallel_loop3A_547 = vector.shape_cast %parallel_loop3A_542 : vector<16xf32> to vector<1x16xf32>
        tpu.vector_store %arg8[%parallel_loop3A_543, %parallel_loop3A_544], %parallel_loop3A_547 {strides = array<i32>} : memref<32x768xf32, #tpu.memory_space<vmem>>, vector<1x16xf32>,
        %parallel_loop3A_548 = arith.index_cast %parallel_loop3A_82 : i32 to index
        %parallel_loop3A_549 = arith.constant 528 : index
        %parallel_loop3A_550 = tpu.vector_load %arg8[%parallel_loop3A_548, %parallel_loop3A_549] {strides = array<i32>} : memref<32x768xf32, #tpu.memory_space<vmem>>, vector<1x16xf32>,
        %parallel_loop3A_551 = vector.shape_cast %parallel_loop3A_550 : vector<1x16xf32> to vector<16xf32>
        %parallel_loop3A_552 = arith.index_cast %parallel_loop3A_85 : i32 to index
        %parallel_loop3A_553 = arith.constant 528 : index
        %parallel_loop3A_554 = tpu.vector_load %arg9[%parallel_loop3A_552, %parallel_loop3A_553] {strides = array<i32>} : memref<77x768xf32, #tpu.memory_space<vmem>>, vector<1x16xf32>,
        %parallel_loop3A_555 = vector.shape_cast %parallel_loop3A_554 : vector<1x16xf32> to vector<16xf32>
        %parallel_loop3A_556 = arith.addf %parallel_loop3A_551, %parallel_loop3A_555 : vector<16xf32>
        %parallel_loop3A_557 = arith.index_cast %parallel_loop3A_82 : i32 to index
        %parallel_loop3A_558 = arith.constant 528 : index
        %parallel_loop3A_559 = tpu.vector_load %arg8[%parallel_loop3A_557, %parallel_loop3A_558] {strides = array<i32>} : memref<32x768xf32, #tpu.memory_space<vmem>>, vector<1x16xf32>,
        %parallel_loop3A_560 = vector.shape_cast %parallel_loop3A_559 : vector<1x16xf32> to vector<16xf32>
        %parallel_loop3A_561 = vector.shape_cast %parallel_loop3A_556 : vector<16xf32> to vector<1x16xf32>
        tpu.vector_store %arg8[%parallel_loop3A_557, %parallel_loop3A_558], %parallel_loop3A_561 {strides = array<i32>} : memref<32x768xf32, #tpu.memory_space<vmem>>, vector<1x16xf32>,
        %parallel_loop3A_562 = arith.index_cast %parallel_loop3A_82 : i32 to index
        %parallel_loop3A_563 = arith.constant 544 : index
        %parallel_loop3A_564 = tpu.vector_load %arg8[%parallel_loop3A_562, %parallel_loop3A_563] {strides = array<i32>} : memref<32x768xf32, #tpu.memory_space<vmem>>, vector<1x16xf32>,
        %parallel_loop3A_565 = vector.shape_cast %parallel_loop3A_564 : vector<1x16xf32> to vector<16xf32>
        %parallel_loop3A_566 = arith.index_cast %parallel_loop3A_85 : i32 to index
        %parallel_loop3A_567 = arith.constant 544 : index
        %parallel_loop3A_568 = tpu.vector_load %arg9[%parallel_loop3A_566, %parallel_loop3A_567] {strides = array<i32>} : memref<77x768xf32, #tpu.memory_space<vmem>>, vector<1x16xf32>,
        %parallel_loop3A_569 = vector.shape_cast %parallel_loop3A_568 : vector<1x16xf32> to vector<16xf32>
        %parallel_loop3A_570 = arith.addf %parallel_loop3A_565, %parallel_loop3A_569 : vector<16xf32>
        %parallel_loop3A_571 = arith.index_cast %parallel_loop3A_82 : i32 to index
        %parallel_loop3A_572 = arith.constant 544 : index
        %parallel_loop3A_573 = tpu.vector_load %arg8[%parallel_loop3A_571, %parallel_loop3A_572] {strides = array<i32>} : memref<32x768xf32, #tpu.memory_space<vmem>>, vector<1x16xf32>,
        %parallel_loop3A_574 = vector.shape_cast %parallel_loop3A_573 : vector<1x16xf32> to vector<16xf32>
        %parallel_loop3A_575 = vector.shape_cast %parallel_loop3A_570 : vector<16xf32> to vector<1x16xf32>
        tpu.vector_store %arg8[%parallel_loop3A_571, %parallel_loop3A_572], %parallel_loop3A_575 {strides = array<i32>} : memref<32x768xf32, #tpu.memory_space<vmem>>, vector<1x16xf32>,
        %parallel_loop3A_576 = arith.index_cast %parallel_loop3A_82 : i32 to index
        %parallel_loop3A_577 = arith.constant 560 : index
        %parallel_loop3A_578 = tpu.vector_load %arg8[%parallel_loop3A_576, %parallel_loop3A_577] {strides = array<i32>} : memref<32x768xf32, #tpu.memory_space<vmem>>, vector<1x16xf32>,
        %parallel_loop3A_579 = vector.shape_cast %parallel_loop3A_578 : vector<1x16xf32> to vector<16xf32>
        %parallel_loop3A_580 = arith.index_cast %parallel_loop3A_85 : i32 to index
        %parallel_loop3A_581 = arith.constant 560 : index
        %parallel_loop3A_582 = tpu.vector_load %arg9[%parallel_loop3A_580, %parallel_loop3A_581] {strides = array<i32>} : memref<77x768xf32, #tpu.memory_space<vmem>>, vector<1x16xf32>,
        %parallel_loop3A_583 = vector.shape_cast %parallel_loop3A_582 : vector<1x16xf32> to vector<16xf32>
        %parallel_loop3A_584 = arith.addf %parallel_loop3A_579, %parallel_loop3A_583 : vector<16xf32>
        %parallel_loop3A_585 = arith.index_cast %parallel_loop3A_82 : i32 to index
        %parallel_loop3A_586 = arith.constant 560 : index
        %parallel_loop3A_587 = tpu.vector_load %arg8[%parallel_loop3A_585, %parallel_loop3A_586] {strides = array<i32>} : memref<32x768xf32, #tpu.memory_space<vmem>>, vector<1x16xf32>,
        %parallel_loop3A_588 = vector.shape_cast %parallel_loop3A_587 : vector<1x16xf32> to vector<16xf32>
        %parallel_loop3A_589 = vector.shape_cast %parallel_loop3A_584 : vector<16xf32> to vector<1x16xf32>
        tpu.vector_store %arg8[%parallel_loop3A_585, %parallel_loop3A_586], %parallel_loop3A_589 {strides = array<i32>} : memref<32x768xf32, #tpu.memory_space<vmem>>, vector<1x16xf32>,
        %parallel_loop3A_590 = arith.index_cast %parallel_loop3A_82 : i32 to index
        %parallel_loop3A_591 = arith.constant 576 : index
        %parallel_loop3A_592 = tpu.vector_load %arg8[%parallel_loop3A_590, %parallel_loop3A_591] {strides = array<i32>} : memref<32x768xf32, #tpu.memory_space<vmem>>, vector<1x16xf32>,
        %parallel_loop3A_593 = vector.shape_cast %parallel_loop3A_592 : vector<1x16xf32> to vector<16xf32>
        %parallel_loop3A_594 = arith.index_cast %parallel_loop3A_85 : i32 to index
        %parallel_loop3A_595 = arith.constant 576 : index
        %parallel_loop3A_596 = tpu.vector_load %arg9[%parallel_loop3A_594, %parallel_loop3A_595] {strides = array<i32>} : memref<77x768xf32, #tpu.memory_space<vmem>>, vector<1x16xf32>,
        %parallel_loop3A_597 = vector.shape_cast %parallel_loop3A_596 : vector<1x16xf32> to vector<16xf32>
        %parallel_loop3A_598 = arith.addf %parallel_loop3A_593, %parallel_loop3A_597 : vector<16xf32>
        %parallel_loop3A_599 = arith.index_cast %parallel_loop3A_82 : i32 to index
        %parallel_loop3A_600 = arith.constant 576 : index
        %parallel_loop3A_601 = tpu.vector_load %arg8[%parallel_loop3A_599, %parallel_loop3A_600] {strides = array<i32>} : memref<32x768xf32, #tpu.memory_space<vmem>>, vector<1x16xf32>,
        %parallel_loop3A_602 = vector.shape_cast %parallel_loop3A_601 : vector<1x16xf32> to vector<16xf32>
        %parallel_loop3A_603 = vector.shape_cast %parallel_loop3A_598 : vector<16xf32> to vector<1x16xf32>
        tpu.vector_store %arg8[%parallel_loop3A_599, %parallel_loop3A_600], %parallel_loop3A_603 {strides = array<i32>} : memref<32x768xf32, #tpu.memory_space<vmem>>, vector<1x16xf32>,
        %parallel_loop3A_604 = arith.index_cast %parallel_loop3A_82 : i32 to index
        %parallel_loop3A_605 = arith.constant 592 : index
        %parallel_loop3A_606 = tpu.vector_load %arg8[%parallel_loop3A_604, %parallel_loop3A_605] {strides = array<i32>} : memref<32x768xf32, #tpu.memory_space<vmem>>, vector<1x16xf32>,
        %parallel_loop3A_607 = vector.shape_cast %parallel_loop3A_606 : vector<1x16xf32> to vector<16xf32>
        %parallel_loop3A_608 = arith.index_cast %parallel_loop3A_85 : i32 to index
        %parallel_loop3A_609 = arith.constant 592 : index
        %parallel_loop3A_610 = tpu.vector_load %arg9[%parallel_loop3A_608, %parallel_loop3A_609] {strides = array<i32>} : memref<77x768xf32, #tpu.memory_space<vmem>>, vector<1x16xf32>,
        %parallel_loop3A_611 = vector.shape_cast %parallel_loop3A_610 : vector<1x16xf32> to vector<16xf32>
        %parallel_loop3A_612 = arith.addf %parallel_loop3A_607, %parallel_loop3A_611 : vector<16xf32>
        %parallel_loop3A_613 = arith.index_cast %parallel_loop3A_82 : i32 to index
        %parallel_loop3A_614 = arith.constant 592 : index
        %parallel_loop3A_615 = tpu.vector_load %arg8[%parallel_loop3A_613, %parallel_loop3A_614] {strides = array<i32>} : memref<32x768xf32, #tpu.memory_space<vmem>>, vector<1x16xf32>,
        %parallel_loop3A_616 = vector.shape_cast %parallel_loop3A_615 : vector<1x16xf32> to vector<16xf32>
        %parallel_loop3A_617 = vector.shape_cast %parallel_loop3A_612 : vector<16xf32> to vector<1x16xf32>
        tpu.vector_store %arg8[%parallel_loop3A_613, %parallel_loop3A_614], %parallel_loop3A_617 {strides = array<i32>} : memref<32x768xf32, #tpu.memory_space<vmem>>, vector<1x16xf32>,
        %parallel_loop3A_618 = arith.index_cast %parallel_loop3A_82 : i32 to index
        %parallel_loop3A_619 = arith.constant 608 : index
        %parallel_loop3A_620 = tpu.vector_load %arg8[%parallel_loop3A_618, %parallel_loop3A_619] {strides = array<i32>} : memref<32x768xf32, #tpu.memory_space<vmem>>, vector<1x16xf32>,
        %parallel_loop3A_621 = vector.shape_cast %parallel_loop3A_620 : vector<1x16xf32> to vector<16xf32>
        %parallel_loop3A_622 = arith.index_cast %parallel_loop3A_85 : i32 to index
        %parallel_loop3A_623 = arith.constant 608 : index
        %parallel_loop3A_624 = tpu.vector_load %arg9[%parallel_loop3A_622, %parallel_loop3A_623] {strides = array<i32>} : memref<77x768xf32, #tpu.memory_space<vmem>>, vector<1x16xf32>,
        %parallel_loop3A_625 = vector.shape_cast %parallel_loop3A_624 : vector<1x16xf32> to vector<16xf32>
        %parallel_loop3A_626 = arith.addf %parallel_loop3A_621, %parallel_loop3A_625 : vector<16xf32>
        %parallel_loop3A_627 = arith.index_cast %parallel_loop3A_82 : i32 to index
        %parallel_loop3A_628 = arith.constant 608 : index
        %parallel_loop3A_629 = tpu.vector_load %arg8[%parallel_loop3A_627, %parallel_loop3A_628] {strides = array<i32>} : memref<32x768xf32, #tpu.memory_space<vmem>>, vector<1x16xf32>,
        %parallel_loop3A_630 = vector.shape_cast %parallel_loop3A_629 : vector<1x16xf32> to vector<16xf32>
        %parallel_loop3A_631 = vector.shape_cast %parallel_loop3A_626 : vector<16xf32> to vector<1x16xf32>
        tpu.vector_store %arg8[%parallel_loop3A_627, %parallel_loop3A_628], %parallel_loop3A_631 {strides = array<i32>} : memref<32x768xf32, #tpu.memory_space<vmem>>, vector<1x16xf32>,
        %parallel_loop3A_632 = arith.index_cast %parallel_loop3A_82 : i32 to index
        %parallel_loop3A_633 = arith.constant 624 : index
        %parallel_loop3A_634 = tpu.vector_load %arg8[%parallel_loop3A_632, %parallel_loop3A_633] {strides = array<i32>} : memref<32x768xf32, #tpu.memory_space<vmem>>, vector<1x16xf32>,
        %parallel_loop3A_635 = vector.shape_cast %parallel_loop3A_634 : vector<1x16xf32> to vector<16xf32>
        %parallel_loop3A_636 = arith.index_cast %parallel_loop3A_85 : i32 to index
        %parallel_loop3A_637 = arith.constant 624 : index
        %parallel_loop3A_638 = tpu.vector_load %arg9[%parallel_loop3A_636, %parallel_loop3A_637] {strides = array<i32>} : memref<77x768xf32, #tpu.memory_space<vmem>>, vector<1x16xf32>,
        %parallel_loop3A_639 = vector.shape_cast %parallel_loop3A_638 : vector<1x16xf32> to vector<16xf32>
        %parallel_loop3A_640 = arith.addf %parallel_loop3A_635, %parallel_loop3A_639 : vector<16xf32>
        %parallel_loop3A_641 = arith.index_cast %parallel_loop3A_82 : i32 to index
        %parallel_loop3A_642 = arith.constant 624 : index
        %parallel_loop3A_643 = tpu.vector_load %arg8[%parallel_loop3A_641, %parallel_loop3A_642] {strides = array<i32>} : memref<32x768xf32, #tpu.memory_space<vmem>>, vector<1x16xf32>,
        %parallel_loop3A_644 = vector.shape_cast %parallel_loop3A_643 : vector<1x16xf32> to vector<16xf32>
        %parallel_loop3A_645 = vector.shape_cast %parallel_loop3A_640 : vector<16xf32> to vector<1x16xf32>
        tpu.vector_store %arg8[%parallel_loop3A_641, %parallel_loop3A_642], %parallel_loop3A_645 {strides = array<i32>} : memref<32x768xf32, #tpu.memory_space<vmem>>, vector<1x16xf32>,
        %parallel_loop3A_646 = arith.index_cast %parallel_loop3A_82 : i32 to index
        %parallel_loop3A_647 = arith.constant 640 : index
        %parallel_loop3A_648 = tpu.vector_load %arg8[%parallel_loop3A_646, %parallel_loop3A_647] {strides = array<i32>} : memref<32x768xf32, #tpu.memory_space<vmem>>, vector<1x16xf32>,
        %parallel_loop3A_649 = vector.shape_cast %parallel_loop3A_648 : vector<1x16xf32> to vector<16xf32>
        %parallel_loop3A_650 = arith.index_cast %parallel_loop3A_85 : i32 to index
        %parallel_loop3A_651 = arith.constant 640 : index
        %parallel_loop3A_652 = tpu.vector_load %arg9[%parallel_loop3A_650, %parallel_loop3A_651] {strides = array<i32>} : memref<77x768xf32, #tpu.memory_space<vmem>>, vector<1x16xf32>,
        %parallel_loop3A_653 = vector.shape_cast %parallel_loop3A_652 : vector<1x16xf32> to vector<16xf32>
        %parallel_loop3A_654 = arith.addf %parallel_loop3A_649, %parallel_loop3A_653 : vector<16xf32>
        %parallel_loop3A_655 = arith.index_cast %parallel_loop3A_82 : i32 to index
        %parallel_loop3A_656 = arith.constant 640 : index
        %parallel_loop3A_657 = tpu.vector_load %arg8[%parallel_loop3A_655, %parallel_loop3A_656] {strides = array<i32>} : memref<32x768xf32, #tpu.memory_space<vmem>>, vector<1x16xf32>,
        %parallel_loop3A_658 = vector.shape_cast %parallel_loop3A_657 : vector<1x16xf32> to vector<16xf32>
        %parallel_loop3A_659 = vector.shape_cast %parallel_loop3A_654 : vector<16xf32> to vector<1x16xf32>
        tpu.vector_store %arg8[%parallel_loop3A_655, %parallel_loop3A_656], %parallel_loop3A_659 {strides = array<i32>} : memref<32x768xf32, #tpu.memory_space<vmem>>, vector<1x16xf32>,
        %parallel_loop3A_660 = arith.index_cast %parallel_loop3A_82 : i32 to index
        %parallel_loop3A_661 = arith.constant 656 : index
        %parallel_loop3A_662 = tpu.vector_load %arg8[%parallel_loop3A_660, %parallel_loop3A_661] {strides = array<i32>} : memref<32x768xf32, #tpu.memory_space<vmem>>, vector<1x16xf32>,
        %parallel_loop3A_663 = vector.shape_cast %parallel_loop3A_662 : vector<1x16xf32> to vector<16xf32>
        %parallel_loop3A_664 = arith.index_cast %parallel_loop3A_85 : i32 to index
        %parallel_loop3A_665 = arith.constant 656 : index
        %parallel_loop3A_666 = tpu.vector_load %arg9[%parallel_loop3A_664, %parallel_loop3A_665] {strides = array<i32>} : memref<77x768xf32, #tpu.memory_space<vmem>>, vector<1x16xf32>,
        %parallel_loop3A_667 = vector.shape_cast %parallel_loop3A_666 : vector<1x16xf32> to vector<16xf32>
        %parallel_loop3A_668 = arith.addf %parallel_loop3A_663, %parallel_loop3A_667 : vector<16xf32>
        %parallel_loop3A_669 = arith.index_cast %parallel_loop3A_82 : i32 to index
        %parallel_loop3A_670 = arith.constant 656 : index
        %parallel_loop3A_671 = tpu.vector_load %arg8[%parallel_loop3A_669, %parallel_loop3A_670] {strides = array<i32>} : memref<32x768xf32, #tpu.memory_space<vmem>>, vector<1x16xf32>,
        %parallel_loop3A_672 = vector.shape_cast %parallel_loop3A_671 : vector<1x16xf32> to vector<16xf32>
        %parallel_loop3A_673 = vector.shape_cast %parallel_loop3A_668 : vector<16xf32> to vector<1x16xf32>
        tpu.vector_store %arg8[%parallel_loop3A_669, %parallel_loop3A_670], %parallel_loop3A_673 {strides = array<i32>} : memref<32x768xf32, #tpu.memory_space<vmem>>, vector<1x16xf32>,
        %parallel_loop3A_674 = arith.index_cast %parallel_loop3A_82 : i32 to index
        %parallel_loop3A_675 = arith.constant 672 : index
        %parallel_loop3A_676 = tpu.vector_load %arg8[%parallel_loop3A_674, %parallel_loop3A_675] {strides = array<i32>} : memref<32x768xf32, #tpu.memory_space<vmem>>, vector<1x16xf32>,
        %parallel_loop3A_677 = vector.shape_cast %parallel_loop3A_676 : vector<1x16xf32> to vector<16xf32>
        %parallel_loop3A_678 = arith.index_cast %parallel_loop3A_85 : i32 to index
        %parallel_loop3A_679 = arith.constant 672 : index
        %parallel_loop3A_680 = tpu.vector_load %arg9[%parallel_loop3A_678, %parallel_loop3A_679] {strides = array<i32>} : memref<77x768xf32, #tpu.memory_space<vmem>>, vector<1x16xf32>,
        %parallel_loop3A_681 = vector.shape_cast %parallel_loop3A_680 : vector<1x16xf32> to vector<16xf32>
        %parallel_loop3A_682 = arith.addf %parallel_loop3A_677, %parallel_loop3A_681 : vector<16xf32>
        %parallel_loop3A_683 = arith.index_cast %parallel_loop3A_82 : i32 to index
        %parallel_loop3A_684 = arith.constant 672 : index
        %parallel_loop3A_685 = tpu.vector_load %arg8[%parallel_loop3A_683, %parallel_loop3A_684] {strides = array<i32>} : memref<32x768xf32, #tpu.memory_space<vmem>>, vector<1x16xf32>,
        %parallel_loop3A_686 = vector.shape_cast %parallel_loop3A_685 : vector<1x16xf32> to vector<16xf32>
        %parallel_loop3A_687 = vector.shape_cast %parallel_loop3A_682 : vector<16xf32> to vector<1x16xf32>
        tpu.vector_store %arg8[%parallel_loop3A_683, %parallel_loop3A_684], %parallel_loop3A_687 {strides = array<i32>} : memref<32x768xf32, #tpu.memory_space<vmem>>, vector<1x16xf32>,
        %parallel_loop3A_688 = arith.index_cast %parallel_loop3A_82 : i32 to index
        %parallel_loop3A_689 = arith.constant 688 : index
        %parallel_loop3A_690 = tpu.vector_load %arg8[%parallel_loop3A_688, %parallel_loop3A_689] {strides = array<i32>} : memref<32x768xf32, #tpu.memory_space<vmem>>, vector<1x16xf32>,
        %parallel_loop3A_691 = vector.shape_cast %parallel_loop3A_690 : vector<1x16xf32> to vector<16xf32>
        %parallel_loop3A_692 = arith.index_cast %parallel_loop3A_85 : i32 to index
        %parallel_loop3A_693 = arith.constant 688 : index
        %parallel_loop3A_694 = tpu.vector_load %arg9[%parallel_loop3A_692, %parallel_loop3A_693] {strides = array<i32>} : memref<77x768xf32, #tpu.memory_space<vmem>>, vector<1x16xf32>,
        %parallel_loop3A_695 = vector.shape_cast %parallel_loop3A_694 : vector<1x16xf32> to vector<16xf32>
        %parallel_loop3A_696 = arith.addf %parallel_loop3A_691, %parallel_loop3A_695 : vector<16xf32>
        %parallel_loop3A_697 = arith.index_cast %parallel_loop3A_82 : i32 to index
        %parallel_loop3A_698 = arith.constant 688 : index
        %parallel_loop3A_699 = tpu.vector_load %arg8[%parallel_loop3A_697, %parallel_loop3A_698] {strides = array<i32>} : memref<32x768xf32, #tpu.memory_space<vmem>>, vector<1x16xf32>,
        %parallel_loop3A_700 = vector.shape_cast %parallel_loop3A_699 : vector<1x16xf32> to vector<16xf32>
        %parallel_loop3A_701 = vector.shape_cast %parallel_loop3A_696 : vector<16xf32> to vector<1x16xf32>
        tpu.vector_store %arg8[%parallel_loop3A_697, %parallel_loop3A_698], %parallel_loop3A_701 {strides = array<i32>} : memref<32x768xf32, #tpu.memory_space<vmem>>, vector<1x16xf32>,
        %parallel_loop3A_702 = arith.index_cast %parallel_loop3A_82 : i32 to index
        %parallel_loop3A_703 = arith.constant 704 : index
        %parallel_loop3A_704 = tpu.vector_load %arg8[%parallel_loop3A_702, %parallel_loop3A_703] {strides = array<i32>} : memref<32x768xf32, #tpu.memory_space<vmem>>, vector<1x16xf32>,
        %parallel_loop3A_705 = vector.shape_cast %parallel_loop3A_704 : vector<1x16xf32> to vector<16xf32>
        %parallel_loop3A_706 = arith.index_cast %parallel_loop3A_85 : i32 to index
        %parallel_loop3A_707 = arith.constant 704 : index
        %parallel_loop3A_708 = tpu.vector_load %arg9[%parallel_loop3A_706, %parallel_loop3A_707] {strides = array<i32>} : memref<77x768xf32, #tpu.memory_space<vmem>>, vector<1x16xf32>,
        %parallel_loop3A_709 = vector.shape_cast %parallel_loop3A_708 : vector<1x16xf32> to vector<16xf32>
        %parallel_loop3A_710 = arith.addf %parallel_loop3A_705, %parallel_loop3A_709 : vector<16xf32>
        %parallel_loop3A_711 = arith.index_cast %parallel_loop3A_82 : i32 to index
        %parallel_loop3A_712 = arith.constant 704 : index
        %parallel_loop3A_713 = tpu.vector_load %arg8[%parallel_loop3A_711, %parallel_loop3A_712] {strides = array<i32>} : memref<32x768xf32, #tpu.memory_space<vmem>>, vector<1x16xf32>,
        %parallel_loop3A_714 = vector.shape_cast %parallel_loop3A_713 : vector<1x16xf32> to vector<16xf32>
        %parallel_loop3A_715 = vector.shape_cast %parallel_loop3A_710 : vector<16xf32> to vector<1x16xf32>
        tpu.vector_store %arg8[%parallel_loop3A_711, %parallel_loop3A_712], %parallel_loop3A_715 {strides = array<i32>} : memref<32x768xf32, #tpu.memory_space<vmem>>, vector<1x16xf32>,
        %parallel_loop3A_716 = arith.index_cast %parallel_loop3A_82 : i32 to index
        %parallel_loop3A_717 = arith.constant 720 : index
        %parallel_loop3A_718 = tpu.vector_load %arg8[%parallel_loop3A_716, %parallel_loop3A_717] {strides = array<i32>} : memref<32x768xf32, #tpu.memory_space<vmem>>, vector<1x16xf32>,
        %parallel_loop3A_719 = vector.shape_cast %parallel_loop3A_718 : vector<1x16xf32> to vector<16xf32>
        %parallel_loop3A_720 = arith.index_cast %parallel_loop3A_85 : i32 to index
        %parallel_loop3A_721 = arith.constant 720 : index
        %parallel_loop3A_722 = tpu.vector_load %arg9[%parallel_loop3A_720, %parallel_loop3A_721] {strides = array<i32>} : memref<77x768xf32, #tpu.memory_space<vmem>>, vector<1x16xf32>,
        %parallel_loop3A_723 = vector.shape_cast %parallel_loop3A_722 : vector<1x16xf32> to vector<16xf32>
        %parallel_loop3A_724 = arith.addf %parallel_loop3A_719, %parallel_loop3A_723 : vector<16xf32>
        %parallel_loop3A_725 = arith.index_cast %parallel_loop3A_82 : i32 to index
        %parallel_loop3A_726 = arith.constant 720 : index
        %parallel_loop3A_727 = tpu.vector_load %arg8[%parallel_loop3A_725, %parallel_loop3A_726] {strides = array<i32>} : memref<32x768xf32, #tpu.memory_space<vmem>>, vector<1x16xf32>,
        %parallel_loop3A_728 = vector.shape_cast %parallel_loop3A_727 : vector<1x16xf32> to vector<16xf32>
        %parallel_loop3A_729 = vector.shape_cast %parallel_loop3A_724 : vector<16xf32> to vector<1x16xf32>
        tpu.vector_store %arg8[%parallel_loop3A_725, %parallel_loop3A_726], %parallel_loop3A_729 {strides = array<i32>} : memref<32x768xf32, #tpu.memory_space<vmem>>, vector<1x16xf32>,
        %parallel_loop3A_730 = arith.index_cast %parallel_loop3A_82 : i32 to index
        %parallel_loop3A_731 = arith.constant 736 : index
        %parallel_loop3A_732 = tpu.vector_load %arg8[%parallel_loop3A_730, %parallel_loop3A_731] {strides = array<i32>} : memref<32x768xf32, #tpu.memory_space<vmem>>, vector<1x16xf32>,
        %parallel_loop3A_733 = vector.shape_cast %parallel_loop3A_732 : vector<1x16xf32> to vector<16xf32>
        %parallel_loop3A_734 = arith.index_cast %parallel_loop3A_85 : i32 to index
        %parallel_loop3A_735 = arith.constant 736 : index
        %parallel_loop3A_736 = tpu.vector_load %arg9[%parallel_loop3A_734, %parallel_loop3A_735] {strides = array<i32>} : memref<77x768xf32, #tpu.memory_space<vmem>>, vector<1x16xf32>,
        %parallel_loop3A_737 = vector.shape_cast %parallel_loop3A_736 : vector<1x16xf32> to vector<16xf32>
        %parallel_loop3A_738 = arith.addf %parallel_loop3A_733, %parallel_loop3A_737 : vector<16xf32>
        %parallel_loop3A_739 = arith.index_cast %parallel_loop3A_82 : i32 to index
        %parallel_loop3A_740 = arith.constant 736 : index
        %parallel_loop3A_741 = tpu.vector_load %arg8[%parallel_loop3A_739, %parallel_loop3A_740] {strides = array<i32>} : memref<32x768xf32, #tpu.memory_space<vmem>>, vector<1x16xf32>,
        %parallel_loop3A_742 = vector.shape_cast %parallel_loop3A_741 : vector<1x16xf32> to vector<16xf32>
        %parallel_loop3A_743 = vector.shape_cast %parallel_loop3A_738 : vector<16xf32> to vector<1x16xf32>
        tpu.vector_store %arg8[%parallel_loop3A_739, %parallel_loop3A_740], %parallel_loop3A_743 {strides = array<i32>} : memref<32x768xf32, #tpu.memory_space<vmem>>, vector<1x16xf32>,
        %parallel_loop3A_744 = arith.index_cast %parallel_loop3A_82 : i32 to index
        %parallel_loop3A_745 = arith.constant 752 : index
        %parallel_loop3A_746 = tpu.vector_load %arg8[%parallel_loop3A_744, %parallel_loop3A_745] {strides = array<i32>} : memref<32x768xf32, #tpu.memory_space<vmem>>, vector<1x16xf32>,
        %parallel_loop3A_747 = vector.shape_cast %parallel_loop3A_746 : vector<1x16xf32> to vector<16xf32>
        %parallel_loop3A_748 = arith.index_cast %parallel_loop3A_85 : i32 to index
        %parallel_loop3A_749 = arith.constant 752 : index
        %parallel_loop3A_750 = tpu.vector_load %arg9[%parallel_loop3A_748, %parallel_loop3A_749] {strides = array<i32>} : memref<77x768xf32, #tpu.memory_space<vmem>>, vector<1x16xf32>,
        %parallel_loop3A_751 = vector.shape_cast %parallel_loop3A_750 : vector<1x16xf32> to vector<16xf32>
        %parallel_loop3A_752 = arith.addf %parallel_loop3A_747, %parallel_loop3A_751 : vector<16xf32>
        %parallel_loop3A_753 = arith.index_cast %parallel_loop3A_82 : i32 to index
        %parallel_loop3A_754 = arith.constant 752 : index
        %parallel_loop3A_755 = tpu.vector_load %arg8[%parallel_loop3A_753, %parallel_loop3A_754] {strides = array<i32>} : memref<32x768xf32, #tpu.memory_space<vmem>>, vector<1x16xf32>,
        %parallel_loop3A_756 = vector.shape_cast %parallel_loop3A_755 : vector<1x16xf32> to vector<16xf32>
        %parallel_loop3A_757 = vector.shape_cast %parallel_loop3A_752 : vector<16xf32> to vector<1x16xf32>
        tpu.vector_store %arg8[%parallel_loop3A_753, %parallel_loop3A_754], %parallel_loop3A_757 {strides = array<i32>} : memref<32x768xf32, #tpu.memory_space<vmem>>, vector<1x16xf32>,
      } {sc.loop_unroll_factor = 2 : i64, sc.parallel_access}
      %mul3A_75 = arith.constant 32 : i32
      %mul3A_76 = arith.muli %add3A_50, %mul3A_75 : i32
      %add3A_77 = arith.addi %mul3A_2, %mul3A_76 : i32
      %dma_start3A_78 = arith.constant 0 : i32
      %dma_start3A_79 = tpu.memref_slice %arg5[%add3A_77, %dma_start3A_78] : memref<315392x768xf32, #tpu.memory_space<hbm>> -> memref<32x768xf32, #tpu.memory_space<hbm>>
      %dma_start3A_80 = arith.constant 0 : i32
      %dma_start3A_81 = tpu.memref_slice %arg5[%add3A_77, %dma_start3A_80] : memref<315392x768xf32, #tpu.memory_space<hbm>> -> memref<32x768xf32, #tpu.memory_space<hbm>>
      tpu.enqueue_dma source(%arg8 : memref<32x768xf32, #tpu.memory_space<vmem>>) target(%dma_start3A_81 : memref<32x768xf32, #tpu.memory_space<hbm>>) target_semaphore(%arg13 : memref<!tpu.dma_semaphore, #tpu.memory_space<semaphore_mem>>)
    }
    %scan3A_10 = arith.constant 154 : i32
    %add3A_11 = arith.constant 9824 : i32
    %add3A_12 = arith.addi %mul3A_2, %add3A_11 : i32
    %dma_wait3A = arith.constant 0 : i32
    %dma_wait3A_13 = tpu.memref_slice %arg5[%add3A_12, %dma_wait3A] : memref<315392x768xf32, #tpu.memory_space<hbm>> -> memref<32x768xf32, #tpu.memory_space<hbm>>
    %dma_wait3A_14 = arith.constant 0 : i32
    %dma_wait3A_15 = tpu.memref_slice %arg5[%add3A_12, %dma_wait3A_14] : memref<315392x768xf32, #tpu.memory_space<hbm>> -> memref<32x768xf32, #tpu.memory_space<hbm>>
    tpu.wait_dma2 semaphore(%arg13 : memref<!tpu.dma_semaphore, #tpu.memory_space<semaphore_mem>>) src(%arg8 : memref<32x768xf32, #tpu.memory_space<vmem>>) dst(%dma_wait3A_15 : memref<32x768xf32, #tpu.memory_space<hbm>>)
    return
  }
}

</mosaic_0001>

<sc_bundles>
// kernel: _embed.3.cloned.1.call-start
scs
__scs_entry_jumppad:
0x0: {  	(pc) =	sbr.rel $0x88, $3  }
0x1: {  	(tag) =	ssettag $0x0;
	lr =	simm.s32 $0x1  }
0x2: {  	[smem:$0x3F9E] =	sst lr;
	_ =	strace $0xD0000000  }
0x3: {  	_ = 	snop  }
0x4: {  	_ = 	snop  }
0x5: {  	_ = 	snop  }
0x6: {  	_ = 	snop  }
0x7: {  	_ = 	snop  }
__scs_overlays_trampoline_lowered:
0x8: {  	[smem:$0x3FAD] =	sst s0  }
0x9: {  	[smem:$0x3FAE] =	sst s1  }
0xa: {  	[smem:$0x3FAF] =	sst s2  }
0xb: {  	[smem:$0x3FB0] =	sst s3  }
0xc: {  	[smem:$0x3FB1] =	sst s4  }
0xd: {  	[smem:$0x3FB2] =	sst s5  }
0xe: {  	[smem:$0x3FB3] =	sst s6  }
0xf: {  	[smem:$0x3FB4] =	sst s7  }
0x10: {  	[smem:$0x3FB5] =	sst s8  }
0x11: {  	[smem:$0x3FB6] =	sst s9;
	s0 =	simm.s32 @!p0 $0x0  }
0x12: {  	s1 =	sld [smem:$0x3F9C];
	s0 =	simm.s32 @p0 $0x1  }
0x13: {  	[smem:$0x3FB7] =	sst s0;
	s0 =	simm.s32 @!p1 $0x0  }
0x14: {  	s2 =	sld [smem:$0x3F9B];
	s0 =	simm.s32 @p1 $0x1  }
0x15: {  	[smem:$0x3FB8] =	sst s0;
	s0 =	simm.s32 @!p2 $0x0  }
0x16: {  	s3 =	sld [smem:$0x3FDB];
	s0 =	simm.s32 @p2 $0x1  }
0x17: {  	s4 =	simm.s32 $0x1BF5;
	[smem:$0x3FBA] =	sst s0  }
0x18: {  	s0 =	sld [smem:$0x3F9D];
	_ =	swait.ge [sflag:s4], $0x0  }
0x19: {  	s7 =	sld [smem:$0x3F9E]  }
0x1a: {  	s8 =	sadd.s32 $0xFFFFE003, lr  }
0x1b: {  	s9 =	sadd.s32 $0xFFFFFEF7, lr;
	s5 =	simm.s32 $0xFFFFFFFF;
	p2 =	slt.u32 s8, $0xFFFFF086  }
0x1c: {  	p1 =	slt.u32 s9, $0xF7A;
	s5 =	simm.s32 @!p2 $0x0  }
0x1d: {  	s5 =	simm.s32 @p1 $0x1;
	p0 =	seq.s32 s7, s2  }
0x1e: {  	s7 =	smul.u32 @!p0 $0xF7A, s2;
	p2 =	seq.s32 @!p0 s5, $0x0  }
0x1f: {  	s9 =	smul.u32 $0xF7A, s1;
	s8 =	simm.s32 @!p0 $0x1BF5;
	p2 =	por !p2, p0  }
0x20: {  	[sflag:s8] =	ssyncset.s32 @!p0 $0xFFFFF086;
	s6 =	sadd.s32 @!p0 s3, s7;
	s7 =	simm.s32 @!p0 $0x108  }
0x21: {  	s3 =	sadd.s32 s3, s9;
	s6 =	sadd.s32 @!p0 $0x88, s6;
	s7 =	simm.s32 @p2 $0x1082  }
0x22: {  	[simem:s7], [sflag:s8] =	dma.local @!p0 [hbm:s6], $0xF7A  }
0x23: {  	s9 =	sor.u32 $0xD0000000, s2;
	s6 =	simm.s32 $0x108;
	_ =	swait.ge @!p0 [sflag:s8], $0x0  }
0x24: {  	s3 =	sadd.s32 $0x88, s3;
	s6 =	simm.s32 @!p1 $0x1082;
	[sflag:s4] =	ssyncset.s32 $0xFFFFF086  }
0x25: {  	[simem:s6], [sflag:s4] =	dma.local [hbm:s3], $0xF7A  }
0x26: {  	[smem:$0x3F9E] =	sst s1;
	(tag) =	ssettag s2;
	_ =	strace s9  }
0x27: {  	s1 =	sld [smem:$0x3FAE]  }
0x28: {  	s2 =	sld [smem:$0x3FAF]  }
0x29: {  	s4 =	sld [smem:$0x3FB1]  }
0x2a: {  	p0 =	seq.s32 s5, $0x0;
	s5 =	sld [smem:$0x3FB2]  }
0x2b: {  	s6 =	sld [smem:$0x3FB3]  }
0x2c: {  	s7 =	sld [smem:$0x3FB4]  }
0x2d: {  	s3 =	simm.s32 $0x108;
	s8 =	sld [smem:$0x3FB5]  }
0x2e: {  	s3 =	simm.s32 @!p0 $0x1082;
	s9 =	sld [smem:$0x3FB6]  }
0x2f: {  	lr =	sadd.s32 s0, s3;
	s0 =	sld [smem:$0x3FAD]  }
0x30: {  	s3 =	sld [smem:$0x3FB0]  }
0x31: {  	[smem:$0x3FB9] =	sst s10  }
0x32: {  	s10 =	sld [smem:$0x3FB7];
	_ =	sdelay $0x3  }
0x33: {  	p0 =	seq.s32 s10, $0x1;
	s10 =	sld [smem:$0x3FB9];
	_ =	sdelay $0x3  }
0x34: {  	[smem:$0x3FB9] =	sst s10  }
0x35: {  	s10 =	sld [smem:$0x3FB8];
	_ =	sdelay $0x3  }
0x36: {  	p1 =	seq.s32 s10, $0x1;
	s10 =	sld [smem:$0x3FB9];
	_ =	sdelay $0x3  }
0x37: {  	[smem:$0x3FB9] =	sst s10  }
0x38: {  	s10 =	sld [smem:$0x3FBA]  }
0x39: {  	_ = 	snop;
	(pc) =	sbr.ind lr, $3  }
0x3a: {  	_ = 	snop  }
0x3b: {  	_ = 	snop  }
0x3c: {  	p2 =	seq.s32 s10, $0x1;
	s10 =	sld [smem:$0x3FB9]  }
0x3d: {  	_ =	shalt  }
0x3e: {  	_ =	shalt  }
0x3f: {  	_ =	shalt  }
0x40: {  	_ =	shalt  }
0x41: {  	_ =	shalt  }
0x42: {  	_ =	shalt  }
0x43: {  	_ =	shalt  }
0x44: {  	_ =	shalt  }
0x45: {  	_ =	shalt  }
0x46: {  	_ =	shalt  }
0x47: {  	_ =	shalt  }
0x48: {  	_ =	shalt  }
0x49: {  	_ =	shalt  }
0x4a: {  	_ =	shalt  }
0x4b: {  	_ =	shalt  }
0x4c: {  	_ =	shalt  }
0x4d: {  	_ =	shalt  }
0x4e: {  	_ =	shalt  }
0x4f: {  	_ =	shalt  }
0x50: {  	_ =	shalt  }
0x51: {  	_ =	shalt  }
0x52: {  	_ =	shalt  }
0x53: {  	_ =	shalt  }
0x54: {  	_ =	shalt  }
0x55: {  	_ =	shalt  }
0x56: {  	_ =	shalt  }
0x57: {  	_ =	shalt  }
0x58: {  	_ =	shalt  }
0x59: {  	_ =	shalt  }
0x5a: {  	_ =	shalt  }
0x5b: {  	_ =	shalt  }
0x5c: {  	_ =	shalt  }
0x5d: {  	_ =	shalt  }
0x5e: {  	_ =	shalt  }
0x5f: {  	_ =	shalt  }
0x60: {  	_ =	shalt  }
0x61: {  	_ =	shalt  }
0x62: {  	_ =	shalt  }
0x63: {  	_ =	shalt  }
0x64: {  	_ =	shalt  }
0x65: {  	_ =	shalt  }
0x66: {  	_ =	shalt  }
0x67: {  	_ =	shalt  }
0x68: {  	_ =	shalt  }
0x69: {  	_ =	shalt  }
0x6a: {  	_ =	shalt  }
0x6b: {  	_ =	shalt  }
0x6c: {  	_ =	shalt  }
0x6d: {  	_ =	shalt  }
0x6e: {  	_ =	shalt  }
0x6f: {  	_ =	shalt  }
0x70: {  	_ =	shalt  }
0x71: {  	_ =	shalt  }
0x72: {  	_ =	shalt  }
0x73: {  	_ =	shalt  }
0x74: {  	_ =	shalt  }
0x75: {  	_ =	shalt  }
0x76: {  	_ =	shalt  }
0x77: {  	_ =	shalt  }
0x78: {  	_ =	shalt  }
0x79: {  	_ =	shalt  }
0x7a: {  	_ =	shalt  }
0x7b: {  	_ =	shalt  }
0x7c: {  	_ =	shalt  }
0x7d: {  	_ =	shalt  }
0x7e: {  	_ =	shalt  }
0x7f: {  	_ =	shalt  }
0x80: {  	_ =	shalt  }
0x81: {  	_ =	shalt  }
0x82: {  	_ =	shalt  }
0x83: {  	_ =	shalt  }
0x84: {  	_ =	shalt  }
0x85: {  	_ =	shalt  }
0x86: {  	_ =	shalt  }
0x87: {  	_ =	shalt  }
.Lfunc_end0:
.L_simem_size_0:
called_computation_lowered:
.L_overlay_start_0:
0x88: {  	s2 =	sld [smem:$0x3FD9]  }
0x89: {  	s3 =	sld [smem:$0x3FFE];
	_ =	sdelay $0x1  }
0x8a: {  	s1 =	srdreg.scid  }
0x8b: {  	s0 =	sand.u32 $0x1, s1  }
0x8c: {  	s18 =	sshll.u32 s0, $0xA;
	s2 =	sadd.s32 s3, s2  }
0x8d: {  	s2 =	sadd.s32 s2, s18  }
0x8e: {  	[smem:$0x3FC5] =	sst s2  }
0x8f: {  	_ = 	snop  }
0x90: {  	s2 =	sld [smem:$0x3FC9]  }
0x91: {  	s19 =	sld [smem:$0x3FC8]  }
0x92: {  	s4 =	sld [smem:$0x3FC7]  }
0x93: {  	s5 =	sld [smem:$0x3FD0];
	(tm) =	ssettm $0x1  }
0x94: {  	s6 =	sld [smem:$0x3FFB];
	_ =	sdelay $0x3  }
0x95: {  	_ =	strace s6  }
0x96: {  	s6 =	sld [smem:$0x3FFC];
	_ =	sdelay $0x3  }
0x97: {  	_ =	strace s6  }
0x98: {  	s6 =	sld [smem:$0x3FFD];
	_ =	sdelay $0x3  }
0x99: {  	_ =	strace s6  }
0x9a: {  	_ =	strace $0x8FFFFFFF  }
0x9b: {  	s20 =	sld [smem:$0x3FDB];
	_ =	sdelay $0x1  }
0x9c: {  	s7 =	simm.s32 $_scs_section_size  }
0x9d: {  	s8 =	simm.s32 $_size__tile_overlayer_lowered;
	s9 =	simm.s32 $_tile_overlayer_lowered  }
0x9e: {  	s23 =	simm.s32 $0x1BFF;
	s22 =	sshll.u32 s9, $0x1;
	s6 =	sadd.s32 s7, s20  }
0x9f: {  	s10 =	simm.s32 $0x0;
	s21 =	sshll.u32 s8, $0x1;
	s8 =	sadd.s32 s22, s6  }
0xa0: {  	[timem:s10], [sflag:s23] =	dma.local [hbm:s8], s21  }
0xa1: {  	_ =	swait.ge [sflag:s23], s21  }
0xa2: {  	s7 =	ssub.s32 $0x0, s21;
	[sflag:s23] =	ssyncset.done $0x0  }
0xa3: {  	[sflag:s23] =	ssyncadd.s32 s7;
	_ =	sdelay $0x1  }
0xa4: {  	s24 =	simm.s32 $0x1B8B  }
0xa5: {  	_ =	swait.ge [sflag:s24], $0x1  }
0xa6: {  	[sflag:s24] =	ssyncset.done $0x0  }
0xa7: {  	s25 =	simm.s32 $0x1B8E;
	[sflag:s24] =	ssyncadd.s32 $0xFFFFFFFF  }
0xa8: {  	s26 =	simm.s32 $execute0_lowered;
	[smem:$0x3FD2] =	sst s25  }
0xa9: {  	s7 =	sshll.u32 s26, $0x1;
	_ =	strace $0x80000046;
	[dreg:$0x1] =	wrdreg $0xFFFFFFFF  }
0xaa: {  	s28 =	simm.s32 $_size_execute0_lowered;
	s6 =	sadd.s32 s6, s7;
	[dreg:$0x0] =	wrdreg $0x0  }
0xab: {  	s7 =	sshll.u32 s28, $0x1;
	[dreg:$0x2] =	wrdreg s6  }
0xac: {  	[dreg:$0x3] =	wrdreg s7  }
0xad: {  	[dreg:$0x4] =	wrdreg $0xC0  }
0xae: {  	_ =	task [dreg:s10], $0x5FFFF  }
0xaf: {  	[dreg:$0x1] =	wrdreg $0xFFFFFFFF  }
0xb0: {  	[dreg:$0x0] =	wrdreg $0x60  }
0xb1: {  	[dreg:$0x2] =	wrdreg s2  }
0xb2: {  	[dreg:$0x3] =	wrdreg s19  }
0xb3: {  	[dreg:$0x4] =	wrdreg s4  }
0xb4: {  	[dreg:$0x5] =	wrdreg s5  }
0xb5: {  	[dreg:$0x6] =	wrdreg $0x9  }
0xb6: {  	_ =	task.clear_ibuf [dreg:s10], $0x7FFFF;
	_ =	strace $0x90000046  }
0xb7: {  	s29 =	simm.s32 $0x9;
	_ =	strace $0x80000048  }
0xb8: {  	_ =	swait.ge [sflag:s29], $0x1  }
0xb9: {  	[sflag:s29] =	ssyncadd.s32 $0xFFFFFFFF  }
0xba: {  	_ =	strace $0x90000048  }
0xbb: {  	_ =	sfence  }
0xbc: {  	s30 =	sld [smem:$0x0];
	_ =	sdelay $0x2  }
0xbd: {  	s31 =	sshll.u32 s1, $0xD;
	s1 =	sshrl.u32 s1, $0x2  }
0xbe: {  	s3 =	sand.u32 $0x4000, s31;
	s1 =	sadd.s32 s1, s30  }
0xbf: {  	s0 =	sor.u32 s3, s0;
	s1 =	sshll.u32 s1, $0x11  }
0xc0: {  	s0 =	sor.u32 s1, s0  }
0xc1: {  	s0 =	sadd.s32 $0x8F2B, s0  }
0xc2: {  	[sflag:s0] =	ssyncadd.remote.s32 $0x1  }
0xc3: {  	_ =	sfence.sel $0xFFFF  }
0xc4: {  	[dreg:$0x0] =	wrdreg $0xFFFFFFFF;
	(pc) =	sbr.abs _section_cstart, $3  }
0xc5: {  	[dreg:$0x1] =	wrdreg $0xFFFFFFFF  }
0xc6: {  	_ =	task.clear_ibuf [dreg:s10], $0x2FFFF;
	_ =	strace $0x9FFFFFFF  }
0xc7: {  	(tm) =	ssettm $0x7FFFFFFF  }
tec
execute0_lowered:
.L_overlay_start_1:
0x0: {  	(tag) =	ssettag $0x1  }
0x1: {  	s0 =	rddreg [dreg:$0x0]  }
0x2: {  	s7 =	rddreg [dreg:$0x1]  }
0x3: {  	s1 =	srdreg.scid;
	s6 =	stileid.u32;
	s3 =	simm.s32 $0x0  }
0x4: {  	s1 =	sand.u32 $0x1, s1;
	s2 =	sshll.u32 s6, $0x1;
	[smem:$0x7FF] =	sst s3  }
0x5: {  	s4 =	smul.u32 $0x4D00, s6;
	s24 =	sadd.s32 $0x100, s7;
	s26 =	sadd.s32 $0x200, s7  }
0x6: {  	s2 =	sor.u32 s1, s2;
	s20 =	ssub.s32 $0x2, s1;
	s23 =	smul.u32 $0x2680, s1  }
0x7: {  	_ =	strace $0x80000047;
	[dreg:$0xf] =	wrdreg s24;
	s5 =	smul.u32 $0x2680, s2  }
0x8: {  	[dreg:$0x10] =	wrdreg s26;
	s21 =	sshrl.u32 s20, $0x1  }
0x9: {  	s2 =	ssub.s32 s20, s21;
	s28 =	sadd.s32 s23, s4;
	[dreg:$0xd] =	wrdreg s5  }
0xa: {  	s2 =	smax.u32 s2, $0x1;
	[dreg:$0x11] =	wrdreg s28  }
0xb: {  	s29 =	sor.u32 $0x1, s28;
	[dreg:$0x12] =	wrdreg s2  }
0xc: {  	s4 =	sor.u32 $0x21, s28;
	[dreg:$0x13] =	wrdreg s29  }
0xd: {  	s22 =	sshrl.u32 s5, $0x3;
	s31 =	sor.u32 $0x20, s28;
	[dreg:$0x14] =	wrdreg s4  }
0xe: {  	s25 =	smul.u32 $0x268000, s6;
	s0 =	sadd.s32 s0, s22;
	[dreg:$0x18] =	wrdreg s31  }
0xf: {  	s1 =	smul.u32 $0x134000, s1;
	s2 =	sshll.u32 s29, $0x7;
	[dreg:$0xe] =	wrdreg s0  }
0x10: {  	s30 =	sshll.u32 s4, $0x7;
	[dreg:$0x15] =	wrdreg s2  }
0x11: {  	v2 =	vlaneseq.u32;
	s0 =	sadd.s32 s1, s25;
	[dreg:$0x17] =	wrdreg s30  }
0x12: {  	vm0 =	vmmov $0xffff;
	v1 =	vshrl.u32 v2, $0x3;
	[dreg:$0x16] =	wrdreg s0;
	s0 =	sor.u32 $0x1000, s0  }
0x13: {  	v0 =	vand.u32 $0x7, v2;
	v2 =	vor.u32 $0x8, v2;
	v1 =	vmul.u32 $0x8, v1;
	s5 =	simm.s32 $0x8680;
	s2 =	simm.s32 $0x0;
	[dreg:$0x19] =	wrdreg s0  }
.LBB2_1:
0x14: {  	[dreg:$0x1a] =	wrdreg s2  }
0x15: {  	s0 =	rddreg [dreg:$0x2]  }
0x16: {  	s1 =	simm.s32 $0x0;
	s10 =	simm.s32 $0xE680;
	s11 =	simm.s32 $0x5  }
0x17: {  	[tilespmem:s10], [sflag:$0x5] =	stream.linear.gather [hbm4b:s0+s1], $0xF000, $0x38;
	[tilespmem:$0x1D680] =	vst v63  }
0x18: {  	_ =	swait.ge [sflag:s11], $0xF000  }
0x19: {  	[sflag:s11] =	ssyncset.done $0x0  }
0x1a: {  	s12 =	rddreg [dreg:$0xe];
	[sflag:s11] =	ssyncadd.s32 $0xFFFF1000  }
0x1b: {  	[tilespmem:s1], [sflag:$0x5] =	stream.linear.gather [hbm4b:s12+s1], $0x2680, $0x38;
	[tilespmem:$0x1D680] =	vst v63  }
0x1c: {  	_ =	swait.ge [sflag:s11], $0x2680  }
0x1d: {  	[sflag:s11] =	ssyncset.done $0x0  }
0x1e: {  	[sflag:s11] =	ssyncadd.s32 $0xFFFFD980  }
0x1f: {  	v3 =	vld [tilespmem:$0x0];
	_ =	sdelay $0x4  }
0x20: {  	v4 =	vshrl.u32 v3, $0x3  }
0x21: {  	v4 =	vmul.u32 $0x30, v4  }
0x22: {  	v3 =	vand.u32 $0x7, v3  }
0x23: {  	v3 =	vor.u32 v3, v4  }
0x24: {  	v4 =	vperm.xlane v3, v0;
	_ =	sdelay $0x1  }
0x25: {  	v4 =	vadd.s32 v1, v4;
	_ =	sdelay $0x3  }
0x26: {  	s14 =	simm.s32 $0x2680;
	s13 =	rddreg [dreg:$0x1];
	v3 =	vperm.xlane v3, v2  }
0x27: {  	[tilespmem:s14], [sflag:$0x1] =	stream.indirect_vreg.gather [hbm4b:s13+s1], $0x80, v4, vm0, $0xb8;
	[tilespmem:$0x1D680] =	vst v63  }
0x28: {  	s3 =	simm.s32 $0x2E80;
	s15 =	rddreg [dreg:$0xf];
	v3 =	vadd.s32 v1, v3  }
0x29: {  	[tilespmem:s3], [sflag:$0x1] =	stream.indirect_vreg.gather [hbm4b:s15+s1], $0x80, v4, vm0, $0xb8;
	[tilespmem:$0x1D680] =	vst v63  }
0x2a: {  	s4 =	simm.s32 $0x3680;
	s16 =	rddreg [dreg:$0x10]  }
0x2b: {  	[tilespmem:s4], [sflag:$0x1] =	stream.indirect_vreg.gather [hbm4b:s16+s1], $0x80, v4, vm0, $0xb8;
	[tilespmem:$0x1D680] =	vst v63  }
0x2c: {  	s17 =	simm.s32 $0x3E80  }
0x2d: {  	[tilespmem:s17], [sflag:$0x1] =	stream.indirect_vreg.gather [hbm4b:s13+s1], $0x80, v3, vm0, $0xb8;
	[tilespmem:$0x1D680] =	vst v63  }
0x2e: {  	s18 =	simm.s32 $0x4680  }
0x2f: {  	[tilespmem:s18], [sflag:$0x1] =	stream.indirect_vreg.gather [hbm4b:s15+s1], $0x80, v3, vm0, $0xb8;
	[tilespmem:$0x1D680] =	vst v63  }
0x30: {  	s19 =	simm.s32 $0x4E80  }
0x31: {  	[tilespmem:s19], [sflag:$0x1] =	stream.indirect_vreg.gather [hbm4b:s16+s1], $0x80, v3, vm0, $0xb8;
	[tilespmem:$0x1D680] =	vst v63  }
0x32: {  	v3 =	vld [tilespmem:$0x10];
	_ =	sdelay $0x4  }
0x33: {  	v63 =	vshrl.u32 v3, $0x3  }
0x34: {  	v4 =	vmul.u32 $0x30, v63  }
0x35: {  	v3 =	vand.u32 $0x7, v3  }
0x36: {  	v3 =	vor.u32 v3, v4  }
0x37: {  	s31 =	rddreg [dreg:$0x19];
	v4 =	vperm.xlane v3, v0  }
0x38: {  	s26 =	rddreg [dreg:$0x18]  }
0x39: {  	s28 =	rddreg [dreg:$0x17];
	v4 =	vadd.s32 v1, v4  }
0x3a: {  	s29 =	rddreg [dreg:$0x14]  }
0x3b: {  	s9 =	rddreg [dreg:$0x13]  }
0x3c: {  	s30 =	rddreg [dreg:$0x11]  }
0x3d: {  	s20 =	simm.s32 $0x5680;
	[dreg:$0x1b] =	wrdreg s26;
	v3 =	vperm.xlane v3, v2  }
0x3e: {  	[tilespmem:s20], [sflag:$0x1] =	stream.indirect_vreg.gather [hbm4b:s13+s1], $0x80, v4, vm0, $0xb8;
	[tilespmem:$0x1D680] =	vst v63  }
0x3f: {  	s21 =	simm.s32 $0x5E80;
	[dreg:$0x1c] =	wrdreg s28;
	v3 =	vadd.s32 v1, v3  }
0x40: {  	[tilespmem:s21], [sflag:$0x1] =	stream.indirect_vreg.gather [hbm4b:s15+s1], $0x80, v4, vm0, $0xb8;
	[tilespmem:$0x1D680] =	vst v63  }
0x41: {  	s22 =	simm.s32 $0x6680;
	[dreg:$0x1d] =	wrdreg s29  }
0x42: {  	[tilespmem:s22], [sflag:$0x1] =	stream.indirect_vreg.gather [hbm4b:s16+s1], $0x80, v4, vm0, $0xb8;
	[tilespmem:$0x1D680] =	vst v63  }
0x43: {  	s23 =	simm.s32 $0x6E80;
	[dreg:$0x6] =	wrdreg s30  }
0x44: {  	[tilespmem:s23], [sflag:$0x1] =	stream.indirect_vreg.gather [hbm4b:s13+s1], $0x80, v3, vm0, $0xb8;
	[tilespmem:$0x1D680] =	vst v63  }
0x45: {  	s24 =	simm.s32 $0x7680;
	s22 =	rddreg [dreg:$0x16]  }
0x46: {  	[tilespmem:s24], [sflag:$0x1] =	stream.indirect_vreg.gather [hbm4b:s15+s1], $0x80, v3, vm0, $0xb8;
	[tilespmem:$0x1D680] =	vst v63  }
0x47: {  	s25 =	simm.s32 $0x7E80;
	s20 =	simm.s32 $0x0;
	s13 =	rddreg [dreg:$0x15]  }
0x48: {  	[tilespmem:s25], [sflag:$0x1] =	stream.indirect_vreg.gather [hbm4b:s16+s1], $0x80, v3, vm0, $0xb8;
	[tilespmem:$0x1D680] =	vst v63  }
.LBB2_2:
0x49: {  	[dreg:$0x5] =	wrdreg s31;
	s1 =	simm.s32 $0x1  }
0x4a: {  	_ =	swait.ge [sflag:s1], $0x6000  }
0x4b: {  	p0 =	seq.s32 s20, $0x0;
	[sflag:s1] =	ssyncset.done $0x0  }
0x4c: {  	s0 =	sshll.u32 s20, $0x1;
	[sflag:s1] =	ssyncadd.s32 $0xFFFFA000;
	s1 =	simm.s32 @!p0 $0x4  }
0x4d: {  	s0 =	sor.u32 $0x1, s0;
	_ =	swait.ge @!p0 [sflag:s1], $0x6000  }
0x4e: {  	s0 =	sshll.u32 s0, $0x5;
	[sflag:s1] =	ssyncset.done @!p0 $0x0  }
0x4f: {  	[smem:$0x7FB] =	sst s0;
	s0 =	sand.u32 $0x3FFFFFE0, s0;
	[sflag:s1] =	ssyncadd.s32 @!p0 $0xFFFFA000  }
0x50: {  	v3 =	vld [tilespmem:s0+$0x0];
	_ =	sdelay $0x4  }
0x51: {  	v4 =	vshrl.u32 v3, $0x3  }
0x52: {  	v4 =	vmul.u32 $0x30, v4  }
0x53: {  	v3 =	vand.u32 $0x7, v3  }
0x54: {  	v3 =	vor.u32 v3, v4  }
0x55: {  	v4 =	vperm.xlane v3, v0;
	_ =	sdelay $0x1  }
0x56: {  	v4 =	vadd.s32 v1, v4;
	_ =	sdelay $0x3  }
0x57: {  	s3 =	simm.s32 $0x0;
	s1 =	rddreg [dreg:$0x1];
	v3 =	vperm.xlane v3, v2  }
0x58: {  	[tilespmem:s5], [sflag:$0x2] =	stream.indirect_vreg.gather [hbm4b:s1+s3], $0x80, v4, vm0, $0xb8;
	[tilespmem:$0x1D680] =	vst v63  }
0x59: {  	s4 =	simm.s32 $0x8E80;
	s2 =	rddreg [dreg:$0xf];
	v3 =	vadd.s32 v1, v3  }
0x5a: {  	[tilespmem:s4], [sflag:$0x2] =	stream.indirect_vreg.gather [hbm4b:s2+s3], $0x80, v4, vm0, $0xb8;
	[tilespmem:$0x1D680] =	vst v63  }
0x5b: {  	s6 =	simm.s32 $0x9680;
	s26 =	rddreg [dreg:$0x10]  }
0x5c: {  	[tilespmem:s6], [sflag:$0x2] =	stream.indirect_vreg.gather [hbm4b:s26+s3], $0x80, v4, vm0, $0xb8;
	[tilespmem:$0x1D680] =	vst v63  }
0x5d: {  	s7 =	simm.s32 $0x9E80  }
0x5e: {  	[tilespmem:s7], [sflag:$0x2] =	stream.indirect_vreg.gather [hbm4b:s1+s3], $0x80, v3, vm0, $0xb8;
	[tilespmem:$0x1D680] =	vst v63  }
0x5f: {  	s8 =	simm.s32 $0xA680  }
0x60: {  	[tilespmem:s8], [sflag:$0x2] =	stream.indirect_vreg.gather [hbm4b:s2+s3], $0x80, v3, vm0, $0xb8;
	[tilespmem:$0x1D680] =	vst v63  }
0x61: {  	s10 =	simm.s32 $0xAE80  }
0x62: {  	[tilespmem:s10], [sflag:$0x2] =	stream.indirect_vreg.gather [hbm4b:s26+s3], $0x80, v3, vm0, $0xb8;
	[tilespmem:$0x1D680] =	vst v63  }
0x63: {  	v3 =	vld [tilespmem:s0+$0x10];
	_ =	sdelay $0x4  }
0x64: {  	v4 =	vshrl.u32 v3, $0x3  }
0x65: {  	v4 =	vmul.u32 $0x30, v4  }
0x66: {  	v3 =	vand.u32 $0x7, v3  }
0x67: {  	v3 =	vor.u32 v3, v4  }
0x68: {  	v4 =	vperm.xlane v3, v0;
	_ =	sdelay $0x1  }
0x69: {  	v4 =	vadd.s32 v1, v4;
	_ =	sdelay $0x3  }
0x6a: {  	s11 =	simm.s32 $0xB680;
	v3 =	vperm.xlane v3, v2  }
0x6b: {  	[tilespmem:s11], [sflag:$0x2] =	stream.indirect_vreg.gather [hbm4b:s1+s3], $0x80, v4, vm0, $0xb8;
	[tilespmem:$0x1D680] =	vst v63  }
0x6c: {  	s12 =	simm.s32 $0xBE80;
	v3 =	vadd.s32 v1, v3  }
0x6d: {  	[tilespmem:s12], [sflag:$0x2] =	stream.indirect_vreg.gather [hbm4b:s2+s3], $0x80, v4, vm0, $0xb8;
	[tilespmem:$0x1D680] =	vst v63  }
0x6e: {  	s14 =	simm.s32 $0xC680;
	s16 =	smulhi.u32 $0x3531DEC1, s9  }
0x6f: {  	[tilespmem:s14], [sflag:$0x2] =	stream.indirect_vreg.gather [hbm4b:s26+s3], $0x80, v4, vm0, $0xb8;
	[tilespmem:$0x1D680] =	vst v63  }
0x70: {  	s15 =	simm.s32 $0xCE80;
	s0 =	sshrl.u32 s16, $0x4  }
0x71: {  	[tilespmem:s15], [sflag:$0x2] =	stream.indirect_vreg.gather [hbm4b:s1+s3], $0x80, v3, vm0, $0xb8;
	[tilespmem:$0x1D680] =	vst v63  }
0x72: {  	s17 =	simm.s32 $0xD680;
	s19 =	smul.u32 $0x4D, s0  }
0x73: {  	[tilespmem:s17], [sflag:$0x2] =	stream.indirect_vreg.gather [hbm4b:s2+s3], $0x80, v3, vm0, $0xb8;
	[tilespmem:$0x1D680] =	vst v63  }
0x74: {  	s17 =	rddreg [dreg:$0x6]  }
0x75: {  	s21 =	simm.s32 $0xDE80;
	s18 =	smulhi.u32 $0x3531DEC1, s17;
	s24 =	ssub.s32 s17, s19  }
0x76: {  	[tilespmem:s21], [sflag:$0x2] =	stream.indirect_vreg.gather [hbm4b:s26+s3], $0x80, v3, vm0, $0xb8;
	[tilespmem:$0x1D680] =	vst v63  }
0x77: {  	s25 =	simm.s32 $0x0;
	s0 =	smul.u32 $0x2680, s0;
	s1 =	sadd.s32 $0xFFFFFFFE, s24  }
0x78: {  	s2 =	smul.u32 $0x6000, s25;
	s23 =	sshrl.u32 s18, $0x4;
	s1 =	sadd.s32 $0x3, s1  }
0x79: {  	s0 =	ssub.s32 s13, s0;
	s6 =	smul.u32 $0x4D, s23;
	s1 =	sshrl.u32 s1, $0x3  }
0x7a: {  	s2 =	sshra.s32 s2, $0x2;
	s26 =	simm.s32 $0x80;
	s7 =	smul.u32 $0x6000, s1  }
0x7b: {  	s0 =	sand.u32 $0x380, s0;
	s8 =	sadd.s32 $0x2680, s2;
	s4 =	sand.u32 $0x380, s26  }
0x7c: {  	s10 =	sadd.s32 s4, s8;
	s6 =	ssub.s32 s17, s6;
	s7 =	sshra.s32 s7, $0x2  }
0x7d: {  	s11 =	smul.u32 $0x2680, s23;
	v3 =	vld [tilespmem:s10+$0x0];
	s12 =	sadd.s32 $0x0, s6;
	s21 =	sor.u32 s0, s7  }
0x7e: {  	s5 =	sshrl.u32 s12, $0x3;
	v4 =	vld [tilespmem:s21+$0xE680]  }
0x7f: {  	s0 =	ssub.s32 s22, s11;
	s5 =	smul.u32 $0x6000, s5  }
0x80: {  	s14 =	sadd.s32 $0x0, s0;
	s0 =	sand.u32 $0x300, s3  }
0x81: {  	s6 =	sand.u32 $0x380, s14;
	s3 =	sadd.s32 s0, s8;
	s5 =	sshra.s32 s5, $0x2  }
0x82: {  	v5 =	vld [tilespmem:s3+$0x0];
	s23 =	sor.u32 s6, s5  }
0x83: {  	v3 =	vadd.f32 v4, v3;
	v4 =	vld [tilespmem:s23+$0xE680];
	_ =	sdelay $0x1  }
0x84: {  	[tilespmem:s10+$0x0] =	vst v3;
	v3 =	vld [tilespmem:s10+$0x10]  }
0x85: {  	v6 =	vld [tilespmem:s21+$0xE690];
	_ =	sdelay $0x1  }
0x86: {  	v4 =	vadd.f32 v4, v5;
	_ =	sdelay $0x1  }
0x87: {  	v5 =	vld [tilespmem:s3+$0x10];
	[tilespmem:s3+$0x0] =	vst v4  }
0x88: {  	v3 =	vadd.f32 v6, v3;
	v4 =	vld [tilespmem:s23+$0xE690];
	_ =	sdelay $0x1  }
0x89: {  	[tilespmem:s10+$0x10] =	vst v3;
	v3 =	vld [tilespmem:s10+$0x20]  }
0x8a: {  	v6 =	vld [tilespmem:s21+$0xE6A0];
	_ =	sdelay $0x1  }
0x8b: {  	v4 =	vadd.f32 v4, v5;
	_ =	sdelay $0x1  }
0x8c: {  	v5 =	vld [tilespmem:s3+$0x20];
	[tilespmem:s3+$0x10] =	vst v4  }
0x8d: {  	v3 =	vadd.f32 v6, v3;
	v4 =	vld [tilespmem:s23+$0xE6A0];
	_ =	sdelay $0x1  }
0x8e: {  	[tilespmem:s10+$0x20] =	vst v3;
	v3 =	vld [tilespmem:s10+$0x30]  }
0x8f: {  	v6 =	vld [tilespmem:s21+$0xE6B0];
	_ =	sdelay $0x1  }
0x90: {  	v4 =	vadd.f32 v4, v5;
	_ =	sdelay $0x1  }
0x91: {  	v5 =	vld [tilespmem:s3+$0x30];
	[tilespmem:s3+$0x20] =	vst v4  }
0x92: {  	v3 =	vadd.f32 v6, v3;
	v4 =	vld [tilespmem:s23+$0xE6B0];
	_ =	sdelay $0x1  }
0x93: {  	[tilespmem:s10+$0x30] =	vst v3;
	v3 =	vld [tilespmem:s10+$0x40]  }
0x94: {  	v6 =	vld [tilespmem:s21+$0xE6C0];
	_ =	sdelay $0x1  }
0x95: {  	v4 =	vadd.f32 v4, v5;
	_ =	sdelay $0x1  }
0x96: {  	v5 =	vld [tilespmem:s3+$0x40];
	[tilespmem:s3+$0x30] =	vst v4  }
0x97: {  	v3 =	vadd.f32 v6, v3;
	v4 =	vld [tilespmem:s23+$0xE6C0];
	_ =	sdelay $0x1  }
0x98: {  	[tilespmem:s10+$0x40] =	vst v3;
	v3 =	vld [tilespmem:s10+$0x50]  }
0x99: {  	v6 =	vld [tilespmem:s21+$0xE6D0];
	_ =	sdelay $0x1  }
0x9a: {  	v4 =	vadd.f32 v4, v5;
	_ =	sdelay $0x1  }
0x9b: {  	v5 =	vld [tilespmem:s3+$0x50];
	[tilespmem:s3+$0x40] =	vst v4  }
0x9c: {  	v3 =	vadd.f32 v6, v3;
	v4 =	vld [tilespmem:s23+$0xE6D0];
	_ =	sdelay $0x1  }
0x9d: {  	[tilespmem:s10+$0x50] =	vst v3;
	v3 =	vld [tilespmem:s10+$0x60]  }
0x9e: {  	v6 =	vld [tilespmem:s21+$0xE6E0];
	_ =	sdelay $0x1  }
0x9f: {  	v4 =	vadd.f32 v4, v5;
	_ =	sdelay $0x1  }
0xa0: {  	v5 =	vld [tilespmem:s3+$0x60];
	[tilespmem:s3+$0x50] =	vst v4  }
0xa1: {  	v3 =	vadd.f32 v6, v3;
	v4 =	vld [tilespmem:s23+$0xE6E0];
	_ =	sdelay $0x1  }
0xa2: {  	[tilespmem:s10+$0x60] =	vst v3;
	v3 =	vld [tilespmem:s10+$0x70]  }
0xa3: {  	v6 =	vld [tilespmem:s21+$0xE6F0];
	_ =	sdelay $0x1  }
0xa4: {  	v4 =	vadd.f32 v4, v5;
	_ =	sdelay $0x1  }
0xa5: {  	v5 =	vld [tilespmem:s3+$0x70];
	[tilespmem:s3+$0x60] =	vst v4  }
0xa6: {  	v3 =	vadd.f32 v6, v3;
	v4 =	vld [tilespmem:s23+$0xE6F0];
	_ =	sdelay $0x1  }
0xa7: {  	[tilespmem:s10+$0x70] =	vst v3;
	v3 =	vld [tilespmem:s10+$0x400]  }
0xa8: {  	v6 =	vld [tilespmem:s21+$0xEA80];
	_ =	sdelay $0x1  }
0xa9: {  	v4 =	vadd.f32 v4, v5;
	_ =	sdelay $0x1  }
0xaa: {  	v5 =	vld [tilespmem:s3+$0x400];
	[tilespmem:s3+$0x70] =	vst v4  }
0xab: {  	v3 =	vadd.f32 v6, v3;
	v4 =	vld [tilespmem:s23+$0xEA80];
	_ =	sdelay $0x1  }
0xac: {  	[tilespmem:s10+$0x400] =	vst v3;
	v3 =	vld [tilespmem:s10+$0x410]  }
0xad: {  	v6 =	vld [tilespmem:s21+$0xEA90];
	_ =	sdelay $0x1  }
0xae: {  	v4 =	vadd.f32 v4, v5;
	_ =	sdelay $0x1  }
0xaf: {  	v5 =	vld [tilespmem:s3+$0x410];
	[tilespmem:s3+$0x400] =	vst v4  }
0xb0: {  	v3 =	vadd.f32 v6, v3;
	v4 =	vld [tilespmem:s23+$0xEA90];
	_ =	sdelay $0x1  }
0xb1: {  	[tilespmem:s10+$0x410] =	vst v3;
	v3 =	vld [tilespmem:s10+$0x420]  }
0xb2: {  	v6 =	vld [tilespmem:s21+$0xEAA0];
	_ =	sdelay $0x1  }
0xb3: {  	v4 =	vadd.f32 v4, v5;
	_ =	sdelay $0x1  }
0xb4: {  	v5 =	vld [tilespmem:s3+$0x420];
	[tilespmem:s3+$0x410] =	vst v4  }
0xb5: {  	v3 =	vadd.f32 v6, v3;
	v4 =	vld [tilespmem:s23+$0xEAA0];
	_ =	sdelay $0x1  }
0xb6: {  	[tilespmem:s10+$0x420] =	vst v3;
	v3 =	vld [tilespmem:s10+$0x430]  }
0xb7: {  	v6 =	vld [tilespmem:s21+$0xEAB0];
	_ =	sdelay $0x1  }
0xb8: {  	v4 =	vadd.f32 v4, v5;
	_ =	sdelay $0x1  }
0xb9: {  	v5 =	vld [tilespmem:s3+$0x430];
	[tilespmem:s3+$0x420] =	vst v4  }
0xba: {  	v3 =	vadd.f32 v6, v3;
	v4 =	vld [tilespmem:s23+$0xEAB0];
	_ =	sdelay $0x1  }
0xbb: {  	[tilespmem:s10+$0x430] =	vst v3;
	v3 =	vld [tilespmem:s10+$0x440]  }
0xbc: {  	v6 =	vld [tilespmem:s21+$0xEAC0];
	_ =	sdelay $0x1  }
0xbd: {  	v4 =	vadd.f32 v4, v5;
	_ =	sdelay $0x1  }
0xbe: {  	v5 =	vld [tilespmem:s3+$0x440];
	[tilespmem:s3+$0x430] =	vst v4  }
0xbf: {  	v3 =	vadd.f32 v6, v3;
	v4 =	vld [tilespmem:s23+$0xEAC0];
	_ =	sdelay $0x1  }
0xc0: {  	[tilespmem:s10+$0x440] =	vst v3;
	v3 =	vld [tilespmem:s10+$0x450]  }
0xc1: {  	v6 =	vld [tilespmem:s21+$0xEAD0];
	_ =	sdelay $0x1  }
0xc2: {  	v4 =	vadd.f32 v4, v5;
	_ =	sdelay $0x1  }
0xc3: {  	v5 =	vld [tilespmem:s3+$0x450];
	[tilespmem:s3+$0x440] =	vst v4  }
0xc4: {  	v3 =	vadd.f32 v6, v3;
	v4 =	vld [tilespmem:s23+$0xEAD0];
	_ =	sdelay $0x1  }
0xc5: {  	[tilespmem:s10+$0x450] =	vst v3;
	v3 =	vld [tilespmem:s10+$0x460]  }
0xc6: {  	v6 =	vld [tilespmem:s21+$0xEAE0];
	_ =	sdelay $0x1  }
0xc7: {  	v4 =	vadd.f32 v4, v5;
	_ =	sdelay $0x1  }
0xc8: {  	v5 =	vld [tilespmem:s3+$0x460];
	[tilespmem:s3+$0x450] =	vst v4  }
0xc9: {  	v3 =	vadd.f32 v6, v3;
	v4 =	vld [tilespmem:s23+$0xEAE0];
	_ =	sdelay $0x1  }
0xca: {  	[tilespmem:s10+$0x460] =	vst v3;
	v3 =	vld [tilespmem:s10+$0x470]  }
0xcb: {  	v6 =	vld [tilespmem:s21+$0xEAF0];
	_ =	sdelay $0x1  }
0xcc: {  	v4 =	vadd.f32 v4, v5;
	_ =	sdelay $0x1  }
0xcd: {  	v5 =	vld [tilespmem:s3+$0x470];
	[tilespmem:s3+$0x460] =	vst v4  }
0xce: {  	v3 =	vadd.f32 v6, v3;
	v4 =	vld [tilespmem:s23+$0xEAF0]  }
0xcf: {  	s15 =	sadd.s32 $0x2E80, s2  }
0xd0: {  	s12 =	sadd.s32 s4, s15;
	[tilespmem:s10+$0x470] =	vst v3  }
0xd1: {  	v3 =	vld [tilespmem:s12+$0x0]  }
0xd2: {  	v6 =	vld [tilespmem:s21+$0xEE80]  }
0xd3: {  	v4 =	vadd.f32 v4, v5;
	_ =	sdelay $0x1  }
0xd4: {  	s10 =	sadd.s32 s0, s15;
	[tilespmem:s3+$0x470] =	vst v4  }
0xd5: {  	v4 =	vld [tilespmem:s10+$0x0]  }
0xd6: {  	v3 =	vadd.f32 v6, v3;
	v5 =	vld [tilespmem:s23+$0xEE80];
	_ =	sdelay $0x1  }
0xd7: {  	[tilespmem:s12+$0x0] =	vst v3;
	v3 =	vld [tilespmem:s12+$0x10]  }
0xd8: {  	v6 =	vld [tilespmem:s21+$0xEE90];
	_ =	sdelay $0x1  }
0xd9: {  	v4 =	vadd.f32 v5, v4;
	_ =	sdelay $0x1  }
0xda: {  	v5 =	vld [tilespmem:s10+$0x10];
	[tilespmem:s10+$0x0] =	vst v4  }
0xdb: {  	v3 =	vadd.f32 v6, v3;
	v4 =	vld [tilespmem:s23+$0xEE90];
	_ =	sdelay $0x1  }
0xdc: {  	[tilespmem:s12+$0x10] =	vst v3;
	v3 =	vld [tilespmem:s12+$0x20]  }
0xdd: {  	v6 =	vld [tilespmem:s21+$0xEEA0];
	_ =	sdelay $0x1  }
0xde: {  	v4 =	vadd.f32 v4, v5;
	_ =	sdelay $0x1  }
0xdf: {  	v5 =	vld [tilespmem:s10+$0x20];
	[tilespmem:s10+$0x10] =	vst v4  }
0xe0: {  	v3 =	vadd.f32 v6, v3;
	v4 =	vld [tilespmem:s23+$0xEEA0];
	_ =	sdelay $0x1  }
0xe1: {  	[tilespmem:s12+$0x20] =	vst v3;
	v3 =	vld [tilespmem:s12+$0x30]  }
0xe2: {  	v6 =	vld [tilespmem:s21+$0xEEB0];
	_ =	sdelay $0x1  }
0xe3: {  	v4 =	vadd.f32 v4, v5;
	_ =	sdelay $0x1  }
0xe4: {  	v5 =	vld [tilespmem:s10+$0x30];
	[tilespmem:s10+$0x20] =	vst v4  }
0xe5: {  	v3 =	vadd.f32 v6, v3;
	v4 =	vld [tilespmem:s23+$0xEEB0];
	_ =	sdelay $0x1  }
0xe6: {  	[tilespmem:s12+$0x30] =	vst v3;
	v3 =	vld [tilespmem:s12+$0x40]  }
0xe7: {  	v6 =	vld [tilespmem:s21+$0xEEC0];
	_ =	sdelay $0x1  }
0xe8: {  	v4 =	vadd.f32 v4, v5;
	_ =	sdelay $0x1  }
0xe9: {  	v5 =	vld [tilespmem:s10+$0x40];
	[tilespmem:s10+$0x30] =	vst v4  }
0xea: {  	v3 =	vadd.f32 v6, v3;
	v4 =	vld [tilespmem:s23+$0xEEC0];
	_ =	sdelay $0x1  }
0xeb: {  	[tilespmem:s12+$0x40] =	vst v3;
	v3 =	vld [tilespmem:s12+$0x50]  }
0xec: {  	v6 =	vld [tilespmem:s21+$0xEED0];
	_ =	sdelay $0x1  }
0xed: {  	v4 =	vadd.f32 v4, v5;
	_ =	sdelay $0x1  }
0xee: {  	[tilespmem:s10+$0x40] =	vst v4  }
0xef: {  	s8 =	sadd.s32 $0x2, s9;
	v5 =	vld [tilespmem:s10+$0x50];
	v3 =	vadd.f32 v6, v3;
	[smem:$0x7FC] =	sst s9  }
0xf0: {  	s16 =	smulhi.u32 $0x3531DEC1, s8;
	v4 =	vld [tilespmem:s23+$0xEED0]  }
0xf1: {  	[tilespmem:s12+$0x50] =	vst v3;
	v3 =	vld [tilespmem:s12+$0x60]  }
0xf2: {  	s1 =	sshrl.u32 s16, $0x4;
	v6 =	vld [tilespmem:s21+$0xEEE0]  }
0xf3: {  	s18 =	smul.u32 $0x4D, s1;
	_ =	sdelay $0x1  }
0xf4: {  	s19 =	simm.s32 $0x0;
	s3 =	ssub.s32 s17, s18;
	v4 =	vadd.f32 v4, v5  }
0xf5: {  	s24 =	smul.u32 $0x6000, s19;
	s26 =	simm.s32 $0x180;
	s3 =	sadd.s32 $0x0, s3  }
0xf6: {  	s5 =	sadd.s32 $0x100, s13;
	s25 =	smul.u32 $0x2680, s1;
	s3 =	sadd.s32 $0x3, s3;
	v5 =	vld [tilespmem:s10+$0x60];
	[tilespmem:s10+$0x50] =	vst v4;
	v3 =	vadd.f32 v6, v3  }
0xf7: {  	s1 =	sshra.s32 s24, $0x2;
	s3 =	sshrl.u32 s3, $0x3;
	v4 =	vld [tilespmem:s23+$0xEEE0];
	[dreg:$0x1f] =	wrdreg s13  }
0xf8: {  	s6 =	sand.u32 $0x380, s26;
	s14 =	sadd.s32 $0x2680, s1;
	s3 =	smul.u32 $0x6000, s3;
	[tilespmem:s12+$0x60] =	vst v3;
	v3 =	vld [tilespmem:s12+$0x70]  }
0xf9: {  	s7 =	sadd.s32 s6, s14;
	s9 =	sadd.s32 $0x2, s17;
	s13 =	ssub.s32 s5, s25;
	v6 =	vld [tilespmem:s21+$0xEEF0]  }
0xfa: {  	s3 =	sshra.s32 s3, $0x2;
	s11 =	smulhi.u32 $0x3531DEC1, s9;
	s13 =	sand.u32 $0x380, s13  }
0xfb: {  	v7 =	vld [tilespmem:s7+$0x0];
	s25 =	sor.u32 s13, s3  }
0xfc: {  	s15 =	sshrl.u32 s11, $0x4;
	v8 =	vld [tilespmem:s25+$0xE680]  }
0xfd: {  	s11 =	smul.u32 $0x4D, s15  }
0xfe: {  	v3 =	vadd.f32 v6, v3  }
0xff: {  	s16 =	ssub.s32 s17, s11;
	s11 =	sadd.s32 $0x3280, s2  }
0x100: {  	s3 =	smul.u32 $0x2680, s15;
	s15 =	sadd.s32 $0x2, s16;
	s13 =	sadd.s32 s4, s11;
	v4 =	vadd.f32 v4, v5;
	v5 =	vld [tilespmem:s10+$0x70];
	[tilespmem:s12+$0x70] =	vst v3  }
0x101: {  	s18 =	sshrl.u32 s15, $0x3;
	v6 =	vadd.f32 v8, v7;
	v3 =	vld [tilespmem:s13+$0x0]  }
0x102: {  	s3 =	ssub.s32 s22, s3;
	s16 =	smul.u32 $0x6000, s18;
	v7 =	vld [tilespmem:s21+$0xF280]  }
0x103: {  	s24 =	sadd.s32 $0x100, s3;
	[tilespmem:s7+$0x0] =	vst v6;
	v6 =	vld [tilespmem:s7+$0x10]  }
0x104: {  	s19 =	simm.s32 $0x100;
	s26 =	sand.u32 $0x380, s24;
	s16 =	sshra.s32 s16, $0x2;
	[tilespmem:s10+$0x60] =	vst v4;
	v8 =	vld [tilespmem:s25+$0xE690]  }
0x105: {  	s3 =	sand.u32 $0x300, s19;
	s24 =	sor.u32 s26, s16;
	v4 =	vld [tilespmem:s23+$0xEEF0]  }
0x106: {  	v10 =	vld [tilespmem:s24+$0xE680];
	s12 =	sadd.s32 s3, s14  }
0x107: {  	v9 =	vld [tilespmem:s12+$0x0];
	v3 =	vadd.f32 v7, v3  }
0x108: {  	v11 =	vld [tilespmem:s12+$0x10]  }
0x109: {  	v6 =	vadd.f32 v8, v6;
	[tilespmem:s13+$0x0] =	vst v3;
	v3 =	vld [tilespmem:s13+$0x10]  }
0x10a: {  	v8 =	vld [tilespmem:s21+$0xF290]  }
0x10b: {  	[tilespmem:s7+$0x10] =	vst v6;
	v6 =	vld [tilespmem:s7+$0x20]  }
0x10c: {  	v9 =	vadd.f32 v10, v9;
	v10 =	vld [tilespmem:s25+$0xE6A0]  }
0x10d: {  	v12 =	vld [tilespmem:s12+$0x40];
	v4 =	vadd.f32 v4, v5  }
0x10e: {  	v7 =	vld [tilespmem:s12+$0x20]  }
0x10f: {  	[tilespmem:s10+$0x70] =	vst v4;
	v4 =	vld [tilespmem:s12+$0x50]  }
0x110: {  	[tilespmem:s12+$0x0] =	vst v9;
	v9 =	vld [tilespmem:s12+$0x30];
	v3 =	vadd.f32 v8, v3  }
0x111: {  	v5 =	vld [tilespmem:s24+$0xE690];
	v6 =	vadd.f32 v10, v6  }
0x112: {  	[tilespmem:s13+$0x10] =	vst v3;
	v3 =	vld [tilespmem:s13+$0x20]  }
0x113: {  	v8 =	vld [tilespmem:s21+$0xF2A0];
	[tilespmem:s7+$0x20] =	vst v6  }
0x114: {  	v6 =	vld [tilespmem:s7+$0x30]  }
0x115: {  	v10 =	vld [tilespmem:s25+$0xE6B0];
	_ =	sdelay $0x2  }
0x116: {  	v5 =	vadd.f32 v5, v11;
	_ =	sdelay $0x1  }
0x117: {  	[tilespmem:s12+$0x10] =	vst v5;
	v6 =	vadd.f32 v10, v6  }
0x118: {  	v5 =	vld [tilespmem:s24+$0xE6A0]  }
0x119: {  	v3 =	vadd.f32 v8, v3;
	[tilespmem:s7+$0x30] =	vst v6;
	v6 =	vld [tilespmem:s7+$0x40]  }
0x11a: {  	v10 =	vld [tilespmem:s25+$0xE6C0]  }
0x11b: {  	[tilespmem:s13+$0x20] =	vst v3;
	v3 =	vld [tilespmem:s13+$0x30]  }
0x11c: {  	v8 =	vld [tilespmem:s21+$0xF2B0]  }
0x11d: {  	v5 =	vadd.f32 v5, v7;
	_ =	sdelay $0x1  }
0x11e: {  	[tilespmem:s12+$0x20] =	vst v5;
	v6 =	vadd.f32 v10, v6  }
0x11f: {  	v5 =	vld [tilespmem:s24+$0xE6B0]  }
0x120: {  	v3 =	vadd.f32 v8, v3;
	[tilespmem:s7+$0x40] =	vst v6;
	v6 =	vld [tilespmem:s7+$0x50]  }
0x121: {  	v7 =	vld [tilespmem:s25+$0xE6D0]  }
0x122: {  	[tilespmem:s13+$0x30] =	vst v3;
	v3 =	vld [tilespmem:s13+$0x40]  }
0x123: {  	v8 =	vld [tilespmem:s21+$0xF2C0]  }
0x124: {  	v5 =	vadd.f32 v5, v9;
	_ =	sdelay $0x1  }
0x125: {  	[tilespmem:s12+$0x30] =	vst v5;
	v6 =	vadd.f32 v7, v6  }
0x126: {  	v5 =	vld [tilespmem:s24+$0xE6C0]  }
0x127: {  	v3 =	vadd.f32 v8, v3;
	[tilespmem:s7+$0x50] =	vst v6;
	v6 =	vld [tilespmem:s7+$0x60]  }
0x128: {  	v7 =	vld [tilespmem:s25+$0xE6E0]  }
0x129: {  	[tilespmem:s13+$0x40] =	vst v3;
	v3 =	vld [tilespmem:s13+$0x50]  }
0x12a: {  	v8 =	vld [tilespmem:s21+$0xF2D0]  }
0x12b: {  	v5 =	vadd.f32 v5, v12;
	_ =	sdelay $0x1  }
0x12c: {  	[tilespmem:s12+$0x40] =	vst v5;
	v6 =	vadd.f32 v7, v6  }
0x12d: {  	v5 =	vld [tilespmem:s24+$0xE6D0]  }
0x12e: {  	v3 =	vadd.f32 v8, v3;
	[tilespmem:s7+$0x60] =	vst v6;
	v6 =	vld [tilespmem:s7+$0x70]  }
0x12f: {  	v7 =	vld [tilespmem:s25+$0xE6F0]  }
0x130: {  	[tilespmem:s13+$0x50] =	vst v3;
	v3 =	vld [tilespmem:s13+$0x60]  }
0x131: {  	v8 =	vld [tilespmem:s21+$0xF2E0]  }
0x132: {  	s11 =	sadd.s32 s0, s11;
	v4 =	vadd.f32 v5, v4  }
0x133: {  	v9 =	vld [tilespmem:s11+$0x0]  }
0x134: {  	v5 =	vld [tilespmem:s7+$0x400];
	[tilespmem:s12+$0x50] =	vst v4;
	v6 =	vadd.f32 v7, v6  }
0x135: {  	v4 =	vld [tilespmem:s24+$0xE6E0]  }
0x136: {  	v3 =	vadd.f32 v8, v3;
	v8 =	vld [tilespmem:s23+$0xF280];
	[tilespmem:s7+$0x70] =	vst v6  }
0x137: {  	v6 =	vld [tilespmem:s25+$0xEA80]  }
0x138: {  	v7 =	vld [tilespmem:s12+$0x60];
	_ =	sdelay $0x2  }
0x139: {  	[tilespmem:s13+$0x60] =	vst v3;
	v3 =	vld [tilespmem:s13+$0x70]  }
0x13a: {  	v10 =	vld [tilespmem:s21+$0xF2F0];
	v5 =	vadd.f32 v6, v5  }
0x13b: {  	v4 =	vadd.f32 v4, v7;
	v7 =	vadd.f32 v8, v9;
	v9 =	vld [tilespmem:s11+$0x10]  }
0x13c: {  	[tilespmem:s7+$0x400] =	vst v5;
	v5 =	vld [tilespmem:s7+$0x410]  }
0x13d: {  	v8 =	vld [tilespmem:s25+$0xEA90]  }
0x13e: {  	[tilespmem:s12+$0x60] =	vst v4;
	v6 =	vld [tilespmem:s12+$0x70]  }
0x13f: {  	[tilespmem:s11+$0x0] =	vst v7;
	v3 =	vadd.f32 v10, v3;
	v4 =	vld [tilespmem:s24+$0xE6F0]  }
0x140: {  	s18 =	sadd.s32 $0x3680, s2;
	v7 =	vld [tilespmem:s23+$0xF290]  }
0x141: {  	s19 =	sadd.s32 s4, s18;
	v10 =	vld [tilespmem:s12+$0x400];
	[tilespmem:s13+$0x70] =	vst v3  }
0x142: {  	v3 =	vld [tilespmem:s19+$0x0];
	v5 =	vadd.f32 v8, v5  }
0x143: {  	v8 =	vld [tilespmem:s21+$0xF680]  }
0x144: {  	v4 =	vadd.f32 v4, v6;
	[tilespmem:s7+$0x410] =	vst v5;
	v5 =	vld [tilespmem:s7+$0x420]  }
0x145: {  	v6 =	vadd.f32 v7, v9;
	v7 =	vld [tilespmem:s25+$0xEAA0]  }
0x146: {  	v9 =	vld [tilespmem:s11+$0x20];
	[tilespmem:s12+$0x70] =	vst v4  }
0x147: {  	[tilespmem:s11+$0x10] =	vst v6;
	v4 =	vld [tilespmem:s24+$0xEA80]  }
0x148: {  	v6 =	vld [tilespmem:s23+$0xF2A0];
	v3 =	vadd.f32 v8, v3  }
0x149: {  	v8 =	vld [tilespmem:s12+$0x410]  }
0x14a: {  	[tilespmem:s19+$0x0] =	vst v3;
	v3 =	vld [tilespmem:s19+$0x10];
	v5 =	vadd.f32 v7, v5  }
0x14b: {  	v7 =	vld [tilespmem:s21+$0xF690]  }
0x14c: {  	v4 =	vadd.f32 v4, v10;
	[tilespmem:s7+$0x420] =	vst v5;
	v5 =	vld [tilespmem:s7+$0x430]  }
0x14d: {  	v6 =	vadd.f32 v6, v9;
	v9 =	vld [tilespmem:s25+$0xEAB0]  }
0x14e: {  	v10 =	vld [tilespmem:s11+$0x30];
	[tilespmem:s12+$0x400] =	vst v4  }
0x14f: {  	[tilespmem:s11+$0x20] =	vst v6;
	v4 =	vld [tilespmem:s24+$0xEA90]  }
0x150: {  	v6 =	vld [tilespmem:s23+$0xF2B0];
	v3 =	vadd.f32 v7, v3  }
0x151: {  	v7 =	vld [tilespmem:s12+$0x420]  }
0x152: {  	[tilespmem:s19+$0x10] =	vst v3;
	v3 =	vld [tilespmem:s19+$0x20];
	v5 =	vadd.f32 v9, v5  }
0x153: {  	v9 =	vld [tilespmem:s21+$0xF6A0]  }
0x154: {  	v4 =	vadd.f32 v4, v8;
	[tilespmem:s7+$0x430] =	vst v5;
	v5 =	vld [tilespmem:s7+$0x440]  }
0x155: {  	v6 =	vadd.f32 v6, v10;
	v8 =	vld [tilespmem:s25+$0xEAC0]  }
0x156: {  	v10 =	vld [tilespmem:s11+$0x40];
	[tilespmem:s12+$0x410] =	vst v4  }
0x157: {  	[tilespmem:s11+$0x30] =	vst v6;
	v4 =	vld [tilespmem:s24+$0xEAA0]  }
0x158: {  	v6 =	vld [tilespmem:s23+$0xF2C0];
	v3 =	vadd.f32 v9, v3  }
0x159: {  	v9 =	vld [tilespmem:s12+$0x430]  }
0x15a: {  	[tilespmem:s19+$0x20] =	vst v3;
	v3 =	vld [tilespmem:s19+$0x30];
	v5 =	vadd.f32 v8, v5  }
0x15b: {  	v8 =	vld [tilespmem:s21+$0xF6B0]  }
0x15c: {  	v4 =	vadd.f32 v4, v7;
	[tilespmem:s7+$0x440] =	vst v5;
	v5 =	vld [tilespmem:s7+$0x450]  }
0x15d: {  	v6 =	vadd.f32 v6, v10;
	v7 =	vld [tilespmem:s25+$0xEAD0]  }
0x15e: {  	v10 =	vld [tilespmem:s11+$0x50];
	[tilespmem:s12+$0x420] =	vst v4  }
0x15f: {  	[tilespmem:s11+$0x40] =	vst v6;
	v4 =	vld [tilespmem:s24+$0xEAB0]  }
0x160: {  	v6 =	vld [tilespmem:s23+$0xF2D0];
	v3 =	vadd.f32 v8, v3  }
0x161: {  	v8 =	vld [tilespmem:s12+$0x440]  }
0x162: {  	[tilespmem:s19+$0x30] =	vst v3;
	v3 =	vld [tilespmem:s19+$0x40];
	v5 =	vadd.f32 v7, v5  }
0x163: {  	v7 =	vld [tilespmem:s21+$0xF6C0]  }
0x164: {  	v4 =	vadd.f32 v4, v9;
	[tilespmem:s7+$0x450] =	vst v5;
	v5 =	vld [tilespmem:s7+$0x460]  }
0x165: {  	v6 =	vadd.f32 v6, v10;
	v9 =	vld [tilespmem:s25+$0xEAE0]  }
0x166: {  	v10 =	vld [tilespmem:s11+$0x60];
	[tilespmem:s12+$0x430] =	vst v4  }
0x167: {  	[tilespmem:s11+$0x50] =	vst v6;
	v4 =	vld [tilespmem:s24+$0xEAC0]  }
0x168: {  	v6 =	vld [tilespmem:s23+$0xF2E0];
	v3 =	vadd.f32 v7, v3  }
0x169: {  	v7 =	vld [tilespmem:s12+$0x450]  }
0x16a: {  	[tilespmem:s19+$0x40] =	vst v3;
	v3 =	vld [tilespmem:s19+$0x50];
	v5 =	vadd.f32 v9, v5  }
0x16b: {  	v9 =	vld [tilespmem:s21+$0xF6D0]  }
0x16c: {  	v4 =	vadd.f32 v4, v8;
	[tilespmem:s7+$0x460] =	vst v5;
	v5 =	vld [tilespmem:s7+$0x470]  }
0x16d: {  	v6 =	vadd.f32 v6, v10;
	v8 =	vld [tilespmem:s25+$0xEAF0]  }
0x16e: {  	v10 =	vld [tilespmem:s11+$0x70];
	[tilespmem:s12+$0x440] =	vst v4  }
0x16f: {  	[tilespmem:s11+$0x60] =	vst v6;
	v4 =	vld [tilespmem:s24+$0xEAD0]  }
0x170: {  	v6 =	vld [tilespmem:s23+$0xF2F0];
	v3 =	vadd.f32 v9, v3  }
0x171: {  	v11 =	vld [tilespmem:s12+$0x470]  }
0x172: {  	[tilespmem:s19+$0x50] =	vst v3;
	v3 =	vld [tilespmem:s19+$0x60];
	v5 =	vadd.f32 v8, v5  }
0x173: {  	s26 =	sadd.s32 $0x2E80, s1;
	v8 =	vld [tilespmem:s21+$0xF6E0]  }
0x174: {  	s14 =	sadd.s32 s6, s26;
	v9 =	vld [tilespmem:s12+$0x460];
	v4 =	vadd.f32 v4, v7;
	[tilespmem:s7+$0x470] =	vst v5  }
0x175: {  	v5 =	vadd.f32 v6, v10;
	v6 =	vld [tilespmem:s14+$0x0]  }
0x176: {  	[tilespmem:s12+$0x450] =	vst v4;
	v4 =	vld [tilespmem:s25+$0xEE80]  }
0x177: {  	s10 =	sadd.s32 s0, s18;
	[tilespmem:s11+$0x70] =	vst v5;
	v5 =	vld [tilespmem:s24+$0xEAE0]  }
0x178: {  	v7 =	vld [tilespmem:s10+$0x0];
	v3 =	vadd.f32 v8, v3  }
0x179: {  	v8 =	vld [tilespmem:s23+$0xF680]  }
0x17a: {  	[tilespmem:s19+$0x60] =	vst v3;
	v3 =	vld [tilespmem:s19+$0x70]  }
0x17b: {  	v10 =	vld [tilespmem:s21+$0xF6F0];
	v4 =	vadd.f32 v4, v6  }
0x17c: {  	v13 =	vld [tilespmem:s10+$0x40];
	v5 =	vadd.f32 v5, v9  }
0x17d: {  	s31 =	sadd.s32 $0x2, s8;
	[tilespmem:s14+$0x0] =	vst v4;
	v4 =	vld [tilespmem:s14+$0x10]  }
0x17e: {  	s15 =	smulhi.u32 $0x3531DEC1, s31;
	[tilespmem:s12+$0x460] =	vst v5;
	v5 =	vld [tilespmem:s25+$0xEE90]  }
0x17f: {  	v7 =	vadd.f32 v8, v7;
	v8 =	vld [tilespmem:s24+$0xEAF0]  }
0x180: {  	s11 =	sadd.s32 $0x3A80, s2;
	s2 =	sshrl.u32 s15, $0x4;
	v14 =	vld [tilespmem:s10+$0x50];
	v3 =	vadd.f32 v10, v3  }
0x181: {  	s8 =	sadd.s32 $0x2, s9;
	s18 =	smul.u32 $0x4D, s2;
	v6 =	vld [tilespmem:s10+$0x10]  }
0x182: {  	s16 =	smulhi.u32 $0x3531DEC1, s8;
	s7 =	sadd.s32 s4, s11;
	v9 =	vld [tilespmem:s10+$0x20];
	[tilespmem:s19+$0x70] =	vst v3  }
0x183: {  	s9 =	ssub.s32 s17, s18;
	v3 =	vld [tilespmem:s7+$0x0]  }
0x184: {  	s4 =	sshrl.u32 s16, $0x4;
	s9 =	sadd.s32 $0x2, s9;
	[tilespmem:s10+$0x0] =	vst v7;
	v4 =	vadd.f32 v5, v4;
	v5 =	vadd.f32 v8, v11;
	v8 =	vld [tilespmem:s21+$0xFA80]  }
0x185: {  	s13 =	sadd.s32 s3, s26;
	s9 =	sadd.s32 $0x3, s9;
	v7 =	vld [tilespmem:s23+$0xF690];
	s19 =	smul.u32 $0x4D, s4  }
0x186: {  	s16 =	simm.s32 $0x0;
	s26 =	smul.u32 $0x2680, s4;
	s18 =	sshrl.u32 s9, $0x3;
	[tilespmem:s14+$0x10] =	vst v4;
	v4 =	vld [tilespmem:s14+$0x20]  }
0x187: {  	[tilespmem:s12+$0x470] =	vst v5;
	v5 =	vld [tilespmem:s25+$0xEEA0];
	s12 =	ssub.s32 s17, s19;
	s17 =	smul.u32 $0x6000, s16;
	s19 =	simm.s32 $0x280  }
0x188: {  	s4 =	sadd.s32 $0x100, s5;
	s5 =	smul.u32 $0x6000, s18;
	v11 =	vld [tilespmem:s13+$0x0];
	s29 =	sand.u32 $0x380, s19  }
0x189: {  	v12 =	vld [tilespmem:s24+$0xEE80];
	s12 =	sadd.s32 $0x4, s12;
	s19 =	simm.s32 $0x200;
	s28 =	sshra.s32 s17, $0x2;
	v3 =	vadd.f32 v8, v3  }
0x18a: {  	v10 =	vld [tilespmem:s10+$0x30];
	s12 =	sshrl.u32 s12, $0x3;
	s30 =	sand.u32 $0x300, s19;
	s16 =	sadd.s32 $0x2680, s28  }
0x18b: {  	s18 =	smul.u32 $0x6000, s12;
	s12 =	sadd.s32 s30, s16;
	[tilespmem:s7+$0x0] =	vst v3;
	v3 =	vld [tilespmem:s7+$0x10]  }
0x18c: {  	v4 =	vadd.f32 v5, v4;
	v15 =	vld [tilespmem:s12+$0x0]  }
0x18d: {  	v5 =	vld [tilespmem:s21+$0xFA90]  }
0x18e: {  	v8 =	vadd.f32 v12, v11;
	[tilespmem:s14+$0x20] =	vst v4;
	v4 =	vld [tilespmem:s14+$0x30]  }
0x18f: {  	v6 =	vadd.f32 v7, v6;
	v7 =	vld [tilespmem:s25+$0xEEB0]  }
0x190: {  	v11 =	vld [tilespmem:s13+$0x10];
	[tilespmem:s13+$0x0] =	vst v8  }
0x191: {  	[tilespmem:s10+$0x10] =	vst v6;
	v6 =	vld [tilespmem:s24+$0xEE90]  }
0x192: {  	v8 =	vld [tilespmem:s23+$0xF6A0];
	v3 =	vadd.f32 v5, v3  }
0x193: {  	v16 =	vld [tilespmem:s12+$0x10]  }
0x194: {  	[tilespmem:s7+$0x10] =	vst v3;
	v3 =	vld [tilespmem:s7+$0x20];
	v4 =	vadd.f32 v7, v4  }
0x195: {  	v7 =	vld [tilespmem:s21+$0xFAA0]  }
0x196: {  	v6 =	vadd.f32 v6, v11;
	[tilespmem:s14+$0x30] =	vst v4;
	v4 =	vld [tilespmem:s14+$0x40]  }
0x197: {  	v8 =	vadd.f32 v8, v9;
	v9 =	vld [tilespmem:s25+$0xEEC0]  }
0x198: {  	v5 =	vld [tilespmem:s13+$0x20];
	[tilespmem:s13+$0x10] =	vst v6  }
0x199: {  	[tilespmem:s10+$0x20] =	vst v8;
	v6 =	vld [tilespmem:s24+$0xEEA0]  }
0x19a: {  	v3 =	vadd.f32 v7, v3;
	v7 =	vld [tilespmem:s23+$0xF6B0]  }
0x19b: {  	v17 =	vld [tilespmem:s12+$0x50]  }
0x19c: {  	[tilespmem:s7+$0x20] =	vst v3;
	v3 =	vld [tilespmem:s7+$0x30];
	v4 =	vadd.f32 v9, v4  }
0x19d: {  	v8 =	vld [tilespmem:s21+$0xFAB0]  }
0x19e: {  	[tilespmem:s14+$0x40] =	vst v4;
	v4 =	vld [tilespmem:s14+$0x50]  }
0x19f: {  	v5 =	vadd.f32 v6, v5;
	v6 =	vadd.f32 v7, v10;
	v7 =	vld [tilespmem:s25+$0xEED0]  }
0x1a0: {  	v18 =	vld [tilespmem:s12+$0x70]  }
0x1a1: {  	v11 =	vld [tilespmem:s13+$0x30];
	[tilespmem:s13+$0x20] =	vst v5  }
0x1a2: {  	v5 =	vld [tilespmem:s24+$0xEEB0];
	[tilespmem:s10+$0x30] =	vst v6;
	v3 =	vadd.f32 v8, v3  }
0x1a3: {  	v6 =	vld [tilespmem:s23+$0xF6C0]  }
0x1a4: {  	[tilespmem:s7+$0x30] =	vst v3;
	v3 =	vld [tilespmem:s7+$0x40];
	v4 =	vadd.f32 v7, v4  }
0x1a5: {  	v7 =	vld [tilespmem:s21+$0xFAC0]  }
0x1a6: {  	[tilespmem:s14+$0x50] =	vst v4;
	v4 =	vld [tilespmem:s14+$0x60]  }
0x1a7: {  	v5 =	vadd.f32 v5, v11;
	v11 =	vld [tilespmem:s25+$0xEEE0]  }
0x1a8: {  	v19 =	vld [tilespmem:s12+$0x400];
	v6 =	vadd.f32 v6, v13  }
0x1a9: {  	v12 =	vld [tilespmem:s13+$0x40];
	[tilespmem:s13+$0x30] =	vst v5  }
0x1aa: {  	v5 =	vld [tilespmem:s24+$0xEEC0];
	[tilespmem:s10+$0x40] =	vst v6;
	v3 =	vadd.f32 v7, v3  }
0x1ab: {  	v6 =	vld [tilespmem:s23+$0xF6D0]  }
0x1ac: {  	[tilespmem:s7+$0x40] =	vst v3;
	v3 =	vld [tilespmem:s7+$0x50];
	v4 =	vadd.f32 v11, v4  }
0x1ad: {  	v11 =	vld [tilespmem:s21+$0xFAD0]  }
0x1ae: {  	[tilespmem:s14+$0x60] =	vst v4;
	v4 =	vld [tilespmem:s14+$0x70]  }
0x1af: {  	v13 =	vld [tilespmem:s25+$0xEEF0]  }
0x1b0: {  	s2 =	smul.u32 $0x2680, s2;
	v20 =	vld [tilespmem:s12+$0x420];
	v12 =	vadd.f32 v5, v12  }
0x1b1: {  	v9 =	vld [tilespmem:s13+$0x50]  }
0x1b2: {  	s2 =	ssub.s32 s4, s2;
	v7 =	vld [tilespmem:s10+$0x60];
	v6 =	vadd.f32 v6, v14;
	[tilespmem:s13+$0x40] =	vst v12  }
0x1b3: {  	s2 =	sand.u32 $0x380, s2;
	s5 =	sshra.s32 s5, $0x2;
	s9 =	sadd.s32 s29, s16;
	v12 =	vld [tilespmem:s24+$0xEED0];
	v11 =	vadd.f32 v11, v3  }
0x1b4: {  	s2 =	sor.u32 s2, s5;
	v14 =	vld [tilespmem:s9+$0x0];
	[tilespmem:s10+$0x50] =	vst v6;
	v13 =	vadd.f32 v13, v4  }
0x1b5: {  	s15 =	sadd.s32 $0x3280, s1;
	[tilespmem:s7+$0x50] =	vst v11;
	v11 =	vld [tilespmem:s2+$0xE680]  }
0x1b6: {  	s26 =	ssub.s32 s22, s26;
	s5 =	sadd.s32 s6, s15;
	v6 =	vld [tilespmem:s23+$0xF6E0];
	[tilespmem:s14+$0x70] =	vst v13  }
0x1b7: {  	s17 =	sadd.s32 $0x200, s26;
	v13 =	vld [tilespmem:s5+$0x0]  }
0x1b8: {  	s26 =	sand.u32 $0x380, s17;
	s17 =	sshra.s32 s18, $0x2;
	v9 =	vadd.f32 v12, v9;
	v12 =	vld [tilespmem:s25+$0xF280]  }
0x1b9: {  	v21 =	vld [tilespmem:s12+$0x440];
	s26 =	sor.u32 s26, s17  }
0x1ba: {  	[tilespmem:s13+$0x50] =	vst v9;
	v9 =	vld [tilespmem:s26+$0xE680];
	v11 =	vadd.f32 v11, v14  }
0x1bb: {  	v10 =	vld [tilespmem:s13+$0x60];
	v6 =	vadd.f32 v6, v7  }
0x1bc: {  	[tilespmem:s9+$0x0] =	vst v11;
	v11 =	vld [tilespmem:s9+$0x10]  }
0x1bd: {  	[tilespmem:s10+$0x60] =	vst v6;
	v6 =	vadd.f32 v12, v13;
	v12 =	vld [tilespmem:s2+$0xE690]  }
0x1be: {  	v14 =	vld [tilespmem:s24+$0xEEE0]  }
0x1bf: {  	v9 =	vadd.f32 v9, v15;
	v13 =	vld [tilespmem:s5+$0x10];
	[tilespmem:s5+$0x0] =	vst v6  }
0x1c0: {  	v15 =	vld [tilespmem:s25+$0xF290]  }
0x1c1: {  	v8 =	vld [tilespmem:s13+$0x70];
	[tilespmem:s12+$0x0] =	vst v9  }
0x1c2: {  	v9 =	vld [tilespmem:s26+$0xE690];
	v11 =	vadd.f32 v12, v11  }
0x1c3: {  	v5 =	vld [tilespmem:s10+$0x70];
	v10 =	vadd.f32 v14, v10  }
0x1c4: {  	[tilespmem:s9+$0x10] =	vst v11;
	v11 =	vld [tilespmem:s9+$0x20]  }
0x1c5: {  	[tilespmem:s13+$0x60] =	vst v10;
	v10 =	vadd.f32 v15, v13;
	v12 =	vld [tilespmem:s2+$0xE6A0]  }
0x1c6: {  	v3 =	vld [tilespmem:s7+$0x60]  }
0x1c7: {  	v9 =	vadd.f32 v9, v16;
	[tilespmem:s5+$0x10] =	vst v10;
	v10 =	vld [tilespmem:s5+$0x20]  }
0x1c8: {  	v14 =	vld [tilespmem:s25+$0xF2A0]  }
0x1c9: {  	v15 =	vld [tilespmem:s12+$0x20];
	[tilespmem:s12+$0x10] =	vst v9  }
0x1ca: {  	v9 =	vld [tilespmem:s26+$0xE6A0];
	v11 =	vadd.f32 v12, v11  }
0x1cb: {  	v4 =	vld [tilespmem:s21+$0xFAE0]  }
0x1cc: {  	[tilespmem:s9+$0x20] =	vst v11;
	v11 =	vld [tilespmem:s9+$0x30]  }
0x1cd: {  	v10 =	vadd.f32 v14, v10;
	v14 =	vld [tilespmem:s2+$0xE6B0]  }
0x1ce: {  	v7 =	vld [tilespmem:s23+$0xF6F0]  }
0x1cf: {  	v9 =	vadd.f32 v9, v15;
	[tilespmem:s5+$0x20] =	vst v10;
	v10 =	vld [tilespmem:s5+$0x30]  }
0x1d0: {  	v15 =	vld [tilespmem:s25+$0xF2B0]  }
0x1d1: {  	v12 =	vld [tilespmem:s12+$0x30];
	[tilespmem:s12+$0x20] =	vst v9  }
0x1d2: {  	v9 =	vld [tilespmem:s26+$0xE6B0];
	v11 =	vadd.f32 v14, v11  }
0x1d3: {  	v3 =	vadd.f32 v4, v3;
	v6 =	vld [tilespmem:s7+$0x70]  }
0x1d4: {  	[tilespmem:s9+$0x30] =	vst v11;
	v11 =	vld [tilespmem:s9+$0x40]  }
0x1d5: {  	[tilespmem:s7+$0x60] =	vst v3;
	v10 =	vadd.f32 v15, v10;
	v15 =	vld [tilespmem:s2+$0xE6C0]  }
0x1d6: {  	v61 =	vld [tilespmem:s21+$0xFAF0]  }
0x1d7: {  	v9 =	vadd.f32 v9, v12;
	[tilespmem:s5+$0x30] =	vst v10;
	v10 =	vld [tilespmem:s5+$0x40]  }
0x1d8: {  	v12 =	vld [tilespmem:s25+$0xF2C0]  }
0x1d9: {  	v16 =	vld [tilespmem:s12+$0x40];
	[tilespmem:s12+$0x30] =	vst v9  }
0x1da: {  	v9 =	vld [tilespmem:s26+$0xE6C0];
	v11 =	vadd.f32 v15, v11  }
0x1db: {  	v5 =	vadd.f32 v7, v5;
	v13 =	vld [tilespmem:s24+$0xEEF0]  }
0x1dc: {  	[tilespmem:s9+$0x40] =	vst v11;
	v11 =	vld [tilespmem:s9+$0x50]  }
0x1dd: {  	s0 =	sadd.s32 s0, s11;
	[tilespmem:s10+$0x70] =	vst v5;
	v10 =	vadd.f32 v12, v10;
	v12 =	vld [tilespmem:s2+$0xE6D0]  }
0x1de: {  	v52 =	vld [tilespmem:s0+$0x0]  }
0x1df: {  	v9 =	vadd.f32 v9, v16;
	[tilespmem:s5+$0x40] =	vst v10;
	v10 =	vld [tilespmem:s5+$0x50]  }
0x1e0: {  	v8 =	vadd.f32 v13, v8;
	v13 =	vld [tilespmem:s25+$0xF2D0]  }
0x1e1: {  	v53 =	vld [tilespmem:s23+$0xFA80];
	[tilespmem:s12+$0x40] =	vst v9  }
0x1e2: {  	s18 =	sadd.s32 s3, s15;
	[tilespmem:s13+$0x70] =	vst v8;
	v8 =	vld [tilespmem:s26+$0xE6D0];
	v9 =	vadd.f32 v12, v11  }
0x1e3: {  	v11 =	vld [tilespmem:s18+$0x0]  }
0x1e4: {  	[tilespmem:s9+$0x50] =	vst v9;
	v9 =	vld [tilespmem:s9+$0x60]  }
0x1e5: {  	v10 =	vadd.f32 v13, v10;
	v12 =	vld [tilespmem:s2+$0xE6E0]  }
0x1e6: {  	v13 =	vld [tilespmem:s24+$0xF280]  }
0x1e7: {  	[tilespmem:s5+$0x50] =	vst v10;
	v10 =	vld [tilespmem:s5+$0x60]  }
0x1e8: {  	v8 =	vadd.f32 v8, v17;
	v17 =	vld [tilespmem:s25+$0xF2E0]  }
0x1e9: {  	v14 =	vld [tilespmem:s12+$0x60]  }
0x1ea: {  	[tilespmem:s12+$0x50] =	vst v8;
	v8 =	vld [tilespmem:s18+$0x10];
	v9 =	vadd.f32 v12, v9  }
0x1eb: {  	v11 =	vadd.f32 v13, v11;
	v12 =	vld [tilespmem:s26+$0xE6E0]  }
0x1ec: {  	v13 =	vld [tilespmem:s9+$0x70];
	[tilespmem:s9+$0x60] =	vst v9  }
0x1ed: {  	[tilespmem:s18+$0x0] =	vst v11;
	v9 =	vadd.f32 v17, v10;
	v10 =	vld [tilespmem:s2+$0xE6F0]  }
0x1ee: {  	v11 =	vld [tilespmem:s24+$0xF290]  }
0x1ef: {  	v17 =	vld [tilespmem:s5+$0x70];
	[tilespmem:s5+$0x60] =	vst v9  }
0x1f0: {  	v9 =	vadd.f32 v12, v14;
	v12 =	vld [tilespmem:s25+$0xF2F0]  }
0x1f1: {  	v54 =	vld [tilespmem:s0+$0x20]  }
0x1f2: {  	v15 =	vld [tilespmem:s12+$0x410];
	[tilespmem:s12+$0x60] =	vst v9;
	v10 =	vadd.f32 v10, v13  }
0x1f3: {  	v13 =	vld [tilespmem:s26+$0xE6F0]  }
0x1f4: {  	v8 =	vadd.f32 v11, v8;
	[tilespmem:s9+$0x70] =	vst v10;
	v10 =	vld [tilespmem:s9+$0x400]  }
0x1f5: {  	v11 =	vadd.f32 v12, v17;
	v12 =	vld [tilespmem:s2+$0xEA80]  }
0x1f6: {  	s16 =	sadd.s32 $0x3680, s1;
	[tilespmem:s18+$0x10] =	vst v8;
	v17 =	vld [tilespmem:s18+$0x20]  }
0x1f7: {  	s17 =	sadd.s32 s6, s16;
	v22 =	vld [tilespmem:s24+$0xF2A0];
	[tilespmem:s5+$0x70] =	vst v11  }
0x1f8: {  	v8 =	vadd.f32 v13, v18;
	v11 =	vld [tilespmem:s17+$0x0]  }
0x1f9: {  	v13 =	vld [tilespmem:s25+$0xF680]  }
0x1fa: {  	v16 =	vld [tilespmem:s12+$0x430];
	[tilespmem:s12+$0x70] =	vst v8;
	v10 =	vadd.f32 v12, v10  }
0x1fb: {  	v12 =	vld [tilespmem:s26+$0xEA80]  }
0x1fc: {  	v17 =	vadd.f32 v22, v17;
	[tilespmem:s9+$0x400] =	vst v10;
	v10 =	vld [tilespmem:s9+$0x410]  }
0x1fd: {  	v46 =	vld [tilespmem:s2+$0xEA90]  }
0x1fe: {  	[tilespmem:s18+$0x20] =	vst v17;
	v17 =	vld [tilespmem:s18+$0x30];
	v11 =	vadd.f32 v13, v11  }
0x1ff: {  	v13 =	vld [tilespmem:s24+$0xF2B0]  }
0x200: {  	v12 =	vadd.f32 v12, v19;
	[tilespmem:s17+$0x0] =	vst v11;
	v11 =	vld [tilespmem:s17+$0x10]  }
0x201: {  	v47 =	vld [tilespmem:s25+$0xF690]  }
0x202: {  	v14 =	vld [tilespmem:s12+$0x450];
	[tilespmem:s12+$0x400] =	vst v12;
	v10 =	vadd.f32 v46, v10  }
0x203: {  	v48 =	vld [tilespmem:s26+$0xEA90]  }
0x204: {  	v13 =	vadd.f32 v13, v17;
	[tilespmem:s9+$0x410] =	vst v10;
	v10 =	vld [tilespmem:s9+$0x420]  }
0x205: {  	v17 =	vld [tilespmem:s2+$0xEAA0]  }
0x206: {  	v12 =	vld [tilespmem:s18+$0x40];
	[tilespmem:s18+$0x30] =	vst v13;
	v11 =	vadd.f32 v47, v11  }
0x207: {  	v49 =	vld [tilespmem:s24+$0xF2C0]  }
0x208: {  	v15 =	vadd.f32 v48, v15;
	[tilespmem:s17+$0x10] =	vst v11;
	v11 =	vld [tilespmem:s17+$0x20]  }
0x209: {  	v50 =	vld [tilespmem:s25+$0xF6A0]  }
0x20a: {  	v9 =	vld [tilespmem:s12+$0x460];
	[tilespmem:s12+$0x410] =	vst v15;
	v10 =	vadd.f32 v17, v10  }
0x20b: {  	v17 =	vld [tilespmem:s26+$0xEAA0]  }
0x20c: {  	v12 =	vadd.f32 v49, v12;
	[tilespmem:s9+$0x420] =	vst v10;
	v10 =	vld [tilespmem:s9+$0x430]  }
0x20d: {  	v51 =	vld [tilespmem:s2+$0xEAB0]  }
0x20e: {  	v13 =	vld [tilespmem:s18+$0x50];
	[tilespmem:s18+$0x40] =	vst v12;
	v11 =	vadd.f32 v50, v11  }
0x20f: {  	v7 =	vld [tilespmem:s24+$0xF2D0]  }
0x210: {  	v17 =	vadd.f32 v17, v20;
	[tilespmem:s17+$0x20] =	vst v11;
	v11 =	vld [tilespmem:s17+$0x30]  }
0x211: {  	v5 =	vld [tilespmem:s25+$0xF6B0]  }
0x212: {  	v15 =	vld [tilespmem:s18+$0x60];
	[tilespmem:s12+$0x420] =	vst v17;
	v10 =	vadd.f32 v51, v10  }
0x213: {  	v17 =	vld [tilespmem:s26+$0xEAB0]  }
0x214: {  	v7 =	vadd.f32 v7, v13;
	[tilespmem:s9+$0x430] =	vst v10;
	v10 =	vld [tilespmem:s9+$0x440]  }
0x215: {  	v13 =	vld [tilespmem:s2+$0xEAC0]  }
0x216: {  	v12 =	vld [tilespmem:s18+$0x70];
	[tilespmem:s18+$0x50] =	vst v7;
	v5 =	vadd.f32 v5, v11  }
0x217: {  	v7 =	vld [tilespmem:s24+$0xF2E0]  }
0x218: {  	v11 =	vadd.f32 v17, v16;
	[tilespmem:s17+$0x30] =	vst v5;
	v5 =	vld [tilespmem:s17+$0x40]  }
0x219: {  	v17 =	vld [tilespmem:s0+$0x10]  }
0x21a: {  	v16 =	vld [tilespmem:s25+$0xF6C0];
	[tilespmem:s12+$0x430] =	vst v11;
	v10 =	vadd.f32 v13, v10  }
0x21b: {  	v11 =	vadd.f32 v53, v52;
	v13 =	vld [tilespmem:s26+$0xEAC0]  }
0x21c: {  	v7 =	vadd.f32 v7, v15;
	[tilespmem:s9+$0x440] =	vst v10;
	v10 =	vld [tilespmem:s9+$0x450]  }
0x21d: {  	[tilespmem:s0+$0x0] =	vst v11;
	v11 =	vld [tilespmem:s2+$0xEAD0]  }
0x21e: {  	v15 =	vld [tilespmem:s23+$0xFA90];
	[tilespmem:s18+$0x60] =	vst v7  }
0x21f: {  	v5 =	vadd.f32 v16, v5;
	v7 =	vld [tilespmem:s24+$0xF2F0]  }
0x220: {  	v8 =	vld [tilespmem:s12+$0x470];
	v13 =	vadd.f32 v13, v21  }
0x221: {  	[tilespmem:s17+$0x40] =	vst v5;
	v5 =	vld [tilespmem:s17+$0x50]  }
0x222: {  	v16 =	vld [tilespmem:s25+$0xF6D0];
	[tilespmem:s12+$0x440] =	vst v13;
	v10 =	vadd.f32 v11, v10  }
0x223: {  	v11 =	vadd.f32 v15, v17;
	v13 =	vld [tilespmem:s26+$0xEAD0]  }
0x224: {  	v7 =	vadd.f32 v7, v12;
	[tilespmem:s9+$0x450] =	vst v10;
	v10 =	vld [tilespmem:s9+$0x460]  }
0x225: {  	[tilespmem:s0+$0x10] =	vst v11;
	v11 =	vld [tilespmem:s2+$0xEAE0]  }
0x226: {  	s5 =	sadd.s32 s3, s16;
	[tilespmem:s18+$0x70] =	vst v7;
	v12 =	vld [tilespmem:s23+$0xFAA0]  }
0x227: {  	v7 =	vld [tilespmem:s5+$0x0]  }
0x228: {  	v5 =	vadd.f32 v16, v5;
	v15 =	vld [tilespmem:s24+$0xF680]  }
0x229: {  	v16 =	vld [tilespmem:s5+$0x10]  }
0x22a: {  	v13 =	vadd.f32 v13, v14;
	[tilespmem:s17+$0x50] =	vst v5;
	v5 =	vld [tilespmem:s17+$0x60]  }
0x22b: {  	v14 =	vld [tilespmem:s25+$0xF6E0]  }
0x22c: {  	v17 =	vld [tilespmem:s5+$0x30];
	[tilespmem:s12+$0x450] =	vst v13;
	v10 =	vadd.f32 v11, v10  }
0x22d: {  	v11 =	vld [tilespmem:s26+$0xEAE0]  }
0x22e: {  	[tilespmem:s9+$0x460] =	vst v10;
	v10 =	vld [tilespmem:s9+$0x470]  }
0x22f: {  	v13 =	vld [tilespmem:s2+$0xEAF0]  }
0x230: {  	v55 =	vld [tilespmem:s5+$0x40];
	v5 =	vadd.f32 v14, v5  }
0x231: {  	v56 =	vld [tilespmem:s5+$0x50];
	v7 =	vadd.f32 v15, v7  }
0x232: {  	[tilespmem:s17+$0x60] =	vst v5;
	v5 =	vld [tilespmem:s17+$0x70];
	v9 =	vadd.f32 v11, v9  }
0x233: {  	[tilespmem:s5+$0x0] =	vst v7;
	v11 =	vld [tilespmem:s25+$0xF6F0]  }
0x234: {  	v15 =	vld [tilespmem:s0+$0x30];
	[tilespmem:s12+$0x460] =	vst v9;
	v7 =	vadd.f32 v13, v10  }
0x235: {  	s18 =	sadd.s32 $0x2E80, s28;
	v9 =	vld [tilespmem:s26+$0xEAF0]  }
0x236: {  	s14 =	sadd.s32 s29, s18;
	v12 =	vadd.f32 v12, v54;
	v14 =	vld [tilespmem:s5+$0x20];
	[tilespmem:s9+$0x470] =	vst v7  }
0x237: {  	v7 =	vld [tilespmem:s14+$0x0]  }
0x238: {  	[tilespmem:s0+$0x20] =	vst v12;
	v5 =	vadd.f32 v11, v5;
	v11 =	vld [tilespmem:s2+$0xEE80]  }
0x239: {  	s1 =	sadd.s32 $0x3A80, s1;
	v59 =	vld [tilespmem:s23+$0xFAB0]  }
0x23a: {  	s6 =	sadd.s32 s6, s1;
	v10 =	vld [tilespmem:s24+$0xF690];
	[tilespmem:s17+$0x70] =	vst v5;
	v5 =	vadd.f32 v9, v8  }
0x23b: {  	v8 =	vld [tilespmem:s6+$0x0]  }
0x23c: {  	s13 =	sadd.s32 s30, s18;
	v9 =	vld [tilespmem:s25+$0xFA80];
	[tilespmem:s12+$0x470] =	vst v5  }
0x23d: {  	v5 =	vadd.f32 v11, v7;
	v7 =	vld [tilespmem:s13+$0x0]  }
0x23e: {  	v11 =	vld [tilespmem:s26+$0xEE80]  }
0x23f: {  	[tilespmem:s14+$0x0] =	vst v5;
	v5 =	vld [tilespmem:s14+$0x10]  }
0x240: {  	v13 =	vld [tilespmem:s2+$0xEE90]  }
0x241: {  	v10 =	vadd.f32 v10, v16;
	v16 =	vld [tilespmem:s13+$0x20];
	v8 =	vadd.f32 v9, v8  }
0x242: {  	v57 =	vld [tilespmem:s13+$0x30]  }
0x243: {  	[tilespmem:s6+$0x0] =	vst v8;
	v7 =	vadd.f32 v11, v7;
	v8 =	vld [tilespmem:s6+$0x10]  }
0x244: {  	[tilespmem:s5+$0x10] =	vst v10;
	v10 =	vld [tilespmem:s25+$0xFA90]  }
0x245: {  	v9 =	vld [tilespmem:s13+$0x10];
	[tilespmem:s13+$0x0] =	vst v7;
	v5 =	vadd.f32 v13, v5  }
0x246: {  	v7 =	vld [tilespmem:s26+$0xEE90]  }
0x247: {  	[tilespmem:s14+$0x10] =	vst v5;
	v5 =	vld [tilespmem:s14+$0x20]  }
0x248: {  	v58 =	vld [tilespmem:s2+$0xEEA0]  }
0x249: {  	v12 =	vld [tilespmem:s13+$0x60];
	v8 =	vadd.f32 v10, v8  }
0x24a: {  	v11 =	vld [tilespmem:s24+$0xF6A0]  }
0x24b: {  	[tilespmem:s6+$0x10] =	vst v8;
	v8 =	vld [tilespmem:s6+$0x20]  }
0x24c: {  	v7 =	vadd.f32 v7, v9;
	v9 =	vld [tilespmem:s25+$0xFAA0]  }
0x24d: {  	v13 =	vld [tilespmem:s13+$0x50];
	v5 =	vadd.f32 v58, v5  }
0x24e: {  	v10 =	vld [tilespmem:s13+$0x40];
	[tilespmem:s13+$0x10] =	vst v7  }
0x24f: {  	v7 =	vld [tilespmem:s26+$0xEEA0];
	[tilespmem:s14+$0x20] =	vst v5;
	v5 =	vadd.f32 v11, v14  }
0x250: {  	v11 =	vld [tilespmem:s14+$0x30]  }
0x251: {  	v14 =	vld [tilespmem:s2+$0xEEB0];
	v9 =	vadd.f32 v9, v8;
	[tilespmem:s5+$0x20] =	vst v5  }
0x252: {  	v60 =	vld [tilespmem:s24+$0xF6B0]  }
0x253: {  	[tilespmem:s6+$0x20] =	vst v9;
	v9 =	vld [tilespmem:s6+$0x30]  }
0x254: {  	v5 =	vadd.f32 v7, v16;
	v16 =	vld [tilespmem:s25+$0xFAB0]  }
0x255: {  	v8 =	vld [tilespmem:s13+$0x70]  }
0x256: {  	v7 =	vld [tilespmem:s5+$0x60];
	[tilespmem:s13+$0x20] =	vst v5;
	v5 =	vadd.f32 v14, v11  }
0x257: {  	v11 =	vld [tilespmem:s26+$0xEEB0]  }
0x258: {  	[tilespmem:s14+$0x30] =	vst v5;
	v14 =	vadd.f32 v60, v17;
	v17 =	vld [tilespmem:s14+$0x40]  }
0x259: {  	v9 =	vadd.f32 v16, v9;
	v16 =	vld [tilespmem:s2+$0xEEC0]  }
0x25a: {  	[tilespmem:s5+$0x30] =	vst v14;
	v14 =	vld [tilespmem:s0+$0x40]  }
0x25b: {  	[tilespmem:s6+$0x30] =	vst v9;
	v4 =	vld [tilespmem:s24+$0xF6C0];
	v9 =	vadd.f32 v59, v15  }
0x25c: {  	v15 =	vld [tilespmem:s6+$0x40];
	v3 =	vadd.f32 v11, v57  }
0x25d: {  	v11 =	vld [tilespmem:s25+$0xFAC0];
	[tilespmem:s0+$0x30] =	vst v9  }
0x25e: {  	[tilespmem:s13+$0x30] =	vst v3;
	v3 =	vld [tilespmem:s23+$0xFAC0]  }
0x25f: {  	v9 =	vadd.f32 v16, v17;
	v16 =	vld [tilespmem:s26+$0xEEC0]  }
0x260: {  	v5 =	vld [tilespmem:s5+$0x70]  }
0x261: {  	v17 =	vld [tilespmem:s14+$0x50];
	[tilespmem:s14+$0x40] =	vst v9;
	v9 =	vadd.f32 v4, v55  }
0x262: {  	v4 =	vld [tilespmem:s0+$0x50];
	v11 =	vadd.f32 v11, v15  }
0x263: {  	v62 =	vld [tilespmem:s2+$0xEED0];
	[tilespmem:s5+$0x40] =	vst v9;
	v3 =	vadd.f32 v3, v14  }
0x264: {  	v63 =	vld [tilespmem:s24+$0xF6D0];
	[tilespmem:s6+$0x40] =	vst v11;
	v9 =	vadd.f32 v16, v10  }
0x265: {  	v10 =	vld [tilespmem:s6+$0x50];
	[tilespmem:s0+$0x40] =	vst v3  }
0x266: {  	v11 =	vld [tilespmem:s25+$0xFAD0];
	[tilespmem:s13+$0x40] =	vst v9  }
0x267: {  	v6 =	vadd.f32 v61, v6;
	v9 =	vld [tilespmem:s23+$0xFAD0];
	[smem:$0x7FD] =	sst s20  }
0x268: {  	v14 =	vadd.f32 v62, v17;
	s20 =	sshll.u32 s20, $0x6;
	s21 =	rddreg [dreg:$0xd];
	v15 =	vld [tilespmem:s26+$0xEED0]  }
0x269: {  	s21 =	sadd.s32 s21, s20;
	v3 =	vld [tilespmem:s0+$0x60];
	[tilespmem:s7+$0x70] =	vst v6  }
0x26a: {  	s7 =	sadd.s32 s3, s1;
	s1 =	simm.s32 $0x4;
	s3 =	sadd.s32 $0x2, s8;
	[tilespmem:s14+$0x50] =	vst v14;
	v6 =	vadd.f32 v63, v56;
	v14 =	vld [tilespmem:s14+$0x60]  }
.LBB2_3:
0x26b: {  	_ = 	snop  }
0x26c: {  	s8 =	smulhi.u32 $0x3531DEC1, s3;
	v16 =	vld [tilespmem:s2+$0xEEE0];
	[tilespmem:s5+$0x50] =	vst v6;
	v6 =	vadd.f32 v11, v10  }
0x26d: {  	s31 =	sadd.s32 $0x2, s31;
	v4 =	vadd.f32 v9, v4  }
0x26e: {  	s10 =	smulhi.u32 $0x3531DEC1, s31;
	s8 =	sshrl.u32 s8, $0x4;
	v10 =	vld [tilespmem:s24+$0xF6E0];
	v9 =	vadd.f32 v15, v13;
	[tilespmem:s6+$0x50] =	vst v6  }
0x26f: {  	s11 =	smul.u32 $0x2680, s8;
	v6 =	vld [tilespmem:s6+$0x60];
	[tilespmem:s0+$0x50] =	vst v4  }
0x270: {  	s10 =	sshrl.u32 s10, $0x4;
	s8 =	smul.u32 $0x4D, s8;
	v11 =	vld [tilespmem:s25+$0xFAE0];
	[tilespmem:s13+$0x50] =	vst v9  }
0x271: {  	s9 =	smov.u32 s1;
	s12 =	smul.u32 $0x4D, s10;
	v13 =	vadd.f32 v16, v14;
	v4 =	vld [tilespmem:s23+$0xFAE0]  }
0x272: {  	s16 =	rddreg [dreg:$0x6];
	s1 =	sadd.s32 $0x2, s1;
	s19 =	sadd.s32 $0x100, s19;
	v9 =	vld [tilespmem:s26+$0xEEE0]  }
0x273: {  	s17 =	sshrl.u32 s1, $0x3;
	s8 =	ssub.s32 s16, s8;
	s20 =	ssub.s32 s16, s12;
	[tilespmem:s14+$0x60] =	vst v13;
	v13 =	vld [tilespmem:s14+$0x70];
	v7 =	vadd.f32 v10, v7  }
0x274: {  	s12 =	sadd.s32 s8, s1;
	s8 =	smul.u32 $0x6000, s17;
	s9 =	sadd.s32 s20, s9;
	v14 =	vld [tilespmem:s2+$0xEEF0]  }
0x275: {  	s4 =	sadd.s32 $0x100, s4;
	s18 =	sadd.s32 $0x80, s19;
	s9 =	sadd.s32 $0x3, s9;
	v10 =	vld [tilespmem:s0+$0x70];
	[tilespmem:s5+$0x60] =	vst v7;
	v6 =	vadd.f32 v11, v6  }
0x276: {  	s10 =	smul.u32 $0x2680, s10;
	s8 =	sshra.s32 s8, $0x2;
	s9 =	sshrl.u32 s9, $0x3;
	v7 =	vld [tilespmem:s24+$0xF6F0];
	v3 =	vadd.f32 v4, v3  }
0x277: {  	s17 =	sadd.s32 $0x2680, s8;
	s20 =	smul.u32 $0x6000, s9;
	s9 =	sand.u32 $0x380, s18;
	v4 =	vadd.f32 v9, v12;
	[tilespmem:s6+$0x60] =	vst v6;
	v6 =	vld [tilespmem:s6+$0x70]  }
0x278: {  	s15 =	ssub.s32 s22, s11;
	s10 =	ssub.s32 s4, s10;
	s11 =	sadd.s32 s9, s17;
	v9 =	vld [tilespmem:s25+$0xFAF0];
	[tilespmem:s0+$0x60] =	vst v3  }
0x279: {  	s10 =	sand.u32 $0x380, s10;
	s16 =	sshra.s32 s20, $0x2;
	v12 =	vld [tilespmem:s11+$0x0];
	[tilespmem:s13+$0x60] =	vst v4  }
0x27a: {  	v11 =	vadd.f32 v14, v13;
	s16 =	sor.u32 s10, s16;
	v3 =	vld [tilespmem:s23+$0xFAF0]  }
0x27b: {  	s12 =	sshrl.u32 s12, $0x3;
	s18 =	sadd.s32 $0x3280, s28;
	v5 =	vadd.f32 v7, v5;
	v7 =	vld [tilespmem:s16+$0xE680]  }
0x27c: {  	s25 =	smul.u32 $0x6000, s12;
	v4 =	vld [tilespmem:s26+$0xEEF0];
	[tilespmem:s14+$0x70] =	vst v11;
	s14 =	sadd.s32 s29, s18  }
0x27d: {  	s20 =	sadd.s32 s15, s19;
	s10 =	sand.u32 $0x300, s19;
	v11 =	vld [tilespmem:s14+$0x0]  }
0x27e: {  	s20 =	sand.u32 $0x380, s20;
	s12 =	sadd.s32 s10, s17;
	s25 =	sshra.s32 s25, $0x2;
	[tilespmem:s5+$0x70] =	vst v5;
	v5 =	vadd.f32 v9, v6;
	v6 =	vld [tilespmem:s2+$0xF280]  }
0x27f: {  	s5 =	sor.u32 s20, s25;
	v9 =	vld [tilespmem:s12+$0x0];
	v3 =	vadd.f32 v3, v10  }
0x280: {  	[tilespmem:s6+$0x70] =	vst v5;
	v5 =	vld [tilespmem:s5+$0xE680];
	v7 =	vadd.f32 v7, v12  }
0x281: {  	[tilespmem:s0+$0x70] =	vst v3  }
0x282: {  	v4 =	vadd.f32 v4, v8;
	[tilespmem:s11+$0x0] =	vst v7;
	v7 =	vld [tilespmem:s11+$0x10]  }
0x283: {  	s25 =	smov.u32 s2;
	s2 =	smov.u32 s16;
	v3 =	vld [tilespmem:s12+$0x10]  }
0x284: {  	[tilespmem:s13+$0x70] =	vst v4;
	v6 =	vadd.f32 v6, v11;
	v8 =	vld [tilespmem:s2+$0xE690]  }
0x285: {  	v4 =	vld [tilespmem:s12+$0x20];
	v5 =	vadd.f32 v5, v9  }
0x286: {  	[tilespmem:s14+$0x0] =	vst v6;
	v6 =	vld [tilespmem:s14+$0x10]  }
0x287: {  	s23 =	smov.u32 s24;
	s24 =	smov.u32 s26;
	s26 =	smov.u32 s5;
	v9 =	vld [tilespmem:s25+$0xF290];
	[tilespmem:s12+$0x0] =	vst v5  }
0x288: {  	v10 =	vld [tilespmem:s26+$0xE690]  }
0x289: {  	v11 =	vld [tilespmem:s12+$0x40]  }
0x28a: {  	v12 =	vld [tilespmem:s12+$0x50];
	v7 =	vadd.f32 v8, v7  }
0x28b: {  	v13 =	vld [tilespmem:s12+$0x60]  }
0x28c: {  	[tilespmem:s11+$0x10] =	vst v7;
	v7 =	vld [tilespmem:s11+$0x20];
	v6 =	vadd.f32 v9, v6  }
0x28d: {  	v8 =	vld [tilespmem:s2+$0xE6A0];
	v3 =	vadd.f32 v10, v3  }
0x28e: {  	[tilespmem:s14+$0x10] =	vst v6;
	v6 =	vld [tilespmem:s14+$0x20]  }
0x28f: {  	v9 =	vld [tilespmem:s25+$0xF2A0];
	[tilespmem:s12+$0x10] =	vst v3  }
0x290: {  	v3 =	vld [tilespmem:s26+$0xE6A0]  }
0x291: {  	v14 =	vld [tilespmem:s12+$0x70]  }
0x292: {  	v5 =	vld [tilespmem:s12+$0x30];
	v7 =	vadd.f32 v8, v7  }
0x293: {  	v10 =	vld [tilespmem:s12+$0x400]  }
0x294: {  	[tilespmem:s11+$0x20] =	vst v7;
	v7 =	vld [tilespmem:s11+$0x30];
	v6 =	vadd.f32 v9, v6  }
0x295: {  	v15 =	vld [tilespmem:s2+$0xE6B0];
	v3 =	vadd.f32 v3, v4  }
0x296: {  	[tilespmem:s14+$0x20] =	vst v6;
	v4 =	vld [tilespmem:s14+$0x30]  }
0x297: {  	v6 =	vld [tilespmem:s25+$0xF2B0];
	[tilespmem:s12+$0x20] =	vst v3  }
0x298: {  	v3 =	vld [tilespmem:s26+$0xE6B0]  }
0x299: {  	v8 =	vld [tilespmem:s12+$0x420]  }
0x29a: {  	v9 =	vld [tilespmem:s12+$0x410];
	v15 =	vadd.f32 v15, v7  }
0x29b: {  	v7 =	vld [tilespmem:s12+$0x430]  }
0x29c: {  	[tilespmem:s11+$0x30] =	vst v15;
	v15 =	vld [tilespmem:s11+$0x40];
	v4 =	vadd.f32 v6, v4  }
0x29d: {  	v16 =	vld [tilespmem:s2+$0xE6C0];
	v3 =	vadd.f32 v3, v5  }
0x29e: {  	v17 =	vld [tilespmem:s14+$0x40];
	[tilespmem:s14+$0x30] =	vst v4  }
0x29f: {  	v18 =	vld [tilespmem:s25+$0xF2C0];
	[tilespmem:s12+$0x30] =	vst v3  }
0x2a0: {  	v3 =	vld [tilespmem:s26+$0xE6C0]  }
0x2a1: {  	v6 =	vld [tilespmem:s12+$0x440]  }
0x2a2: {  	v5 =	vld [tilespmem:s12+$0x450];
	v15 =	vadd.f32 v16, v15  }
0x2a3: {  	v4 =	vld [tilespmem:s12+$0x460]  }
0x2a4: {  	[tilespmem:s11+$0x40] =	vst v15;
	v15 =	vld [tilespmem:s11+$0x50];
	v16 =	vadd.f32 v18, v17  }
0x2a5: {  	v17 =	vld [tilespmem:s2+$0xE6D0];
	v3 =	vadd.f32 v3, v11  }
0x2a6: {  	[tilespmem:s14+$0x40] =	vst v16;
	v11 =	vld [tilespmem:s14+$0x50]  }
0x2a7: {  	v16 =	vld [tilespmem:s25+$0xF2D0];
	[tilespmem:s12+$0x40] =	vst v3  }
0x2a8: {  	v46 =	vld [tilespmem:s26+$0xE6D0]  }
0x2a9: {  	s18 =	sadd.s32 s30, s18;
	v3 =	vld [tilespmem:s12+$0x470]  }
0x2aa: {  	v15 =	vadd.f32 v17, v15;
	v17 =	vld [tilespmem:s18+$0x0]  }
0x2ab: {  	v19 =	vld [tilespmem:s24+$0xF280]  }
0x2ac: {  	[tilespmem:s11+$0x50] =	vst v15;
	v15 =	vld [tilespmem:s11+$0x60];
	v11 =	vadd.f32 v16, v11  }
0x2ad: {  	v16 =	vld [tilespmem:s2+$0xE6E0];
	v12 =	vadd.f32 v46, v12  }
0x2ae: {  	[tilespmem:s14+$0x50] =	vst v11;
	v11 =	vld [tilespmem:s14+$0x60]  }
0x2af: {  	v47 =	vld [tilespmem:s25+$0xF2E0];
	[tilespmem:s12+$0x50] =	vst v12  }
0x2b0: {  	v12 =	vadd.f32 v19, v17;
	v48 =	vld [tilespmem:s26+$0xE6E0]  }
0x2b1: {  	v17 =	vld [tilespmem:s18+$0x10]  }
0x2b2: {  	v15 =	vadd.f32 v16, v15;
	[tilespmem:s18+$0x0] =	vst v12;
	v12 =	vld [tilespmem:s18+$0x20]  }
0x2b3: {  	v16 =	vld [tilespmem:s24+$0xF290]  }
0x2b4: {  	[tilespmem:s11+$0x60] =	vst v15;
	v15 =	vld [tilespmem:s11+$0x70];
	v11 =	vadd.f32 v47, v11  }
0x2b5: {  	v49 =	vld [tilespmem:s2+$0xE6F0];
	v13 =	vadd.f32 v48, v13  }
0x2b6: {  	[tilespmem:s14+$0x60] =	vst v11;
	v11 =	vld [tilespmem:s14+$0x70]  }
0x2b7: {  	v50 =	vld [tilespmem:s25+$0xF2F0];
	[tilespmem:s12+$0x60] =	vst v13  }
0x2b8: {  	v13 =	vadd.f32 v16, v17;
	v16 =	vld [tilespmem:s18+$0x30]  }
0x2b9: {  	v17 =	vld [tilespmem:s26+$0xE6F0]  }
0x2ba: {  	v15 =	vadd.f32 v49, v15;
	[tilespmem:s18+$0x10] =	vst v13;
	v13 =	vld [tilespmem:s18+$0x40]  }
0x2bb: {  	v51 =	vld [tilespmem:s24+$0xF2A0]  }
0x2bc: {  	[tilespmem:s11+$0x70] =	vst v15;
	v15 =	vld [tilespmem:s11+$0x400];
	v11 =	vadd.f32 v50, v11  }
0x2bd: {  	s17 =	sadd.s32 $0x3680, s28;
	v52 =	vld [tilespmem:s2+$0xEA80]  }
0x2be: {  	s6 =	sadd.s32 s29, s17;
	v14 =	vadd.f32 v17, v14;
	v17 =	vld [tilespmem:s18+$0x50];
	[tilespmem:s14+$0x70] =	vst v11  }
0x2bf: {  	v11 =	vld [tilespmem:s6+$0x0]  }
0x2c0: {  	[tilespmem:s12+$0x70] =	vst v14;
	v12 =	vadd.f32 v51, v12;
	v14 =	vld [tilespmem:s25+$0xF680]  }
0x2c1: {  	v53 =	vld [tilespmem:s26+$0xEA80]  }
0x2c2: {  	v15 =	vadd.f32 v52, v15;
	[tilespmem:s18+$0x20] =	vst v12;
	v12 =	vld [tilespmem:s18+$0x60]  }
0x2c3: {  	v54 =	vld [tilespmem:s24+$0xF2B0]  }
0x2c4: {  	[tilespmem:s11+$0x400] =	vst v15;
	v15 =	vld [tilespmem:s11+$0x410]  }
0x2c5: {  	v20 =	vld [tilespmem:s2+$0xEA90];
	v11 =	vadd.f32 v14, v11  }
0x2c6: {  	v14 =	vld [tilespmem:s18+$0x70];
	v10 =	vadd.f32 v53, v10  }
0x2c7: {  	[tilespmem:s6+$0x0] =	vst v11;
	v11 =	vld [tilespmem:s6+$0x10]  }
0x2c8: {  	[tilespmem:s12+$0x400] =	vst v10;
	v10 =	vadd.f32 v54, v16;
	v16 =	vld [tilespmem:s25+$0xF690]  }
0x2c9: {  	v55 =	vld [tilespmem:s26+$0xEA90]  }
0x2ca: {  	[tilespmem:s18+$0x30] =	vst v10  }
0x2cb: {  	s0 =	smov.u32 s7;
	v15 =	vadd.f32 v20, v15;
	v56 =	vld [tilespmem:s24+$0xF2C0]  }
0x2cc: {  	v10 =	vld [tilespmem:s0+$0x0]  }
0x2cd: {  	[tilespmem:s11+$0x410] =	vst v15;
	v15 =	vld [tilespmem:s11+$0x420];
	v11 =	vadd.f32 v16, v11  }
0x2ce: {  	v57 =	vld [tilespmem:s2+$0xEAA0];
	v9 =	vadd.f32 v55, v9  }
0x2cf: {  	v16 =	vld [tilespmem:s23+$0xFA80];
	[tilespmem:s6+$0x10] =	vst v11  }
0x2d0: {  	v11 =	vld [tilespmem:s6+$0x20];
	[tilespmem:s12+$0x410] =	vst v9;
	v9 =	vadd.f32 v56, v13  }
0x2d1: {  	v13 =	vld [tilespmem:s25+$0xF6A0]  }
0x2d2: {  	v58 =	vld [tilespmem:s26+$0xEAA0];
	[tilespmem:s18+$0x40] =	vst v9  }
0x2d3: {  	v15 =	vadd.f32 v57, v15;
	v9 =	vld [tilespmem:s0+$0x10]  }
0x2d4: {  	v10 =	vadd.f32 v16, v10;
	v59 =	vld [tilespmem:s24+$0xF2D0]  }
0x2d5: {  	[tilespmem:s11+$0x420] =	vst v15;
	v15 =	vld [tilespmem:s11+$0x430]  }
0x2d6: {  	v16 =	vld [tilespmem:s2+$0xEAB0];
	[tilespmem:s0+$0x0] =	vst v10  }
0x2d7: {  	v11 =	vadd.f32 v13, v11;
	v10 =	vld [tilespmem:s23+$0xFA90]  }
0x2d8: {  	v8 =	vadd.f32 v58, v8  }
0x2d9: {  	[tilespmem:s6+$0x20] =	vst v11;
	v11 =	vld [tilespmem:s6+$0x30]  }
0x2da: {  	[tilespmem:s12+$0x420] =	vst v8;
	v8 =	vadd.f32 v59, v17;
	v13 =	vld [tilespmem:s25+$0xF6B0]  }
0x2db: {  	v17 =	vld [tilespmem:s26+$0xEAB0]  }
0x2dc: {  	v15 =	vadd.f32 v16, v15;
	[tilespmem:s18+$0x50] =	vst v8;
	v9 =	vadd.f32 v10, v9;
	v10 =	vld [tilespmem:s11+$0x440]  }
0x2dd: {  	v8 =	vld [tilespmem:s0+$0x20]  }
0x2de: {  	v16 =	vld [tilespmem:s24+$0xF2E0];
	[tilespmem:s11+$0x430] =	vst v15  }
0x2df: {  	v15 =	vld [tilespmem:s2+$0xEAC0];
	[tilespmem:s0+$0x10] =	vst v9  }
0x2e0: {  	v11 =	vadd.f32 v13, v11;
	v9 =	vld [tilespmem:s23+$0xFAA0]  }
0x2e1: {  	v7 =	vadd.f32 v17, v7  }
0x2e2: {  	[tilespmem:s6+$0x30] =	vst v11;
	v11 =	vld [tilespmem:s6+$0x40]  }
0x2e3: {  	[tilespmem:s12+$0x430] =	vst v7;
	v7 =	vadd.f32 v16, v12;
	v12 =	vld [tilespmem:s25+$0xF6C0]  }
0x2e4: {  	v13 =	vld [tilespmem:s26+$0xEAC0]  }
0x2e5: {  	v10 =	vadd.f32 v15, v10;
	[tilespmem:s18+$0x60] =	vst v7;
	v8 =	vadd.f32 v9, v8;
	v9 =	vld [tilespmem:s11+$0x450]  }
0x2e6: {  	v7 =	vld [tilespmem:s0+$0x30]  }
0x2e7: {  	v15 =	vld [tilespmem:s24+$0xF2F0];
	[tilespmem:s11+$0x440] =	vst v10  }
0x2e8: {  	v10 =	vld [tilespmem:s2+$0xEAD0];
	[tilespmem:s0+$0x20] =	vst v8  }
0x2e9: {  	v11 =	vadd.f32 v12, v11;
	v8 =	vld [tilespmem:s23+$0xFAB0]  }
0x2ea: {  	v6 =	vadd.f32 v13, v6  }
0x2eb: {  	[tilespmem:s6+$0x40] =	vst v11;
	v11 =	vld [tilespmem:s6+$0x50]  }
0x2ec: {  	[tilespmem:s12+$0x440] =	vst v6;
	v6 =	vadd.f32 v15, v14;
	v12 =	vld [tilespmem:s25+$0xF6D0]  }
0x2ed: {  	v13 =	vld [tilespmem:s26+$0xEAD0]  }
0x2ee: {  	v9 =	vadd.f32 v10, v9;
	[tilespmem:s18+$0x70] =	vst v6;
	v7 =	vadd.f32 v8, v7;
	v8 =	vld [tilespmem:s11+$0x460]  }
0x2ef: {  	s5 =	sadd.s32 s30, s17;
	v6 =	vld [tilespmem:s0+$0x40]  }
0x2f0: {  	v10 =	vld [tilespmem:s5+$0x0];
	[tilespmem:s11+$0x450] =	vst v9  }
0x2f1: {  	v9 =	vld [tilespmem:s2+$0xEAE0];
	[tilespmem:s0+$0x30] =	vst v7;
	v11 =	vadd.f32 v12, v11  }
0x2f2: {  	v7 =	vld [tilespmem:s24+$0xF680];
	v5 =	vadd.f32 v13, v5  }
0x2f3: {  	[tilespmem:s6+$0x50] =	vst v11;
	v11 =	vld [tilespmem:s6+$0x60]  }
0x2f4: {  	[tilespmem:s12+$0x450] =	vst v5;
	v5 =	vld [tilespmem:s25+$0xF6E0]  }
0x2f5: {  	v12 =	vld [tilespmem:s26+$0xEAE0]  }
0x2f6: {  	v8 =	vadd.f32 v9, v8;
	v9 =	vld [tilespmem:s5+$0x10]  }
0x2f7: {  	v7 =	vadd.f32 v7, v10;
	v10 =	vld [tilespmem:s5+$0x20]  }
0x2f8: {  	[tilespmem:s11+$0x460] =	vst v8;
	v8 =	vld [tilespmem:s11+$0x470]  }
0x2f9: {  	v13 =	vld [tilespmem:s2+$0xEAF0];
	[tilespmem:s5+$0x0] =	vst v7;
	v5 =	vadd.f32 v5, v11  }
0x2fa: {  	v7 =	vld [tilespmem:s24+$0xF690];
	v4 =	vadd.f32 v12, v4  }
0x2fb: {  	[tilespmem:s6+$0x60] =	vst v5;
	v5 =	vld [tilespmem:s6+$0x70]  }
0x2fc: {  	[tilespmem:s12+$0x460] =	vst v4;
	v4 =	vld [tilespmem:s25+$0xF6F0]  }
0x2fd: {  	v11 =	vld [tilespmem:s26+$0xEAF0]  }
0x2fe: {  	v8 =	vadd.f32 v13, v8;
	v15 =	vld [tilespmem:s5+$0x30]  }
0x2ff: {  	s18 =	sadd.s32 $0x2E80, s8;
	v14 =	vld [tilespmem:s5+$0x50]  }
0x300: {  	s14 =	sadd.s32 s9, s18;
	v7 =	vadd.f32 v7, v9;
	v9 =	vld [tilespmem:s5+$0x40];
	[tilespmem:s11+$0x470] =	vst v8  }
0x301: {  	v8 =	vld [tilespmem:s14+$0x0];
	v4 =	vadd.f32 v4, v5  }
0x302: {  	s20 =	sadd.s32 $0x3A80, s28;
	[tilespmem:s5+$0x10] =	vst v7;
	v5 =	vld [tilespmem:s2+$0xEE80];
	v3 =	vadd.f32 v11, v3  }
0x303: {  	v7 =	vld [tilespmem:s24+$0xF6A0];
	[tilespmem:s6+$0x70] =	vst v4;
	s6 =	sadd.s32 s29, s20  }
0x304: {  	[tilespmem:s12+$0x470] =	vst v3;
	v3 =	vld [tilespmem:s6+$0x0]  }
0x305: {  	s13 =	sadd.s32 s10, s18;
	v4 =	vld [tilespmem:s25+$0xFA80]  }
0x306: {  	v11 =	vld [tilespmem:s13+$0x0]  }
0x307: {  	v12 =	vld [tilespmem:s26+$0xEE80]  }
0x308: {  	v5 =	vadd.f32 v5, v8  }
0x309: {  	v8 =	vld [tilespmem:s13+$0x10];
	v7 =	vadd.f32 v7, v10  }
0x30a: {  	[tilespmem:s14+$0x0] =	vst v5;
	v5 =	vld [tilespmem:s14+$0x10]  }
0x30b: {  	[tilespmem:s5+$0x20] =	vst v7;
	v10 =	vld [tilespmem:s2+$0xEE90];
	v3 =	vadd.f32 v4, v3  }
0x30c: {  	v4 =	vld [tilespmem:s13+$0x20];
	v7 =	vadd.f32 v12, v11  }
0x30d: {  	[tilespmem:s6+$0x0] =	vst v3;
	v3 =	vld [tilespmem:s6+$0x10]  }
0x30e: {  	v11 =	vld [tilespmem:s25+$0xFA90];
	[tilespmem:s13+$0x0] =	vst v7  }
0x30f: {  	v7 =	vld [tilespmem:s26+$0xEE90]  }
0x310: {  	v16 =	vld [tilespmem:s13+$0x30];
	v5 =	vadd.f32 v10, v5  }
0x311: {  	v13 =	vld [tilespmem:s13+$0x50]  }
0x312: {  	[tilespmem:s14+$0x10] =	vst v5;
	v5 =	vld [tilespmem:s14+$0x20]  }
0x313: {  	v17 =	vld [tilespmem:s2+$0xEEA0];
	v3 =	vadd.f32 v11, v3  }
0x314: {  	v12 =	vld [tilespmem:s13+$0x60];
	v7 =	vadd.f32 v7, v8  }
0x315: {  	[tilespmem:s6+$0x10] =	vst v3;
	v3 =	vld [tilespmem:s6+$0x20]  }
0x316: {  	v11 =	vld [tilespmem:s25+$0xFAA0];
	[tilespmem:s13+$0x10] =	vst v7  }
0x317: {  	v7 =	vld [tilespmem:s26+$0xEEA0]  }
0x318: {  	v10 =	vld [tilespmem:s13+$0x40];
	v5 =	vadd.f32 v17, v5  }
0x319: {  	v8 =	vld [tilespmem:s13+$0x70]  }
0x31a: {  	[tilespmem:s14+$0x20] =	vst v5;
	v5 =	vld [tilespmem:s14+$0x30]  }
0x31b: {  	v17 =	vld [tilespmem:s2+$0xEEB0];
	v3 =	vadd.f32 v11, v3  }
0x31c: {  	v11 =	vld [tilespmem:s24+$0xF6B0];
	v4 =	vadd.f32 v7, v4  }
0x31d: {  	[tilespmem:s6+$0x20] =	vst v3;
	v3 =	vld [tilespmem:s6+$0x30]  }
0x31e: {  	v60 =	vld [tilespmem:s25+$0xFAB0];
	[tilespmem:s13+$0x20] =	vst v4  }
0x31f: {  	v4 =	vld [tilespmem:s26+$0xEEB0]  }
0x320: {  	v7 =	vld [tilespmem:s5+$0x60];
	v17 =	vadd.f32 v17, v5  }
0x321: {  	v11 =	vadd.f32 v11, v15;
	v5 =	vld [tilespmem:s5+$0x70]  }
0x322: {  	v15 =	vld [tilespmem:s14+$0x40];
	[tilespmem:s14+$0x30] =	vst v17  }
0x323: {  	[tilespmem:s5+$0x30] =	vst v11;
	v17 =	vld [tilespmem:s2+$0xEEC0];
	v3 =	vadd.f32 v60, v3  }
0x324: {  	v11 =	vld [tilespmem:s24+$0xF6C0];
	v4 =	vadd.f32 v4, v16  }
0x325: {  	[tilespmem:s6+$0x30] =	vst v3;
	v3 =	vld [tilespmem:s6+$0x40]  }
0x326: {  	v16 =	vld [tilespmem:s25+$0xFAC0];
	[tilespmem:s13+$0x30] =	vst v4  }
0x327: {  	v61 =	vld [tilespmem:s23+$0xFAC0]  }
0x328: {  	v62 =	vld [tilespmem:s26+$0xEEC0]  }
0x329: {  	v15 =	vadd.f32 v17, v15  }
0x32a: {  	v4 =	vld [tilespmem:s0+$0x50];
	v9 =	vadd.f32 v11, v9  }
0x32b: {  	v17 =	vld [tilespmem:s14+$0x50];
	[tilespmem:s14+$0x40] =	vst v15;
	v3 =	vadd.f32 v16, v3  }
0x32c: {  	[tilespmem:s5+$0x40] =	vst v9;
	v63 =	vld [tilespmem:s2+$0xEED0];
	v6 =	vadd.f32 v61, v6  }
0x32d: {  	v16 =	vld [tilespmem:s24+$0xF6D0];
	v9 =	vadd.f32 v62, v10;
	[tilespmem:s6+$0x40] =	vst v3  }
0x32e: {  	p0 =	slt.u32 s1, $0x1E;
	v10 =	vld [tilespmem:s6+$0x50];
	[tilespmem:s0+$0x40] =	vst v6  }
.Ltmp0:
0x32f: {  	v11 =	vld [tilespmem:s25+$0xFAD0];
	[tilespmem:s13+$0x40] =	vst v9;
	(pc) =	sbr.rel @p0 .LBB2_3-.Ltmp0, $4  }
0x330: {  	v9 =	vld [tilespmem:s23+$0xFAD0]  }
0x331: {  	v15 =	vld [tilespmem:s26+$0xEED0];
	v17 =	vadd.f32 v63, v17  }
0x332: {  	s3 =	sadd.s32 $0x2, s3;
	s28 =	smov.u32 s8;
	v3 =	vld [tilespmem:s0+$0x60]  }
0x333: {  	s7 =	sadd.s32 s30, s20;
	s30 =	smov.u32 s10;
	s29 =	smov.u32 s9;
	v6 =	vadd.f32 v16, v14;
	v14 =	vld [tilespmem:s14+$0x60];
	[tilespmem:s14+$0x50] =	vst v17  }
0x334: {  	_ = 	snop  }
0x335: {  	[dreg:$0x1e] =	wrdreg s22  }
0x336: {  	v16 =	vld [tilespmem:s2+$0xEEE0];
	v13 =	vadd.f32 v15, v13;
	_ =	sdelay $0x1  }
0x337: {  	[tilespmem:s13+$0x50] =	vst v13  }
0x338: {  	v13 =	vld [tilespmem:s26+$0xEEE0];
	_ =	sdelay $0x1  }
0x339: {  	v14 =	vadd.f32 v16, v14;
	_ =	sdelay $0x1  }
0x33a: {  	[tilespmem:s14+$0x60] =	vst v14;
	v14 =	vld [tilespmem:s14+$0x70]  }
0x33b: {  	v15 =	vld [tilespmem:s2+$0xEEF0];
	v12 =	vadd.f32 v13, v12;
	_ =	sdelay $0x1  }
0x33c: {  	[tilespmem:s13+$0x60] =	vst v12  }
0x33d: {  	v12 =	vld [tilespmem:s26+$0xEEF0];
	_ =	sdelay $0x1  }
0x33e: {  	v13 =	vadd.f32 v15, v14  }
0x33f: {  	s3 =	sadd.s32 $0x3280, s28  }
0x340: {  	s1 =	sadd.s32 s29, s3;
	[tilespmem:s14+$0x70] =	vst v13  }
0x341: {  	v13 =	vld [tilespmem:s1+$0x0];
	v8 =	vadd.f32 v12, v8  }
0x342: {  	v12 =	vld [tilespmem:s2+$0xF280]  }
0x343: {  	s3 =	sadd.s32 s30, s3;
	[tilespmem:s13+$0x70] =	vst v8  }
0x344: {  	v8 =	vld [tilespmem:s3+$0x0]  }
0x345: {  	v14 =	vld [tilespmem:s26+$0xF280];
	_ =	sdelay $0x1  }
0x346: {  	v12 =	vadd.f32 v12, v13;
	_ =	sdelay $0x1  }
0x347: {  	[tilespmem:s1+$0x0] =	vst v12;
	v12 =	vld [tilespmem:s1+$0x10]  }
0x348: {  	v13 =	vld [tilespmem:s2+$0xF290];
	v8 =	vadd.f32 v14, v8;
	_ =	sdelay $0x1  }
0x349: {  	v14 =	vld [tilespmem:s3+$0x10];
	[tilespmem:s3+$0x0] =	vst v8  }
0x34a: {  	v8 =	vld [tilespmem:s26+$0xF290];
	_ =	sdelay $0x1  }
0x34b: {  	v12 =	vadd.f32 v13, v12;
	_ =	sdelay $0x1  }
0x34c: {  	[tilespmem:s1+$0x10] =	vst v12;
	v12 =	vld [tilespmem:s1+$0x20]  }
0x34d: {  	v13 =	vld [tilespmem:s2+$0xF2A0];
	v8 =	vadd.f32 v8, v14;
	_ =	sdelay $0x1  }
0x34e: {  	v14 =	vld [tilespmem:s3+$0x20];
	[tilespmem:s3+$0x10] =	vst v8  }
0x34f: {  	v8 =	vld [tilespmem:s26+$0xF2A0];
	_ =	sdelay $0x1  }
0x350: {  	v12 =	vadd.f32 v13, v12;
	_ =	sdelay $0x1  }
0x351: {  	[tilespmem:s1+$0x20] =	vst v12;
	v12 =	vld [tilespmem:s1+$0x30]  }
0x352: {  	v13 =	vld [tilespmem:s2+$0xF2B0];
	v8 =	vadd.f32 v8, v14;
	_ =	sdelay $0x1  }
0x353: {  	v14 =	vld [tilespmem:s3+$0x30];
	[tilespmem:s3+$0x20] =	vst v8  }
0x354: {  	v8 =	vld [tilespmem:s26+$0xF2B0];
	_ =	sdelay $0x1  }
0x355: {  	v12 =	vadd.f32 v13, v12;
	_ =	sdelay $0x1  }
0x356: {  	[tilespmem:s1+$0x30] =	vst v12;
	v12 =	vld [tilespmem:s1+$0x40]  }
0x357: {  	v13 =	vld [tilespmem:s2+$0xF2C0];
	v8 =	vadd.f32 v8, v14;
	_ =	sdelay $0x1  }
0x358: {  	v14 =	vld [tilespmem:s3+$0x40];
	[tilespmem:s3+$0x30] =	vst v8  }
0x359: {  	v8 =	vld [tilespmem:s26+$0xF2C0];
	_ =	sdelay $0x1  }
0x35a: {  	v12 =	vadd.f32 v13, v12;
	_ =	sdelay $0x1  }
0x35b: {  	[tilespmem:s1+$0x40] =	vst v12;
	v12 =	vld [tilespmem:s1+$0x50]  }
0x35c: {  	v13 =	vld [tilespmem:s2+$0xF2D0];
	v8 =	vadd.f32 v8, v14;
	_ =	sdelay $0x1  }
0x35d: {  	v14 =	vld [tilespmem:s3+$0x50];
	[tilespmem:s3+$0x40] =	vst v8  }
0x35e: {  	v8 =	vld [tilespmem:s26+$0xF2D0];
	_ =	sdelay $0x1  }
0x35f: {  	v12 =	vadd.f32 v13, v12;
	_ =	sdelay $0x1  }
0x360: {  	[tilespmem:s1+$0x50] =	vst v12;
	v12 =	vld [tilespmem:s1+$0x60]  }
0x361: {  	v13 =	vld [tilespmem:s2+$0xF2E0];
	v8 =	vadd.f32 v8, v14;
	_ =	sdelay $0x1  }
0x362: {  	v14 =	vld [tilespmem:s3+$0x60];
	[tilespmem:s3+$0x50] =	vst v8  }
0x363: {  	v8 =	vld [tilespmem:s26+$0xF2E0];
	_ =	sdelay $0x1  }
0x364: {  	v12 =	vadd.f32 v13, v12;
	_ =	sdelay $0x1  }
0x365: {  	[tilespmem:s1+$0x60] =	vst v12;
	v12 =	vld [tilespmem:s1+$0x70]  }
0x366: {  	v13 =	vld [tilespmem:s2+$0xF2F0];
	v8 =	vadd.f32 v8, v14;
	_ =	sdelay $0x1  }
0x367: {  	v14 =	vld [tilespmem:s3+$0x70];
	[tilespmem:s3+$0x60] =	vst v8  }
0x368: {  	v8 =	vld [tilespmem:s26+$0xF2F0];
	_ =	sdelay $0x1  }
0x369: {  	v12 =	vadd.f32 v13, v12  }
0x36a: {  	s4 =	sadd.s32 $0x3680, s28  }
0x36b: {  	s14 =	sadd.s32 s29, s4;
	[tilespmem:s1+$0x70] =	vst v12  }
0x36c: {  	v12 =	vld [tilespmem:s14+$0x0];
	v8 =	vadd.f32 v8, v14  }
0x36d: {  	v13 =	vld [tilespmem:s2+$0xF680]  }
0x36e: {  	s4 =	sadd.s32 s30, s4;
	[tilespmem:s3+$0x70] =	vst v8  }
0x36f: {  	v8 =	vld [tilespmem:s4+$0x0]  }
0x370: {  	v14 =	vld [tilespmem:s26+$0xF680];
	_ =	sdelay $0x1  }
0x371: {  	v12 =	vadd.f32 v13, v12;
	_ =	sdelay $0x1  }
0x372: {  	[tilespmem:s14+$0x0] =	vst v12;
	v12 =	vld [tilespmem:s14+$0x10]  }
0x373: {  	v13 =	vld [tilespmem:s2+$0xF690];
	v8 =	vadd.f32 v14, v8;
	_ =	sdelay $0x1  }
0x374: {  	v14 =	vld [tilespmem:s4+$0x10];
	[tilespmem:s4+$0x0] =	vst v8  }
0x375: {  	v8 =	vld [tilespmem:s26+$0xF690];
	_ =	sdelay $0x1  }
0x376: {  	v12 =	vadd.f32 v13, v12;
	_ =	sdelay $0x1  }
0x377: {  	[tilespmem:s14+$0x10] =	vst v12;
	v12 =	vld [tilespmem:s14+$0x20]  }
0x378: {  	v13 =	vld [tilespmem:s2+$0xF6A0];
	v8 =	vadd.f32 v8, v14;
	_ =	sdelay $0x1  }
0x379: {  	v14 =	vld [tilespmem:s4+$0x20];
	[tilespmem:s4+$0x10] =	vst v8  }
0x37a: {  	v8 =	vld [tilespmem:s26+$0xF6A0];
	_ =	sdelay $0x1  }
0x37b: {  	v12 =	vadd.f32 v13, v12;
	_ =	sdelay $0x1  }
0x37c: {  	[tilespmem:s14+$0x20] =	vst v12;
	v12 =	vld [tilespmem:s14+$0x30]  }
0x37d: {  	v13 =	vld [tilespmem:s2+$0xF6B0];
	v8 =	vadd.f32 v8, v14;
	_ =	sdelay $0x1  }
0x37e: {  	v14 =	vld [tilespmem:s4+$0x30];
	[tilespmem:s4+$0x20] =	vst v8  }
0x37f: {  	v8 =	vld [tilespmem:s26+$0xF6B0];
	_ =	sdelay $0x1  }
0x380: {  	v12 =	vadd.f32 v13, v12;
	_ =	sdelay $0x1  }
0x381: {  	[tilespmem:s14+$0x30] =	vst v12;
	v12 =	vld [tilespmem:s14+$0x40]  }
0x382: {  	v13 =	vld [tilespmem:s2+$0xF6C0];
	v8 =	vadd.f32 v8, v14;
	_ =	sdelay $0x1  }
0x383: {  	v14 =	vld [tilespmem:s4+$0x40];
	[tilespmem:s4+$0x30] =	vst v8  }
0x384: {  	v8 =	vld [tilespmem:s26+$0xF6C0];
	_ =	sdelay $0x1  }
0x385: {  	v12 =	vadd.f32 v13, v12;
	_ =	sdelay $0x1  }
0x386: {  	[tilespmem:s14+$0x40] =	vst v12;
	v12 =	vld [tilespmem:s14+$0x50]  }
0x387: {  	v13 =	vld [tilespmem:s2+$0xF6D0];
	v8 =	vadd.f32 v8, v14;
	_ =	sdelay $0x1  }
0x388: {  	v14 =	vld [tilespmem:s4+$0x50];
	[tilespmem:s4+$0x40] =	vst v8  }
0x389: {  	v8 =	vld [tilespmem:s26+$0xF6D0];
	_ =	sdelay $0x1  }
0x38a: {  	[tilespmem:s5+$0x50] =	vst v6;
	v6 =	vadd.f32 v13, v12  }
0x38b: {  	v12 =	vld [tilespmem:s24+$0xF6E0]  }
0x38c: {  	[tilespmem:s14+$0x50] =	vst v6;
	v6 =	vld [tilespmem:s14+$0x60]  }
0x38d: {  	v13 =	vld [tilespmem:s2+$0xF6E0];
	v8 =	vadd.f32 v8, v14;
	_ =	sdelay $0x1  }
0x38e: {  	v14 =	vld [tilespmem:s4+$0x60];
	[tilespmem:s4+$0x50] =	vst v8  }
0x38f: {  	v7 =	vadd.f32 v12, v7;
	v8 =	vld [tilespmem:s26+$0xF6E0];
	_ =	sdelay $0x1  }
0x390: {  	[tilespmem:s5+$0x60] =	vst v7;
	v6 =	vadd.f32 v13, v6  }
0x391: {  	v7 =	vld [tilespmem:s24+$0xF6F0]  }
0x392: {  	[tilespmem:s14+$0x60] =	vst v6;
	v6 =	vld [tilespmem:s14+$0x70]  }
0x393: {  	v12 =	vld [tilespmem:s2+$0xF6F0];
	v8 =	vadd.f32 v8, v14;
	_ =	sdelay $0x1  }
0x394: {  	v13 =	vld [tilespmem:s4+$0x70];
	[tilespmem:s4+$0x60] =	vst v8  }
0x395: {  	v8 =	vld [tilespmem:s26+$0xF6F0]  }
0x396: {  	v5 =	vadd.f32 v7, v5  }
0x397: {  	v6 =	vadd.f32 v12, v6  }
0x398: {  	s15 =	sadd.s32 $0x3A80, s28;
	[tilespmem:s5+$0x70] =	vst v5  }
0x399: {  	s16 =	sadd.s32 s29, s15;
	v5 =	vld [tilespmem:s7+$0x0];
	[tilespmem:s14+$0x70] =	vst v6  }
0x39a: {  	v6 =	vld [tilespmem:s16+$0x0];
	v7 =	vadd.f32 v8, v13  }
0x39b: {  	v8 =	vld [tilespmem:s2+$0xFA80]  }
0x39c: {  	s3 =	sadd.s32 s30, s15;
	v12 =	vld [tilespmem:s24+$0xFA80];
	[tilespmem:s4+$0x70] =	vst v7  }
0x39d: {  	v7 =	vld [tilespmem:s3+$0x0]  }
0x39e: {  	v13 =	vld [tilespmem:s26+$0xFA80];
	_ =	sdelay $0x1  }
0x39f: {  	v6 =	vadd.f32 v8, v6  }
0x3a0: {  	v5 =	vadd.f32 v12, v5;
	v8 =	vld [tilespmem:s7+$0x10]  }
0x3a1: {  	[tilespmem:s16+$0x0] =	vst v6;
	v6 =	vld [tilespmem:s16+$0x10]  }
0x3a2: {  	[tilespmem:s7+$0x0] =	vst v5;
	v5 =	vld [tilespmem:s2+$0xFA90];
	v7 =	vadd.f32 v13, v7  }
0x3a3: {  	v12 =	vld [tilespmem:s24+$0xFA90]  }
0x3a4: {  	v13 =	vld [tilespmem:s3+$0x10];
	[tilespmem:s3+$0x0] =	vst v7  }
0x3a5: {  	v7 =	vld [tilespmem:s26+$0xFA90];
	_ =	sdelay $0x1  }
0x3a6: {  	v5 =	vadd.f32 v5, v6  }
0x3a7: {  	v8 =	vadd.f32 v12, v8;
	v6 =	vld [tilespmem:s7+$0x20]  }
0x3a8: {  	[tilespmem:s16+$0x10] =	vst v5;
	v5 =	vld [tilespmem:s16+$0x20]  }
0x3a9: {  	[tilespmem:s7+$0x10] =	vst v8;
	v8 =	vld [tilespmem:s2+$0xFAA0];
	v7 =	vadd.f32 v7, v13  }
0x3aa: {  	v12 =	vld [tilespmem:s24+$0xFAA0]  }
0x3ab: {  	v13 =	vld [tilespmem:s3+$0x20];
	[tilespmem:s3+$0x10] =	vst v7  }
0x3ac: {  	v7 =	vld [tilespmem:s26+$0xFAA0];
	_ =	sdelay $0x1  }
0x3ad: {  	v5 =	vadd.f32 v8, v5  }
0x3ae: {  	v6 =	vadd.f32 v12, v6;
	v8 =	vld [tilespmem:s7+$0x30]  }
0x3af: {  	[tilespmem:s16+$0x20] =	vst v5;
	v5 =	vld [tilespmem:s16+$0x30]  }
0x3b0: {  	[tilespmem:s7+$0x20] =	vst v6;
	v6 =	vld [tilespmem:s2+$0xFAB0];
	v7 =	vadd.f32 v7, v13  }
0x3b1: {  	v12 =	vld [tilespmem:s24+$0xFAB0]  }
0x3b2: {  	v10 =	vadd.f32 v11, v10;
	v11 =	vld [tilespmem:s3+$0x30];
	[tilespmem:s3+$0x20] =	vst v7  }
0x3b3: {  	v7 =	vld [tilespmem:s26+$0xFAB0];
	_ =	sdelay $0x1  }
0x3b4: {  	[tilespmem:s6+$0x50] =	vst v10;
	v10 =	vld [tilespmem:s6+$0x60];
	v5 =	vadd.f32 v6, v5  }
0x3b5: {  	v8 =	vadd.f32 v12, v8;
	v6 =	vld [tilespmem:s7+$0x40]  }
0x3b6: {  	[tilespmem:s16+$0x30] =	vst v5;
	v5 =	vld [tilespmem:s16+$0x40]  }
0x3b7: {  	[tilespmem:s7+$0x30] =	vst v8;
	v8 =	vld [tilespmem:s2+$0xFAC0];
	v7 =	vadd.f32 v7, v11  }
0x3b8: {  	v4 =	vadd.f32 v9, v4;
	v11 =	vld [tilespmem:s24+$0xFAC0]  }
0x3b9: {  	v9 =	vld [tilespmem:s3+$0x40];
	[tilespmem:s3+$0x30] =	vst v7  }
0x3ba: {  	[tilespmem:s0+$0x50] =	vst v4;
	v7 =	vld [tilespmem:s26+$0xFAC0]  }
0x3bb: {  	v4 =	vld [tilespmem:s23+$0xFAE0]  }
0x3bc: {  	v12 =	vld [tilespmem:s25+$0xFAE0];
	v5 =	vadd.f32 v8, v5  }
0x3bd: {  	v8 =	vld [tilespmem:s7+$0x50];
	v6 =	vadd.f32 v11, v6  }
0x3be: {  	[tilespmem:s16+$0x40] =	vst v5;
	v5 =	vld [tilespmem:s16+$0x50]  }
0x3bf: {  	[tilespmem:s7+$0x40] =	vst v6;
	v11 =	vld [tilespmem:s2+$0xFAD0];
	v6 =	vadd.f32 v7, v9  }
0x3c0: {  	v3 =	vadd.f32 v4, v3;
	v7 =	vld [tilespmem:s24+$0xFAD0]  }
0x3c1: {  	v9 =	vadd.f32 v12, v10;
	v10 =	vld [tilespmem:s3+$0x50];
	[tilespmem:s3+$0x40] =	vst v6  }
0x3c2: {  	[tilespmem:s0+$0x60] =	vst v3;
	v6 =	vld [tilespmem:s26+$0xFAD0]  }
0x3c3: {  	v3 =	vld [tilespmem:s23+$0xFAF0]  }
0x3c4: {  	v4 =	vld [tilespmem:s3+$0x60];
	v5 =	vadd.f32 v11, v5  }
0x3c5: {  	v11 =	vld [tilespmem:s7+$0x60];
	v7 =	vadd.f32 v7, v8  }
0x3c6: {  	[tilespmem:s16+$0x50] =	vst v5;
	v5 =	vld [tilespmem:s16+$0x60]  }
0x3c7: {  	[tilespmem:s7+$0x50] =	vst v7;
	v8 =	vld [tilespmem:s2+$0xFAE0];
	v6 =	vadd.f32 v6, v10  }
0x3c8: {  	v7 =	vld [tilespmem:s24+$0xFAE0]  }
0x3c9: {  	v12 =	vld [tilespmem:s0+$0x70];
	[tilespmem:s3+$0x50] =	vst v6  }
0x3ca: {  	v6 =	vld [tilespmem:s26+$0xFAE0]  }
0x3cb: {  	[tilespmem:s6+$0x60] =	vst v9;
	v9 =	vld [tilespmem:s6+$0x70]  }
0x3cc: {  	v10 =	vld [tilespmem:s25+$0xFAF0];
	v5 =	vadd.f32 v8, v5  }
0x3cd: {  	v8 =	vld [tilespmem:s7+$0x70];
	v7 =	vadd.f32 v7, v11  }
0x3ce: {  	[tilespmem:s16+$0x60] =	vst v5;
	v5 =	vld [tilespmem:s16+$0x70]  }
0x3cf: {  	[tilespmem:s7+$0x60] =	vst v7;
	v7 =	vld [tilespmem:s3+$0x70];
	v4 =	vadd.f32 v6, v4  }
0x3d0: {  	v11 =	vld [tilespmem:s2+$0xFAF0]  }
0x3d1: {  	v6 =	vld [tilespmem:s24+$0xFAF0];
	[tilespmem:s3+$0x60] =	vst v4  }
0x3d2: {  	v4 =	vld [tilespmem:s26+$0xFAF0]  }
0x3d3: {  	v3 =	vadd.f32 v3, v12  }
0x3d4: {  	v9 =	vadd.f32 v10, v9  }
0x3d5: {  	[tilespmem:s0+$0x70] =	vst v3;
	v5 =	vadd.f32 v11, v5  }
0x3d6: {  	s17 =	sshrl.u32 s21, $0x3;
	[tilespmem:s6+$0x70] =	vst v9;
	v3 =	vadd.f32 v6, v8  }
0x3d7: {  	s0 =	smul.u32 $0x300, s17;
	[tilespmem:s16+$0x70] =	vst v5;
	v4 =	vadd.f32 v4, v7  }
0x3d8: {  	s18 =	rddreg [dreg:$0x3];
	s19 =	simm.s32 $0x0;
	[tilespmem:s7+$0x70] =	vst v3  }
0x3d9: {  	s20 =	simm.s32 $0x2680;
	s21 =	simm.s32 $0x2;
	s0 =	sadd.s32 s18, s0;
	[tilespmem:s3+$0x70] =	vst v4  }
0x3da: {  	[hbm4b:s0+s19] =	stream.linear.scatter [tilespmem:s20], [sflag:$0x3], $0x6000, $0x38;
	[tilespmem:$0x1D680] =	vst v63  }
0x3db: {  	_ =	swait.ge [sflag:s21], $0x6000  }
0x3dc: {  	[sflag:s21] =	ssyncset.done $0x0  }
0x3dd: {  	s22 =	simm.s32 $0x3;
	[sflag:s21] =	ssyncadd.s32 $0xFFFFA000  }
0x3de: {  	_ =	swait.ge [sflag:s22], $0x6000  }
0x3df: {  	s0 =	sld [smem:$0x7FD];
	_ =	sdelay $0x2  }
0x3e0: {  	p0 =	seq.s32 s0, $0x99  }
0x3e1: {  	[sflag:s22] =	ssyncset.done $0x0;
	s0 =	sshll.u32 @!p0 s0, $0x6  }
0x3e2: {  	[sflag:s22] =	ssyncadd.s32 $0xFFFFA000;
	s0 =	sand.u32 @!p0 $0x3FFFFFC0, s0  }
0x3e3: {  	v3 =	vld @!p0 [tilespmem:s0+$0x40];
	_ =	sdelay $0x4  }
0x3e4: {  	v4 =	vshrl.u32 @!p0 v3, $0x3  }
0x3e5: {  	v4 =	vmul.u32 @!p0 $0x30, v4  }
0x3e6: {  	v5 =	vlaneseq.u32 @!p0;
	v3 =	vand.u32 @!p0 $0x7, v3  }
0x3e7: {  	v6 =	vshrl.u32 @!p0 v5, $0x3;
	v3 =	vor.u32 @!p0 v3, v4;
	v4 =	vand.u32 @!p0 $0x7, v5  }
0x3e8: {  	v6 =	vmul.u32 @!p0 $0x8, v6;
	v7 =	vperm.xlane @!p0 v3, v4;
	_ =	sdelay $0x1  }
0x3e9: {  	v7 =	vadd.s32 @!p0 v6, v7;
	_ =	sdelay $0x2  }
0x3ea: {  	v5 =	vor.u32 @!p0 $0x8, v5  }
0x3eb: {  	s3 =	rddreg [dreg:$0x1];
	vm1 =	vmmov @!p0 $0xffff;
	s1 =	simm.s32 @!p0 $0x0;
	s2 =	simm.s32 @!p0 $0x2680;
	v3 =	vperm.xlane @!p0 v3, v5  }
0x3ec: {  	[tilespmem:s2], [sflag:$0x1] =	stream.indirect_vreg.gather @!p0 [hbm4b:s3+s1], $0x80, v7, vm1, $0xb8;
	[tilespmem:$0x1D680] =	vst v63  }
0x3ed: {  	s4 =	rddreg [dreg:$0xf];
	v3 =	vadd.s32 @!p0 v6, v3;
	s2 =	simm.s32 @!p0 $0x2E80  }
0x3ee: {  	[tilespmem:s2], [sflag:$0x1] =	stream.indirect_vreg.gather @!p0 [hbm4b:s4+s1], $0x80, v7, vm1, $0xb8;
	[tilespmem:$0x1D680] =	vst v63  }
0x3ef: {  	s5 =	rddreg [dreg:$0x10];
	s2 =	simm.s32 @!p0 $0x3680  }
0x3f0: {  	[tilespmem:s2], [sflag:$0x1] =	stream.indirect_vreg.gather @!p0 [hbm4b:s5+s1], $0x80, v7, vm1, $0xb8;
	[tilespmem:$0x1D680] =	vst v63  }
0x3f1: {  	s2 =	simm.s32 @!p0 $0x3E80  }
0x3f2: {  	[tilespmem:s2], [sflag:$0x1] =	stream.indirect_vreg.gather @!p0 [hbm4b:s3+s1], $0x80, v3, vm1, $0xb8;
	[tilespmem:$0x1D680] =	vst v63  }
0x3f3: {  	s2 =	simm.s32 @!p0 $0x4680  }
0x3f4: {  	[tilespmem:s2], [sflag:$0x1] =	stream.indirect_vreg.gather @!p0 [hbm4b:s4+s1], $0x80, v3, vm1, $0xb8;
	[tilespmem:$0x1D680] =	vst v63  }
0x3f5: {  	s2 =	simm.s32 @!p0 $0x4E80  }
0x3f6: {  	[tilespmem:s2], [sflag:$0x1] =	stream.indirect_vreg.gather @!p0 [hbm4b:s5+s1], $0x80, v3, vm1, $0xb8;
	[tilespmem:$0x1D680] =	vst v63  }
0x3f7: {  	v3 =	vld @!p0 [tilespmem:s0+$0x50];
	_ =	sdelay $0x4  }
0x3f8: {  	v7 =	vshrl.u32 @!p0 v3, $0x3  }
0x3f9: {  	v7 =	vmul.u32 @!p0 $0x30, v7  }
0x3fa: {  	v3 =	vand.u32 @!p0 $0x7, v3  }
0x3fb: {  	v3 =	vor.u32 @!p0 v3, v7  }
0x3fc: {  	v4 =	vperm.xlane @!p0 v3, v4;
	_ =	sdelay $0x1  }
0x3fd: {  	v4 =	vadd.s32 @!p0 v6, v4;
	_ =	sdelay $0x3  }
0x3fe: {  	s8 =	rddreg [dreg:$0x1b];
	s0 =	simm.s32 @!p0 $0x5680;
	v3 =	vperm.xlane @!p0 v3, v5  }
0x3ff: {  	[tilespmem:s0], [sflag:$0x1] =	stream.indirect_vreg.gather @!p0 [hbm4b:s3+s1], $0x80, v4, vm1, $0xb8;
	[tilespmem:$0x1D680] =	vst v63  }
0x400: {  	s23 =	smulhi.u32 $0x3531DEC1, s8;
	v3 =	vadd.s32 @!p0 v6, v3;
	s0 =	simm.s32 @!p0 $0x5E80  }
0x401: {  	[tilespmem:s0], [sflag:$0x1] =	stream.indirect_vreg.gather @!p0 [hbm4b:s4+s1], $0x80, v4, vm1, $0xb8;
	[tilespmem:$0x1D680] =	vst v63  }
0x402: {  	s24 =	sshrl.u32 s23, $0x4;
	s0 =	simm.s32 @!p0 $0x6680  }
0x403: {  	[tilespmem:s0], [sflag:$0x1] =	stream.indirect_vreg.gather @!p0 [hbm4b:s5+s1], $0x80, v4, vm1, $0xb8;
	[tilespmem:$0x1D680] =	vst v63  }
0x404: {  	s22 =	rddreg [dreg:$0x6];
	s25 =	smul.u32 $0x4D, s24;
	s0 =	simm.s32 @!p0 $0x6E80  }
0x405: {  	[tilespmem:s0], [sflag:$0x1] =	stream.indirect_vreg.gather @!p0 [hbm4b:s3+s1], $0x80, v3, vm1, $0xb8;
	[tilespmem:$0x1D680] =	vst v63  }
0x406: {  	s6 =	simm.s32 $0x0;
	s3 =	ssub.s32 s22, s25  }
0x407: {  	s7 =	simm.s32 $0x0;
	s0 =	simm.s32 @!p0 $0x7680;
	s3 =	sadd.s32 $0xFFFFFFFE, s3  }
0x408: {  	[tilespmem:s0], [sflag:$0x1] =	stream.indirect_vreg.gather @!p0 [hbm4b:s4+s1], $0x80, v3, vm1, $0xb8;
	[tilespmem:$0x1D680] =	vst v63  }
0x409: {  	s2 =	simm.s32 @!p0 $0x7E80;
	s0 =	smul.u32 $0x2680, s24;
	s3 =	sadd.s32 $0x22, s3  }
0x40a: {  	[tilespmem:s2], [sflag:$0x1] =	stream.indirect_vreg.gather @!p0 [hbm4b:s5+s1], $0x80, v3, vm1, $0xb8;
	[tilespmem:$0x1D680] =	vst v63  }
0x40b: {  	s31 =	rddreg [dreg:$0x5];
	s3 =	sshrl.u32 s3, $0x3;
	s2 =	smul.u32 $0x6000, s6  }
0x40c: {  	s26 =	rddreg [dreg:$0x1d];
	s0 =	ssub.s32 s31, s0;
	s10 =	smul.u32 $0x6000, s3  }
0x40d: {  	s15 =	sand.u32 $0x300, s7;
	s5 =	smulhi.u32 $0x3531DEC1, s26;
	s12 =	sadd.s32 $0x0, s0  }
0x40e: {  	s1 =	sshra.s32 s2, $0x2;
	s16 =	sand.u32 $0x380, s12;
	s2 =	sshra.s32 s10, $0x2  }
0x40f: {  	s9 =	sshrl.u32 s5, $0x4;
	s11 =	sadd.s32 $0x8680, s1;
	s23 =	sor.u32 s16, s2  }
0x410: {  	s17 =	smul.u32 $0x4D, s9;
	s14 =	sadd.s32 s15, s11;
	v4 =	vld [tilespmem:s23+$0xE680]  }
0x411: {  	v3 =	vld [tilespmem:s14+$0x0]  }
0x412: {  	s18 =	ssub.s32 s22, s17  }
0x413: {  	s2 =	sadd.s32 $0xFFFFFFFE, s18  }
0x414: {  	s19 =	simm.s32 $0x80;
	s2 =	sadd.s32 $0x23, s2  }
0x415: {  	s24 =	sand.u32 $0x380, s19;
	s6 =	smul.u32 $0x2680, s9;
	s2 =	sshrl.u32 s2, $0x3  }
0x416: {  	s20 =	rddreg [dreg:$0x1c];
	s4 =	sadd.s32 s24, s11;
	s2 =	smul.u32 $0x6000, s2;
	v3 =	vadd.f32 v4, v3  }
0x417: {  	s7 =	ssub.s32 s20, s6;
	v4 =	vld [tilespmem:s4+$0x0]  }
0x418: {  	s3 =	sand.u32 $0x380, s7;
	s2 =	sshra.s32 s2, $0x2;
	[tilespmem:s14+$0x0] =	vst v3;
	v3 =	vld [tilespmem:s14+$0x10]  }
0x419: {  	s3 =	sor.u32 s3, s2;
	v5 =	vld [tilespmem:s23+$0xE690]  }
0x41a: {  	v6 =	vld [tilespmem:s3+$0xE680];
	_ =	sdelay $0x3  }
0x41b: {  	v3 =	vadd.f32 v5, v3  }
0x41c: {  	v5 =	vld [tilespmem:s4+$0x10];
	v4 =	vadd.f32 v6, v4  }
0x41d: {  	[tilespmem:s14+$0x10] =	vst v3;
	v3 =	vld [tilespmem:s14+$0x20]  }
0x41e: {  	[tilespmem:s4+$0x0] =	vst v4;
	v4 =	vld [tilespmem:s23+$0xE6A0]  }
0x41f: {  	v6 =	vld [tilespmem:s3+$0xE690];
	_ =	sdelay $0x3  }
0x420: {  	v3 =	vadd.f32 v4, v3  }
0x421: {  	v4 =	vadd.f32 v6, v5;
	v5 =	vld [tilespmem:s4+$0x20]  }
0x422: {  	[tilespmem:s14+$0x20] =	vst v3;
	v3 =	vld [tilespmem:s14+$0x30]  }
0x423: {  	[tilespmem:s4+$0x10] =	vst v4;
	v4 =	vld [tilespmem:s23+$0xE6B0]  }
0x424: {  	v6 =	vld [tilespmem:s3+$0xE6A0];
	_ =	sdelay $0x3  }
0x425: {  	v3 =	vadd.f32 v4, v3  }
0x426: {  	v4 =	vld [tilespmem:s4+$0x30];
	v5 =	vadd.f32 v6, v5  }
0x427: {  	[tilespmem:s14+$0x30] =	vst v3;
	v3 =	vld [tilespmem:s14+$0x40]  }
0x428: {  	[tilespmem:s4+$0x20] =	vst v5;
	v5 =	vld [tilespmem:s23+$0xE6C0]  }
0x429: {  	v6 =	vld [tilespmem:s3+$0xE6B0];
	_ =	sdelay $0x3  }
0x42a: {  	v3 =	vadd.f32 v5, v3  }
0x42b: {  	v5 =	vld [tilespmem:s4+$0x40];
	v4 =	vadd.f32 v6, v4  }
0x42c: {  	v6 =	vld [tilespmem:s14+$0x50];
	[tilespmem:s14+$0x40] =	vst v3  }
0x42d: {  	[tilespmem:s4+$0x30] =	vst v4;
	v3 =	vld [tilespmem:s23+$0xE6D0]  }
0x42e: {  	v4 =	vld [tilespmem:s3+$0xE6C0];
	_ =	sdelay $0x3  }
0x42f: {  	v3 =	vadd.f32 v3, v6  }
0x430: {  	v4 =	vadd.f32 v4, v5;
	v5 =	vld [tilespmem:s4+$0x50]  }
0x431: {  	[tilespmem:s14+$0x50] =	vst v3;
	v3 =	vld [tilespmem:s14+$0x60]  }
0x432: {  	[tilespmem:s4+$0x40] =	vst v4;
	v4 =	vld [tilespmem:s23+$0xE6E0]  }
0x433: {  	v6 =	vld [tilespmem:s3+$0xE6D0];
	_ =	sdelay $0x3  }
0x434: {  	v3 =	vadd.f32 v4, v3  }
0x435: {  	v4 =	vadd.f32 v6, v5;
	v5 =	vld [tilespmem:s4+$0x60]  }
0x436: {  	[tilespmem:s14+$0x60] =	vst v3;
	v3 =	vld [tilespmem:s14+$0x70]  }
0x437: {  	[tilespmem:s4+$0x50] =	vst v4;
	v4 =	vld [tilespmem:s23+$0xE6F0]  }
0x438: {  	v6 =	vld [tilespmem:s3+$0xE6E0];
	_ =	sdelay $0x3  }
0x439: {  	v3 =	vadd.f32 v4, v3  }
0x43a: {  	v4 =	vadd.f32 v6, v5;
	v5 =	vld [tilespmem:s14+$0x400]  }
0x43b: {  	v6 =	vld [tilespmem:s4+$0x70];
	[tilespmem:s14+$0x70] =	vst v3  }
0x43c: {  	[tilespmem:s4+$0x60] =	vst v4;
	v3 =	vld [tilespmem:s23+$0xEA80]  }
0x43d: {  	v4 =	vld [tilespmem:s3+$0xE6F0];
	_ =	sdelay $0x3  }
0x43e: {  	v3 =	vadd.f32 v3, v5  }
0x43f: {  	v4 =	vadd.f32 v4, v6;
	v5 =	vld [tilespmem:s4+$0x400]  }
0x440: {  	[tilespmem:s14+$0x400] =	vst v3;
	v3 =	vld [tilespmem:s14+$0x410]  }
0x441: {  	[tilespmem:s4+$0x70] =	vst v4;
	v4 =	vld [tilespmem:s23+$0xEA90]  }
0x442: {  	v6 =	vld [tilespmem:s3+$0xEA80];
	_ =	sdelay $0x3  }
0x443: {  	v3 =	vadd.f32 v4, v3  }
0x444: {  	v4 =	vld [tilespmem:s4+$0x410];
	v5 =	vadd.f32 v6, v5  }
0x445: {  	[tilespmem:s14+$0x410] =	vst v3;
	v3 =	vld [tilespmem:s14+$0x420]  }
0x446: {  	[tilespmem:s4+$0x400] =	vst v5;
	v5 =	vld [tilespmem:s23+$0xEAA0]  }
0x447: {  	v6 =	vld [tilespmem:s3+$0xEA90];
	_ =	sdelay $0x3  }
0x448: {  	v3 =	vadd.f32 v5, v3  }
0x449: {  	v5 =	vld [tilespmem:s4+$0x420];
	v4 =	vadd.f32 v6, v4  }
0x44a: {  	[tilespmem:s14+$0x420] =	vst v3;
	v3 =	vld [tilespmem:s14+$0x430]  }
0x44b: {  	[tilespmem:s4+$0x410] =	vst v4;
	v4 =	vld [tilespmem:s23+$0xEAB0]  }
0x44c: {  	v6 =	vld [tilespmem:s3+$0xEAA0];
	_ =	sdelay $0x3  }
0x44d: {  	v3 =	vadd.f32 v4, v3  }
0x44e: {  	v4 =	vld [tilespmem:s4+$0x430];
	v5 =	vadd.f32 v6, v5  }
0x44f: {  	[tilespmem:s14+$0x430] =	vst v3;
	v3 =	vld [tilespmem:s14+$0x440]  }
0x450: {  	[tilespmem:s4+$0x420] =	vst v5;
	v5 =	vld [tilespmem:s23+$0xEAC0]  }
0x451: {  	v6 =	vld [tilespmem:s3+$0xEAB0];
	_ =	sdelay $0x3  }
0x452: {  	v3 =	vadd.f32 v5, v3  }
0x453: {  	v5 =	vld [tilespmem:s4+$0x440];
	v4 =	vadd.f32 v6, v4  }
0x454: {  	[tilespmem:s14+$0x440] =	vst v3;
	v3 =	vld [tilespmem:s14+$0x450]  }
0x455: {  	[tilespmem:s4+$0x430] =	vst v4;
	v4 =	vld [tilespmem:s23+$0xEAD0]  }
0x456: {  	v6 =	vld [tilespmem:s3+$0xEAC0];
	_ =	sdelay $0x3  }
0x457: {  	v3 =	vadd.f32 v4, v3  }
0x458: {  	v4 =	vld [tilespmem:s4+$0x450];
	v5 =	vadd.f32 v6, v5  }
0x459: {  	[tilespmem:s14+$0x450] =	vst v3;
	v3 =	vld [tilespmem:s14+$0x460]  }
0x45a: {  	[tilespmem:s4+$0x440] =	vst v5;
	v5 =	vld [tilespmem:s23+$0xEAE0]  }
0x45b: {  	v6 =	vld [tilespmem:s3+$0xEAD0];
	_ =	sdelay $0x3  }
0x45c: {  	v3 =	vadd.f32 v5, v3  }
0x45d: {  	v5 =	vld [tilespmem:s4+$0x460];
	v4 =	vadd.f32 v6, v4  }
0x45e: {  	[tilespmem:s14+$0x460] =	vst v3;
	v3 =	vld [tilespmem:s14+$0x470]  }
0x45f: {  	[tilespmem:s4+$0x450] =	vst v4;
	v4 =	vld [tilespmem:s23+$0xEAF0]  }
0x460: {  	v6 =	vld [tilespmem:s3+$0xEAE0];
	_ =	sdelay $0x4  }
0x461: {  	v3 =	vadd.f32 v4, v3;
	v4 =	vadd.f32 v6, v5;
	_ =	sdelay $0x1  }
0x462: {  	v5 =	vld [tilespmem:s4+$0x470];
	[tilespmem:s4+$0x460] =	vst v4  }
0x463: {  	s2 =	sadd.s32 $0x2, s8;
	v4 =	vld [tilespmem:s3+$0xEAF0]  }
0x464: {  	s9 =	smulhi.u32 $0x3531DEC1, s2;
	_ =	sdelay $0x1  }
0x465: {  	s0 =	sshrl.u32 s9, $0x4  }
0x466: {  	s10 =	smul.u32 $0x4D, s0  }
0x467: {  	v4 =	vadd.f32 v4, v5  }
0x468: {  	s11 =	simm.s32 $0x0;
	s9 =	sadd.s32 $0x8E80, s1;
	s6 =	ssub.s32 s22, s10  }
0x469: {  	s16 =	smul.u32 $0x6000, s11;
	s12 =	sadd.s32 s24, s9;
	s6 =	sadd.s32 $0x0, s6;
	[tilespmem:s4+$0x470] =	vst v4  }
0x46a: {  	s17 =	simm.s32 $0x100;
	s0 =	smul.u32 $0x2680, s0;
	s6 =	sadd.s32 $0x22, s6;
	v4 =	vld [tilespmem:s12+$0x0]  }
0x46b: {  	s28 =	sand.u32 $0x300, s17;
	s16 =	sshra.s32 s16, $0x2;
	s10 =	sshrl.u32 s6, $0x3;
	v5 =	vld [tilespmem:s3+$0xEE80]  }
0x46c: {  	s19 =	sadd.s32 $0x8680, s16;
	s0 =	ssub.s32 s31, s0;
	s18 =	smul.u32 $0x6000, s10  }
0x46d: {  	s11 =	sadd.s32 $0x100, s0;
	s0 =	sadd.s32 s28, s19;
	[tilespmem:s14+$0x470] =	vst v3  }
0x46e: {  	s21 =	sand.u32 $0x380, s11;
	s25 =	sshra.s32 s18, $0x2;
	v3 =	vld [tilespmem:s23+$0xEE80];
	[smem:$0x7F7] =	sst s16  }
0x46f: {  	s6 =	sor.u32 s21, s25;
	s4 =	sadd.s32 $0x2, s26;
	v6 =	vld [tilespmem:s0+$0x0]  }
0x470: {  	s26 =	smulhi.u32 $0x3531DEC1, s4;
	v4 =	vadd.f32 v5, v4;
	v5 =	vld [tilespmem:s6+$0xE680];
	_ =	sdelay $0x1  }
0x471: {  	v7 =	vld [tilespmem:s12+$0x10];
	s8 =	sshrl.u32 s26, $0x4;
	[tilespmem:s12+$0x0] =	vst v4  }
0x472: {  	s5 =	smul.u32 $0x4D, s8;
	v4 =	vld [tilespmem:s3+$0xEE90];
	_ =	sdelay $0x1  }
0x473: {  	s11 =	ssub.s32 s22, s5;
	v5 =	vadd.f32 v5, v6  }
0x474: {  	s11 =	sadd.s32 $0x0, s11  }
0x475: {  	s11 =	sadd.s32 $0x23, s11;
	[tilespmem:s0+$0x0] =	vst v5;
	v5 =	vld [tilespmem:s0+$0x10]  }
0x476: {  	s17 =	simm.s32 $0x180;
	s8 =	smul.u32 $0x2680, s8;
	s7 =	sshrl.u32 s11, $0x3;
	v4 =	vadd.f32 v4, v7;
	v6 =	vld [tilespmem:s6+$0xE690]  }
0x477: {  	s18 =	sand.u32 $0x380, s17;
	s11 =	sadd.s32 $0x100, s20;
	s13 =	smul.u32 $0x6000, s7  }
0x478: {  	s21 =	sadd.s32 s18, s19;
	s20 =	ssub.s32 s11, s8;
	v7 =	vld [tilespmem:s12+$0x20];
	[tilespmem:s12+$0x10] =	vst v4  }
0x479: {  	s26 =	sand.u32 $0x380, s20;
	s13 =	sshra.s32 s13, $0x2;
	v4 =	vld [tilespmem:s3+$0xEEA0];
	[smem:$0x7F8] =	sst s18  }
0x47a: {  	s25 =	sor.u32 s26, s13;
	v8 =	vld [tilespmem:s21+$0x0]  }
0x47b: {  	v9 =	vld [tilespmem:s25+$0xE680];
	v5 =	vadd.f32 v6, v5;
	_ =	sdelay $0x1  }
0x47c: {  	[tilespmem:s0+$0x10] =	vst v5;
	v5 =	vld [tilespmem:s0+$0x20]  }
0x47d: {  	v4 =	vadd.f32 v4, v7;
	v6 =	vld [tilespmem:s6+$0xE6A0];
	_ =	sdelay $0x1  }
0x47e: {  	v7 =	vld [tilespmem:s12+$0x30];
	[tilespmem:s12+$0x20] =	vst v4;
	v4 =	vadd.f32 v9, v8  }
0x47f: {  	v8 =	vld [tilespmem:s3+$0xEEB0]  }
0x480: {  	v9 =	vld [tilespmem:s21+$0x10];
	[tilespmem:s21+$0x0] =	vst v4  }
0x481: {  	v4 =	vld [tilespmem:s25+$0xE690];
	v5 =	vadd.f32 v6, v5;
	_ =	sdelay $0x1  }
0x482: {  	[tilespmem:s0+$0x20] =	vst v5;
	v5 =	vld [tilespmem:s0+$0x30]  }
0x483: {  	v6 =	vadd.f32 v8, v7;
	v7 =	vld [tilespmem:s6+$0xE6B0];
	_ =	sdelay $0x1  }
0x484: {  	v8 =	vld [tilespmem:s12+$0x40];
	[tilespmem:s12+$0x30] =	vst v6;
	v4 =	vadd.f32 v4, v9  }
0x485: {  	v6 =	vld [tilespmem:s3+$0xEEC0]  }
0x486: {  	[tilespmem:s21+$0x10] =	vst v4;
	v4 =	vld [tilespmem:s21+$0x20]  }
0x487: {  	v9 =	vld [tilespmem:s25+$0xE6A0];
	v5 =	vadd.f32 v7, v5;
	_ =	sdelay $0x1  }
0x488: {  	[tilespmem:s0+$0x30] =	vst v5;
	v5 =	vld [tilespmem:s0+$0x40]  }
0x489: {  	v6 =	vadd.f32 v6, v8;
	v7 =	vld [tilespmem:s6+$0xE6C0];
	_ =	sdelay $0x1  }
0x48a: {  	v8 =	vld [tilespmem:s12+$0x50];
	[tilespmem:s12+$0x40] =	vst v6;
	v4 =	vadd.f32 v9, v4  }
0x48b: {  	v6 =	vld [tilespmem:s3+$0xEED0]  }
0x48c: {  	v9 =	vld [tilespmem:s21+$0x30];
	[tilespmem:s21+$0x20] =	vst v4  }
0x48d: {  	v4 =	vld [tilespmem:s25+$0xE6B0];
	v5 =	vadd.f32 v7, v5;
	_ =	sdelay $0x1  }
0x48e: {  	v7 =	vld [tilespmem:s0+$0x50];
	[tilespmem:s0+$0x40] =	vst v5  }
0x48f: {  	v5 =	vadd.f32 v6, v8;
	v6 =	vld [tilespmem:s6+$0xE6D0];
	_ =	sdelay $0x1  }
0x490: {  	v8 =	vld [tilespmem:s12+$0x60];
	[tilespmem:s12+$0x50] =	vst v5;
	v4 =	vadd.f32 v4, v9  }
0x491: {  	v5 =	vld [tilespmem:s3+$0xEEE0]  }
0x492: {  	v9 =	vld [tilespmem:s21+$0x40];
	[tilespmem:s21+$0x30] =	vst v4  }
0x493: {  	v4 =	vld [tilespmem:s25+$0xE6C0];
	v6 =	vadd.f32 v6, v7;
	_ =	sdelay $0x1  }
0x494: {  	[tilespmem:s0+$0x50] =	vst v6;
	v6 =	vld [tilespmem:s0+$0x60]  }
0x495: {  	v5 =	vadd.f32 v5, v8;
	v7 =	vld [tilespmem:s6+$0xE6E0];
	_ =	sdelay $0x1  }
0x496: {  	v8 =	vld [tilespmem:s12+$0x70];
	[tilespmem:s12+$0x60] =	vst v5;
	v4 =	vadd.f32 v4, v9  }
0x497: {  	v5 =	vld [tilespmem:s3+$0xEEF0]  }
0x498: {  	[tilespmem:s21+$0x40] =	vst v4;
	v4 =	vld [tilespmem:s21+$0x50]  }
0x499: {  	v9 =	vld [tilespmem:s25+$0xE6D0];
	v6 =	vadd.f32 v7, v6;
	_ =	sdelay $0x1  }
0x49a: {  	[tilespmem:s0+$0x60] =	vst v6;
	v6 =	vld [tilespmem:s0+$0x70]  }
0x49b: {  	v5 =	vadd.f32 v5, v8;
	v7 =	vld [tilespmem:s6+$0xE6F0]  }
0x49c: {  	s5 =	sadd.s32 $0x9280, s1  }
0x49d: {  	s19 =	sadd.s32 s24, s5;
	[tilespmem:s12+$0x70] =	vst v5;
	v4 =	vadd.f32 v9, v4  }
0x49e: {  	v5 =	vld [tilespmem:s19+$0x0]  }
0x49f: {  	[tilespmem:s21+$0x50] =	vst v4;
	v4 =	vld [tilespmem:s21+$0x60]  }
0x4a0: {  	v8 =	vld [tilespmem:s25+$0xE6E0];
	v6 =	vadd.f32 v7, v6  }
0x4a1: {  	v7 =	vld [tilespmem:s3+$0xF280]  }
0x4a2: {  	v9 =	vld [tilespmem:s0+$0x400];
	[tilespmem:s0+$0x70] =	vst v6  }
0x4a3: {  	v6 =	vld [tilespmem:s6+$0xEA80];
	_ =	sdelay $0x1  }
0x4a4: {  	v4 =	vadd.f32 v8, v4  }
0x4a5: {  	v8 =	vld [tilespmem:s19+$0x10];
	v5 =	vadd.f32 v7, v5  }
0x4a6: {  	[tilespmem:s21+$0x60] =	vst v4;
	v4 =	vld [tilespmem:s21+$0x70]  }
0x4a7: {  	[tilespmem:s19+$0x0] =	vst v5;
	v5 =	vld [tilespmem:s25+$0xE6F0];
	v6 =	vadd.f32 v6, v9  }
0x4a8: {  	v7 =	vld [tilespmem:s3+$0xF290]  }
0x4a9: {  	[tilespmem:s0+$0x400] =	vst v6;
	v6 =	vld [tilespmem:s0+$0x410]  }
0x4aa: {  	v9 =	vld [tilespmem:s6+$0xEA90];
	_ =	sdelay $0x1  }
0x4ab: {  	v4 =	vadd.f32 v5, v4  }
0x4ac: {  	v5 =	vld [tilespmem:s19+$0x20];
	v7 =	vadd.f32 v7, v8  }
0x4ad: {  	v8 =	vld [tilespmem:s21+$0x400];
	[tilespmem:s21+$0x70] =	vst v4  }
0x4ae: {  	[tilespmem:s19+$0x10] =	vst v7;
	v4 =	vld [tilespmem:s25+$0xEA80];
	v6 =	vadd.f32 v9, v6  }
0x4af: {  	v7 =	vld [tilespmem:s3+$0xF2A0]  }
0x4b0: {  	[tilespmem:s0+$0x410] =	vst v6;
	v6 =	vld [tilespmem:s0+$0x420]  }
0x4b1: {  	v9 =	vld [tilespmem:s6+$0xEAA0];
	_ =	sdelay $0x1  }
0x4b2: {  	v4 =	vadd.f32 v4, v8  }
0x4b3: {  	v8 =	vld [tilespmem:s19+$0x30];
	v5 =	vadd.f32 v7, v5  }
0x4b4: {  	v7 =	vld [tilespmem:s21+$0x410];
	[tilespmem:s21+$0x400] =	vst v4  }
0x4b5: {  	[tilespmem:s19+$0x20] =	vst v5;
	v4 =	vld [tilespmem:s25+$0xEA90];
	v5 =	vadd.f32 v9, v6  }
0x4b6: {  	v6 =	vld [tilespmem:s3+$0xF2B0]  }
0x4b7: {  	[tilespmem:s0+$0x420] =	vst v5;
	v5 =	vld [tilespmem:s0+$0x430]  }
0x4b8: {  	v9 =	vld [tilespmem:s6+$0xEAB0]  }
0x4b9: {  	s26 =	sadd.s32 s15, s9  }
0x4ba: {  	v10 =	vld [tilespmem:s26+$0x0];
	v4 =	vadd.f32 v4, v7  }
0x4bb: {  	v7 =	vld [tilespmem:s19+$0x40];
	v6 =	vadd.f32 v6, v8  }
0x4bc: {  	v8 =	vld [tilespmem:s21+$0x420];
	[tilespmem:s21+$0x410] =	vst v4  }
0x4bd: {  	[tilespmem:s19+$0x30] =	vst v6;
	v4 =	vld [tilespmem:s25+$0xEAA0];
	v5 =	vadd.f32 v9, v5  }
0x4be: {  	v6 =	vld [tilespmem:s3+$0xF2C0]  }
0x4bf: {  	v3 =	vadd.f32 v3, v10;
	[tilespmem:s0+$0x430] =	vst v5;
	v5 =	vld [tilespmem:s0+$0x440]  }
0x4c0: {  	v9 =	vld [tilespmem:s6+$0xEAC0]  }
0x4c1: {  	v10 =	vld [tilespmem:s26+$0x10];
	[tilespmem:s26+$0x0] =	vst v3  }
0x4c2: {  	v3 =	vld [tilespmem:s23+$0xEE90];
	v4 =	vadd.f32 v4, v8  }
0x4c3: {  	v8 =	vld [tilespmem:s19+$0x50];
	v6 =	vadd.f32 v6, v7  }
0x4c4: {  	v7 =	vld [tilespmem:s21+$0x430];
	[tilespmem:s21+$0x420] =	vst v4  }
0x4c5: {  	[tilespmem:s19+$0x40] =	vst v6;
	v4 =	vld [tilespmem:s25+$0xEAB0];
	v5 =	vadd.f32 v9, v5  }
0x4c6: {  	v6 =	vld [tilespmem:s3+$0xF2D0]  }
0x4c7: {  	v3 =	vadd.f32 v3, v10;
	[tilespmem:s0+$0x440] =	vst v5;
	v5 =	vld [tilespmem:s0+$0x450]  }
0x4c8: {  	v9 =	vld [tilespmem:s6+$0xEAD0]  }
0x4c9: {  	[tilespmem:s26+$0x10] =	vst v3;
	v3 =	vld [tilespmem:s26+$0x20]  }
0x4ca: {  	v10 =	vld [tilespmem:s23+$0xEEA0];
	v4 =	vadd.f32 v4, v7  }
0x4cb: {  	v7 =	vld [tilespmem:s19+$0x60];
	v6 =	vadd.f32 v6, v8  }
0x4cc: {  	v8 =	vld [tilespmem:s21+$0x440];
	[tilespmem:s21+$0x430] =	vst v4  }
0x4cd: {  	[tilespmem:s19+$0x50] =	vst v6;
	v4 =	vld [tilespmem:s25+$0xEAC0];
	v5 =	vadd.f32 v9, v5  }
0x4ce: {  	v6 =	vld [tilespmem:s3+$0xF2E0]  }
0x4cf: {  	v3 =	vadd.f32 v10, v3;
	[tilespmem:s0+$0x450] =	vst v5;
	v5 =	vld [tilespmem:s0+$0x460]  }
0x4d0: {  	v9 =	vld [tilespmem:s6+$0xEAE0]  }
0x4d1: {  	[tilespmem:s26+$0x20] =	vst v3;
	v3 =	vld [tilespmem:s26+$0x30]  }
0x4d2: {  	v10 =	vld [tilespmem:s23+$0xEEB0];
	v4 =	vadd.f32 v4, v8  }
0x4d3: {  	v8 =	vld [tilespmem:s19+$0x70];
	v6 =	vadd.f32 v6, v7  }
0x4d4: {  	v7 =	vld [tilespmem:s21+$0x450];
	[tilespmem:s21+$0x440] =	vst v4  }
0x4d5: {  	[tilespmem:s19+$0x60] =	vst v6;
	v4 =	vld [tilespmem:s25+$0xEAD0];
	v5 =	vadd.f32 v9, v5  }
0x4d6: {  	v6 =	vld [tilespmem:s3+$0xF2F0]  }
0x4d7: {  	[tilespmem:s0+$0x460] =	vst v5;
	v5 =	vld [tilespmem:s0+$0x470]  }
0x4d8: {  	v3 =	vadd.f32 v10, v3;
	v9 =	vld [tilespmem:s6+$0xEAF0];
	_ =	sdelay $0x1  }
0x4d9: {  	[tilespmem:s26+$0x30] =	vst v3;
	v3 =	vadd.f32 v4, v7  }
0x4da: {  	v11 =	vld [tilespmem:s26+$0x70]  }
0x4db: {  	v6 =	vadd.f32 v6, v8;
	v7 =	vld [tilespmem:s21+$0x460];
	[tilespmem:s21+$0x450] =	vst v3  }
0x4dc: {  	v3 =	vadd.f32 v9, v5;
	v5 =	vld [tilespmem:s25+$0xEAE0]  }
0x4dd: {  	s14 =	sadd.s32 $0x9680, s1;
	v12 =	vld [tilespmem:s26+$0x50];
	[tilespmem:s19+$0x70] =	vst v6  }
0x4de: {  	s12 =	sadd.s32 s24, s14;
	v6 =	vld [tilespmem:s3+$0xF680]  }
0x4df: {  	s17 =	sadd.s32 $0x8E80, s16;
	v8 =	vld [tilespmem:s12+$0x0];
	[tilespmem:s0+$0x470] =	vst v3  }
0x4e0: {  	s0 =	sadd.s32 s28, s17;
	v3 =	vld [tilespmem:s6+$0xEE80]  }
0x4e1: {  	v9 =	vld [tilespmem:s0+$0x0];
	v5 =	vadd.f32 v5, v7  }
0x4e2: {  	v10 =	vld [tilespmem:s21+$0x470]  }
0x4e3: {  	v4 =	vld [tilespmem:s23+$0xEEC0];
	[tilespmem:s21+$0x460] =	vst v5  }
0x4e4: {  	v6 =	vadd.f32 v6, v8;
	v5 =	vld [tilespmem:s25+$0xEAF0]  }
0x4e5: {  	v13 =	vld [tilespmem:s12+$0x20]  }
0x4e6: {  	v8 =	vld [tilespmem:s12+$0x10];
	[tilespmem:s12+$0x0] =	vst v6;
	v3 =	vadd.f32 v3, v9  }
0x4e7: {  	v6 =	vld [tilespmem:s3+$0xF690]  }
0x4e8: {  	v9 =	vld [tilespmem:s0+$0x10];
	[tilespmem:s0+$0x0] =	vst v3  }
0x4e9: {  	v3 =	vld [tilespmem:s6+$0xEE90];
	v5 =	vadd.f32 v5, v10  }
0x4ea: {  	v7 =	vld [tilespmem:s26+$0x60]  }
0x4eb: {  	s20 =	smov.u32 s15;
	s15 =	sadd.s32 s18, s17;
	v10 =	vld [tilespmem:s26+$0x40];
	[tilespmem:s21+$0x470] =	vst v5  }
0x4ec: {  	v6 =	vadd.f32 v6, v8;
	v5 =	vld [tilespmem:s15+$0x0]  }
0x4ed: {  	v8 =	vld [tilespmem:s25+$0xEE80]  }
0x4ee: {  	[tilespmem:s12+$0x10] =	vst v6;
	v3 =	vadd.f32 v3, v9;
	v9 =	vld [tilespmem:s12+$0x30]  }
0x4ef: {  	v6 =	vld [tilespmem:s3+$0xF6A0]  }
0x4f0: {  	v14 =	vld [tilespmem:s15+$0x10];
	v4 =	vadd.f32 v4, v10  }
0x4f1: {  	[tilespmem:s0+$0x10] =	vst v3;
	v3 =	vld [tilespmem:s0+$0x20]  }
0x4f2: {  	v10 =	vld [tilespmem:s6+$0xEEA0];
	[tilespmem:s26+$0x40] =	vst v4;
	v4 =	vadd.f32 v8, v5  }
0x4f3: {  	v8 =	vld [tilespmem:s23+$0xEED0]  }
0x4f4: {  	v15 =	vld [tilespmem:s15+$0x40];
	[tilespmem:s15+$0x0] =	vst v4;
	v4 =	vadd.f32 v6, v13  }
0x4f5: {  	v6 =	vld [tilespmem:s25+$0xEE90]  }
0x4f6: {  	v5 =	vld [tilespmem:s15+$0x50];
	[tilespmem:s12+$0x20] =	vst v4  }
0x4f7: {  	v10 =	vadd.f32 v10, v3;
	v4 =	vld [tilespmem:s3+$0xF6B0]  }
0x4f8: {  	v3 =	vld [tilespmem:s15+$0x70];
	v8 =	vadd.f32 v8, v12  }
0x4f9: {  	[tilespmem:s0+$0x20] =	vst v10;
	v12 =	vld [tilespmem:s0+$0x30]  }
0x4fa: {  	v13 =	vld [tilespmem:s6+$0xEEB0];
	[tilespmem:s26+$0x50] =	vst v8;
	v6 =	vadd.f32 v6, v14  }
0x4fb: {  	v8 =	vld [tilespmem:s23+$0xEEE0]  }
0x4fc: {  	v14 =	vld [tilespmem:s15+$0x20];
	[tilespmem:s15+$0x10] =	vst v6;
	v4 =	vadd.f32 v4, v9  }
0x4fd: {  	v6 =	vld [tilespmem:s25+$0xEEA0]  }
0x4fe: {  	[tilespmem:s12+$0x30] =	vst v4;
	v4 =	vld [tilespmem:s12+$0x40]  }
0x4ff: {  	v9 =	vld [tilespmem:s3+$0xF6C0]  }
0x500: {  	v10 =	vld [tilespmem:s15+$0x60];
	v7 =	vadd.f32 v8, v7  }
0x501: {  	v8 =	vadd.f32 v13, v12;
	v12 =	vld [tilespmem:s15+$0x30]  }
0x502: {  	v13 =	vld [tilespmem:s12+$0x50];
	[tilespmem:s26+$0x60] =	vst v7  }
0x503: {  	[tilespmem:s0+$0x30] =	vst v8;
	v7 =	vadd.f32 v6, v14;
	v8 =	vld [tilespmem:s23+$0xEEF0]  }
0x504: {  	s18 =	simm.s32 $0x0;
	v6 =	vld [tilespmem:s6+$0xEEC0];
	v4 =	vadd.f32 v9, v4  }
0x505: {  	s8 =	smul.u32 $0x6000, s18;
	[tilespmem:s15+$0x20] =	vst v7;
	v9 =	vld [tilespmem:s12+$0x60]  }
0x506: {  	s2 =	sadd.s32 $0x2, s2;
	v7 =	vld [tilespmem:s25+$0xEEB0];
	[tilespmem:s12+$0x40] =	vst v4  }
0x507: {  	s10 =	sshra.s32 s8, $0x2;
	s19 =	simm.s32 $0x280;
	v14 =	vld [tilespmem:s3+$0xF6D0];
	[smem:$0x7FA] =	sst s2  }
0x508: {  	s18 =	sadd.s32 $0x8680, s10;
	s9 =	sand.u32 $0x380, s19;
	v8 =	vadd.f32 v8, v11;
	v11 =	vld [tilespmem:s12+$0x70]  }
0x509: {  	s8 =	sadd.s32 s9, s18;
	s2 =	smulhi.u32 $0x3531DEC1, s2;
	v4 =	vld [tilespmem:s0+$0x70]  }
0x50a: {  	s21 =	sadd.s32 $0x2, s4;
	v20 =	vld [tilespmem:s8+$0x30]  }
0x50b: {  	s4 =	smulhi.u32 $0x3531DEC1, s21;
	v21 =	vld [tilespmem:s8+$0x40];
	s2 =	sshrl.u32 s2, $0x4  }
0x50c: {  	s16 =	sadd.s32 s20, s5;
	s7 =	smov.u32 s20;
	v23 =	vld [tilespmem:s8+$0x0];
	s20 =	smul.u32 $0x4D, s2  }
0x50d: {  	s17 =	sshrl.u32 s4, $0x4;
	v44 =	vld [tilespmem:s8+$0x10];
	[tilespmem:s26+$0x70] =	vst v8  }
0x50e: {  	s4 =	simm.s32 $0x200;
	s19 =	smul.u32 $0x4D, s17;
	v16 =	vld [tilespmem:s16+$0x0];
	s13 =	ssub.s32 s22, s20  }
0x50f: {  	s5 =	sand.u32 $0x300, s4;
	v19 =	vld [tilespmem:s23+$0xF280];
	s2 =	smul.u32 $0x2680, s2;
	s20 =	sadd.s32 $0x2, s13  }
0x510: {  	v49 =	vld [tilespmem:s8+$0x400];
	s22 =	ssub.s32 s22, s19;
	s19 =	sadd.s32 $0x100, s11;
	s20 =	sadd.s32 $0x22, s20  }
0x511: {  	v8 =	vld [tilespmem:s16+$0x10];
	s13 =	sadd.s32 s5, s18;
	s22 =	sadd.s32 $0x2, s22;
	s18 =	sshrl.u32 s20, $0x3  }
0x512: {  	v17 =	vld [tilespmem:s16+$0x20];
	s2 =	ssub.s32 s31, s2;
	s11 =	sadd.s32 $0x23, s22;
	s18 =	smul.u32 $0x6000, s18  }
0x513: {  	s17 =	smul.u32 $0x2680, s17;
	v18 =	vld [tilespmem:s16+$0x30];
	s2 =	sadd.s32 $0x200, s2;
	s11 =	sshrl.u32 s11, $0x3  }
0x514: {  	v24 =	vld [tilespmem:s16+$0x40];
	s2 =	sand.u32 $0x380, s2;
	v16 =	vadd.f32 v19, v16;
	s11 =	smul.u32 $0x6000, s11;
	s18 =	sshra.s32 s18, $0x2  }
0x515: {  	s26 =	ssub.s32 s19, s17;
	v22 =	vld [tilespmem:s13+$0x0];
	s29 =	sor.u32 s2, s18  }
0x516: {  	[tilespmem:s16+$0x0] =	vst v16;
	s11 =	sshra.s32 s11, $0x2;
	s2 =	sand.u32 $0x380, s26;
	v16 =	vld [tilespmem:s29+$0xE680]  }
0x517: {  	v7 =	vadd.f32 v7, v12;
	v12 =	vld [tilespmem:s23+$0xF290];
	s30 =	sor.u32 s2, s11  }
0x518: {  	v13 =	vadd.f32 v14, v13;
	v14 =	vld [tilespmem:s30+$0xE680]  }
0x519: {  	v25 =	vld [tilespmem:s16+$0x60];
	[tilespmem:s15+$0x30] =	vst v7  }
0x51a: {  	v7 =	vld [tilespmem:s25+$0xEEC0];
	[tilespmem:s12+$0x50] =	vst v13  }
0x51b: {  	v13 =	vld [tilespmem:s3+$0xF6E0];
	v16 =	vadd.f32 v16, v22  }
0x51c: {  	v26 =	vld [tilespmem:s16+$0x70];
	v8 =	vadd.f32 v12, v8  }
0x51d: {  	v12 =	vadd.f32 v14, v23;
	v14 =	vld [tilespmem:s13+$0x10];
	[tilespmem:s13+$0x0] =	vst v16  }
0x51e: {  	[tilespmem:s16+$0x10] =	vst v8;
	v8 =	vld [tilespmem:s29+$0xE690]  }
0x51f: {  	[tilespmem:s8+$0x0] =	vst v12;
	v12 =	vadd.f32 v7, v15;
	v15 =	vld [tilespmem:s23+$0xF2A0]  }
0x520: {  	v9 =	vadd.f32 v13, v9;
	v16 =	vld [tilespmem:s30+$0xE690]  }
0x521: {  	v19 =	vld [tilespmem:s16+$0x50]  }
0x522: {  	v13 =	vld [tilespmem:s8+$0x20];
	[tilespmem:s12+$0x60] =	vst v9  }
0x523: {  	v9 =	vld [tilespmem:s3+$0xF6F0];
	[tilespmem:s15+$0x40] =	vst v12;
	v8 =	vadd.f32 v8, v14  }
0x524: {  	v12 =	vld [tilespmem:s25+$0xEED0];
	v14 =	vadd.f32 v15, v17  }
0x525: {  	v15 =	vadd.f32 v16, v44;
	v16 =	vld [tilespmem:s13+$0x20];
	[tilespmem:s13+$0x10] =	vst v8  }
0x526: {  	[tilespmem:s16+$0x20] =	vst v14;
	v17 =	vld [tilespmem:s29+$0xE6A0]  }
0x527: {  	[tilespmem:s8+$0x10] =	vst v15;
	v14 =	vld [tilespmem:s23+$0xF2B0]  }
0x528: {  	v11 =	vadd.f32 v9, v11;
	v15 =	vld [tilespmem:s30+$0xE6A0]  }
0x529: {  	s1 =	sadd.s32 $0x9A80, s1;
	v7 =	vld [tilespmem:s0+$0x60];
	v5 =	vadd.f32 v12, v5  }
0x52a: {  	v9 =	vld [tilespmem:s0+$0x40];
	[tilespmem:s12+$0x70] =	vst v11;
	s12 =	sadd.s32 s24, s1  }
0x52b: {  	v12 =	vld [tilespmem:s12+$0x0];
	[tilespmem:s15+$0x50] =	vst v5;
	v11 =	vadd.f32 v17, v16  }
0x52c: {  	v5 =	vld [tilespmem:s25+$0xEEE0];
	v14 =	vadd.f32 v14, v18  }
0x52d: {  	v13 =	vadd.f32 v15, v13;
	[tilespmem:s13+$0x20] =	vst v11;
	v11 =	vld [tilespmem:s13+$0x30]  }
0x52e: {  	[tilespmem:s16+$0x30] =	vst v14;
	v15 =	vld [tilespmem:s29+$0xE6B0]  }
0x52f: {  	[tilespmem:s8+$0x20] =	vst v13;
	v13 =	vld [tilespmem:s23+$0xF2C0]  }
0x530: {  	v14 =	vld [tilespmem:s30+$0xE6B0]  }
0x531: {  	v5 =	vadd.f32 v5, v10;
	v10 =	vld [tilespmem:s3+$0xFA80]  }
0x532: {  	v8 =	vld [tilespmem:s0+$0x50]  }
0x533: {  	v17 =	vld [tilespmem:s8+$0x50];
	[tilespmem:s15+$0x60] =	vst v5;
	v11 =	vadd.f32 v15, v11  }
0x534: {  	v16 =	vld [tilespmem:s25+$0xEEF0];
	v13 =	vadd.f32 v13, v24  }
0x535: {  	v14 =	vadd.f32 v14, v20;
	[tilespmem:s13+$0x30] =	vst v11;
	v11 =	vld [tilespmem:s13+$0x40]  }
0x536: {  	v10 =	vadd.f32 v10, v12;
	[tilespmem:s16+$0x40] =	vst v13;
	v12 =	vld [tilespmem:s29+$0xE6C0]  }
0x537: {  	[tilespmem:s8+$0x30] =	vst v14;
	v13 =	vld [tilespmem:s23+$0xF2D0]  }
0x538: {  	[tilespmem:s12+$0x0] =	vst v10;
	v10 =	vld [tilespmem:s30+$0xE6C0]  }
0x539: {  	v5 =	vld [tilespmem:s12+$0x10]  }
0x53a: {  	v15 =	vld [tilespmem:s12+$0x20];
	v3 =	vadd.f32 v16, v3  }
0x53b: {  	v14 =	vld [tilespmem:s3+$0xFA90];
	v11 =	vadd.f32 v12, v11  }
0x53c: {  	v16 =	vld [tilespmem:s12+$0x30];
	s17 =	sld [smem:$0x7F7];
	[tilespmem:s15+$0x70] =	vst v3;
	v13 =	vadd.f32 v13, v19  }
0x53d: {  	v3 =	vld [tilespmem:s13+$0x50];
	s15 =	sld [smem:$0x7F8];
	v10 =	vadd.f32 v10, v21;
	[tilespmem:s13+$0x40] =	vst v11  }
0x53e: {  	[tilespmem:s16+$0x50] =	vst v13;
	v11 =	vld [tilespmem:s29+$0xE6D0]  }
0x53f: {  	[tilespmem:s8+$0x40] =	vst v10;
	v10 =	vld [tilespmem:s23+$0xF2E0]  }
0x540: {  	v18 =	vld [tilespmem:s25+$0xF280];
	s20 =	sadd.s32 $0x9280, s17  }
0x541: {  	s18 =	sadd.s32 s15, s20;
	v13 =	vld [tilespmem:s30+$0xE6D0]  }
0x542: {  	v12 =	vld [tilespmem:s18+$0x0]  }
0x543: {  	v19 =	vld [tilespmem:s18+$0x10];
	v3 =	vadd.f32 v11, v3  }
0x544: {  	v20 =	vld [tilespmem:s18+$0x20];
	v10 =	vadd.f32 v10, v25  }
0x545: {  	[tilespmem:s13+$0x50] =	vst v3;
	v3 =	vld [tilespmem:s13+$0x60]  }
0x546: {  	v13 =	vadd.f32 v13, v17;
	[tilespmem:s16+$0x60] =	vst v10;
	v17 =	vld [tilespmem:s29+$0xE6E0]  }
0x547: {  	v10 =	vadd.f32 v18, v12;
	v12 =	vld [tilespmem:s23+$0xF2F0]  }
0x548: {  	v45 =	vld [tilespmem:s18+$0x40]  }
0x549: {  	[tilespmem:s8+$0x50] =	vst v13;
	v13 =	vld [tilespmem:s8+$0x60]  }
0x54a: {  	v18 =	vld [tilespmem:s30+$0xE6E0]  }
0x54b: {  	v54 =	vld [tilespmem:s18+$0x50];
	v3 =	vadd.f32 v17, v3  }
0x54c: {  	v5 =	vadd.f32 v14, v5;
	v14 =	vld [tilespmem:s18+$0x60];
	v12 =	vadd.f32 v12, v26  }
0x54d: {  	[tilespmem:s13+$0x60] =	vst v3;
	v3 =	vld [tilespmem:s13+$0x70]  }
0x54e: {  	s14 =	sadd.s32 s7, s14;
	[tilespmem:s16+$0x70] =	vst v12;
	v12 =	vld [tilespmem:s29+$0xE6F0]  }
0x54f: {  	v13 =	vadd.f32 v18, v13;
	v18 =	vld [tilespmem:s14+$0x0]  }
0x550: {  	v46 =	vld [tilespmem:s23+$0xF680]  }
0x551: {  	[tilespmem:s12+$0x10] =	vst v5;
	v5 =	vld [tilespmem:s18+$0x70]  }
0x552: {  	v11 =	vld [tilespmem:s18+$0x30]  }
0x553: {  	v17 =	vld [tilespmem:s13+$0x400]  }
0x554: {  	[tilespmem:s8+$0x60] =	vst v13;
	v13 =	vld [tilespmem:s8+$0x70];
	v3 =	vadd.f32 v12, v3  }
0x555: {  	v47 =	vld [tilespmem:s30+$0xE6F0];
	v18 =	vadd.f32 v46, v18  }
0x556: {  	v48 =	vld [tilespmem:s14+$0x10];
	[tilespmem:s13+$0x70] =	vst v3  }
0x557: {  	[tilespmem:s14+$0x0] =	vst v18;
	v3 =	vld [tilespmem:s29+$0xEA80]  }
0x558: {  	[tilespmem:s18+$0x0] =	vst v10;
	v18 =	vld [tilespmem:s23+$0xF690]  }
0x559: {  	v10 =	vld [tilespmem:s25+$0xF290]  }
0x55a: {  	v50 =	vld [tilespmem:s14+$0x30];
	v13 =	vadd.f32 v47, v13  }
0x55b: {  	v51 =	vld [tilespmem:s14+$0x40]  }
0x55c: {  	v12 =	vld [tilespmem:s14+$0x20];
	[tilespmem:s8+$0x70] =	vst v13;
	v3 =	vadd.f32 v3, v17  }
0x55d: {  	v17 =	vld [tilespmem:s30+$0xEA80];
	v18 =	vadd.f32 v18, v48  }
0x55e: {  	[tilespmem:s13+$0x400] =	vst v3;
	v3 =	vld [tilespmem:s13+$0x410]  }
0x55f: {  	v10 =	vadd.f32 v10, v19;
	[tilespmem:s14+$0x10] =	vst v18;
	v19 =	vld [tilespmem:s29+$0xEA90]  }
0x560: {  	v18 =	vld [tilespmem:s23+$0xF6A0]  }
0x561: {  	v52 =	vld [tilespmem:s14+$0x50];
	[tilespmem:s18+$0x10] =	vst v10  }
0x562: {  	v53 =	vld [tilespmem:s25+$0xF2A0];
	v17 =	vadd.f32 v17, v49  }
0x563: {  	v27 =	vld [tilespmem:s14+$0x60]  }
0x564: {  	v13 =	vld [tilespmem:s8+$0x410];
	[tilespmem:s8+$0x400] =	vst v17;
	v3 =	vadd.f32 v19, v3  }
0x565: {  	v12 =	vadd.f32 v18, v12;
	v18 =	vld [tilespmem:s30+$0xEA90]  }
0x566: {  	[tilespmem:s13+$0x410] =	vst v3;
	v3 =	vld [tilespmem:s13+$0x420]  }
0x567: {  	v19 =	vadd.f32 v53, v20;
	[tilespmem:s14+$0x20] =	vst v12;
	v20 =	vld [tilespmem:s29+$0xEAA0]  }
0x568: {  	v12 =	vld [tilespmem:s23+$0xF6B0]  }
0x569: {  	v10 =	vld [tilespmem:s14+$0x70];
	[tilespmem:s18+$0x20] =	vst v19  }
0x56a: {  	v13 =	vadd.f32 v18, v13;
	v18 =	vld [tilespmem:s25+$0xF2B0]  }
0x56b: {  	v17 =	vld [tilespmem:s8+$0x420]  }
0x56c: {  	[tilespmem:s8+$0x410] =	vst v13;
	v13 =	vld [tilespmem:s3+$0xFAA0];
	v3 =	vadd.f32 v20, v3  }
0x56d: {  	v19 =	vld [tilespmem:s30+$0xEAA0];
	v12 =	vadd.f32 v12, v50  }
0x56e: {  	[tilespmem:s13+$0x420] =	vst v3;
	v3 =	vld [tilespmem:s13+$0x430]  }
0x56f: {  	v11 =	vadd.f32 v18, v11;
	[tilespmem:s14+$0x30] =	vst v12;
	v18 =	vld [tilespmem:s29+$0xEAB0]  }
0x570: {  	v12 =	vld [tilespmem:s23+$0xF6C0]  }
0x571: {  	v20 =	vld [tilespmem:s8+$0x430];
	[tilespmem:s18+$0x30] =	vst v11;
	v11 =	vadd.f32 v13, v15  }
0x572: {  	v13 =	vld [tilespmem:s25+$0xF2C0];
	v15 =	vadd.f32 v19, v17  }
0x573: {  	v17 =	vld [tilespmem:s12+$0x40];
	[tilespmem:s12+$0x20] =	vst v11  }
0x574: {  	[tilespmem:s8+$0x420] =	vst v15;
	v11 =	vld [tilespmem:s3+$0xFAB0];
	v3 =	vadd.f32 v18, v3  }
0x575: {  	v15 =	vld [tilespmem:s30+$0xEAB0];
	v12 =	vadd.f32 v12, v51  }
0x576: {  	[tilespmem:s13+$0x430] =	vst v3;
	v3 =	vld [tilespmem:s13+$0x440]  }
0x577: {  	v13 =	vadd.f32 v13, v45;
	[tilespmem:s14+$0x40] =	vst v12;
	v18 =	vld [tilespmem:s29+$0xEAC0]  }
0x578: {  	v12 =	vld [tilespmem:s23+$0xF6D0]  }
0x579: {  	v19 =	vld [tilespmem:s8+$0x440];
	[tilespmem:s18+$0x40] =	vst v13;
	v11 =	vadd.f32 v11, v16  }
0x57a: {  	v13 =	vld [tilespmem:s25+$0xF2D0];
	v15 =	vadd.f32 v15, v20  }
0x57b: {  	v16 =	vld [tilespmem:s12+$0x50];
	[tilespmem:s12+$0x30] =	vst v11  }
0x57c: {  	[tilespmem:s8+$0x430] =	vst v15;
	v11 =	vld [tilespmem:s3+$0xFAC0];
	v3 =	vadd.f32 v18, v3  }
0x57d: {  	v15 =	vld [tilespmem:s30+$0xEAC0];
	v12 =	vadd.f32 v12, v52  }
0x57e: {  	[tilespmem:s13+$0x440] =	vst v3;
	v3 =	vld [tilespmem:s13+$0x450]  }
0x57f: {  	v13 =	vadd.f32 v13, v54;
	[tilespmem:s14+$0x50] =	vst v12;
	v18 =	vld [tilespmem:s29+$0xEAD0]  }
0x580: {  	v12 =	vld [tilespmem:s23+$0xF6E0]  }
0x581: {  	v20 =	vld [tilespmem:s8+$0x450];
	[tilespmem:s18+$0x50] =	vst v13;
	v11 =	vadd.f32 v11, v17  }
0x582: {  	v13 =	vld [tilespmem:s25+$0xF2E0];
	v15 =	vadd.f32 v15, v19  }
0x583: {  	v17 =	vld [tilespmem:s12+$0x60];
	[tilespmem:s12+$0x40] =	vst v11  }
0x584: {  	[tilespmem:s8+$0x440] =	vst v15;
	v11 =	vld [tilespmem:s3+$0xFAD0];
	v3 =	vadd.f32 v18, v3  }
0x585: {  	v15 =	vld [tilespmem:s30+$0xEAD0];
	v12 =	vadd.f32 v12, v27  }
0x586: {  	[tilespmem:s13+$0x450] =	vst v3;
	v3 =	vld [tilespmem:s13+$0x460]  }
0x587: {  	v13 =	vadd.f32 v13, v14;
	[tilespmem:s14+$0x60] =	vst v12;
	v14 =	vld [tilespmem:s29+$0xEAE0]  }
0x588: {  	v12 =	vld [tilespmem:s23+$0xF6F0]  }
0x589: {  	v18 =	vld [tilespmem:s8+$0x460];
	v11 =	vadd.f32 v11, v16  }
0x58a: {  	[tilespmem:s18+$0x60] =	vst v13;
	v16 =	vld [tilespmem:s8+$0x470];
	v15 =	vadd.f32 v15, v20  }
0x58b: {  	v13 =	vld [tilespmem:s25+$0xF2F0];
	[tilespmem:s12+$0x50] =	vst v11  }
0x58c: {  	[tilespmem:s8+$0x450] =	vst v15;
	v15 =	vld [tilespmem:s3+$0xFAE0];
	v3 =	vadd.f32 v14, v3  }
0x58d: {  	v11 =	vld [tilespmem:s30+$0xEAE0];
	v10 =	vadd.f32 v12, v10  }
0x58e: {  	[tilespmem:s13+$0x460] =	vst v3;
	v3 =	vld [tilespmem:s13+$0x470]  }
0x58f: {  	s1 =	sadd.s32 s7, s1;
	[tilespmem:s14+$0x70] =	vst v10;
	v12 =	vld [tilespmem:s29+$0xEAF0]  }
0x590: {  	v5 =	vadd.f32 v13, v5;
	v10 =	vld [tilespmem:s1+$0x0]  }
0x591: {  	v14 =	vld [tilespmem:s1+$0x10]  }
0x592: {  	[tilespmem:s18+$0x70] =	vst v5;
	v5 =	vld [tilespmem:s23+$0xFA80]  }
0x593: {  	v19 =	vld [tilespmem:s1+$0x20]  }
0x594: {  	v20 =	vld [tilespmem:s1+$0x30]  }
0x595: {  	v55 =	vld [tilespmem:s1+$0x40]  }
0x596: {  	v56 =	vld [tilespmem:s1+$0x50];
	v3 =	vadd.f32 v12, v3  }
0x597: {  	v13 =	vld [tilespmem:s25+$0xF680];
	v5 =	vadd.f32 v5, v10  }
0x598: {  	[tilespmem:s13+$0x470] =	vst v3;
	v3 =	vld [tilespmem:s1+$0x70]  }
0x599: {  	v10 =	vld [tilespmem:s29+$0xEE80];
	[tilespmem:s1+$0x0] =	vst v5  }
0x59a: {  	s24 =	sadd.s32 $0x8E80, s10;
	s2 =	sadd.s32 $0x9680, s17;
	v12 =	vld [tilespmem:s23+$0xFA90]  }
0x59b: {  	s22 =	smov.u32 s17;
	s17 =	sadd.s32 s15, s2;
	v11 =	vadd.f32 v11, v18;
	v5 =	vld [tilespmem:s1+$0x60];
	[dreg:$0x8] =	wrdreg s2  }
0x59c: {  	s26 =	sadd.s32 s5, s24;
	v18 =	vld [tilespmem:s17+$0x0];
	[dreg:$0x7] =	wrdreg s5  }
0x59d: {  	[tilespmem:s8+$0x460] =	vst v11;
	v11 =	vld [tilespmem:s26+$0x0]  }
0x59e: {  	v57 =	vld [tilespmem:s30+$0xEAF0]  }
0x59f: {  	v12 =	vadd.f32 v12, v14;
	_ =	sdelay $0x1  }
0x5a0: {  	v58 =	vld [tilespmem:s17+$0x10];
	[tilespmem:s1+$0x10] =	vst v12;
	v12 =	vadd.f32 v13, v18  }
0x5a1: {  	v10 =	vadd.f32 v10, v11;
	v13 =	vld [tilespmem:s23+$0xFAA0]  }
0x5a2: {  	v11 =	vadd.f32 v57, v16;
	v16 =	vld [tilespmem:s26+$0x10];
	[tilespmem:s17+$0x0] =	vst v12  }
0x5a3: {  	[tilespmem:s26+$0x0] =	vst v10;
	v18 =	vld [tilespmem:s25+$0xF690]  }
0x5a4: {  	[tilespmem:s8+$0x470] =	vst v11;
	v11 =	vld [tilespmem:s29+$0xEE90];
	_ =	sdelay $0x2  }
0x5a5: {  	s18 =	sadd.s32 s9, s24;
	v13 =	vadd.f32 v13, v19  }
0x5a6: {  	v61 =	vld [tilespmem:s18+$0x0]  }
0x5a7: {  	[tilespmem:s1+$0x20] =	vst v13;
	v13 =	vadd.f32 v18, v58;
	v11 =	vadd.f32 v11, v16;
	v16 =	vld [tilespmem:s30+$0xEE80]  }
0x5a8: {  	v6 =	vadd.f32 v6, v9;
	v18 =	vld [tilespmem:s23+$0xFAB0]  }
0x5a9: {  	v14 =	vld [tilespmem:s17+$0x20];
	[tilespmem:s17+$0x10] =	vst v13  }
0x5aa: {  	[tilespmem:s0+$0x40] =	vst v6;
	v13 =	vld [tilespmem:s25+$0xF6A0]  }
0x5ab: {  	v6 =	vld [tilespmem:s6+$0xEED0]  }
0x5ac: {  	v19 =	vld [tilespmem:s26+$0x20];
	[tilespmem:s26+$0x10] =	vst v11;
	v16 =	vadd.f32 v16, v61  }
0x5ad: {  	v62 =	vld [tilespmem:s29+$0xEEA0];
	v18 =	vadd.f32 v18, v20  }
0x5ae: {  	v60 =	vld [tilespmem:s18+$0x10];
	[tilespmem:s18+$0x0] =	vst v16  }
0x5af: {  	[tilespmem:s1+$0x30] =	vst v18;
	v13 =	vadd.f32 v13, v14;
	v16 =	vld [tilespmem:s30+$0xEE90]  }
0x5b0: {  	v6 =	vadd.f32 v6, v8;
	v14 =	vld [tilespmem:s23+$0xFAC0]  }
0x5b1: {  	v59 =	vld [tilespmem:s17+$0x30];
	[tilespmem:s17+$0x20] =	vst v13  }
0x5b2: {  	[tilespmem:s0+$0x50] =	vst v6;
	v18 =	vadd.f32 v62, v19;
	v13 =	vld [tilespmem:s25+$0xF6B0]  }
0x5b3: {  	v6 =	vld [tilespmem:s6+$0xEEE0]  }
0x5b4: {  	[tilespmem:s26+$0x20] =	vst v18;
	v18 =	vld [tilespmem:s26+$0x30];
	v20 =	vadd.f32 v16, v60  }
0x5b5: {  	v8 =	vld [tilespmem:s29+$0xEEB0];
	v14 =	vadd.f32 v14, v55  }
0x5b6: {  	v19 =	vld [tilespmem:s18+$0x20];
	[tilespmem:s18+$0x10] =	vst v20  }
0x5b7: {  	[tilespmem:s1+$0x40] =	vst v14;
	v13 =	vadd.f32 v13, v59;
	v20 =	vld [tilespmem:s30+$0xEEA0]  }
0x5b8: {  	v14 =	vld [tilespmem:s23+$0xFAD0]  }
0x5b9: {  	[tilespmem:s17+$0x30] =	vst v13;
	v13 =	vadd.f32 v15, v17;
	v17 =	vld [tilespmem:s17+$0x40]  }
0x5ba: {  	v6 =	vadd.f32 v6, v7;
	v8 =	vadd.f32 v8, v18;
	v18 =	vld [tilespmem:s25+$0xF6C0]  }
0x5bb: {  	v63 =	vld [tilespmem:s12+$0x70]  }
0x5bc: {  	v12 =	vld [tilespmem:s18+$0x40];
	[tilespmem:s0+$0x60] =	vst v6  }
0x5bd: {  	v10 =	vld [tilespmem:s18+$0x50];
	[tilespmem:s26+$0x30] =	vst v8;
	v8 =	vadd.f32 v14, v56  }
0x5be: {  	v9 =	vld [tilespmem:s18+$0x70];
	[tilespmem:s12+$0x60] =	vst v13;
	v14 =	vadd.f32 v20, v19  }
0x5bf: {  	v11 =	vld [tilespmem:s18+$0x60];
	[tilespmem:s1+$0x50] =	vst v8;
	v8 =	vadd.f32 v18, v17  }
0x5c0: {  	v16 =	vld [tilespmem:s18+$0x30];
	[tilespmem:s18+$0x20] =	vst v14  }
0x5c1: {  	v7 =	vld [tilespmem:s3+$0xFAF0];
	[tilespmem:s17+$0x40] =	vst v8  }
0x5c2: {  	s11 =	smov.u32 s9;
	v15 =	vld [tilespmem:s29+$0xEEC0];
	s9 =	sld [smem:$0x7FB]  }
0x5c3: {  	v13 =	vld [tilespmem:s17+$0x50]  }
0x5c4: {  	v19 =	vld [tilespmem:s6+$0xEEF0];
	s8 =	rddreg [dreg:$0xd]  }
0x5c5: {  	v6 =	vld [tilespmem:s23+$0xFAE0];
	s2 =	sadd.s32 s8, s9  }
0x5c6: {  	s14 =	sadd.s32 $0x9280, s10;
	v18 =	vld [tilespmem:s30+$0xEEB0];
	v8 =	vadd.f32 v7, v63;
	[smem:$0x7F9] =	sst s2  }
0x5c7: {  	v7 =	vld [tilespmem:s17+$0x60];
	[dreg:$0xa] =	wrdreg s14  }
0x5c8: {  	[tilespmem:s12+$0x70] =	vst v8  }
0x5c9: {  	s16 =	sld [smem:$0x7FA]  }
0x5ca: {  	s7 =	smov.u32 s15;
	s15 =	sadd.s32 $0x9680, s10  }
0x5cb: {  	s22 =	sadd.s32 $0x9A80, s22;
	s24 =	smov.u32 s6;
	v14 =	vld [tilespmem:s25+$0xF6D0];
	[dreg:$0x9] =	wrdreg s15  }
0x5cc: {  	v17 =	vadd.f32 v19, v4;
	s8 =	simm.s32 $0x4;
	s15 =	sadd.s32 $0x9A80, s10;
	v8 =	vld [tilespmem:s17+$0x70];
	s9 =	sadd.s32 $0x2, s16  }
.LBB2_5:
0x5cd: {  	[dreg:$0xb] =	wrdreg s15  }
0x5ce: {  	s2 =	smulhi.u32 $0x3531DEC1, s9;
	s21 =	sadd.s32 $0x2, s21;
	s12 =	smov.u32 s8  }
0x5cf: {  	s8 =	sadd.s32 $0x2, s8;
	s6 =	smov.u32 s28;
	s28 =	sadd.s32 s28, s20;
	v5 =	vadd.f32 v6, v5  }
0x5d0: {  	v4 =	vld [tilespmem:s26+$0x70];
	s19 =	sadd.s32 $0x100, s19;
	s10 =	smulhi.u32 $0x3531DEC1, s21;
	s13 =	sshrl.u32 s8, $0x3;
	[tilespmem:s0+$0x70] =	vst v17;
	v6 =	vadd.f32 v18, v16  }
0x5d1: {  	s4 =	sadd.s32 $0x100, s4;
	s0 =	sshrl.u32 s2, $0x4;
	s20 =	smul.u32 $0x6000, s13;
	v18 =	vld [tilespmem:s28+$0x10];
	[tilespmem:s1+$0x60] =	vst v5  }
0x5d2: {  	s15 =	sadd.s32 $0x80, s4;
	s5 =	sshrl.u32 s10, $0x4;
	s3 =	smul.u32 $0x2680, s0;
	[tilespmem:s18+$0x30] =	vst v6;
	v6 =	vld [tilespmem:s23+$0xFAF0]  }
0x5d3: {  	s2 =	sand.u32 $0x380, s15;
	s15 =	sand.u32 $0x300, s4;
	s14 =	smul.u32 $0x4D, s5;
	v5 =	vadd.f32 v14, v13;
	v13 =	vld [tilespmem:s28+$0x0]  }
0x5d4: {  	s0 =	smul.u32 $0x4D, s0;
	s10 =	sshra.s32 s20, $0x2;
	v19 =	vld [tilespmem:s28+$0x20];
	s23 =	rddreg [dreg:$0x6]  }
0x5d5: {  	s5 =	smul.u32 $0x2680, s5;
	s16 =	sadd.s32 $0x8680, s10;
	v20 =	vld [tilespmem:s28+$0x30];
	s14 =	ssub.s32 s23, s14  }
0x5d6: {  	s20 =	ssub.s32 s31, s3;
	s13 =	sadd.s32 s2, s16;
	v14 =	vld [tilespmem:s24+$0xF280];
	[tilespmem:s17+$0x50] =	vst v5;
	s14 =	sadd.s32 s14, s12  }
0x5d7: {  	s3 =	sadd.s32 s20, s4;
	s0 =	ssub.s32 s23, s0;
	v5 =	vld [tilespmem:s13+$0x30];
	s14 =	sadd.s32 $0x23, s14  }
0x5d8: {  	s5 =	ssub.s32 s19, s5;
	v16 =	vld [tilespmem:s13+$0x40];
	s0 =	sadd.s32 s0, s12;
	s14 =	sshrl.u32 s14, $0x3  }
0x5d9: {  	s20 =	sadd.s32 $0x9A80, s10;
	v25 =	vld [tilespmem:s13+$0x10];
	s0 =	sadd.s32 $0x22, s0;
	s14 =	smul.u32 $0x6000, s14  }
0x5da: {  	s16 =	sadd.s32 s15, s16;
	[dreg:$0xc] =	wrdreg s20;
	v35 =	vld [tilespmem:s30+$0xEEC0];
	s0 =	sshrl.u32 s0, $0x3;
	v3 =	vadd.f32 v6, v3  }
0x5db: {  	s5 =	sand.u32 $0x380, s5;
	v6 =	vld [tilespmem:s16+$0x0];
	s0 =	smul.u32 $0x6000, s0;
	s12 =	sshra.s32 s14, $0x2  }
0x5dc: {  	v13 =	vadd.f32 v14, v13;
	[tilespmem:s1+$0x70] =	vst v3;
	v3 =	vld [tilespmem:s13+$0x0];
	s14 =	rddreg [dreg:$0xa];
	s12 =	sor.u32 s5, s12  }
0x5dd: {  	s23 =	sadd.s32 $0x9280, s10;
	s0 =	sshra.s32 s0, $0x2;
	s20 =	smov.u32 s14;
	v22 =	vld [tilespmem:s12+$0xE680]  }
0x5de: {  	v36 =	vld [tilespmem:s25+$0xF6E0];
	[tilespmem:s28+$0x0] =	vst v13;
	s5 =	smov.u32 s23;
	s23 =	smov.u32 s24;
	s14 =	sand.u32 $0x380, s3  }
0x5df: {  	s3 =	smov.u32 s29;
	s29 =	sor.u32 s14, s0;
	v23 =	vld [tilespmem:s23+$0xF290]  }
0x5e0: {  	v24 =	vld [tilespmem:s29+$0xE680]  }
0x5e1: {  	v21 =	vld [tilespmem:s28+$0x40]  }
0x5e2: {  	v17 =	vld [tilespmem:s28+$0x50];
	v3 =	vadd.f32 v22, v3  }
0x5e3: {  	v14 =	vld [tilespmem:s28+$0x60]  }
0x5e4: {  	v13 =	vld [tilespmem:s28+$0x70];
	v18 =	vadd.f32 v23, v18;
	[tilespmem:s13+$0x0] =	vst v3  }
0x5e5: {  	s0 =	smov.u32 s26;
	v24 =	vadd.f32 v24, v6;
	v3 =	vld [tilespmem:s12+$0xE690]  }
0x5e6: {  	v12 =	vadd.f32 v35, v12;
	v6 =	vld [tilespmem:s0+$0x60];
	[tilespmem:s28+$0x10] =	vst v18  }
0x5e7: {  	[tilespmem:s16+$0x0] =	vst v24;
	v18 =	vld [tilespmem:s16+$0x10]  }
0x5e8: {  	v23 =	vadd.f32 v36, v7;
	[tilespmem:s18+$0x40] =	vst v12;
	v24 =	vld [tilespmem:s29+$0xE690]  }
0x5e9: {  	v12 =	vld [tilespmem:s30+$0xEED0]  }
0x5ea: {  	v37 =	vld [tilespmem:s23+$0xF2A0];
	[tilespmem:s17+$0x60] =	vst v23;
	v3 =	vadd.f32 v3, v25  }
0x5eb: {  	v23 =	vld [tilespmem:s25+$0xF6F0]  }
0x5ec: {  	[tilespmem:s13+$0x10] =	vst v3;
	v3 =	vld [tilespmem:s13+$0x20]  }
0x5ed: {  	v18 =	vadd.f32 v24, v18;
	v38 =	vld [tilespmem:s12+$0xE6A0]  }
0x5ee: {  	v7 =	vld [tilespmem:s0+$0x50];
	v10 =	vadd.f32 v12, v10  }
0x5ef: {  	v19 =	vadd.f32 v37, v19;
	[tilespmem:s16+$0x10] =	vst v18;
	v18 =	vld [tilespmem:s16+$0x20]  }
0x5f0: {  	[tilespmem:s18+$0x50] =	vst v10;
	v39 =	vld [tilespmem:s29+$0xE6A0]  }
0x5f1: {  	v8 =	vadd.f32 v23, v8;
	[tilespmem:s28+$0x20] =	vst v19;
	v10 =	vld [tilespmem:s30+$0xEEE0]  }
0x5f2: {  	v12 =	vld [tilespmem:s23+$0xF2B0];
	v3 =	vadd.f32 v38, v3  }
0x5f3: {  	s14 =	sadd.s32 s7, s22;
	[tilespmem:s17+$0x70] =	vst v8;
	v19 =	vld [tilespmem:s0+$0x40]  }
0x5f4: {  	v40 =	vld [tilespmem:s14+$0x0];
	[tilespmem:s13+$0x20] =	vst v3  }
0x5f5: {  	v3 =	vld [tilespmem:s25+$0xFA80]  }
0x5f6: {  	v8 =	vadd.f32 v39, v18;
	v18 =	vld [tilespmem:s12+$0xE6B0]  }
0x5f7: {  	v12 =	vadd.f32 v12, v20  }
0x5f8: {  	v10 =	vadd.f32 v10, v11;
	v20 =	vld [tilespmem:s16+$0x30];
	[tilespmem:s16+$0x20] =	vst v8  }
0x5f9: {  	v8 =	vadd.f32 v15, v19;
	v15 =	vld [tilespmem:s29+$0xE6B0];
	[tilespmem:s28+$0x30] =	vst v12  }
0x5fa: {  	[tilespmem:s18+$0x60] =	vst v10;
	v11 =	vld [tilespmem:s23+$0xF2C0];
	v3 =	vadd.f32 v3, v40  }
0x5fb: {  	v10 =	vld [tilespmem:s14+$0x10];
	v12 =	vadd.f32 v18, v5  }
0x5fc: {  	v18 =	vld [tilespmem:s30+$0xEEF0];
	[tilespmem:s14+$0x0] =	vst v3  }
0x5fd: {  	v5 =	vld [tilespmem:s14+$0x20];
	[tilespmem:s13+$0x30] =	vst v12  }
0x5fe: {  	v3 =	vadd.f32 v15, v20;
	v12 =	vld [tilespmem:s25+$0xFA90]  }
0x5ff: {  	v11 =	vadd.f32 v11, v21;
	v15 =	vld [tilespmem:s12+$0xE6C0]  }
0x600: {  	v19 =	vld [tilespmem:s16+$0x40];
	[tilespmem:s16+$0x30] =	vst v3  }
0x601: {  	v20 =	vld [tilespmem:s29+$0xE6C0];
	v3 =	vadd.f32 v18, v9;
	[tilespmem:s28+$0x40] =	vst v11  }
0x602: {  	v9 =	vld [tilespmem:s23+$0xF2D0]  }
0x603: {  	s24 =	smov.u32 s11;
	v11 =	vld [tilespmem:s16+$0x50];
	[tilespmem:s18+$0x70] =	vst v3;
	v10 =	vadd.f32 v12, v10  }
0x604: {  	s17 =	sadd.s32 s24, s20;
	v3 =	vld [tilespmem:s14+$0x30];
	v12 =	vadd.f32 v15, v16  }
0x605: {  	v15 =	vld [tilespmem:s17+$0x0];
	[tilespmem:s14+$0x10] =	vst v10  }
0x606: {  	v10 =	vadd.f32 v20, v19;
	[tilespmem:s13+$0x40] =	vst v12;
	v12 =	vld [tilespmem:s13+$0x50]  }
0x607: {  	v9 =	vadd.f32 v9, v17;
	v16 =	vld [tilespmem:s12+$0xE6D0]  }
0x608: {  	[tilespmem:s16+$0x40] =	vst v10;
	v10 =	vld [tilespmem:s30+$0xF280]  }
0x609: {  	v17 =	vld [tilespmem:s29+$0xE6D0];
	[tilespmem:s28+$0x50] =	vst v9  }
0x60a: {  	v9 =	vld [tilespmem:s23+$0xF2E0]  }
0x60b: {  	v18 =	vld [tilespmem:s17+$0x10]  }
0x60c: {  	v12 =	vadd.f32 v16, v12;
	v16 =	vld [tilespmem:s17+$0x20]  }
0x60d: {  	v10 =	vadd.f32 v10, v15;
	v15 =	vld [tilespmem:s17+$0x30]  }
0x60e: {  	v11 =	vadd.f32 v17, v11;
	[tilespmem:s13+$0x50] =	vst v12;
	v12 =	vld [tilespmem:s13+$0x60]  }
0x60f: {  	v9 =	vadd.f32 v9, v14;
	v17 =	vld [tilespmem:s12+$0xE6E0];
	[tilespmem:s17+$0x0] =	vst v10  }
0x610: {  	[tilespmem:s16+$0x50] =	vst v11;
	v10 =	vld [tilespmem:s16+$0x60]  }
0x611: {  	v11 =	vld [tilespmem:s29+$0xE6E0];
	[tilespmem:s28+$0x60] =	vst v9  }
0x612: {  	v9 =	vld [tilespmem:s23+$0xF2F0]  }
0x613: {  	v14 =	vld [tilespmem:s30+$0xF290]  }
0x614: {  	v19 =	vld [tilespmem:s16+$0x400];
	v12 =	vadd.f32 v17, v12  }
0x615: {  	v17 =	vld [tilespmem:s17+$0x40]  }
0x616: {  	v10 =	vadd.f32 v11, v10;
	v11 =	vld [tilespmem:s13+$0x70];
	[tilespmem:s13+$0x60] =	vst v12  }
0x617: {  	v9 =	vadd.f32 v9, v13;
	v12 =	vld [tilespmem:s12+$0xE6F0]  }
0x618: {  	s18 =	rddreg [dreg:$0x8];
	[tilespmem:s16+$0x60] =	vst v10;
	v10 =	vld [tilespmem:s16+$0x70]  }
0x619: {  	s26 =	sadd.s32 s6, s18;
	v13 =	vadd.f32 v14, v18;
	v14 =	vld [tilespmem:s29+$0xE6F0];
	[tilespmem:s28+$0x70] =	vst v9  }
0x61a: {  	v9 =	vld [tilespmem:s26+$0x0]  }
0x61b: {  	[tilespmem:s17+$0x10] =	vst v13;
	v13 =	vld [tilespmem:s23+$0xF680];
	_ =	sdelay $0x1  }
0x61c: {  	v20 =	vld [tilespmem:s26+$0x30]  }
0x61d: {  	v11 =	vadd.f32 v12, v11;
	v12 =	vld [tilespmem:s26+$0x10];
	v10 =	vadd.f32 v14, v10  }
0x61e: {  	v14 =	vld [tilespmem:s26+$0x20]  }
0x61f: {  	v9 =	vadd.f32 v13, v9;
	v13 =	vld [tilespmem:s26+$0x40];
	[tilespmem:s16+$0x70] =	vst v10  }
0x620: {  	v42 =	vld [tilespmem:s29+$0xEA80]  }
0x621: {  	v18 =	vld [tilespmem:s13+$0x400];
	[tilespmem:s13+$0x70] =	vst v11  }
0x622: {  	v45 =	vld [tilespmem:s30+$0xF2A0];
	[tilespmem:s26+$0x0] =	vst v9  }
0x623: {  	v43 =	vld [tilespmem:s23+$0xF690]  }
0x624: {  	v41 =	vld [tilespmem:s26+$0x50]  }
0x625: {  	v11 =	vadd.f32 v42, v19;
	v19 =	vld [tilespmem:s12+$0xEA80]  }
0x626: {  	v10 =	vld [tilespmem:s26+$0x60]  }
0x627: {  	v9 =	vld [tilespmem:s26+$0x70]  }
0x628: {  	v12 =	vadd.f32 v43, v12;
	[tilespmem:s16+$0x400] =	vst v11;
	v11 =	vld [tilespmem:s16+$0x410]  }
0x629: {  	v46 =	vld [tilespmem:s29+$0xEA90]  }
0x62a: {  	v44 =	vld [tilespmem:s13+$0x410];
	[tilespmem:s26+$0x10] =	vst v12;
	v18 =	vadd.f32 v19, v18  }
0x62b: {  	v12 =	vld [tilespmem:s23+$0xF6A0]  }
0x62c: {  	v16 =	vadd.f32 v45, v16;
	v19 =	vld [tilespmem:s17+$0x50];
	[tilespmem:s13+$0x400] =	vst v18  }
0x62d: {  	v48 =	vld [tilespmem:s12+$0xEA90]  }
0x62e: {  	v47 =	vld [tilespmem:s13+$0x420];
	v11 =	vadd.f32 v46, v11;
	[tilespmem:s17+$0x20] =	vst v16  }
0x62f: {  	v16 =	vld [tilespmem:s30+$0xF2B0]  }
0x630: {  	[tilespmem:s16+$0x410] =	vst v11;
	v11 =	vld [tilespmem:s16+$0x420]  }
0x631: {  	v12 =	vadd.f32 v12, v14;
	v14 =	vld [tilespmem:s29+$0xEAA0]  }
0x632: {  	v18 =	vld [tilespmem:s17+$0x60];
	v22 =	vadd.f32 v48, v44  }
0x633: {  	v49 =	vld [tilespmem:s17+$0x70];
	[tilespmem:s26+$0x20] =	vst v12  }
0x634: {  	v12 =	vld [tilespmem:s23+$0xF6B0];
	[tilespmem:s13+$0x410] =	vst v22  }
0x635: {  	v15 =	vadd.f32 v16, v15;
	v16 =	vld [tilespmem:s25+$0xFAA0]  }
0x636: {  	v11 =	vadd.f32 v14, v11;
	v14 =	vld [tilespmem:s12+$0xEAA0]  }
0x637: {  	v50 =	vld [tilespmem:s13+$0x430];
	[tilespmem:s17+$0x30] =	vst v15  }
0x638: {  	v15 =	vld [tilespmem:s30+$0xF2C0]  }
0x639: {  	v12 =	vadd.f32 v12, v20;
	v51 =	vld [tilespmem:s13+$0x440]  }
0x63a: {  	[tilespmem:s16+$0x420] =	vst v11;
	v11 =	vld [tilespmem:s16+$0x430];
	v5 =	vadd.f32 v16, v5  }
0x63b: {  	v20 =	vld [tilespmem:s29+$0xEAB0];
	[tilespmem:s26+$0x30] =	vst v12;
	v14 =	vadd.f32 v14, v47  }
0x63c: {  	v12 =	vld [tilespmem:s23+$0xF6C0];
	[tilespmem:s14+$0x20] =	vst v5  }
0x63d: {  	v16 =	vld [tilespmem:s14+$0x40];
	[tilespmem:s13+$0x420] =	vst v14  }
0x63e: {  	v15 =	vadd.f32 v15, v17;
	v5 =	vld [tilespmem:s25+$0xFAB0]  }
0x63f: {  	v14 =	vld [tilespmem:s12+$0xEAB0]  }
0x640: {  	v11 =	vadd.f32 v20, v11;
	[tilespmem:s17+$0x40] =	vst v15  }
0x641: {  	v15 =	vld [tilespmem:s30+$0xF2D0]  }
0x642: {  	v12 =	vadd.f32 v12, v13;
	[tilespmem:s16+$0x430] =	vst v11;
	v11 =	vld [tilespmem:s16+$0x440]  }
0x643: {  	v13 =	vld [tilespmem:s29+$0xEAC0];
	v3 =	vadd.f32 v5, v3  }
0x644: {  	v17 =	vld [tilespmem:s13+$0x450];
	[tilespmem:s26+$0x40] =	vst v12;
	v5 =	vadd.f32 v14, v50  }
0x645: {  	v12 =	vld [tilespmem:s23+$0xF6D0];
	[tilespmem:s14+$0x30] =	vst v3  }
0x646: {  	v14 =	vld [tilespmem:s14+$0x50];
	[tilespmem:s13+$0x430] =	vst v5  }
0x647: {  	v3 =	vld [tilespmem:s25+$0xFAC0]  }
0x648: {  	v5 =	vadd.f32 v13, v11;
	v11 =	vld [tilespmem:s12+$0xEAC0]  }
0x649: {  	v15 =	vadd.f32 v15, v19  }
0x64a: {  	[tilespmem:s16+$0x440] =	vst v5;
	v5 =	vld [tilespmem:s16+$0x450]  }
0x64b: {  	v12 =	vadd.f32 v12, v41;
	[tilespmem:s17+$0x50] =	vst v15;
	v15 =	vld [tilespmem:s29+$0xEAD0]  }
0x64c: {  	v13 =	vld [tilespmem:s30+$0xF2E0];
	v3 =	vadd.f32 v3, v16  }
0x64d: {  	v19 =	vld [tilespmem:s13+$0x460];
	[tilespmem:s26+$0x50] =	vst v12;
	v11 =	vadd.f32 v11, v51  }
0x64e: {  	v12 =	vld [tilespmem:s23+$0xF6E0];
	[tilespmem:s14+$0x40] =	vst v3  }
0x64f: {  	v16 =	vld [tilespmem:s14+$0x60];
	[tilespmem:s13+$0x440] =	vst v11  }
0x650: {  	v5 =	vadd.f32 v15, v5;
	v3 =	vld [tilespmem:s25+$0xFAD0]  }
0x651: {  	v11 =	vld [tilespmem:s12+$0xEAD0]  }
0x652: {  	[tilespmem:s16+$0x450] =	vst v5;
	v5 =	vld [tilespmem:s16+$0x460]  }
0x653: {  	v13 =	vadd.f32 v13, v18;
	v10 =	vadd.f32 v12, v10;
	v12 =	vld [tilespmem:s29+$0xEAE0];
	_ =	sdelay $0x1  }
0x654: {  	[tilespmem:s17+$0x60] =	vst v13  }
0x655: {  	v13 =	vld [tilespmem:s30+$0xF2F0];
	[tilespmem:s26+$0x60] =	vst v10;
	v3 =	vadd.f32 v3, v14  }
0x656: {  	v10 =	vld [tilespmem:s23+$0xF6F0];
	v11 =	vadd.f32 v11, v17  }
0x657: {  	v15 =	vld [tilespmem:s13+$0x470];
	v5 =	vadd.f32 v12, v5;
	[tilespmem:s14+$0x50] =	vst v3  }
0x658: {  	v14 =	vld [tilespmem:s14+$0x70];
	[tilespmem:s13+$0x450] =	vst v11  }
0x659: {  	[tilespmem:s16+$0x460] =	vst v5;
	v5 =	vld [tilespmem:s16+$0x470]  }
0x65a: {  	v13 =	vadd.f32 v13, v49;
	v3 =	vld [tilespmem:s25+$0xFAE0]  }
0x65b: {  	v9 =	vadd.f32 v10, v9;
	v11 =	vld [tilespmem:s12+$0xEAE0]  }
0x65c: {  	[tilespmem:s17+$0x70] =	vst v13;
	v10 =	vld [tilespmem:s29+$0xEAF0]  }
0x65d: {  	s1 =	sadd.s32 s6, s22;
	[tilespmem:s26+$0x70] =	vst v9;
	v12 =	vld [tilespmem:s30+$0xF680]  }
0x65e: {  	v9 =	vld [tilespmem:s1+$0x0]  }
0x65f: {  	v13 =	vld [tilespmem:s23+$0xFA80]  }
0x660: {  	v17 =	vld [tilespmem:s1+$0x30];
	v3 =	vadd.f32 v3, v16  }
0x661: {  	s7 =	rddreg [dreg:$0x9];
	v18 =	vld [tilespmem:s1+$0x40];
	v11 =	vadd.f32 v11, v19  }
0x662: {  	s22 =	rddreg [dreg:$0x7];
	v16 =	vld [tilespmem:s1+$0x10];
	[tilespmem:s14+$0x60] =	vst v3;
	v3 =	vadd.f32 v10, v5  }
0x663: {  	s11 =	smov.u32 s7;
	s17 =	rddreg [dreg:$0xb];
	[tilespmem:s13+$0x460] =	vst v11;
	v11 =	vld [tilespmem:s1+$0x20]  }
0x664: {  	s28 =	smov.u32 s22;
	s22 =	smov.u32 s17;
	s17 =	sadd.s32 s24, s11;
	[tilespmem:s16+$0x470] =	vst v3;
	v3 =	vadd.f32 v13, v9;
	v19 =	vld [tilespmem:s12+$0xEAF0]  }
0x665: {  	v20 =	vld [tilespmem:s17+$0x0]  }
0x666: {  	v9 =	vld [tilespmem:s29+$0xEE80];
	[tilespmem:s1+$0x0] =	vst v3  }
0x667: {  	v10 =	vld [tilespmem:s23+$0xFA90]  }
0x668: {  	v52 =	vld [tilespmem:s17+$0x10]  }
0x669: {  	s7 =	smov.u32 s24;
	s26 =	smov.u32 s15;
	s24 =	sadd.s32 $0x8E80, s10;
	v13 =	vld [tilespmem:s1+$0x50]  }
0x66a: {  	[dreg:$0x7] =	wrdreg s26;
	s26 =	sadd.s32 s26, s24;
	v5 =	vld [tilespmem:s1+$0x60]  }
0x66b: {  	s31 =	sadd.s32 $0x9680, s10;
	v53 =	vld [tilespmem:s26+$0x0]  }
0x66c: {  	[dreg:$0xa] =	wrdreg s5;
	s18 =	smov.u32 s31;
	v3 =	vld [tilespmem:s1+$0x70];
	v10 =	vadd.f32 v10, v16  }
0x66d: {  	[dreg:$0x9] =	wrdreg s18;
	v15 =	vadd.f32 v19, v15;
	v19 =	vld [tilespmem:s17+$0x30]  }
0x66e: {  	s5 =	smov.u32 s2;
	s18 =	rddreg [dreg:$0xc];
	v16 =	vld [tilespmem:s17+$0x20];
	[tilespmem:s1+$0x10] =	vst v10  }
0x66f: {  	s15 =	smov.u32 s18;
	s18 =	sadd.s32 s5, s24;
	[tilespmem:s13+$0x470] =	vst v15;
	v10 =	vadd.f32 v12, v20;
	v12 =	vld [tilespmem:s23+$0xFAA0]  }
0x670: {  	v9 =	vadd.f32 v9, v53;
	v15 =	vld [tilespmem:s18+$0x10]  }
0x671: {  	v20 =	vld [tilespmem:s26+$0x10];
	[tilespmem:s17+$0x0] =	vst v10  }
0x672: {  	[tilespmem:s26+$0x0] =	vst v9;
	v54 =	vld [tilespmem:s30+$0xF690]  }
0x673: {  	v9 =	vld [tilespmem:s29+$0xEE90]  }
0x674: {  	v55 =	vld [tilespmem:s18+$0x0];
	v11 =	vadd.f32 v12, v11  }
0x675: {  	v10 =	vld [tilespmem:s18+$0x50]  }
0x676: {  	v57 =	vld [tilespmem:s12+$0xEE80];
	[tilespmem:s1+$0x20] =	vst v11  }
0x677: {  	v11 =	vadd.f32 v54, v52;
	v56 =	vld [tilespmem:s23+$0xFAB0]  }
0x678: {  	v12 =	vld [tilespmem:s18+$0x40]  }
0x679: {  	v20 =	vadd.f32 v9, v20;
	v9 =	vld [tilespmem:s18+$0x70];
	[tilespmem:s17+$0x10] =	vst v11  }
0x67a: {  	v58 =	vld [tilespmem:s30+$0xF6A0]  }
0x67b: {  	[tilespmem:s26+$0x10] =	vst v20;
	v20 =	vld [tilespmem:s26+$0x20]  }
0x67c: {  	v59 =	vld [tilespmem:s29+$0xEEA0];
	[tilespmem:s0+$0x40] =	vst v8;
	v17 =	vadd.f32 v56, v17  }
0x67d: {  	v60 =	vadd.f32 v57, v55;
	v8 =	vld [tilespmem:s3+$0xEED0]  }
0x67e: {  	v11 =	vld [tilespmem:s18+$0x60];
	[tilespmem:s1+$0x30] =	vst v17  }
0x67f: {  	[tilespmem:s18+$0x0] =	vst v60;
	v16 =	vadd.f32 v58, v16;
	v17 =	vld [tilespmem:s23+$0xFAC0]  }
0x680: {  	v21 =	vld [tilespmem:s12+$0xEE90]  }
0x681: {  	v61 =	vld [tilespmem:s18+$0x20];
	v20 =	vadd.f32 v59, v20;
	[tilespmem:s17+$0x20] =	vst v16  }
0x682: {  	v7 =	vadd.f32 v8, v7;
	v62 =	vld [tilespmem:s30+$0xF6B0]  }
0x683: {  	[tilespmem:s26+$0x20] =	vst v20;
	v20 =	vld [tilespmem:s26+$0x30]  }
0x684: {  	v8 =	vld [tilespmem:s29+$0xEEB0];
	[tilespmem:s0+$0x50] =	vst v7;
	v17 =	vadd.f32 v17, v18  }
0x685: {  	v15 =	vadd.f32 v21, v15;
	v7 =	vld [tilespmem:s3+$0xEEE0]  }
0x686: {  	v16 =	vld [tilespmem:s18+$0x30];
	[tilespmem:s1+$0x40] =	vst v17  }
0x687: {  	[tilespmem:s18+$0x10] =	vst v15;
	v15 =	vadd.f32 v62, v19;
	v17 =	vld [tilespmem:s23+$0xFAD0]  }
0x688: {  	v18 =	vld [tilespmem:s12+$0xEEA0]  }
0x689: {  	v8 =	vadd.f32 v8, v20;
	v19 =	vld [tilespmem:s17+$0x40];
	[tilespmem:s17+$0x30] =	vst v15  }
0x68a: {  	v6 =	vadd.f32 v7, v6;
	v20 =	vld [tilespmem:s30+$0xF6C0]  }
0x68b: {  	[tilespmem:s26+$0x30] =	vst v8;
	v7 =	vld [tilespmem:s25+$0xFAF0]  }
0x68c: {  	v15 =	vld [tilespmem:s29+$0xEEC0];
	[tilespmem:s0+$0x60] =	vst v6;
	v8 =	vadd.f32 v17, v13  }
0x68d: {  	v63 =	vld [tilespmem:s3+$0xEEF0];
	v17 =	vadd.f32 v18, v61  }
0x68e: {  	p0 =	slt.u32 s8, $0x1E;
	v13 =	vld [tilespmem:s17+$0x50];
	[tilespmem:s1+$0x50] =	vst v8  }
.Ltmp1:
0x68f: {  	s25 =	smov.u32 s30;
	s30 =	smov.u32 s12;
	[tilespmem:s18+$0x20] =	vst v17;
	v8 =	vadd.f32 v20, v19;
	v6 =	vld [tilespmem:s23+$0xFAE0];
	(pc) =	sbr.rel @p0 .LBB2_5-.Ltmp1, $4  }
0x690: {  	v17 =	vadd.f32 v7, v14;
	v18 =	vld [tilespmem:s30+$0xEEB0]  }
0x691: {  	v7 =	vld [tilespmem:s17+$0x60];
	[tilespmem:s17+$0x40] =	vst v8  }
0x692: {  	s9 =	sadd.s32 $0x2, s9;
	[dreg:$0x8] =	wrdreg s11;
	v14 =	vld [tilespmem:s25+$0xF6D0];
	[tilespmem:s14+$0x70] =	vst v17  }
0x693: {  	s31 =	rddreg [dreg:$0x5];
	s11 =	smov.u32 s5;
	s24 =	smov.u32 s3;
	v17 =	vadd.f32 v63, v4;
	v8 =	vld [tilespmem:s17+$0x70]  }
0x694: {  	_ = 	snop  }
0x695: {  	v4 =	vadd.f32 v18, v16;
	_ =	sdelay $0x1  }
0x696: {  	[tilespmem:s18+$0x30] =	vst v4  }
0x697: {  	v4 =	vld [tilespmem:s30+$0xEEC0];
	_ =	sdelay $0x2  }
0x698: {  	v39 =	vld [tilespmem:s26+$0x40];
	_ =	sdelay $0x1  }
0x699: {  	v4 =	vadd.f32 v4, v12;
	_ =	sdelay $0x1  }
0x69a: {  	[tilespmem:s18+$0x40] =	vst v4  }
0x69b: {  	v42 =	vadd.f32 v15, v39;
	v43 =	vld [tilespmem:s30+$0xEED0];
	_ =	sdelay $0x1  }
0x69c: {  	v19 =	vld [tilespmem:s26+$0x50];
	[tilespmem:s26+$0x40] =	vst v42  }
0x69d: {  	v4 =	vld [tilespmem:s29+$0xEED0];
	_ =	sdelay $0x1  }
0x69e: {  	v10 =	vadd.f32 v43, v10;
	_ =	sdelay $0x1  }
0x69f: {  	[tilespmem:s18+$0x50] =	vst v10  }
0x6a0: {  	v4 =	vadd.f32 v4, v19;
	v10 =	vld [tilespmem:s30+$0xEEE0];
	_ =	sdelay $0x1  }
0x6a1: {  	v41 =	vld [tilespmem:s26+$0x60];
	[tilespmem:s26+$0x50] =	vst v4  }
0x6a2: {  	v4 =	vld [tilespmem:s29+$0xEEE0];
	_ =	sdelay $0x1  }
0x6a3: {  	v10 =	vadd.f32 v10, v11;
	_ =	sdelay $0x1  }
0x6a4: {  	[tilespmem:s18+$0x60] =	vst v10  }
0x6a5: {  	v4 =	vadd.f32 v4, v41;
	v10 =	vld [tilespmem:s30+$0xEEF0];
	_ =	sdelay $0x1  }
0x6a6: {  	v40 =	vld [tilespmem:s26+$0x70];
	[tilespmem:s26+$0x60] =	vst v4  }
0x6a7: {  	v4 =	vld [tilespmem:s29+$0xEEF0];
	_ =	sdelay $0x1  }
0x6a8: {  	v9 =	vadd.f32 v10, v9  }
0x6a9: {  	s12 =	sadd.s32 s28, s20;
	[tilespmem:s0+$0x70] =	vst v17  }
0x6aa: {  	v44 =	vld [tilespmem:s12+$0x0];
	[tilespmem:s18+$0x70] =	vst v9  }
0x6ab: {  	v45 =	vld [tilespmem:s24+$0xF280];
	v4 =	vadd.f32 v4, v40;
	s4 =	rddreg [dreg:$0xa]  }
0x6ac: {  	v46 =	vld [tilespmem:s30+$0xF280];
	s2 =	sadd.s32 s11, s4  }
0x6ad: {  	[tilespmem:s26+$0x70] =	vst v4;
	v9 =	vld [tilespmem:s2+$0x0]  }
0x6ae: {  	s6 =	rddreg [dreg:$0x7]  }
0x6af: {  	v48 =	vld [tilespmem:s29+$0xF280];
	s8 =	sadd.s32 s6, s4  }
0x6b0: {  	v10 =	vadd.f32 v45, v44;
	v47 =	vld [tilespmem:s8+$0x0];
	_ =	sdelay $0x1  }
0x6b1: {  	v49 =	vld [tilespmem:s12+$0x10];
	[tilespmem:s12+$0x0] =	vst v10;
	v4 =	vadd.f32 v46, v9  }
0x6b2: {  	v50 =	vld [tilespmem:s24+$0xF290]  }
0x6b3: {  	v51 =	vld [tilespmem:s2+$0x10];
	[tilespmem:s2+$0x0] =	vst v4  }
0x6b4: {  	v52 =	vadd.f32 v48, v47;
	v53 =	vld [tilespmem:s30+$0xF290];
	_ =	sdelay $0x1  }
0x6b5: {  	v54 =	vld [tilespmem:s8+$0x10];
	[tilespmem:s8+$0x0] =	vst v52  }
0x6b6: {  	v9 =	vadd.f32 v50, v49;
	v4 =	vld [tilespmem:s29+$0xF290];
	_ =	sdelay $0x1  }
0x6b7: {  	v55 =	vld [tilespmem:s12+$0x20];
	[tilespmem:s12+$0x10] =	vst v9;
	v56 =	vadd.f32 v53, v51  }
0x6b8: {  	v57 =	vld [tilespmem:s24+$0xF2A0]  }
0x6b9: {  	v58 =	vld [tilespmem:s2+$0x20];
	[tilespmem:s2+$0x10] =	vst v56  }
0x6ba: {  	v4 =	vadd.f32 v4, v54;
	v9 =	vld [tilespmem:s30+$0xF2A0];
	_ =	sdelay $0x1  }
0x6bb: {  	v59 =	vld [tilespmem:s8+$0x20];
	[tilespmem:s8+$0x10] =	vst v4  }
0x6bc: {  	v10 =	vadd.f32 v57, v55;
	v4 =	vld [tilespmem:s29+$0xF2A0];
	_ =	sdelay $0x1  }
0x6bd: {  	v60 =	vld [tilespmem:s12+$0x30];
	[tilespmem:s12+$0x20] =	vst v10;
	v9 =	vadd.f32 v9, v58  }
0x6be: {  	v10 =	vld [tilespmem:s24+$0xF2B0]  }
0x6bf: {  	v61 =	vld [tilespmem:s2+$0x30];
	[tilespmem:s2+$0x20] =	vst v9  }
0x6c0: {  	v4 =	vadd.f32 v4, v59;
	v9 =	vld [tilespmem:s30+$0xF2B0];
	_ =	sdelay $0x1  }
0x6c1: {  	v62 =	vld [tilespmem:s8+$0x30];
	[tilespmem:s8+$0x20] =	vst v4  }
0x6c2: {  	v10 =	vadd.f32 v10, v60;
	v4 =	vld [tilespmem:s29+$0xF2B0];
	_ =	sdelay $0x1  }
0x6c3: {  	v63 =	vld [tilespmem:s12+$0x40];
	[tilespmem:s12+$0x30] =	vst v10;
	v9 =	vadd.f32 v9, v61  }
0x6c4: {  	v10 =	vld [tilespmem:s24+$0xF2C0]  }
0x6c5: {  	v18 =	vld [tilespmem:s2+$0x40];
	[tilespmem:s2+$0x30] =	vst v9  }
0x6c6: {  	v4 =	vadd.f32 v4, v62;
	v9 =	vld [tilespmem:s30+$0xF2C0];
	_ =	sdelay $0x1  }
0x6c7: {  	v19 =	vld [tilespmem:s8+$0x40];
	[tilespmem:s8+$0x30] =	vst v4  }
0x6c8: {  	v10 =	vadd.f32 v10, v63;
	v4 =	vld [tilespmem:s29+$0xF2C0];
	_ =	sdelay $0x1  }
0x6c9: {  	v20 =	vld [tilespmem:s12+$0x50];
	[tilespmem:s12+$0x40] =	vst v10;
	v9 =	vadd.f32 v9, v18  }
0x6ca: {  	v10 =	vld [tilespmem:s24+$0xF2D0]  }
0x6cb: {  	v21 =	vld [tilespmem:s2+$0x50];
	[tilespmem:s2+$0x40] =	vst v9  }
0x6cc: {  	v4 =	vadd.f32 v4, v19;
	v9 =	vld [tilespmem:s30+$0xF2D0];
	_ =	sdelay $0x1  }
0x6cd: {  	v22 =	vld [tilespmem:s8+$0x50];
	[tilespmem:s8+$0x40] =	vst v4  }
0x6ce: {  	v10 =	vadd.f32 v10, v20;
	v4 =	vld [tilespmem:s29+$0xF2D0];
	_ =	sdelay $0x1  }
0x6cf: {  	v23 =	vld [tilespmem:s12+$0x60];
	[tilespmem:s12+$0x50] =	vst v10;
	v9 =	vadd.f32 v9, v21  }
0x6d0: {  	v10 =	vld [tilespmem:s24+$0xF2E0]  }
0x6d1: {  	v24 =	vld [tilespmem:s2+$0x60];
	[tilespmem:s2+$0x50] =	vst v9  }
0x6d2: {  	v4 =	vadd.f32 v4, v22;
	v9 =	vld [tilespmem:s30+$0xF2E0];
	_ =	sdelay $0x1  }
0x6d3: {  	v25 =	vld [tilespmem:s8+$0x60];
	[tilespmem:s8+$0x50] =	vst v4  }
0x6d4: {  	v10 =	vadd.f32 v10, v23;
	v4 =	vld [tilespmem:s29+$0xF2E0];
	_ =	sdelay $0x1  }
0x6d5: {  	v26 =	vld [tilespmem:s12+$0x70];
	[tilespmem:s12+$0x60] =	vst v10;
	v9 =	vadd.f32 v9, v24  }
0x6d6: {  	v10 =	vld [tilespmem:s24+$0xF2F0]  }
0x6d7: {  	v27 =	vld [tilespmem:s2+$0x70];
	[tilespmem:s2+$0x60] =	vst v9  }
0x6d8: {  	v4 =	vadd.f32 v4, v25;
	v9 =	vld [tilespmem:s30+$0xF2F0];
	_ =	sdelay $0x1  }
0x6d9: {  	v28 =	vld [tilespmem:s8+$0x70];
	[tilespmem:s8+$0x60] =	vst v4  }
0x6da: {  	v10 =	vadd.f32 v10, v26;
	v4 =	vld [tilespmem:s29+$0xF2F0];
	_ =	sdelay $0x1  }
0x6db: {  	[tilespmem:s12+$0x70] =	vst v10;
	v9 =	vadd.f32 v9, v27  }
0x6dc: {  	s0 =	rddreg [dreg:$0x8]  }
0x6dd: {  	v29 =	vld [tilespmem:s24+$0xF680];
	s13 =	sadd.s32 s28, s0;
	[tilespmem:s2+$0x70] =	vst v9  }
0x6de: {  	v10 =	vld [tilespmem:s13+$0x0];
	v4 =	vadd.f32 v4, v28;
	s14 =	rddreg [dreg:$0x9]  }
0x6df: {  	v9 =	vld [tilespmem:s30+$0xF680];
	s5 =	sadd.s32 s11, s14  }
0x6e0: {  	[tilespmem:s8+$0x70] =	vst v4;
	v30 =	vld [tilespmem:s5+$0x0]  }
0x6e1: {  	s16 =	sadd.s32 s6, s14;
	v32 =	vld [tilespmem:s29+$0xF680]  }
0x6e2: {  	v31 =	vld [tilespmem:s16+$0x0]  }
0x6e3: {  	v10 =	vadd.f32 v29, v10;
	_ =	sdelay $0x1  }
0x6e4: {  	v33 =	vld [tilespmem:s13+$0x10];
	[tilespmem:s13+$0x0] =	vst v10;
	v4 =	vadd.f32 v9, v30  }
0x6e5: {  	v34 =	vld [tilespmem:s24+$0xF690]  }
0x6e6: {  	v35 =	vld [tilespmem:s5+$0x10];
	v36 =	vadd.f32 v32, v31;
	[tilespmem:s5+$0x0] =	vst v4  }
0x6e7: {  	v37 =	vld [tilespmem:s30+$0xF690]  }
0x6e8: {  	v38 =	vld [tilespmem:s16+$0x10];
	[tilespmem:s16+$0x0] =	vst v36  }
0x6e9: {  	v4 =	vld [tilespmem:s29+$0xF690]  }
0x6ea: {  	v9 =	vadd.f32 v34, v33;
	_ =	sdelay $0x1  }
0x6eb: {  	v39 =	vld [tilespmem:s13+$0x20];
	[tilespmem:s13+$0x10] =	vst v9;
	v40 =	vadd.f32 v37, v35  }
0x6ec: {  	v41 =	vld [tilespmem:s24+$0xF6A0]  }
0x6ed: {  	v42 =	vld [tilespmem:s5+$0x20];
	v4 =	vadd.f32 v4, v38;
	[tilespmem:s5+$0x10] =	vst v40  }
0x6ee: {  	v9 =	vld [tilespmem:s30+$0xF6A0]  }
0x6ef: {  	v43 =	vld [tilespmem:s16+$0x20];
	[tilespmem:s16+$0x10] =	vst v4  }
0x6f0: {  	v4 =	vld [tilespmem:s29+$0xF6A0]  }
0x6f1: {  	v10 =	vadd.f32 v41, v39;
	_ =	sdelay $0x1  }
0x6f2: {  	v44 =	vld [tilespmem:s13+$0x30];
	[tilespmem:s13+$0x20] =	vst v10;
	v9 =	vadd.f32 v9, v42  }
0x6f3: {  	v10 =	vld [tilespmem:s24+$0xF6B0]  }
0x6f4: {  	v45 =	vld [tilespmem:s5+$0x30];
	v4 =	vadd.f32 v4, v43;
	[tilespmem:s5+$0x20] =	vst v9  }
0x6f5: {  	v9 =	vld [tilespmem:s30+$0xF6B0]  }
0x6f6: {  	v46 =	vld [tilespmem:s16+$0x30];
	[tilespmem:s16+$0x20] =	vst v4  }
0x6f7: {  	v4 =	vld [tilespmem:s29+$0xF6B0]  }
0x6f8: {  	v10 =	vadd.f32 v10, v44;
	_ =	sdelay $0x1  }
0x6f9: {  	v47 =	vld [tilespmem:s13+$0x40];
	[tilespmem:s13+$0x30] =	vst v10;
	v9 =	vadd.f32 v9, v45  }
0x6fa: {  	v10 =	vld [tilespmem:s24+$0xF6C0]  }
0x6fb: {  	v48 =	vld [tilespmem:s5+$0x40];
	v4 =	vadd.f32 v4, v46;
	[tilespmem:s5+$0x30] =	vst v9  }
0x6fc: {  	v49 =	vld [tilespmem:s30+$0xF6C0]  }
0x6fd: {  	v50 =	vld [tilespmem:s16+$0x40];
	[tilespmem:s16+$0x30] =	vst v4  }
0x6fe: {  	v13 =	vadd.f32 v14, v13;
	v4 =	vld [tilespmem:s29+$0xF6C0]  }
0x6ff: {  	v10 =	vadd.f32 v10, v47  }
0x700: {  	v51 =	vld [tilespmem:s13+$0x50];
	[tilespmem:s17+$0x50] =	vst v13  }
0x701: {  	v54 =	vld [tilespmem:s25+$0xF6E0];
	[tilespmem:s13+$0x40] =	vst v10;
	v9 =	vadd.f32 v49, v48  }
0x702: {  	v10 =	vld [tilespmem:s24+$0xF6D0]  }
0x703: {  	v52 =	vld [tilespmem:s5+$0x50];
	v4 =	vadd.f32 v4, v50;
	[tilespmem:s5+$0x40] =	vst v9  }
0x704: {  	v9 =	vld [tilespmem:s30+$0xF6D0]  }
0x705: {  	v53 =	vld [tilespmem:s16+$0x50];
	[tilespmem:s16+$0x40] =	vst v4  }
0x706: {  	v4 =	vld [tilespmem:s29+$0xF6D0]  }
0x707: {  	v10 =	vadd.f32 v10, v51  }
0x708: {  	v55 =	vld [tilespmem:s13+$0x60]  }
0x709: {  	v56 =	vld [tilespmem:s5+$0x60];
	[tilespmem:s13+$0x50] =	vst v10;
	v9 =	vadd.f32 v9, v52  }
0x70a: {  	v7 =	vadd.f32 v54, v7;
	v10 =	vld [tilespmem:s24+$0xF6E0]  }
0x70b: {  	v57 =	vld [tilespmem:s16+$0x60];
	v4 =	vadd.f32 v4, v53;
	[tilespmem:s5+$0x50] =	vst v9  }
0x70c: {  	[tilespmem:s17+$0x60] =	vst v7;
	v9 =	vld [tilespmem:s30+$0xF6E0]  }
0x70d: {  	v59 =	vld [tilespmem:s25+$0xF6F0];
	[tilespmem:s16+$0x50] =	vst v4  }
0x70e: {  	v4 =	vld [tilespmem:s29+$0xF6E0]  }
0x70f: {  	v58 =	vadd.f32 v10, v55  }
0x710: {  	v60 =	vld [tilespmem:s13+$0x70]  }
0x711: {  	v63 =	vld [tilespmem:s5+$0x70];
	[tilespmem:s13+$0x60] =	vst v58;
	v61 =	vadd.f32 v9, v56  }
0x712: {  	v8 =	vadd.f32 v59, v8;
	v62 =	vld [tilespmem:s24+$0xF6F0]  }
0x713: {  	v14 =	vld [tilespmem:s16+$0x70];
	v4 =	vadd.f32 v4, v57;
	[tilespmem:s5+$0x60] =	vst v61  }
0x714: {  	s18 =	sadd.s32 s7, s22;
	[tilespmem:s17+$0x70] =	vst v8;
	v7 =	vld [tilespmem:s30+$0xF6F0]  }
0x715: {  	v16 =	vld [tilespmem:s18+$0x0];
	[tilespmem:s16+$0x60] =	vst v4  }
0x716: {  	v4 =	vld [tilespmem:s29+$0xF6F0]  }
0x717: {  	v17 =	vld [tilespmem:s25+$0xFA80];
	v15 =	vadd.f32 v62, v60  }
0x718: {  	v24 =	vld [tilespmem:s18+$0x10]  }
0x719: {  	s19 =	sadd.s32 s28, s22;
	v30 =	vld [tilespmem:s18+$0x20];
	[tilespmem:s13+$0x70] =	vst v15;
	v7 =	vadd.f32 v7, v63  }
0x71a: {  	v18 =	vld [tilespmem:s19+$0x0]  }
0x71b: {  	s20 =	sadd.s32 s11, s15;
	v19 =	vld [tilespmem:s24+$0xFA80];
	v4 =	vadd.f32 v4, v14;
	[tilespmem:s5+$0x70] =	vst v7  }
0x71c: {  	v20 =	vld [tilespmem:s20+$0x0]  }
0x71d: {  	s21 =	sadd.s32 s6, s15;
	v8 =	vadd.f32 v17, v16;
	[tilespmem:s16+$0x70] =	vst v4;
	v21 =	vld [tilespmem:s30+$0xFA80]  }
0x71e: {  	v22 =	vld [tilespmem:s21+$0x0]  }
0x71f: {  	[tilespmem:s18+$0x0] =	vst v8;
	v23 =	vld [tilespmem:s29+$0xFA80]  }
0x720: {  	v8 =	vld [tilespmem:s25+$0xFA90]  }
0x721: {  	v36 =	vld [tilespmem:s18+$0x30]  }
0x722: {  	v25 =	vld [tilespmem:s19+$0x10];
	v7 =	vadd.f32 v19, v18  }
0x723: {  	v26 =	vld [tilespmem:s20+$0x10];
	v4 =	vadd.f32 v21, v20  }
0x724: {  	v29 =	vld [tilespmem:s21+$0x10];
	[tilespmem:s19+$0x0] =	vst v7;
	v27 =	vadd.f32 v23, v22  }
0x725: {  	v8 =	vadd.f32 v8, v24;
	v7 =	vld [tilespmem:s24+$0xFA90];
	[tilespmem:s20+$0x0] =	vst v4  }
0x726: {  	[tilespmem:s21+$0x0] =	vst v27;
	v28 =	vld [tilespmem:s30+$0xFA90]  }
0x727: {  	[tilespmem:s18+$0x10] =	vst v8;
	v4 =	vld [tilespmem:s29+$0xFA90]  }
0x728: {  	v8 =	vld [tilespmem:s25+$0xFAA0]  }
0x729: {  	v59 =	vld [tilespmem:s18+$0x70]  }
0x72a: {  	v31 =	vld [tilespmem:s19+$0x20];
	v7 =	vadd.f32 v7, v25  }
0x72b: {  	v34 =	vld [tilespmem:s20+$0x20];
	v32 =	vadd.f32 v28, v26  }
0x72c: {  	v35 =	vld [tilespmem:s21+$0x20];
	[tilespmem:s19+$0x10] =	vst v7;
	v4 =	vadd.f32 v4, v29  }
0x72d: {  	v8 =	vadd.f32 v8, v30;
	v33 =	vld [tilespmem:s24+$0xFAA0];
	[tilespmem:s20+$0x10] =	vst v32  }
0x72e: {  	[tilespmem:s21+$0x10] =	vst v4;
	v7 =	vld [tilespmem:s30+$0xFAA0]  }
0x72f: {  	[tilespmem:s18+$0x20] =	vst v8;
	v4 =	vld [tilespmem:s29+$0xFAA0]  }
0x730: {  	v38 =	vld [tilespmem:s25+$0xFAB0]  }
0x731: {  	v42 =	vld [tilespmem:s18+$0x40]  }
0x732: {  	v39 =	vld [tilespmem:s19+$0x30];
	v37 =	vadd.f32 v33, v31  }
0x733: {  	v40 =	vld [tilespmem:s20+$0x30];
	v7 =	vadd.f32 v7, v34  }
0x734: {  	v41 =	vld [tilespmem:s21+$0x30];
	[tilespmem:s19+$0x20] =	vst v37;
	v4 =	vadd.f32 v4, v35  }
0x735: {  	v9 =	vadd.f32 v38, v36;
	v8 =	vld [tilespmem:s24+$0xFAB0];
	[tilespmem:s20+$0x20] =	vst v7  }
0x736: {  	[tilespmem:s21+$0x20] =	vst v4;
	v7 =	vld [tilespmem:s30+$0xFAB0]  }
0x737: {  	[tilespmem:s18+$0x30] =	vst v9;
	v4 =	vld [tilespmem:s29+$0xFAB0]  }
0x738: {  	v9 =	vld [tilespmem:s25+$0xFAC0]  }
0x739: {  	v46 =	vld [tilespmem:s18+$0x50]  }
0x73a: {  	v43 =	vld [tilespmem:s19+$0x40];
	v8 =	vadd.f32 v8, v39  }
0x73b: {  	v44 =	vld [tilespmem:s20+$0x40];
	v7 =	vadd.f32 v7, v40  }
0x73c: {  	v45 =	vld [tilespmem:s21+$0x40];
	[tilespmem:s19+$0x30] =	vst v8;
	v4 =	vadd.f32 v4, v41  }
0x73d: {  	v9 =	vadd.f32 v9, v42;
	v8 =	vld [tilespmem:s24+$0xFAC0];
	[tilespmem:s20+$0x30] =	vst v7  }
0x73e: {  	[tilespmem:s21+$0x30] =	vst v4;
	v7 =	vld [tilespmem:s30+$0xFAC0]  }
0x73f: {  	[tilespmem:s18+$0x40] =	vst v9;
	v4 =	vld [tilespmem:s29+$0xFAC0]  }
0x740: {  	v9 =	vld [tilespmem:s25+$0xFAD0]  }
0x741: {  	v50 =	vld [tilespmem:s18+$0x60]  }
0x742: {  	v47 =	vld [tilespmem:s19+$0x50];
	v8 =	vadd.f32 v8, v43  }
0x743: {  	v48 =	vld [tilespmem:s20+$0x50];
	v7 =	vadd.f32 v7, v44  }
0x744: {  	v49 =	vld [tilespmem:s21+$0x50];
	[tilespmem:s19+$0x40] =	vst v8;
	v4 =	vadd.f32 v4, v45  }
0x745: {  	v9 =	vadd.f32 v9, v46;
	v8 =	vld [tilespmem:s24+$0xFAD0];
	[tilespmem:s20+$0x40] =	vst v7  }
0x746: {  	v5 =	vadd.f32 v6, v5;
	[tilespmem:s21+$0x40] =	vst v4;
	v7 =	vld [tilespmem:s30+$0xFAD0]  }
0x747: {  	[tilespmem:s18+$0x50] =	vst v9;
	v4 =	vld [tilespmem:s29+$0xFAD0]  }
0x748: {  	[tilespmem:s1+$0x60] =	vst v5;
	v9 =	vld [tilespmem:s25+$0xFAE0]  }
0x749: {  	v56 =	vld [tilespmem:s23+$0xFAF0]  }
0x74a: {  	v51 =	vld [tilespmem:s19+$0x60];
	v8 =	vadd.f32 v8, v47  }
0x74b: {  	v52 =	vld [tilespmem:s20+$0x60];
	v7 =	vadd.f32 v7, v48  }
0x74c: {  	v53 =	vld [tilespmem:s21+$0x60];
	[tilespmem:s19+$0x50] =	vst v8;
	v4 =	vadd.f32 v4, v49  }
0x74d: {  	v54 =	vadd.f32 v9, v50;
	v8 =	vld [tilespmem:s24+$0xFAE0];
	[tilespmem:s20+$0x50] =	vst v7  }
0x74e: {  	[tilespmem:s21+$0x50] =	vst v4;
	v7 =	vld [tilespmem:s30+$0xFAE0]  }
0x74f: {  	[tilespmem:s18+$0x60] =	vst v54;
	v4 =	vld [tilespmem:s29+$0xFAE0]  }
0x750: {  	v58 =	vld [tilespmem:s25+$0xFAF0]  }
0x751: {  	v3 =	vadd.f32 v56, v3  }
0x752: {  	v60 =	vld [tilespmem:s19+$0x70];
	v55 =	vadd.f32 v8, v51  }
0x753: {  	[tilespmem:s1+$0x70] =	vst v3;
	v61 =	vld [tilespmem:s20+$0x70];
	v57 =	vadd.f32 v7, v52  }
0x754: {  	v62 =	vld [tilespmem:s21+$0x70];
	[tilespmem:s19+$0x60] =	vst v55;
	v4 =	vadd.f32 v4, v53  }
0x755: {  	v5 =	vld [tilespmem:s24+$0xFAF0];
	v7 =	vadd.f32 v58, v59;
	[tilespmem:s20+$0x60] =	vst v57  }
0x756: {  	[tilespmem:s21+$0x60] =	vst v4;
	v6 =	vld [tilespmem:s30+$0xFAF0]  }
0x757: {  	[tilespmem:s18+$0x70] =	vst v7;
	v4 =	vld [tilespmem:s29+$0xFAF0]  }
0x758: {  	s0 =	sld [smem:$0x7F9];
	_ =	sdelay $0x1  }
0x759: {  	v3 =	vadd.f32 v5, v60  }
0x75a: {  	s0 =	sshrl.u32 s0, $0x3;
	v63 =	vadd.f32 v6, v61  }
0x75b: {  	[tilespmem:s19+$0x70] =	vst v3;
	s0 =	smul.u32 $0x300, s0;
	v3 =	vadd.f32 v4, v62  }
0x75c: {  	s22 =	rddreg [dreg:$0x3];
	[tilespmem:s20+$0x70] =	vst v63  }
0x75d: {  	s23 =	simm.s32 $0x0;
	s5 =	simm.s32 $0x8680;
	s0 =	sadd.s32 s22, s0;
	[tilespmem:s21+$0x70] =	vst v3  }
0x75e: {  	[hbm4b:s0+s23] =	stream.linear.scatter [tilespmem:s5], [sflag:$0x4], $0x6000, $0x38;
	[tilespmem:$0x1D680] =	vst v63  }
0x75f: {  	s24 =	sld [smem:$0x7FD]  }
0x760: {  	s25 =	rddreg [dreg:$0x6]  }
0x761: {  	s9 =	sld [smem:$0x7FC]  }
0x762: {  	s13 =	rddreg [dreg:$0x1f]  }
0x763: {  	s26 =	rddreg [dreg:$0x1e]  }
0x764: {  	s28 =	rddreg [dreg:$0x1d];
	s20 =	sadd.s32 $0x1, s24  }
0x765: {  	s29 =	rddreg [dreg:$0x1c];
	p0 =	sne.s32 s20, $0x9A  }
.Ltmp2:
0x766: {  	s30 =	rddreg [dreg:$0x1b];
	s0 =	sadd.s32 $0x40, s25;
	(pc) =	sbr.rel @p0 .LBB2_2-.Ltmp2, $4  }
0x767: {  	[dreg:$0x6] =	wrdreg s0;
	s0 =	sadd.s32 $0x40, s28  }
0x768: {  	s31 =	sadd.s32 $0x2000, s31;
	[dreg:$0x1d] =	wrdreg s0;
	s0 =	sadd.s32 $0x2000, s29  }
0x769: {  	s13 =	sadd.s32 $0x2000, s13;
	[dreg:$0x1c] =	wrdreg s0;
	s0 =	sadd.s32 $0x40, s30  }
0x76a: {  	s22 =	sadd.s32 $0x2000, s26;
	s9 =	sadd.s32 $0x40, s9;
	[dreg:$0x1b] =	wrdreg s0  }
0x76b: {  	s1 =	simm.s32 $0x4  }
0x76c: {  	_ =	swait.ge [sflag:s1], $0x6000  }
0x76d: {  	s2 =	rddreg [dreg:$0x1a]  }
0x76e: {  	s0 =	rddreg [dreg:$0x12];
	s2 =	sadd.s32 $0x1, s2  }
0x76f: {  	p0 =	sne.s32 s2, s0  }
.Ltmp3:
0x770: {  	_ = 	snop;
	(pc) =	sbr.rel @p0 .LBB2_1-.Ltmp3, $3  }
0x771: {  	_ =	sdelay $0x1  }
0x772: {  	[sflag:s1] =	ssyncset.done $0x0  }
0x773: {  	[sflag:s1] =	ssyncadd.s32 $0xFFFFA000  }
0x774: {  	_ =	sfence.sel $0x180000  }
0x775: {  	[bflag:$0x0] =	sbarrier.arrive $0xFFFF  }
0x776: {  	_ =	strace $0x90000047  }
0x777: {  	s0 =	stileid.u32;
	[bflag:$0x2] =	sbarrier.arrive $0xFFFF  }
0x778: {  	p0 =	sne.s32 s0, $0x0;
	s0 =	rddreg [dreg:$0x4]  }
0x779: {  	s0 =	sadd.s32 @!p0 $0x100000, s0  }
0x77a: {  	[sflag:s0] =	ssyncadd.tile.s32 @!p0 $0x1;
	_ =	shalt  }
.Lfunc_end2:
_tile_overlayer_lowered:
.L_overlay_start_2:
0x77b: {  	(tag) =	ssettag $0x2  }
0x77c: {  	s0 =	rddreg [dreg:$0x0];
	s2 =	stileid.u32  }
0x77d: {  	s1 =	rddreg [dreg:$0x1];
	p0 =	sne.s32 s2, $0x0  }
0x77e: {  	s3 =	rddreg [dreg:$0x2];
	[bflag:$0x3] =	sbarrier.arrive $0xFFFF;
	s2 =	simm.s32 @!p0 $0x1C05  }
0x77f: {  	[timem:s3], [sflag:s2] =	dma.local @!p0 [hbm:s0], s1  }
0x780: {  	s0 =	simm.s32 @!p0 $0x5  }
0x781: {  	_ =	swait.ge @!p0 [sflag:s0], s1  }
0x782: {  	s1 =	ssub.s32 @!p0 $0x0, s1;
	[sflag:s0] =	ssyncset.done @!p0 $0x0  }
0x783: {  	[sflag:s0] =	ssyncadd.s32 @!p0 s1  }
0x784: {  	[bflag:$0x3] =	sbarrier.arrive $0xFFFF  }
0x785: {  	_ =	shalt  }

</sc_bundles>
